<compile_context>
chip_gen: v7x
topology: tpu7x:2x2x1
jax: 0.10.2.dev20260603
libtpu: 0.0.44.dev20260713+nightly
codegen_flags: <defaults>
</compile_context>

<pallas_src>
import functools

import jax
import jax.numpy as jnp
import numpy as np
from jax import lax
from jax.experimental import pallas as pl
from jax.experimental.pallas import tpu as pltpu
from jax.experimental.pallas import tpu_sc as plsc

N_NODES = 10000
N_EDGES = 320000
N_FEAT = 128
NEG_SLOPE = 0.05

NW = 32
CH = 128
NCH = 80
EPT = NCH * CH
E_PAD = NW * EPT
NCH_LAST = (N_EDGES - (NW - 1) * EPT) // CH
NPAD = 10240
SL = NPAD // 16
FH = N_FEAT // 2

_PERM = np.empty((N_FEAT,), np.int32)
for _m in range(N_FEAT // 32):
    for _t in range(16):
        _PERM[32 * _m + 2 * _t] = 32 * _m + _t
        _PERM[32 * _m + 2 * _t + 1] = 32 * _m + 16 + _t

_mesh = plsc.VectorSubcoreMesh(core_axis_name="c", subcore_axis_name="s")
_sc_params = pltpu.CompilerParams(needs_layout_passes=False,
                                  use_tc_tiling_on_sc=False)


def _k1_body(x_ref, w_ref, a_ref, b_ref, z0_ref, z1_ref, s_ref):
    z = lax.dot_general(x_ref[...], w_ref[...],
                        (((1,), (1,)), ((), ())),
                        preferred_element_type=jnp.float32)

    z0_ref[...] = z[:, :FH].astype(jnp.bfloat16)
    z1_ref[...] = z[:, FH:].astype(jnp.bfloat16)
    s_ref[...] = lax.dot_general(a_ref[...], z,
                                 (((1,), (1,)), ((), ())),
                                 preferred_element_type=jnp.float32) + b_ref[...]


def _k1(x_pad, w, a_pair, bias):
    nb = NPAD // 1024
    return pl.pallas_call(
        _k1_body,
        grid=(nb,),
        in_specs=[pl.BlockSpec((1024, N_FEAT), lambda i: (i, 0)),
                  pl.BlockSpec((N_FEAT, N_FEAT), lambda i: (0, 0)),
                  pl.BlockSpec((2, N_FEAT), lambda i: (0, 0)),
                  pl.BlockSpec((2, 1), lambda i: (0, 0))],
        out_specs=(pl.BlockSpec((1024, FH), lambda i: (i, 0)),
                   pl.BlockSpec((1024, FH), lambda i: (i, 0)),
                   pl.BlockSpec((2, 1024), lambda i: (0, i))),
        out_shape=(jax.ShapeDtypeStruct((NPAD, FH), jnp.bfloat16),
                   jax.ShapeDtypeStruct((NPAD, FH), jnp.bfloat16),
                   jax.ShapeDtypeStruct((2, NPAD), jnp.float32)),
    )(x_pad, w, a_pair, bias)


@functools.partial(
    pl.kernel, mesh=_mesh, compiler_params=_sc_params,
    out_type=[jax.ShapeDtypeStruct((NW, NCH, CH), jnp.float32),
              jax.ShapeDtypeStruct((2, NPAD), jnp.float32)],
    scratch_types=[
        pltpu.VMEM((NCH, CH), jnp.int32),
        pltpu.VMEM((NCH, CH), jnp.int32),
        pltpu.VMEM((NPAD,), jnp.float32),
        pltpu.VMEM((NPAD,), jnp.float32),
        pltpu.VMEM((NCH, CH), jnp.float32),
        pltpu.VMEM((SL,), jnp.float32),
        pltpu.VMEM_SHARED((NPAD,), jnp.float32),
        pltpu.SemaphoreType.DMA,
    ],
)
def _k2(ei_hbm, s_hbm, h_hbm, hsum_hbm,
        src_v, dst_v, s1_v, s2_v, h_v, zb_v, hsum_sh, sem):
    cid = lax.axis_index("c")
    sid = lax.axis_index("s")
    wid = sid * 2 + cid
    nch = jnp.where(wid == NW - 1, NCH_LAST, NCH)
    pltpu.async_copy(ei_hbm.at[0, wid], src_v, sem)
    pltpu.async_copy(ei_hbm.at[1, wid], dst_v, sem)
    pltpu.async_copy(s_hbm.at[0], s1_v, sem)
    pltpu.async_copy(s_hbm.at[1], s2_v, sem)
    pltpu.make_async_copy(ei_hbm.at[0, wid], src_v, sem).wait()
    pltpu.make_async_copy(ei_hbm.at[1, wid], dst_v, sem).wait()
    pltpu.make_async_copy(s_hbm.at[0], s1_v, sem).wait()
    pltpu.make_async_copy(s_hbm.at[1], s2_v, sem).wait()

    def _zb(i, c):
        zb_v[pl.ds(i * 16, 16)] = jnp.zeros((16,), jnp.float32)
        return c
    lax.fori_loop(0, SL // 16, _zb, 0)
    pltpu.sync_copy(zb_v, hsum_sh.at[pl.ds(sid * SL, SL)])
    plsc.subcore_barrier()

    def _chunk(j, c):
        for g in range(CH // 16):
            si = src_v[j, pl.ds(g * 16, 16)]
            di = dst_v[j, pl.ds(g * 16, 16)]
            v = plsc.load_gather(s1_v, [si]) + plsc.load_gather(s2_v, [di])
            h_v[j, pl.ds(g * 16, 16)] = jnp.exp(
                jnp.where(v >= 0, v, v * NEG_SLOPE))
        return c
    lax.fori_loop(0, nch, _chunk, 0)
    pltpu.sync_copy(h_v, h_hbm.at[wid])

    def _scat(j, c):
        pltpu.async_copy(h_v.at[j], hsum_sh.at[src_v.at[j]], sem, add=True)
        return c
    lax.fori_loop(0, nch, _scat, 0)

    def _drain(j, c):
        pltpu.make_async_copy(h_v.at[0], hsum_sh.at[src_v.at[0]], sem).wait()
        return c
    lax.fori_loop(0, nch, _drain, 0)
    plsc.subcore_barrier()
    pltpu.sync_copy(hsum_sh.at[pl.ds(sid * SL, SL)],
                    hsum_hbm.at[cid, pl.ds(sid * SL, SL)])


@functools.partial(
    pl.kernel, mesh=_mesh, compiler_params=_sc_params,
    out_type=[jax.ShapeDtypeStruct((NW, NCH, CH), jnp.float32),
              jax.ShapeDtypeStruct((2, 2, NPAD, FH), jnp.float32)],
    scratch_types=[
        pltpu.VMEM((NCH, CH), jnp.int32),
        pltpu.VMEM((NCH, CH), jnp.int32),
        pltpu.VMEM((NCH, CH), jnp.float32),
        pltpu.VMEM((NPAD,), jnp.float32),
        pltpu.VMEM((NPAD,), jnp.float32),
        pltpu.VMEM((CH, FH), jnp.bfloat16),
        pltpu.VMEM((CH, FH), jnp.bfloat16),
        pltpu.VMEM((CH, FH), jnp.float32),
        pltpu.VMEM((CH, FH), jnp.float32),
        pltpu.VMEM_SHARED((NPAD, FH), jnp.float32),
        pltpu.SemaphoreType.DMA,
        pltpu.SemaphoreType.DMA,
        pltpu.SemaphoreType.DMA,
        pltpu.SemaphoreType.DMA,
    ],
)
def _k3(ei_hbm, h_hbm, hsp_hbm, z0_hbm, z1_hbm, al_hbm, outp_hbm,
        src_v, dst_v, h_v, hs_v, hs2_v, rows0_v, rows1_v,
        sb0_v, sb1_v, acc_sh, semg0, semg1, sems0, sems1):
    cid = lax.axis_index("c")
    sid = lax.axis_index("s")
    wid = sid * 2 + cid
    nch = jnp.where(wid == NW - 1, NCH_LAST, NCH)
    pltpu.async_copy(ei_hbm.at[0, wid], src_v, semg0)
    pltpu.async_copy(ei_hbm.at[1, wid], dst_v, semg0)
    pltpu.async_copy(h_hbm.at[wid], h_v, semg0)
    pltpu.async_copy(hsp_hbm.at[0], hs_v, semg0)
    pltpu.async_copy(hsp_hbm.at[1], hs2_v, semg0)
    pltpu.make_async_copy(ei_hbm.at[0, wid], src_v, semg0).wait()
    pltpu.make_async_copy(ei_hbm.at[1, wid], dst_v, semg0).wait()
    pltpu.make_async_copy(h_hbm.at[wid], h_v, semg0).wait()
    pltpu.make_async_copy(hsp_hbm.at[0], hs_v, semg0).wait()
    pltpu.make_async_copy(hsp_hbm.at[1], hs2_v, semg0).wait()

    def _add(i, c):
        hs_v[pl.ds(i * 16, 16)] = (hs_v[pl.ds(i * 16, 16)]
                                   + hs2_v[pl.ds(i * 16, 16)])
        return c
    lax.fori_loop(0, NPAD // 16, _add, 0)

    def _alpha(j, c):
        for g in range(CH // 16):
            si = src_v[j, pl.ds(g * 16, 16)]
            hv = h_v[j, pl.ds(g * 16, 16)]
            h_v[j, pl.ds(g * 16, 16)] = hv / plsc.load_gather(hs_v, [si])
        return c
    lax.fori_loop(0, nch, _alpha, 0)
    pltpu.sync_copy(h_v, al_hbm.at[wid])

    def _zr(e, c):
        for k in range(FH // 16):
            sb0_v[e, pl.ds(k * 16, 16)] = jnp.zeros((16,), jnp.float32)
        return c
    lax.fori_loop(0, CH, _zr, 0)
    for kk in range(SL // CH):
        pltpu.sync_copy(sb0_v, acc_sh.at[pl.ds(sid * SL + kk * CH, CH)])

    def _scale(rows, sb, j):
        @plsc.parallel_loop(0, CH, unroll=4)
        def _edge(e):
            jf = jnp.full((16,), j, jnp.int32)
            ef = jnp.full((16,), e, jnp.int32)
            asp = plsc.load_gather(h_v, [jf, ef])
            for m in range(FH // 32):
                v = rows[e, pl.ds(m * 32, 32)]
                lo, hi = plsc.unpack(v, format=plsc.PackFormat.INTERLEAVED)
                sb[e, pl.ds(m * 32, 16)] = lo * asp
                sb[e, pl.ds(m * 32 + 16, 16)] = hi * asp

    for half, z_hbm in enumerate((z0_hbm, z1_hbm)):
        plsc.subcore_barrier()
        pltpu.async_copy(z_hbm.at[dst_v.at[0]], rows0_v, semg0)
        pltpu.async_copy(z_hbm.at[dst_v.at[1]], rows1_v, semg1)

        def _pair(i, c):
            j0 = 2 * i
            pltpu.make_async_copy(z_hbm.at[dst_v.at[j0]], rows0_v,
                                  semg0).wait()

            @pl.when(i > 0)
            def _():
                pltpu.make_async_copy(sb0_v, acc_sh.at[src_v.at[j0]],
                                      sems0).wait()
            _scale(rows0_v, sb0_v, j0)

            @pl.when(j0 + 2 < nch)
            def _():
                pltpu.async_copy(z_hbm.at[dst_v.at[j0 + 2]], rows0_v, semg0)
            pltpu.async_copy(sb0_v, acc_sh.at[src_v.at[j0]], sems0,
                             add=True)

            j1 = 2 * i + 1
            pltpu.make_async_copy(z_hbm.at[dst_v.at[j1]], rows1_v,
                                  semg1).wait()

            @pl.when(i > 0)
            def _():
                pltpu.make_async_copy(sb1_v, acc_sh.at[src_v.at[j1]],
                                      sems1).wait()
            _scale(rows1_v, sb1_v, j1)

            @pl.when(j1 + 2 < nch)
            def _():
                pltpu.async_copy(z_hbm.at[dst_v.at[j1 + 2]], rows1_v, semg1)
            pltpu.async_copy(sb1_v, acc_sh.at[src_v.at[j1]], sems1,
                             add=True)
            return c
        lax.fori_loop(0, nch // 2, _pair, 0)
        pltpu.make_async_copy(sb0_v, acc_sh.at[src_v.at[0]], sems0).wait()
        pltpu.make_async_copy(sb1_v, acc_sh.at[src_v.at[0]], sems1).wait()

        plsc.subcore_barrier()
        pltpu.sync_copy(acc_sh.at[pl.ds(sid * SL, SL)],
                        outp_hbm.at[cid, half, pl.ds(sid * SL, SL)])
        if half == 0:
            lax.fori_loop(0, CH, _zr, 0)
            for kk in range(SL // CH):
                pltpu.sync_copy(
                    sb0_v, acc_sh.at[pl.ds(sid * SL + kk * CH, CH)])


def _k4_body(p_ref, o_ref):
    o_ref[:, :FH] = p_ref[0, 0] + p_ref[1, 0]
    o_ref[:, FH:] = p_ref[0, 1] + p_ref[1, 1]


def _k4(outp):
    return pl.pallas_call(
        _k4_body,
        grid=(10,),
        in_specs=[pl.BlockSpec((2, 2, 1000, FH), lambda i: (0, 0, i, 0))],
        out_specs=pl.BlockSpec((1000, N_FEAT), lambda i: (i, 0)),
        out_shape=jax.ShapeDtypeStruct((N_NODES, N_FEAT), jnp.float32),
    )(outp)


def kernel(x, edge_index, W_fc, a_w, a_b):
    ei = jnp.pad(edge_index.astype(jnp.int32),
                 ((0, 0), (0, E_PAD - N_EDGES))).reshape(2, NW, NCH, CH)
    perm = jnp.asarray(_PERM)
    w_p = W_fc[perm, :]
    a_pair = a_w.reshape(2, N_FEAT)[:, perm]
    bias = jnp.stack([a_b, jnp.zeros_like(a_b)]).reshape(2, 1)
    x_pad = jnp.pad(x, ((0, NPAD - N_NODES), (0, 0)))
    z0, z1, s_pair = _k1(x_pad, w_p, a_pair, bias)
    h, hsum_p = _k2(ei, s_pair)
    alpha, outp = _k3(ei, h, hsum_p, z0, z1)
    out = _k4(outp)
    return out, alpha.reshape(E_PAD)[:N_EDGES]

# --- scband reference (transcript-rebuilt; emitter-appended) ---
"""Pipeline reference for scband-gatlayer-10952166605248 (READ-ONLY COPY).

The authoritative reference and input builder live on the scoring server;
editing this copy changes nothing except your own understanding.
"""

import jax, jax.numpy as jnp
import numpy as np

N_NODES = 10000
N_EDGES = 320000
N_FEAT = 128
N_HIDDEN = 128
ALPHA = 0.05


def setup_inputs(seed: int = 0) -> dict:
    key = jax.random.key(seed)
    k1, k2, k3, k4, k5 = jax.random.split(key, 5)
    x = jax.random.normal(k1, (N_NODES, N_FEAT), dtype=jnp.float32)
    edge_index = jax.random.randint(k2, (2, N_EDGES), 0, N_NODES, dtype=jnp.int64) if jax.config.jax_enable_x64 else jax.random.randint(k2, (2, N_EDGES), 0, N_NODES, dtype=jnp.int32)
    # learned params: fc (Linear n_feat->n_hidden, no bias), a (Linear 2*n_hidden->1 with bias)
    W_fc = jax.random.normal(k3, (N_HIDDEN, N_FEAT), dtype=jnp.float32) * (1.0 / np.sqrt(N_FEAT))
    a_w = jax.random.normal(k4, (2 * N_HIDDEN,), dtype=jnp.float32) * (1.0 / np.sqrt(2 * N_HIDDEN))
    a_b = jax.random.normal(k5, (), dtype=jnp.float32) * 0.01
    return {"x": x, "edge_index": edge_index, "W_fc": W_fc, "a_w": a_w, "a_b": a_b}


def reference(x, edge_index, W_fc, a_w, a_b):
    # z = self.fc(x)
    z = x @ W_fc.T
    src = edge_index[0, :]
    dst = edge_index[1, :]
    # z_i = z[indices[0]], z_j = z[indices[1]]  (gather)
    z_i = jnp.take(z, src, axis=0)
    z_j = jnp.take(z, dst, axis=0)
    a_input = jnp.concatenate([z_i, z_j], axis=1)
    # h = leakyrelu(self.a(a_input)); squeeze
    h = jax.nn.leaky_relu(a_input @ a_w + a_b, negative_slope=ALPHA)
    h = jnp.exp(h)
    # softmax denominator via scatter-add over source nodes
    h_sum = jnp.zeros((x.shape[0],), dtype=x.dtype).at[src].add(h)
    h_norm = jnp.take(h_sum, src, axis=0)
    alpha = h / h_norm
    # out = sparse.mm(adj_att, z): out[i] = sum_{(i,j) in E} alpha_ij * z[j]
    out = jnp.zeros_like(z).at[src].add(alpha[:, None] * z_j)
    return (out, alpha)

if __name__ == "__main__":
    import jax
    _d = setup_inputs()
    print(jax.jit(kernel)(*tuple(_d.values())))

</pallas_src>

<mosaic_0001>
#map = affine_map<(d0, d1) -> (0, 0, 0, 0)>
#map1 = affine_map<(d0, d1) -> (0, 0)>
#map2 = affine_map<(d0, d1) -> (0, 0, 0)>
module attributes {stable_mosaic.version = 14 : i64} {
  func.func @_k2(%arg0: i32, %arg1: i32, %arg2: memref<2x32x80x128xi32, #tpu.memory_space<hbm>>, %arg3: memref<2x10240xf32, #tpu.memory_space<hbm>>, %arg4: memref<32x80x128xf32, #tpu.memory_space<hbm>>, %arg5: memref<2x10240xf32, #tpu.memory_space<hbm>>, %arg6: memref<80x128xi32, #tpu.memory_space<vmem>>, %arg7: memref<80x128xi32, #tpu.memory_space<vmem>>, %arg8: memref<10240xf32, #tpu.memory_space<vmem>>, %arg9: memref<10240xf32, #tpu.memory_space<vmem>>, %arg10: memref<80x128xf32, #tpu.memory_space<vmem>>, %arg11: memref<640xf32, #tpu.memory_space<vmem>>, %arg12: memref<10240xf32, #tpu.memory_space<vmem_shared>>, %arg13: memref<!tpu.dma_semaphore, #tpu.memory_space<semaphore_mem>>) attributes {dimension_semantics = [#tpu.dimension_semantics<core_parallel>, #tpu.dimension_semantics<subcore_parallel>], iteration_bounds = array<i64: 2, 16>, scalar_prefetch = 0 : i64, scratch_operands = 8 : i64, tpu.core_type = #tpu.core_type<sc_vector_subcore>, window_params = [{transform_indices = #map}, {transform_indices = #map1}, {transform_indices = #map2}, {transform_indices = #map1}]} {
    %mul3A = arith.constant 2 : i32
    %mul3A_0 = arith.muli %arg1, %mul3A : i32
    %add3A = arith.addi %mul3A_0, %arg0 : i32
    %eq3A = arith.constant 31 : i32
    %eq3A_1 = arith.cmpi eq, %add3A, %eq3A : i32
    %jit3A = arith.constant 20 : i32
    %jit3A_2 = arith.constant 80 : i32
    %select_n3A = arith.select %eq3A_1, %jit3A, %jit3A_2 : i32
    %dma_start3A = arith.constant 0 : i32
    %dma_start3A_3 = arith.constant 0 : i32
    %dma_start3A_4 = arith.constant 0 : i32
    %dma_start3A_5 = tpu.memref_slice %arg2[%dma_start3A, %add3A, %dma_start3A_3, %dma_start3A_4] : memref<2x32x80x128xi32, #tpu.memory_space<hbm>> -> memref<1x1x80x128xi32, #tpu.memory_space<hbm>>
    %dma_start3A_6 = tpu.memref_squeeze %dma_start3A_5 : memref<1x1x80x128xi32, #tpu.memory_space<hbm>> -> memref<80x128xi32, #tpu.memory_space<hbm>>
    %dma_start3A_7 = arith.constant 0 : i32
    %dma_start3A_8 = arith.constant 0 : i32
    %dma_start3A_9 = tpu.memref_slice %arg2[%dma_start3A, %add3A, %dma_start3A_7, %dma_start3A_8] : memref<2x32x80x128xi32, #tpu.memory_space<hbm>> -> memref<1x1x80x128xi32, #tpu.memory_space<hbm>>
    %dma_start3A_10 = tpu.memref_squeeze %dma_start3A_9 : memref<1x1x80x128xi32, #tpu.memory_space<hbm>> -> memref<80x128xi32, #tpu.memory_space<hbm>>
    tpu.enqueue_dma source(%dma_start3A_10 : memref<80x128xi32, #tpu.memory_space<hbm>>) target(%arg6 : memref<80x128xi32, #tpu.memory_space<vmem>>) target_semaphore(%arg13 : memref<!tpu.dma_semaphore, #tpu.memory_space<semaphore_mem>>)
    %dma_start3A_11 = arith.constant 1 : i32
    %dma_start3A_12 = arith.constant 0 : i32
    %dma_start3A_13 = arith.constant 0 : i32
    %dma_start3A_14 = tpu.memref_slice %arg2[%dma_start3A_11, %add3A, %dma_start3A_12, %dma_start3A_13] : memref<2x32x80x128xi32, #tpu.memory_space<hbm>> -> memref<1x1x80x128xi32, #tpu.memory_space<hbm>>
    %dma_start3A_15 = tpu.memref_squeeze %dma_start3A_14 : memref<1x1x80x128xi32, #tpu.memory_space<hbm>> -> memref<80x128xi32, #tpu.memory_space<hbm>>
    %dma_start3A_16 = arith.constant 0 : i32
    %dma_start3A_17 = arith.constant 0 : i32
    %dma_start3A_18 = tpu.memref_slice %arg2[%dma_start3A_11, %add3A, %dma_start3A_16, %dma_start3A_17] : memref<2x32x80x128xi32, #tpu.memory_space<hbm>> -> memref<1x1x80x128xi32, #tpu.memory_space<hbm>>
    %dma_start3A_19 = tpu.memref_squeeze %dma_start3A_18 : memref<1x1x80x128xi32, #tpu.memory_space<hbm>> -> memref<80x128xi32, #tpu.memory_space<hbm>>
    tpu.enqueue_dma source(%dma_start3A_19 : memref<80x128xi32, #tpu.memory_space<hbm>>) target(%arg7 : memref<80x128xi32, #tpu.memory_space<vmem>>) target_semaphore(%arg13 : memref<!tpu.dma_semaphore, #tpu.memory_space<semaphore_mem>>)
    %dma_start3A_20 = arith.constant 0 : i32
    %dma_start3A_21 = arith.constant 0 : i32
    %dma_start3A_22 = tpu.memref_slice %arg3[%dma_start3A_20, %dma_start3A_21] : memref<2x10240xf32, #tpu.memory_space<hbm>> -> memref<1x10240xf32, #tpu.memory_space<hbm>>
    %dma_start3A_23 = tpu.memref_squeeze %dma_start3A_22 : memref<1x10240xf32, #tpu.memory_space<hbm>> -> memref<10240xf32, #tpu.memory_space<hbm>>
    %dma_start3A_24 = arith.constant 0 : i32
    %dma_start3A_25 = tpu.memref_slice %arg3[%dma_start3A_20, %dma_start3A_24] : memref<2x10240xf32, #tpu.memory_space<hbm>> -> memref<1x10240xf32, #tpu.memory_space<hbm>>
    %dma_start3A_26 = tpu.memref_squeeze %dma_start3A_25 : memref<1x10240xf32, #tpu.memory_space<hbm>> -> memref<10240xf32, #tpu.memory_space<hbm>>
    tpu.enqueue_dma source(%dma_start3A_26 : memref<10240xf32, #tpu.memory_space<hbm>>) target(%arg8 : memref<10240xf32, #tpu.memory_space<vmem>>) target_semaphore(%arg13 : memref<!tpu.dma_semaphore, #tpu.memory_space<semaphore_mem>>)
    %dma_start3A_27 = arith.constant 1 : i32
    %dma_start3A_28 = arith.constant 0 : i32
    %dma_start3A_29 = tpu.memref_slice %arg3[%dma_start3A_27, %dma_start3A_28] : memref<2x10240xf32, #tpu.memory_space<hbm>> -> memref<1x10240xf32, #tpu.memory_space<hbm>>
    %dma_start3A_30 = tpu.memref_squeeze %dma_start3A_29 : memref<1x10240xf32, #tpu.memory_space<hbm>> -> memref<10240xf32, #tpu.memory_space<hbm>>
    %dma_start3A_31 = arith.constant 0 : i32
    %dma_start3A_32 = tpu.memref_slice %arg3[%dma_start3A_27, %dma_start3A_31] : memref<2x10240xf32, #tpu.memory_space<hbm>> -> memref<1x10240xf32, #tpu.memory_space<hbm>>
    %dma_start3A_33 = tpu.memref_squeeze %dma_start3A_32 : memref<1x10240xf32, #tpu.memory_space<hbm>> -> memref<10240xf32, #tpu.memory_space<hbm>>
    tpu.enqueue_dma source(%dma_start3A_33 : memref<10240xf32, #tpu.memory_space<hbm>>) target(%arg9 : memref<10240xf32, #tpu.memory_space<vmem>>) target_semaphore(%arg13 : memref<!tpu.dma_semaphore, #tpu.memory_space<semaphore_mem>>)
    %dma_wait3A = arith.constant 0 : i32
    %dma_wait3A_34 = arith.constant 0 : i32
    %dma_wait3A_35 = arith.constant 0 : i32
    %dma_wait3A_36 = tpu.memref_slice %arg2[%dma_wait3A, %add3A, %dma_wait3A_34, %dma_wait3A_35] : memref<2x32x80x128xi32, #tpu.memory_space<hbm>> -> memref<1x1x80x128xi32, #tpu.memory_space<hbm>>
    %dma_wait3A_37 = tpu.memref_squeeze %dma_wait3A_36 : memref<1x1x80x128xi32, #tpu.memory_space<hbm>> -> memref<80x128xi32, #tpu.memory_space<hbm>>
    %dma_wait3A_38 = arith.constant 0 : i32
    %dma_wait3A_39 = arith.constant 0 : i32
    %dma_wait3A_40 = tpu.memref_slice %arg2[%dma_wait3A, %add3A, %dma_wait3A_38, %dma_wait3A_39] : memref<2x32x80x128xi32, #tpu.memory_space<hbm>> -> memref<1x1x80x128xi32, #tpu.memory_space<hbm>>
    %dma_wait3A_41 = tpu.memref_squeeze %dma_wait3A_40 : memref<1x1x80x128xi32, #tpu.memory_space<hbm>> -> memref<80x128xi32, #tpu.memory_space<hbm>>
    tpu.wait_dma2 semaphore(%arg13 : memref<!tpu.dma_semaphore, #tpu.memory_space<semaphore_mem>>) src(%dma_wait3A_41 : memref<80x128xi32, #tpu.memory_space<hbm>>) dst(%arg6 : memref<80x128xi32, #tpu.memory_space<vmem>>)
    %dma_wait3A_42 = arith.constant 1 : i32
    %dma_wait3A_43 = arith.constant 0 : i32
    %dma_wait3A_44 = arith.constant 0 : i32
    %dma_wait3A_45 = tpu.memref_slice %arg2[%dma_wait3A_42, %add3A, %dma_wait3A_43, %dma_wait3A_44] : memref<2x32x80x128xi32, #tpu.memory_space<hbm>> -> memref<1x1x80x128xi32, #tpu.memory_space<hbm>>
    %dma_wait3A_46 = tpu.memref_squeeze %dma_wait3A_45 : memref<1x1x80x128xi32, #tpu.memory_space<hbm>> -> memref<80x128xi32, #tpu.memory_space<hbm>>
    %dma_wait3A_47 = arith.constant 0 : i32
    %dma_wait3A_48 = arith.constant 0 : i32
    %dma_wait3A_49 = tpu.memref_slice %arg2[%dma_wait3A_42, %add3A, %dma_wait3A_47, %dma_wait3A_48] : memref<2x32x80x128xi32, #tpu.memory_space<hbm>> -> memref<1x1x80x128xi32, #tpu.memory_space<hbm>>
    %dma_wait3A_50 = tpu.memref_squeeze %dma_wait3A_49 : memref<1x1x80x128xi32, #tpu.memory_space<hbm>> -> memref<80x128xi32, #tpu.memory_space<hbm>>
    tpu.wait_dma2 semaphore(%arg13 : memref<!tpu.dma_semaphore, #tpu.memory_space<semaphore_mem>>) src(%dma_wait3A_50 : memref<80x128xi32, #tpu.memory_space<hbm>>) dst(%arg7 : memref<80x128xi32, #tpu.memory_space<vmem>>)
    %dma_wait3A_51 = arith.constant 0 : i32
    %dma_wait3A_52 = arith.constant 0 : i32
    %dma_wait3A_53 = tpu.memref_slice %arg3[%dma_wait3A_51, %dma_wait3A_52] : memref<2x10240xf32, #tpu.memory_space<hbm>> -> memref<1x10240xf32, #tpu.memory_space<hbm>>
    %dma_wait3A_54 = tpu.memref_squeeze %dma_wait3A_53 : memref<1x10240xf32, #tpu.memory_space<hbm>> -> memref<10240xf32, #tpu.memory_space<hbm>>
    %dma_wait3A_55 = arith.constant 0 : i32
    %dma_wait3A_56 = tpu.memref_slice %arg3[%dma_wait3A_51, %dma_wait3A_55] : memref<2x10240xf32, #tpu.memory_space<hbm>> -> memref<1x10240xf32, #tpu.memory_space<hbm>>
    %dma_wait3A_57 = tpu.memref_squeeze %dma_wait3A_56 : memref<1x10240xf32, #tpu.memory_space<hbm>> -> memref<10240xf32, #tpu.memory_space<hbm>>
    tpu.wait_dma2 semaphore(%arg13 : memref<!tpu.dma_semaphore, #tpu.memory_space<semaphore_mem>>) src(%dma_wait3A_57 : memref<10240xf32, #tpu.memory_space<hbm>>) dst(%arg8 : memref<10240xf32, #tpu.memory_space<vmem>>)
    %dma_wait3A_58 = arith.constant 1 : i32
    %dma_wait3A_59 = arith.constant 0 : i32
    %dma_wait3A_60 = tpu.memref_slice %arg3[%dma_wait3A_58, %dma_wait3A_59] : memref<2x10240xf32, #tpu.memory_space<hbm>> -> memref<1x10240xf32, #tpu.memory_space<hbm>>
    %dma_wait3A_61 = tpu.memref_squeeze %dma_wait3A_60 : memref<1x10240xf32, #tpu.memory_space<hbm>> -> memref<10240xf32, #tpu.memory_space<hbm>>
    %dma_wait3A_62 = arith.constant 0 : i32
    %dma_wait3A_63 = tpu.memref_slice %arg3[%dma_wait3A_58, %dma_wait3A_62] : memref<2x10240xf32, #tpu.memory_space<hbm>> -> memref<1x10240xf32, #tpu.memory_space<hbm>>
    %dma_wait3A_64 = tpu.memref_squeeze %dma_wait3A_63 : memref<1x10240xf32, #tpu.memory_space<hbm>> -> memref<10240xf32, #tpu.memory_space<hbm>>
    tpu.wait_dma2 semaphore(%arg13 : memref<!tpu.dma_semaphore, #tpu.memory_space<semaphore_mem>>) src(%dma_wait3A_64 : memref<10240xf32, #tpu.memory_space<hbm>>) dst(%arg9 : memref<10240xf32, #tpu.memory_space<vmem>>)
    %scan3A = arith.constant 0 : i32
    %scan3A_65 = arith.constant 0 : i32
    %scan3A_66 = arith.constant 40 : i32
    %scan3A_67 = arith.addi %scan3A_65, %scan3A_66 : i32
    %scan3A_68 = arith.constant 1 : i32
    scf.for %scan3A_106 = %scan3A_65 to %scan3A_67 step %scan3A_68  : i32 {
      %broadcast_in_dim3A = arith.constant 0.000000e+00 : f32
      %broadcast_in_dim3A_107 = vector.broadcast %broadcast_in_dim3A : f32 to vector<16xf32>
      %mul3A_108 = arith.constant 16 : i32
      %mul3A_109 = arith.muli %scan3A_106, %mul3A_108 : i32
      %swap3A = arith.index_cast %mul3A_109 : i32 to index
      %swap3A_110 = tpu.vector_load %arg11[%swap3A] {strides = array<i32>} : memref<640xf32, #tpu.memory_space<vmem>>, vector<16xf32>,
      tpu.vector_store %arg11[%swap3A], %broadcast_in_dim3A_107 {strides = array<i32>} : memref<640xf32, #tpu.memory_space<vmem>>, vector<16xf32>,
    }
    %scan3A_69 = arith.constant 40 : i32
    %mul3A_70 = arith.constant 640 : i32
    %mul3A_71 = arith.muli %arg1, %mul3A_70 : i32
    "tpu.region"() ({
      %run_scoped3A = tpu.sem_alloc : memref<!tpu.dma_semaphore, #tpu.memory_space<semaphore_mem>>
      %dma_start3A_106 = tpu.memref_slice %arg12[%mul3A_71] : memref<10240xf32, #tpu.memory_space<vmem_shared>> -> memref<640xf32, #tpu.memory_space<vmem_shared>>
      %dma_start3A_107 = tpu.memref_slice %arg12[%mul3A_71] : memref<10240xf32, #tpu.memory_space<vmem_shared>> -> memref<640xf32, #tpu.memory_space<vmem_shared>>
      tpu.enqueue_dma source(%arg11 : memref<640xf32, #tpu.memory_space<vmem>>) target(%dma_start3A_107 : memref<640xf32, #tpu.memory_space<vmem_shared>>) target_semaphore(%run_scoped3A : memref<!tpu.dma_semaphore, #tpu.memory_space<semaphore_mem>>)
      %dma_wait3A_108 = tpu.memref_slice %arg12[%mul3A_71] : memref<10240xf32, #tpu.memory_space<vmem_shared>> -> memref<640xf32, #tpu.memory_space<vmem_shared>>
      %dma_wait3A_109 = tpu.memref_slice %arg12[%mul3A_71] : memref<10240xf32, #tpu.memory_space<vmem_shared>> -> memref<640xf32, #tpu.memory_space<vmem_shared>>
      tpu.wait_dma2 semaphore(%run_scoped3A : memref<!tpu.dma_semaphore, #tpu.memory_space<semaphore_mem>>) src(%arg11 : memref<640xf32, #tpu.memory_space<vmem>>) dst(%dma_wait3A_109 : memref<640xf32, #tpu.memory_space<vmem_shared>>)
      tpu.yield
    }) : () -> ()
    %barrier3A = arith.constant 0 : index
    tpu.barrier barrier_id(%barrier3A)
    %while3A = arith.constant 0 : i32
    %while3A_72 = arith.constant 0 : i32
    %while3A_73 = arith.subi %select_n3A, %while3A_72 : i32
    %while3A_74 = arith.addi %while3A_72, %while3A_73 : i32
    %while3A_75 = arith.constant 1 : i32
    %while3A_76 = arith.divsi %while3A_73, %while3A_75 : i32
    %while3A_77 = arith.muli %while3A_76, %while3A_75 : i32
    %while3A_78 = arith.addi %while3A_72, %while3A_77 : i32
    %while3A_79 = arith.constant 1 : i32
    scf.for %while3A_106 = %while3A_72 to %while3A_78 step %while3A_79  : i32 {
      %get3A = arith.index_cast %while3A_106 : i32 to index
      %get3A_107 = arith.constant 0 : index
      %get3A_108 = tpu.vector_load %arg6[%get3A, %get3A_107] {strides = array<i32>} : memref<80x128xi32, #tpu.memory_space<vmem>>, vector<16xi32>,
      %get3A_109 = arith.index_cast %while3A_106 : i32 to index
      %get3A_110 = arith.constant 0 : index
      %get3A_111 = tpu.vector_load %arg7[%get3A_109, %get3A_110] {strides = array<i32>} : memref<80x128xi32, #tpu.memory_space<vmem>>, vector<16xi32>,
      %gather3A = tpu.vector_load_idx %arg8[%get3A_108] : memref<10240xf32, #tpu.memory_space<vmem>>[vector<16xi32>], vector<16xf32>,
      %gather3A_112 = tpu.vector_load_idx %arg9[%get3A_111] : memref<10240xf32, #tpu.memory_space<vmem>>[vector<16xi32>], vector<16xf32>,
      %add3A_113 = arith.addf %gather3A, %gather3A_112 : vector<16xf32>
      %ge3A = arith.constant 0.000000e+00 : f32
      %ge3A_114 = vector.broadcast %ge3A : f32 to vector<16xf32>
      %ge3A_115 = arith.cmpf oge, %add3A_113, %ge3A_114 : vector<16xf32>
      %mul3A_116 = arith.constant 5.000000e-02 : f32
      %mul3A_117 = vector.broadcast %mul3A_116 : f32 to vector<16xf32>
      %mul3A_118 = arith.mulf %add3A_113, %mul3A_117 : vector<16xf32>
      %select_n3A_119 = arith.select %ge3A_115, %add3A_113, %mul3A_118 : vector<16xi1>, vector<16xf32>
      %exp3A = math.exp %select_n3A_119 : vector<16xf32>
      %swap3A = arith.index_cast %while3A_106 : i32 to index
      %swap3A_120 = arith.constant 0 : index
      %swap3A_121 = tpu.vector_load %arg10[%swap3A, %swap3A_120] {strides = array<i32>} : memref<80x128xf32, #tpu.memory_space<vmem>>, vector<16xf32>,
      tpu.vector_store %arg10[%swap3A, %swap3A_120], %exp3A {strides = array<i32>} : memref<80x128xf32, #tpu.memory_space<vmem>>, vector<16xf32>,
      %get3A_122 = arith.index_cast %while3A_106 : i32 to index
      %get3A_123 = arith.constant 16 : index
      %get3A_124 = tpu.vector_load %arg6[%get3A_122, %get3A_123] {strides = array<i32>} : memref<80x128xi32, #tpu.memory_space<vmem>>, vector<16xi32>,
      %get3A_125 = arith.index_cast %while3A_106 : i32 to index
      %get3A_126 = arith.constant 16 : index
      %get3A_127 = tpu.vector_load %arg7[%get3A_125, %get3A_126] {strides = array<i32>} : memref<80x128xi32, #tpu.memory_space<vmem>>, vector<16xi32>,
      %gather3A_128 = tpu.vector_load_idx %arg8[%get3A_124] : memref<10240xf32, #tpu.memory_space<vmem>>[vector<16xi32>], vector<16xf32>,
      %gather3A_129 = tpu.vector_load_idx %arg9[%get3A_127] : memref<10240xf32, #tpu.memory_space<vmem>>[vector<16xi32>], vector<16xf32>,
      %add3A_130 = arith.addf %gather3A_128, %gather3A_129 : vector<16xf32>
      %ge3A_131 = arith.constant 0.000000e+00 : f32
      %ge3A_132 = vector.broadcast %ge3A_131 : f32 to vector<16xf32>
      %ge3A_133 = arith.cmpf oge, %add3A_130, %ge3A_132 : vector<16xf32>
      %mul3A_134 = arith.constant 5.000000e-02 : f32
      %mul3A_135 = vector.broadcast %mul3A_134 : f32 to vector<16xf32>
      %mul3A_136 = arith.mulf %add3A_130, %mul3A_135 : vector<16xf32>
      %select_n3A_137 = arith.select %ge3A_133, %add3A_130, %mul3A_136 : vector<16xi1>, vector<16xf32>
      %exp3A_138 = math.exp %select_n3A_137 : vector<16xf32>
      %swap3A_139 = arith.index_cast %while3A_106 : i32 to index
      %swap3A_140 = arith.constant 16 : index
      %swap3A_141 = tpu.vector_load %arg10[%swap3A_139, %swap3A_140] {strides = array<i32>} : memref<80x128xf32, #tpu.memory_space<vmem>>, vector<16xf32>,
      tpu.vector_store %arg10[%swap3A_139, %swap3A_140], %exp3A_138 {strides = array<i32>} : memref<80x128xf32, #tpu.memory_space<vmem>>, vector<16xf32>,
      %get3A_142 = arith.index_cast %while3A_106 : i32 to index
      %get3A_143 = arith.constant 32 : index
      %get3A_144 = tpu.vector_load %arg6[%get3A_142, %get3A_143] {strides = array<i32>} : memref<80x128xi32, #tpu.memory_space<vmem>>, vector<16xi32>,
      %get3A_145 = arith.index_cast %while3A_106 : i32 to index
      %get3A_146 = arith.constant 32 : index
      %get3A_147 = tpu.vector_load %arg7[%get3A_145, %get3A_146] {strides = array<i32>} : memref<80x128xi32, #tpu.memory_space<vmem>>, vector<16xi32>,
      %gather3A_148 = tpu.vector_load_idx %arg8[%get3A_144] : memref<10240xf32, #tpu.memory_space<vmem>>[vector<16xi32>], vector<16xf32>,
      %gather3A_149 = tpu.vector_load_idx %arg9[%get3A_147] : memref<10240xf32, #tpu.memory_space<vmem>>[vector<16xi32>], vector<16xf32>,
      %add3A_150 = arith.addf %gather3A_148, %gather3A_149 : vector<16xf32>
      %ge3A_151 = arith.constant 0.000000e+00 : f32
      %ge3A_152 = vector.broadcast %ge3A_151 : f32 to vector<16xf32>
      %ge3A_153 = arith.cmpf oge, %add3A_150, %ge3A_152 : vector<16xf32>
      %mul3A_154 = arith.constant 5.000000e-02 : f32
      %mul3A_155 = vector.broadcast %mul3A_154 : f32 to vector<16xf32>
      %mul3A_156 = arith.mulf %add3A_150, %mul3A_155 : vector<16xf32>
      %select_n3A_157 = arith.select %ge3A_153, %add3A_150, %mul3A_156 : vector<16xi1>, vector<16xf32>
      %exp3A_158 = math.exp %select_n3A_157 : vector<16xf32>
      %swap3A_159 = arith.index_cast %while3A_106 : i32 to index
      %swap3A_160 = arith.constant 32 : index
      %swap3A_161 = tpu.vector_load %arg10[%swap3A_159, %swap3A_160] {strides = array<i32>} : memref<80x128xf32, #tpu.memory_space<vmem>>, vector<16xf32>,
      tpu.vector_store %arg10[%swap3A_159, %swap3A_160], %exp3A_158 {strides = array<i32>} : memref<80x128xf32, #tpu.memory_space<vmem>>, vector<16xf32>,
      %get3A_162 = arith.index_cast %while3A_106 : i32 to index
      %get3A_163 = arith.constant 48 : index
      %get3A_164 = tpu.vector_load %arg6[%get3A_162, %get3A_163] {strides = array<i32>} : memref<80x128xi32, #tpu.memory_space<vmem>>, vector<16xi32>,
      %get3A_165 = arith.index_cast %while3A_106 : i32 to index
      %get3A_166 = arith.constant 48 : index
      %get3A_167 = tpu.vector_load %arg7[%get3A_165, %get3A_166] {strides = array<i32>} : memref<80x128xi32, #tpu.memory_space<vmem>>, vector<16xi32>,
      %gather3A_168 = tpu.vector_load_idx %arg8[%get3A_164] : memref<10240xf32, #tpu.memory_space<vmem>>[vector<16xi32>], vector<16xf32>,
      %gather3A_169 = tpu.vector_load_idx %arg9[%get3A_167] : memref<10240xf32, #tpu.memory_space<vmem>>[vector<16xi32>], vector<16xf32>,
      %add3A_170 = arith.addf %gather3A_168, %gather3A_169 : vector<16xf32>
      %ge3A_171 = arith.constant 0.000000e+00 : f32
      %ge3A_172 = vector.broadcast %ge3A_171 : f32 to vector<16xf32>
      %ge3A_173 = arith.cmpf oge, %add3A_170, %ge3A_172 : vector<16xf32>
      %mul3A_174 = arith.constant 5.000000e-02 : f32
      %mul3A_175 = vector.broadcast %mul3A_174 : f32 to vector<16xf32>
      %mul3A_176 = arith.mulf %add3A_170, %mul3A_175 : vector<16xf32>
      %select_n3A_177 = arith.select %ge3A_173, %add3A_170, %mul3A_176 : vector<16xi1>, vector<16xf32>
      %exp3A_178 = math.exp %select_n3A_177 : vector<16xf32>
      %swap3A_179 = arith.index_cast %while3A_106 : i32 to index
      %swap3A_180 = arith.constant 48 : index
      %swap3A_181 = tpu.vector_load %arg10[%swap3A_179, %swap3A_180] {strides = array<i32>} : memref<80x128xf32, #tpu.memory_space<vmem>>, vector<16xf32>,
      tpu.vector_store %arg10[%swap3A_179, %swap3A_180], %exp3A_178 {strides = array<i32>} : memref<80x128xf32, #tpu.memory_space<vmem>>, vector<16xf32>,
      %get3A_182 = arith.index_cast %while3A_106 : i32 to index
      %get3A_183 = arith.constant 64 : index
      %get3A_184 = tpu.vector_load %arg6[%get3A_182, %get3A_183] {strides = array<i32>} : memref<80x128xi32, #tpu.memory_space<vmem>>, vector<16xi32>,
      %get3A_185 = arith.index_cast %while3A_106 : i32 to index
      %get3A_186 = arith.constant 64 : index
      %get3A_187 = tpu.vector_load %arg7[%get3A_185, %get3A_186] {strides = array<i32>} : memref<80x128xi32, #tpu.memory_space<vmem>>, vector<16xi32>,
      %gather3A_188 = tpu.vector_load_idx %arg8[%get3A_184] : memref<10240xf32, #tpu.memory_space<vmem>>[vector<16xi32>], vector<16xf32>,
      %gather3A_189 = tpu.vector_load_idx %arg9[%get3A_187] : memref<10240xf32, #tpu.memory_space<vmem>>[vector<16xi32>], vector<16xf32>,
      %add3A_190 = arith.addf %gather3A_188, %gather3A_189 : vector<16xf32>
      %ge3A_191 = arith.constant 0.000000e+00 : f32
      %ge3A_192 = vector.broadcast %ge3A_191 : f32 to vector<16xf32>
      %ge3A_193 = arith.cmpf oge, %add3A_190, %ge3A_192 : vector<16xf32>
      %mul3A_194 = arith.constant 5.000000e-02 : f32
      %mul3A_195 = vector.broadcast %mul3A_194 : f32 to vector<16xf32>
      %mul3A_196 = arith.mulf %add3A_190, %mul3A_195 : vector<16xf32>
      %select_n3A_197 = arith.select %ge3A_193, %add3A_190, %mul3A_196 : vector<16xi1>, vector<16xf32>
      %exp3A_198 = math.exp %select_n3A_197 : vector<16xf32>
      %swap3A_199 = arith.index_cast %while3A_106 : i32 to index
      %swap3A_200 = arith.constant 64 : index
      %swap3A_201 = tpu.vector_load %arg10[%swap3A_199, %swap3A_200] {strides = array<i32>} : memref<80x128xf32, #tpu.memory_space<vmem>>, vector<16xf32>,
      tpu.vector_store %arg10[%swap3A_199, %swap3A_200], %exp3A_198 {strides = array<i32>} : memref<80x128xf32, #tpu.memory_space<vmem>>, vector<16xf32>,
      %get3A_202 = arith.index_cast %while3A_106 : i32 to index
      %get3A_203 = arith.constant 80 : index
      %get3A_204 = tpu.vector_load %arg6[%get3A_202, %get3A_203] {strides = array<i32>} : memref<80x128xi32, #tpu.memory_space<vmem>>, vector<16xi32>,
      %get3A_205 = arith.index_cast %while3A_106 : i32 to index
      %get3A_206 = arith.constant 80 : index
      %get3A_207 = tpu.vector_load %arg7[%get3A_205, %get3A_206] {strides = array<i32>} : memref<80x128xi32, #tpu.memory_space<vmem>>, vector<16xi32>,
      %gather3A_208 = tpu.vector_load_idx %arg8[%get3A_204] : memref<10240xf32, #tpu.memory_space<vmem>>[vector<16xi32>], vector<16xf32>,
      %gather3A_209 = tpu.vector_load_idx %arg9[%get3A_207] : memref<10240xf32, #tpu.memory_space<vmem>>[vector<16xi32>], vector<16xf32>,
      %add3A_210 = arith.addf %gather3A_208, %gather3A_209 : vector<16xf32>
      %ge3A_211 = arith.constant 0.000000e+00 : f32
      %ge3A_212 = vector.broadcast %ge3A_211 : f32 to vector<16xf32>
      %ge3A_213 = arith.cmpf oge, %add3A_210, %ge3A_212 : vector<16xf32>
      %mul3A_214 = arith.constant 5.000000e-02 : f32
      %mul3A_215 = vector.broadcast %mul3A_214 : f32 to vector<16xf32>
      %mul3A_216 = arith.mulf %add3A_210, %mul3A_215 : vector<16xf32>
      %select_n3A_217 = arith.select %ge3A_213, %add3A_210, %mul3A_216 : vector<16xi1>, vector<16xf32>
      %exp3A_218 = math.exp %select_n3A_217 : vector<16xf32>
      %swap3A_219 = arith.index_cast %while3A_106 : i32 to index
      %swap3A_220 = arith.constant 80 : index
      %swap3A_221 = tpu.vector_load %arg10[%swap3A_219, %swap3A_220] {strides = array<i32>} : memref<80x128xf32, #tpu.memory_space<vmem>>, vector<16xf32>,
      tpu.vector_store %arg10[%swap3A_219, %swap3A_220], %exp3A_218 {strides = array<i32>} : memref<80x128xf32, #tpu.memory_space<vmem>>, vector<16xf32>,
      %get3A_222 = arith.index_cast %while3A_106 : i32 to index
      %get3A_223 = arith.constant 96 : index
      %get3A_224 = tpu.vector_load %arg6[%get3A_222, %get3A_223] {strides = array<i32>} : memref<80x128xi32, #tpu.memory_space<vmem>>, vector<16xi32>,
      %get3A_225 = arith.index_cast %while3A_106 : i32 to index
      %get3A_226 = arith.constant 96 : index
      %get3A_227 = tpu.vector_load %arg7[%get3A_225, %get3A_226] {strides = array<i32>} : memref<80x128xi32, #tpu.memory_space<vmem>>, vector<16xi32>,
      %gather3A_228 = tpu.vector_load_idx %arg8[%get3A_224] : memref<10240xf32, #tpu.memory_space<vmem>>[vector<16xi32>], vector<16xf32>,
      %gather3A_229 = tpu.vector_load_idx %arg9[%get3A_227] : memref<10240xf32, #tpu.memory_space<vmem>>[vector<16xi32>], vector<16xf32>,
      %add3A_230 = arith.addf %gather3A_228, %gather3A_229 : vector<16xf32>
      %ge3A_231 = arith.constant 0.000000e+00 : f32
      %ge3A_232 = vector.broadcast %ge3A_231 : f32 to vector<16xf32>
      %ge3A_233 = arith.cmpf oge, %add3A_230, %ge3A_232 : vector<16xf32>
      %mul3A_234 = arith.constant 5.000000e-02 : f32
      %mul3A_235 = vector.broadcast %mul3A_234 : f32 to vector<16xf32>
      %mul3A_236 = arith.mulf %add3A_230, %mul3A_235 : vector<16xf32>
      %select_n3A_237 = arith.select %ge3A_233, %add3A_230, %mul3A_236 : vector<16xi1>, vector<16xf32>
      %exp3A_238 = math.exp %select_n3A_237 : vector<16xf32>
      %swap3A_239 = arith.index_cast %while3A_106 : i32 to index
      %swap3A_240 = arith.constant 96 : index
      %swap3A_241 = tpu.vector_load %arg10[%swap3A_239, %swap3A_240] {strides = array<i32>} : memref<80x128xf32, #tpu.memory_space<vmem>>, vector<16xf32>,
      tpu.vector_store %arg10[%swap3A_239, %swap3A_240], %exp3A_238 {strides = array<i32>} : memref<80x128xf32, #tpu.memory_space<vmem>>, vector<16xf32>,
      %get3A_242 = arith.index_cast %while3A_106 : i32 to index
      %get3A_243 = arith.constant 112 : index
      %get3A_244 = tpu.vector_load %arg6[%get3A_242, %get3A_243] {strides = array<i32>} : memref<80x128xi32, #tpu.memory_space<vmem>>, vector<16xi32>,
      %get3A_245 = arith.index_cast %while3A_106 : i32 to index
      %get3A_246 = arith.constant 112 : index
      %get3A_247 = tpu.vector_load %arg7[%get3A_245, %get3A_246] {strides = array<i32>} : memref<80x128xi32, #tpu.memory_space<vmem>>, vector<16xi32>,
      %gather3A_248 = tpu.vector_load_idx %arg8[%get3A_244] : memref<10240xf32, #tpu.memory_space<vmem>>[vector<16xi32>], vector<16xf32>,
      %gather3A_249 = tpu.vector_load_idx %arg9[%get3A_247] : memref<10240xf32, #tpu.memory_space<vmem>>[vector<16xi32>], vector<16xf32>,
      %add3A_250 = arith.addf %gather3A_248, %gather3A_249 : vector<16xf32>
      %ge3A_251 = arith.constant 0.000000e+00 : f32
      %ge3A_252 = vector.broadcast %ge3A_251 : f32 to vector<16xf32>
      %ge3A_253 = arith.cmpf oge, %add3A_250, %ge3A_252 : vector<16xf32>
      %mul3A_254 = arith.constant 5.000000e-02 : f32
      %mul3A_255 = vector.broadcast %mul3A_254 : f32 to vector<16xf32>
      %mul3A_256 = arith.mulf %add3A_250, %mul3A_255 : vector<16xf32>
      %select_n3A_257 = arith.select %ge3A_253, %add3A_250, %mul3A_256 : vector<16xi1>, vector<16xf32>
      %exp3A_258 = math.exp %select_n3A_257 : vector<16xf32>
      %swap3A_259 = arith.index_cast %while3A_106 : i32 to index
      %swap3A_260 = arith.constant 112 : index
      %swap3A_261 = tpu.vector_load %arg10[%swap3A_259, %swap3A_260] {strides = array<i32>} : memref<80x128xf32, #tpu.memory_space<vmem>>, vector<16xf32>,
      tpu.vector_store %arg10[%swap3A_259, %swap3A_260], %exp3A_258 {strides = array<i32>} : memref<80x128xf32, #tpu.memory_space<vmem>>, vector<16xf32>,
    }
    %while3A_80 = arith.constant 1 : i32
    scf.for %while3A_106 = %while3A_78 to %while3A_74 step %while3A_80  : i32 {
      %get3A = arith.index_cast %while3A_106 : i32 to index
      %get3A_107 = arith.constant 0 : index
      %get3A_108 = tpu.vector_load %arg6[%get3A, %get3A_107] {strides = array<i32>} : memref<80x128xi32, #tpu.memory_space<vmem>>, vector<16xi32>,
      %get3A_109 = arith.index_cast %while3A_106 : i32 to index
      %get3A_110 = arith.constant 0 : index
      %get3A_111 = tpu.vector_load %arg7[%get3A_109, %get3A_110] {strides = array<i32>} : memref<80x128xi32, #tpu.memory_space<vmem>>, vector<16xi32>,
      %gather3A = tpu.vector_load_idx %arg8[%get3A_108] : memref<10240xf32, #tpu.memory_space<vmem>>[vector<16xi32>], vector<16xf32>,
      %gather3A_112 = tpu.vector_load_idx %arg9[%get3A_111] : memref<10240xf32, #tpu.memory_space<vmem>>[vector<16xi32>], vector<16xf32>,
      %add3A_113 = arith.addf %gather3A, %gather3A_112 : vector<16xf32>
      %ge3A = arith.constant 0.000000e+00 : f32
      %ge3A_114 = vector.broadcast %ge3A : f32 to vector<16xf32>
      %ge3A_115 = arith.cmpf oge, %add3A_113, %ge3A_114 : vector<16xf32>
      %mul3A_116 = arith.constant 5.000000e-02 : f32
      %mul3A_117 = vector.broadcast %mul3A_116 : f32 to vector<16xf32>
      %mul3A_118 = arith.mulf %add3A_113, %mul3A_117 : vector<16xf32>
      %select_n3A_119 = arith.select %ge3A_115, %add3A_113, %mul3A_118 : vector<16xi1>, vector<16xf32>
      %exp3A = math.exp %select_n3A_119 : vector<16xf32>
      %swap3A = arith.index_cast %while3A_106 : i32 to index
      %swap3A_120 = arith.constant 0 : index
      %swap3A_121 = tpu.vector_load %arg10[%swap3A, %swap3A_120] {strides = array<i32>} : memref<80x128xf32, #tpu.memory_space<vmem>>, vector<16xf32>,
      tpu.vector_store %arg10[%swap3A, %swap3A_120], %exp3A {strides = array<i32>} : memref<80x128xf32, #tpu.memory_space<vmem>>, vector<16xf32>,
      %get3A_122 = arith.index_cast %while3A_106 : i32 to index
      %get3A_123 = arith.constant 16 : index
      %get3A_124 = tpu.vector_load %arg6[%get3A_122, %get3A_123] {strides = array<i32>} : memref<80x128xi32, #tpu.memory_space<vmem>>, vector<16xi32>,
      %get3A_125 = arith.index_cast %while3A_106 : i32 to index
      %get3A_126 = arith.constant 16 : index
      %get3A_127 = tpu.vector_load %arg7[%get3A_125, %get3A_126] {strides = array<i32>} : memref<80x128xi32, #tpu.memory_space<vmem>>, vector<16xi32>,
      %gather3A_128 = tpu.vector_load_idx %arg8[%get3A_124] : memref<10240xf32, #tpu.memory_space<vmem>>[vector<16xi32>], vector<16xf32>,
      %gather3A_129 = tpu.vector_load_idx %arg9[%get3A_127] : memref<10240xf32, #tpu.memory_space<vmem>>[vector<16xi32>], vector<16xf32>,
      %add3A_130 = arith.addf %gather3A_128, %gather3A_129 : vector<16xf32>
      %ge3A_131 = arith.constant 0.000000e+00 : f32
      %ge3A_132 = vector.broadcast %ge3A_131 : f32 to vector<16xf32>
      %ge3A_133 = arith.cmpf oge, %add3A_130, %ge3A_132 : vector<16xf32>
      %mul3A_134 = arith.constant 5.000000e-02 : f32
      %mul3A_135 = vector.broadcast %mul3A_134 : f32 to vector<16xf32>
      %mul3A_136 = arith.mulf %add3A_130, %mul3A_135 : vector<16xf32>
      %select_n3A_137 = arith.select %ge3A_133, %add3A_130, %mul3A_136 : vector<16xi1>, vector<16xf32>
      %exp3A_138 = math.exp %select_n3A_137 : vector<16xf32>
      %swap3A_139 = arith.index_cast %while3A_106 : i32 to index
      %swap3A_140 = arith.constant 16 : index
      %swap3A_141 = tpu.vector_load %arg10[%swap3A_139, %swap3A_140] {strides = array<i32>} : memref<80x128xf32, #tpu.memory_space<vmem>>, vector<16xf32>,
      tpu.vector_store %arg10[%swap3A_139, %swap3A_140], %exp3A_138 {strides = array<i32>} : memref<80x128xf32, #tpu.memory_space<vmem>>, vector<16xf32>,
      %get3A_142 = arith.index_cast %while3A_106 : i32 to index
      %get3A_143 = arith.constant 32 : index
      %get3A_144 = tpu.vector_load %arg6[%get3A_142, %get3A_143] {strides = array<i32>} : memref<80x128xi32, #tpu.memory_space<vmem>>, vector<16xi32>,
      %get3A_145 = arith.index_cast %while3A_106 : i32 to index
      %get3A_146 = arith.constant 32 : index
      %get3A_147 = tpu.vector_load %arg7[%get3A_145, %get3A_146] {strides = array<i32>} : memref<80x128xi32, #tpu.memory_space<vmem>>, vector<16xi32>,
      %gather3A_148 = tpu.vector_load_idx %arg8[%get3A_144] : memref<10240xf32, #tpu.memory_space<vmem>>[vector<16xi32>], vector<16xf32>,
      %gather3A_149 = tpu.vector_load_idx %arg9[%get3A_147] : memref<10240xf32, #tpu.memory_space<vmem>>[vector<16xi32>], vector<16xf32>,
      %add3A_150 = arith.addf %gather3A_148, %gather3A_149 : vector<16xf32>
      %ge3A_151 = arith.constant 0.000000e+00 : f32
      %ge3A_152 = vector.broadcast %ge3A_151 : f32 to vector<16xf32>
      %ge3A_153 = arith.cmpf oge, %add3A_150, %ge3A_152 : vector<16xf32>
      %mul3A_154 = arith.constant 5.000000e-02 : f32
      %mul3A_155 = vector.broadcast %mul3A_154 : f32 to vector<16xf32>
      %mul3A_156 = arith.mulf %add3A_150, %mul3A_155 : vector<16xf32>
      %select_n3A_157 = arith.select %ge3A_153, %add3A_150, %mul3A_156 : vector<16xi1>, vector<16xf32>
      %exp3A_158 = math.exp %select_n3A_157 : vector<16xf32>
      %swap3A_159 = arith.index_cast %while3A_106 : i32 to index
      %swap3A_160 = arith.constant 32 : index
      %swap3A_161 = tpu.vector_load %arg10[%swap3A_159, %swap3A_160] {strides = array<i32>} : memref<80x128xf32, #tpu.memory_space<vmem>>, vector<16xf32>,
      tpu.vector_store %arg10[%swap3A_159, %swap3A_160], %exp3A_158 {strides = array<i32>} : memref<80x128xf32, #tpu.memory_space<vmem>>, vector<16xf32>,
      %get3A_162 = arith.index_cast %while3A_106 : i32 to index
      %get3A_163 = arith.constant 48 : index
      %get3A_164 = tpu.vector_load %arg6[%get3A_162, %get3A_163] {strides = array<i32>} : memref<80x128xi32, #tpu.memory_space<vmem>>, vector<16xi32>,
      %get3A_165 = arith.index_cast %while3A_106 : i32 to index
      %get3A_166 = arith.constant 48 : index
      %get3A_167 = tpu.vector_load %arg7[%get3A_165, %get3A_166] {strides = array<i32>} : memref<80x128xi32, #tpu.memory_space<vmem>>, vector<16xi32>,
      %gather3A_168 = tpu.vector_load_idx %arg8[%get3A_164] : memref<10240xf32, #tpu.memory_space<vmem>>[vector<16xi32>], vector<16xf32>,
      %gather3A_169 = tpu.vector_load_idx %arg9[%get3A_167] : memref<10240xf32, #tpu.memory_space<vmem>>[vector<16xi32>], vector<16xf32>,
      %add3A_170 = arith.addf %gather3A_168, %gather3A_169 : vector<16xf32>
      %ge3A_171 = arith.constant 0.000000e+00 : f32
      %ge3A_172 = vector.broadcast %ge3A_171 : f32 to vector<16xf32>
      %ge3A_173 = arith.cmpf oge, %add3A_170, %ge3A_172 : vector<16xf32>
      %mul3A_174 = arith.constant 5.000000e-02 : f32
      %mul3A_175 = vector.broadcast %mul3A_174 : f32 to vector<16xf32>
      %mul3A_176 = arith.mulf %add3A_170, %mul3A_175 : vector<16xf32>
      %select_n3A_177 = arith.select %ge3A_173, %add3A_170, %mul3A_176 : vector<16xi1>, vector<16xf32>
      %exp3A_178 = math.exp %select_n3A_177 : vector<16xf32>
      %swap3A_179 = arith.index_cast %while3A_106 : i32 to index
      %swap3A_180 = arith.constant 48 : index
      %swap3A_181 = tpu.vector_load %arg10[%swap3A_179, %swap3A_180] {strides = array<i32>} : memref<80x128xf32, #tpu.memory_space<vmem>>, vector<16xf32>,
      tpu.vector_store %arg10[%swap3A_179, %swap3A_180], %exp3A_178 {strides = array<i32>} : memref<80x128xf32, #tpu.memory_space<vmem>>, vector<16xf32>,
      %get3A_182 = arith.index_cast %while3A_106 : i32 to index
      %get3A_183 = arith.constant 64 : index
      %get3A_184 = tpu.vector_load %arg6[%get3A_182, %get3A_183] {strides = array<i32>} : memref<80x128xi32, #tpu.memory_space<vmem>>, vector<16xi32>,
      %get3A_185 = arith.index_cast %while3A_106 : i32 to index
      %get3A_186 = arith.constant 64 : index
      %get3A_187 = tpu.vector_load %arg7[%get3A_185, %get3A_186] {strides = array<i32>} : memref<80x128xi32, #tpu.memory_space<vmem>>, vector<16xi32>,
      %gather3A_188 = tpu.vector_load_idx %arg8[%get3A_184] : memref<10240xf32, #tpu.memory_space<vmem>>[vector<16xi32>], vector<16xf32>,
      %gather3A_189 = tpu.vector_load_idx %arg9[%get3A_187] : memref<10240xf32, #tpu.memory_space<vmem>>[vector<16xi32>], vector<16xf32>,
      %add3A_190 = arith.addf %gather3A_188, %gather3A_189 : vector<16xf32>
      %ge3A_191 = arith.constant 0.000000e+00 : f32
      %ge3A_192 = vector.broadcast %ge3A_191 : f32 to vector<16xf32>
      %ge3A_193 = arith.cmpf oge, %add3A_190, %ge3A_192 : vector<16xf32>
      %mul3A_194 = arith.constant 5.000000e-02 : f32
      %mul3A_195 = vector.broadcast %mul3A_194 : f32 to vector<16xf32>
      %mul3A_196 = arith.mulf %add3A_190, %mul3A_195 : vector<16xf32>
      %select_n3A_197 = arith.select %ge3A_193, %add3A_190, %mul3A_196 : vector<16xi1>, vector<16xf32>
      %exp3A_198 = math.exp %select_n3A_197 : vector<16xf32>
      %swap3A_199 = arith.index_cast %while3A_106 : i32 to index
      %swap3A_200 = arith.constant 64 : index
      %swap3A_201 = tpu.vector_load %arg10[%swap3A_199, %swap3A_200] {strides = array<i32>} : memref<80x128xf32, #tpu.memory_space<vmem>>, vector<16xf32>,
      tpu.vector_store %arg10[%swap3A_199, %swap3A_200], %exp3A_198 {strides = array<i32>} : memref<80x128xf32, #tpu.memory_space<vmem>>, vector<16xf32>,
      %get3A_202 = arith.index_cast %while3A_106 : i32 to index
      %get3A_203 = arith.constant 80 : index
      %get3A_204 = tpu.vector_load %arg6[%get3A_202, %get3A_203] {strides = array<i32>} : memref<80x128xi32, #tpu.memory_space<vmem>>, vector<16xi32>,
      %get3A_205 = arith.index_cast %while3A_106 : i32 to index
      %get3A_206 = arith.constant 80 : index
      %get3A_207 = tpu.vector_load %arg7[%get3A_205, %get3A_206] {strides = array<i32>} : memref<80x128xi32, #tpu.memory_space<vmem>>, vector<16xi32>,
      %gather3A_208 = tpu.vector_load_idx %arg8[%get3A_204] : memref<10240xf32, #tpu.memory_space<vmem>>[vector<16xi32>], vector<16xf32>,
      %gather3A_209 = tpu.vector_load_idx %arg9[%get3A_207] : memref<10240xf32, #tpu.memory_space<vmem>>[vector<16xi32>], vector<16xf32>,
      %add3A_210 = arith.addf %gather3A_208, %gather3A_209 : vector<16xf32>
      %ge3A_211 = arith.constant 0.000000e+00 : f32
      %ge3A_212 = vector.broadcast %ge3A_211 : f32 to vector<16xf32>
      %ge3A_213 = arith.cmpf oge, %add3A_210, %ge3A_212 : vector<16xf32>
      %mul3A_214 = arith.constant 5.000000e-02 : f32
      %mul3A_215 = vector.broadcast %mul3A_214 : f32 to vector<16xf32>
      %mul3A_216 = arith.mulf %add3A_210, %mul3A_215 : vector<16xf32>
      %select_n3A_217 = arith.select %ge3A_213, %add3A_210, %mul3A_216 : vector<16xi1>, vector<16xf32>
      %exp3A_218 = math.exp %select_n3A_217 : vector<16xf32>
      %swap3A_219 = arith.index_cast %while3A_106 : i32 to index
      %swap3A_220 = arith.constant 80 : index
      %swap3A_221 = tpu.vector_load %arg10[%swap3A_219, %swap3A_220] {strides = array<i32>} : memref<80x128xf32, #tpu.memory_space<vmem>>, vector<16xf32>,
      tpu.vector_store %arg10[%swap3A_219, %swap3A_220], %exp3A_218 {strides = array<i32>} : memref<80x128xf32, #tpu.memory_space<vmem>>, vector<16xf32>,
      %get3A_222 = arith.index_cast %while3A_106 : i32 to index
      %get3A_223 = arith.constant 96 : index
      %get3A_224 = tpu.vector_load %arg6[%get3A_222, %get3A_223] {strides = array<i32>} : memref<80x128xi32, #tpu.memory_space<vmem>>, vector<16xi32>,
      %get3A_225 = arith.index_cast %while3A_106 : i32 to index
      %get3A_226 = arith.constant 96 : index
      %get3A_227 = tpu.vector_load %arg7[%get3A_225, %get3A_226] {strides = array<i32>} : memref<80x128xi32, #tpu.memory_space<vmem>>, vector<16xi32>,
      %gather3A_228 = tpu.vector_load_idx %arg8[%get3A_224] : memref<10240xf32, #tpu.memory_space<vmem>>[vector<16xi32>], vector<16xf32>,
      %gather3A_229 = tpu.vector_load_idx %arg9[%get3A_227] : memref<10240xf32, #tpu.memory_space<vmem>>[vector<16xi32>], vector<16xf32>,
      %add3A_230 = arith.addf %gather3A_228, %gather3A_229 : vector<16xf32>
      %ge3A_231 = arith.constant 0.000000e+00 : f32
      %ge3A_232 = vector.broadcast %ge3A_231 : f32 to vector<16xf32>
      %ge3A_233 = arith.cmpf oge, %add3A_230, %ge3A_232 : vector<16xf32>
      %mul3A_234 = arith.constant 5.000000e-02 : f32
      %mul3A_235 = vector.broadcast %mul3A_234 : f32 to vector<16xf32>
      %mul3A_236 = arith.mulf %add3A_230, %mul3A_235 : vector<16xf32>
      %select_n3A_237 = arith.select %ge3A_233, %add3A_230, %mul3A_236 : vector<16xi1>, vector<16xf32>
      %exp3A_238 = math.exp %select_n3A_237 : vector<16xf32>
      %swap3A_239 = arith.index_cast %while3A_106 : i32 to index
      %swap3A_240 = arith.constant 96 : index
      %swap3A_241 = tpu.vector_load %arg10[%swap3A_239, %swap3A_240] {strides = array<i32>} : memref<80x128xf32, #tpu.memory_space<vmem>>, vector<16xf32>,
      tpu.vector_store %arg10[%swap3A_239, %swap3A_240], %exp3A_238 {strides = array<i32>} : memref<80x128xf32, #tpu.memory_space<vmem>>, vector<16xf32>,
      %get3A_242 = arith.index_cast %while3A_106 : i32 to index
      %get3A_243 = arith.constant 112 : index
      %get3A_244 = tpu.vector_load %arg6[%get3A_242, %get3A_243] {strides = array<i32>} : memref<80x128xi32, #tpu.memory_space<vmem>>, vector<16xi32>,
      %get3A_245 = arith.index_cast %while3A_106 : i32 to index
      %get3A_246 = arith.constant 112 : index
      %get3A_247 = tpu.vector_load %arg7[%get3A_245, %get3A_246] {strides = array<i32>} : memref<80x128xi32, #tpu.memory_space<vmem>>, vector<16xi32>,
      %gather3A_248 = tpu.vector_load_idx %arg8[%get3A_244] : memref<10240xf32, #tpu.memory_space<vmem>>[vector<16xi32>], vector<16xf32>,
      %gather3A_249 = tpu.vector_load_idx %arg9[%get3A_247] : memref<10240xf32, #tpu.memory_space<vmem>>[vector<16xi32>], vector<16xf32>,
      %add3A_250 = arith.addf %gather3A_248, %gather3A_249 : vector<16xf32>
      %ge3A_251 = arith.constant 0.000000e+00 : f32
      %ge3A_252 = vector.broadcast %ge3A_251 : f32 to vector<16xf32>
      %ge3A_253 = arith.cmpf oge, %add3A_250, %ge3A_252 : vector<16xf32>
      %mul3A_254 = arith.constant 5.000000e-02 : f32
      %mul3A_255 = vector.broadcast %mul3A_254 : f32 to vector<16xf32>
      %mul3A_256 = arith.mulf %add3A_250, %mul3A_255 : vector<16xf32>
      %select_n3A_257 = arith.select %ge3A_253, %add3A_250, %mul3A_256 : vector<16xi1>, vector<16xf32>
      %exp3A_258 = math.exp %select_n3A_257 : vector<16xf32>
      %swap3A_259 = arith.index_cast %while3A_106 : i32 to index
      %swap3A_260 = arith.constant 112 : index
      %swap3A_261 = tpu.vector_load %arg10[%swap3A_259, %swap3A_260] {strides = array<i32>} : memref<80x128xf32, #tpu.memory_space<vmem>>, vector<16xf32>,
      tpu.vector_store %arg10[%swap3A_259, %swap3A_260], %exp3A_258 {strides = array<i32>} : memref<80x128xf32, #tpu.memory_space<vmem>>, vector<16xf32>,
    }
    "tpu.region"() ({
      %run_scoped3A = tpu.sem_alloc : memref<!tpu.dma_semaphore, #tpu.memory_space<semaphore_mem>>
      %dma_start3A_106 = arith.constant 0 : i32
      %dma_start3A_107 = arith.constant 0 : i32
      %dma_start3A_108 = tpu.memref_slice %arg4[%add3A, %dma_start3A_106, %dma_start3A_107] : memref<32x80x128xf32, #tpu.memory_space<hbm>> -> memref<1x80x128xf32, #tpu.memory_space<hbm>>
      %dma_start3A_109 = tpu.memref_squeeze %dma_start3A_108 : memref<1x80x128xf32, #tpu.memory_space<hbm>> -> memref<80x128xf32, #tpu.memory_space<hbm>>
      %dma_start3A_110 = arith.constant 0 : i32
      %dma_start3A_111 = arith.constant 0 : i32
      %dma_start3A_112 = tpu.memref_slice %arg4[%add3A, %dma_start3A_110, %dma_start3A_111] : memref<32x80x128xf32, #tpu.memory_space<hbm>> -> memref<1x80x128xf32, #tpu.memory_space<hbm>>
      %dma_start3A_113 = tpu.memref_squeeze %dma_start3A_112 : memref<1x80x128xf32, #tpu.memory_space<hbm>> -> memref<80x128xf32, #tpu.memory_space<hbm>>
      tpu.enqueue_dma source(%arg10 : memref<80x128xf32, #tpu.memory_space<vmem>>) target(%dma_start3A_113 : memref<80x128xf32, #tpu.memory_space<hbm>>) target_semaphore(%run_scoped3A : memref<!tpu.dma_semaphore, #tpu.memory_space<semaphore_mem>>)
      %dma_wait3A_114 = arith.constant 0 : i32
      %dma_wait3A_115 = arith.constant 0 : i32
      %dma_wait3A_116 = tpu.memref_slice %arg4[%add3A, %dma_wait3A_114, %dma_wait3A_115] : memref<32x80x128xf32, #tpu.memory_space<hbm>> -> memref<1x80x128xf32, #tpu.memory_space<hbm>>
      %dma_wait3A_117 = tpu.memref_squeeze %dma_wait3A_116 : memref<1x80x128xf32, #tpu.memory_space<hbm>> -> memref<80x128xf32, #tpu.memory_space<hbm>>
      %dma_wait3A_118 = arith.constant 0 : i32
      %dma_wait3A_119 = arith.constant 0 : i32
      %dma_wait3A_120 = tpu.memref_slice %arg4[%add3A, %dma_wait3A_118, %dma_wait3A_119] : memref<32x80x128xf32, #tpu.memory_space<hbm>> -> memref<1x80x128xf32, #tpu.memory_space<hbm>>
      %dma_wait3A_121 = tpu.memref_squeeze %dma_wait3A_120 : memref<1x80x128xf32, #tpu.memory_space<hbm>> -> memref<80x128xf32, #tpu.memory_space<hbm>>
      tpu.wait_dma2 semaphore(%run_scoped3A : memref<!tpu.dma_semaphore, #tpu.memory_space<semaphore_mem>>) src(%arg10 : memref<80x128xf32, #tpu.memory_space<vmem>>) dst(%dma_wait3A_121 : memref<80x128xf32, #tpu.memory_space<hbm>>)
      tpu.yield
    }) : () -> ()
    %while3A_81 = arith.constant 0 : i32
    %while3A_82 = arith.constant 0 : i32
    %while3A_83 = arith.subi %select_n3A, %while3A_82 : i32
    %while3A_84 = arith.addi %while3A_82, %while3A_83 : i32
    %while3A_85 = arith.constant 1 : i32
    %while3A_86 = arith.divsi %while3A_83, %while3A_85 : i32
    %while3A_87 = arith.muli %while3A_86, %while3A_85 : i32
    %while3A_88 = arith.addi %while3A_82, %while3A_87 : i32
    %while3A_89 = arith.constant 1 : i32
    scf.for %while3A_106 = %while3A_82 to %while3A_88 step %while3A_89  : i32 {
      %dma_start3A_107 = arith.constant 0 : i32
      %dma_start3A_108 = tpu.memref_slice %arg10[%while3A_106, %dma_start3A_107] : memref<80x128xf32, #tpu.memory_space<vmem>> -> memref<1x128xf32, #tpu.memory_space<vmem>>
      %dma_start3A_109 = tpu.memref_squeeze %dma_start3A_108 : memref<1x128xf32, #tpu.memory_space<vmem>> -> memref<128xf32, #tpu.memory_space<vmem>>
      %dma_start3A_110 = arith.constant 0 : i32
      %dma_start3A_111 = tpu.memref_slice %arg6[%while3A_106, %dma_start3A_110] : memref<80x128xi32, #tpu.memory_space<vmem>> -> memref<1x128xi32, #tpu.memory_space<vmem>>
      %dma_start3A_112 = tpu.memref_squeeze %dma_start3A_111 : memref<1x128xi32, #tpu.memory_space<vmem>> -> memref<128xi32, #tpu.memory_space<vmem>>
      %dma_start3A_113 = arith.constant 0 : i32
      %dma_start3A_114 = tpu.memref_slice %arg12[%dma_start3A_113] : memref<10240xf32, #tpu.memory_space<vmem_shared>> -> memref<10240xf32, #tpu.memory_space<vmem_shared>>
      tpu.enqueue_indirect_dma source(%dma_start3A_109 : memref<128xf32, #tpu.memory_space<vmem>>) target(%dma_start3A_114 : memref<10240xf32, #tpu.memory_space<vmem_shared>>) offsets(%dma_start3A_112 : memref<128xi32, #tpu.memory_space<vmem>>) semaphore(%arg13 : memref<!tpu.dma_semaphore, #tpu.memory_space<semaphore_mem>>) {add = true}
    }
    %while3A_90 = arith.constant 1 : i32
    scf.for %while3A_106 = %while3A_88 to %while3A_84 step %while3A_90  : i32 {
      %dma_start3A_107 = arith.constant 0 : i32
      %dma_start3A_108 = tpu.memref_slice %arg10[%while3A_106, %dma_start3A_107] : memref<80x128xf32, #tpu.memory_space<vmem>> -> memref<1x128xf32, #tpu.memory_space<vmem>>
      %dma_start3A_109 = tpu.memref_squeeze %dma_start3A_108 : memref<1x128xf32, #tpu.memory_space<vmem>> -> memref<128xf32, #tpu.memory_space<vmem>>
      %dma_start3A_110 = arith.constant 0 : i32
      %dma_start3A_111 = tpu.memref_slice %arg6[%while3A_106, %dma_start3A_110] : memref<80x128xi32, #tpu.memory_space<vmem>> -> memref<1x128xi32, #tpu.memory_space<vmem>>
      %dma_start3A_112 = tpu.memref_squeeze %dma_start3A_111 : memref<1x128xi32, #tpu.memory_space<vmem>> -> memref<128xi32, #tpu.memory_space<vmem>>
      %dma_start3A_113 = arith.constant 0 : i32
      %dma_start3A_114 = tpu.memref_slice %arg12[%dma_start3A_113] : memref<10240xf32, #tpu.memory_space<vmem_shared>> -> memref<10240xf32, #tpu.memory_space<vmem_shared>>
      tpu.enqueue_indirect_dma source(%dma_start3A_109 : memref<128xf32, #tpu.memory_space<vmem>>) target(%dma_start3A_114 : memref<10240xf32, #tpu.memory_space<vmem_shared>>) offsets(%dma_start3A_112 : memref<128xi32, #tpu.memory_space<vmem>>) semaphore(%arg13 : memref<!tpu.dma_semaphore, #tpu.memory_space<semaphore_mem>>) {add = true}
    }
    %while3A_91 = arith.constant 0 : i32
    %while3A_92 = arith.constant 0 : i32
    %while3A_93 = arith.subi %select_n3A, %while3A_92 : i32
    %while3A_94 = arith.addi %while3A_92, %while3A_93 : i32
    %while3A_95 = arith.constant 1 : i32
    %while3A_96 = arith.divsi %while3A_93, %while3A_95 : i32
    %while3A_97 = arith.muli %while3A_96, %while3A_95 : i32
    %while3A_98 = arith.addi %while3A_92, %while3A_97 : i32
    %while3A_99 = arith.constant 1 : i32
    scf.for %while3A_106 = %while3A_92 to %while3A_98 step %while3A_99  : i32 {
      %dma_wait3A_107 = arith.constant 0 : i32
      %dma_wait3A_108 = arith.constant 0 : i32
      %dma_wait3A_109 = arith.constant 0 : i32
      %dma_wait3A_110 = tpu.memref_slice %arg10[%dma_wait3A_107, %dma_wait3A_109] : memref<80x128xf32, #tpu.memory_space<vmem>> -> memref<1x128xf32, #tpu.memory_space<vmem>>
      %dma_wait3A_111 = tpu.memref_squeeze %dma_wait3A_110 : memref<1x128xf32, #tpu.memory_space<vmem>> -> memref<128xf32, #tpu.memory_space<vmem>>
      %dma_wait3A_112 = arith.constant 0 : i32
      %dma_wait3A_113 = tpu.memref_slice %arg6[%dma_wait3A_108, %dma_wait3A_112] : memref<80x128xi32, #tpu.memory_space<vmem>> -> memref<1x128xi32, #tpu.memory_space<vmem>>
      %dma_wait3A_114 = tpu.memref_squeeze %dma_wait3A_113 : memref<1x128xi32, #tpu.memory_space<vmem>> -> memref<128xi32, #tpu.memory_space<vmem>>
      %dma_wait3A_115 = arith.constant 0 : i32
      %dma_wait3A_116 = tpu.memref_slice %arg12[%dma_wait3A_115] : memref<10240xf32, #tpu.memory_space<vmem_shared>> -> memref<10240xf32, #tpu.memory_space<vmem_shared>>
      tpu.wait_indirect_dma semaphore(%arg13 : memref<!tpu.dma_semaphore, #tpu.memory_space<semaphore_mem>>) src(%dma_wait3A_111 : memref<128xf32, #tpu.memory_space<vmem>>) dst(%dma_wait3A_116 : memref<10240xf32, #tpu.memory_space<vmem_shared>>)
    }
    %while3A_100 = arith.constant 1 : i32
    scf.for %while3A_106 = %while3A_98 to %while3A_94 step %while3A_100  : i32 {
      %dma_wait3A_107 = arith.constant 0 : i32
      %dma_wait3A_108 = arith.constant 0 : i32
      %dma_wait3A_109 = arith.constant 0 : i32
      %dma_wait3A_110 = tpu.memref_slice %arg10[%dma_wait3A_107, %dma_wait3A_109] : memref<80x128xf32, #tpu.memory_space<vmem>> -> memref<1x128xf32, #tpu.memory_space<vmem>>
      %dma_wait3A_111 = tpu.memref_squeeze %dma_wait3A_110 : memref<1x128xf32, #tpu.memory_space<vmem>> -> memref<128xf32, #tpu.memory_space<vmem>>
      %dma_wait3A_112 = arith.constant 0 : i32
      %dma_wait3A_113 = tpu.memref_slice %arg6[%dma_wait3A_108, %dma_wait3A_112] : memref<80x128xi32, #tpu.memory_space<vmem>> -> memref<1x128xi32, #tpu.memory_space<vmem>>
      %dma_wait3A_114 = tpu.memref_squeeze %dma_wait3A_113 : memref<1x128xi32, #tpu.memory_space<vmem>> -> memref<128xi32, #tpu.memory_space<vmem>>
      %dma_wait3A_115 = arith.constant 0 : i32
      %dma_wait3A_116 = tpu.memref_slice %arg12[%dma_wait3A_115] : memref<10240xf32, #tpu.memory_space<vmem_shared>> -> memref<10240xf32, #tpu.memory_space<vmem_shared>>
      tpu.wait_indirect_dma semaphore(%arg13 : memref<!tpu.dma_semaphore, #tpu.memory_space<semaphore_mem>>) src(%dma_wait3A_111 : memref<128xf32, #tpu.memory_space<vmem>>) dst(%dma_wait3A_116 : memref<10240xf32, #tpu.memory_space<vmem_shared>>)
    }
    %barrier3A_101 = arith.constant 0 : index
    tpu.barrier barrier_id(%barrier3A_101)
    %mul3A_102 = arith.constant 640 : i32
    %mul3A_103 = arith.muli %arg1, %mul3A_102 : i32
    %mul3A_104 = arith.constant 640 : i32
    %mul3A_105 = arith.muli %arg1, %mul3A_104 : i32
    "tpu.region"() ({
      %run_scoped3A = tpu.sem_alloc : memref<!tpu.dma_semaphore, #tpu.memory_space<semaphore_mem>>
      %dma_start3A_106 = tpu.memref_slice %arg5[%arg0, %mul3A_105] : memref<2x10240xf32, #tpu.memory_space<hbm>> -> memref<1x640xf32, #tpu.memory_space<hbm>>
      %dma_start3A_107 = tpu.memref_squeeze %dma_start3A_106 : memref<1x640xf32, #tpu.memory_space<hbm>> -> memref<640xf32, #tpu.memory_space<hbm>>
      %dma_start3A_108 = tpu.memref_slice %arg12[%mul3A_103] : memref<10240xf32, #tpu.memory_space<vmem_shared>> -> memref<640xf32, #tpu.memory_space<vmem_shared>>
      tpu.enqueue_dma source(%dma_start3A_108 : memref<640xf32, #tpu.memory_space<vmem_shared>>) target(%dma_start3A_107 : memref<640xf32, #tpu.memory_space<hbm>>) target_semaphore(%run_scoped3A : memref<!tpu.dma_semaphore, #tpu.memory_space<semaphore_mem>>)
      %dma_wait3A_109 = tpu.memref_slice %arg5[%arg0, %mul3A_105] : memref<2x10240xf32, #tpu.memory_space<hbm>> -> memref<1x640xf32, #tpu.memory_space<hbm>>
      %dma_wait3A_110 = tpu.memref_squeeze %dma_wait3A_109 : memref<1x640xf32, #tpu.memory_space<hbm>> -> memref<640xf32, #tpu.memory_space<hbm>>
      %dma_wait3A_111 = tpu.memref_slice %arg12[%mul3A_103] : memref<10240xf32, #tpu.memory_space<vmem_shared>> -> memref<640xf32, #tpu.memory_space<vmem_shared>>
      tpu.wait_dma2 semaphore(%run_scoped3A : memref<!tpu.dma_semaphore, #tpu.memory_space<semaphore_mem>>) src(%dma_wait3A_111 : memref<640xf32, #tpu.memory_space<vmem_shared>>) dst(%dma_wait3A_110 : memref<640xf32, #tpu.memory_space<hbm>>)
      tpu.yield
    }) : () -> ()
    return
  }
}

#map = affine_map<(d0, d1) -> (0, 0, 0, 0)>
#map1 = affine_map<(d0, d1) -> (0, 0, 0)>
#map2 = affine_map<(d0, d1) -> (0, 0)>
module attributes {stable_mosaic.version = 14 : i64} {
  func.func @_k3(%arg0: i32, %arg1: i32, %arg2: memref<2x32x80x128xi32, #tpu.memory_space<hbm>>, %arg3: memref<32x80x128xf32, #tpu.memory_space<hbm>>, %arg4: memref<2x10240xf32, #tpu.memory_space<hbm>>, %arg5: memref<10240x64xbf16, #tpu.memory_space<hbm>>, %arg6: memref<10240x64xbf16, #tpu.memory_space<hbm>>, %arg7: memref<32x80x128xf32, #tpu.memory_space<hbm>>, %arg8: memref<2x2x10240x64xf32, #tpu.memory_space<hbm>>, %arg9: memref<80x128xi32, #tpu.memory_space<vmem>>, %arg10: memref<80x128xi32, #tpu.memory_space<vmem>>, %arg11: memref<80x128xf32, #tpu.memory_space<vmem>>, %arg12: memref<10240xf32, #tpu.memory_space<vmem>>, %arg13: memref<10240xf32, #tpu.memory_space<vmem>>, %arg14: memref<128x64xbf16, #tpu.memory_space<vmem>>, %arg15: memref<128x64xbf16, #tpu.memory_space<vmem>>, %arg16: memref<128x64xf32, #tpu.memory_space<vmem>>, %arg17: memref<128x64xf32, #tpu.memory_space<vmem>>, %arg18: memref<10240x64xf32, #tpu.memory_space<vmem_shared>>, %arg19: memref<!tpu.dma_semaphore, #tpu.memory_space<semaphore_mem>>, %arg20: memref<!tpu.dma_semaphore, #tpu.memory_space<semaphore_mem>>, %arg21: memref<!tpu.dma_semaphore, #tpu.memory_space<semaphore_mem>>, %arg22: memref<!tpu.dma_semaphore, #tpu.memory_space<semaphore_mem>>) attributes {dimension_semantics = [#tpu.dimension_semantics<core_parallel>, #tpu.dimension_semantics<subcore_parallel>], iteration_bounds = array<i64: 2, 16>, scalar_prefetch = 0 : i64, scratch_operands = 14 : i64, tpu.core_type = #tpu.core_type<sc_vector_subcore>, window_params = [{transform_indices = #map}, {transform_indices = #map1}, {transform_indices = #map2}, {transform_indices = #map2}, {transform_indices = #map2}, {transform_indices = #map1}, {transform_indices = #map}]} {
    %mul3A = arith.constant 2 : i32
    %mul3A_0 = arith.muli %arg1, %mul3A : i32
    %add3A = arith.addi %mul3A_0, %arg0 : i32
    %eq3A = arith.constant 31 : i32
    %eq3A_1 = arith.cmpi eq, %add3A, %eq3A : i32
    %jit3A = arith.constant 20 : i32
    %jit3A_2 = arith.constant 80 : i32
    %select_n3A = arith.select %eq3A_1, %jit3A, %jit3A_2 : i32
    %dma_start3A = arith.constant 0 : i32
    %dma_start3A_3 = arith.constant 0 : i32
    %dma_start3A_4 = arith.constant 0 : i32
    %dma_start3A_5 = tpu.memref_slice %arg2[%dma_start3A, %add3A, %dma_start3A_3, %dma_start3A_4] : memref<2x32x80x128xi32, #tpu.memory_space<hbm>> -> memref<1x1x80x128xi32, #tpu.memory_space<hbm>>
    %dma_start3A_6 = tpu.memref_squeeze %dma_start3A_5 : memref<1x1x80x128xi32, #tpu.memory_space<hbm>> -> memref<80x128xi32, #tpu.memory_space<hbm>>
    %dma_start3A_7 = arith.constant 0 : i32
    %dma_start3A_8 = arith.constant 0 : i32
    %dma_start3A_9 = tpu.memref_slice %arg2[%dma_start3A, %add3A, %dma_start3A_7, %dma_start3A_8] : memref<2x32x80x128xi32, #tpu.memory_space<hbm>> -> memref<1x1x80x128xi32, #tpu.memory_space<hbm>>
    %dma_start3A_10 = tpu.memref_squeeze %dma_start3A_9 : memref<1x1x80x128xi32, #tpu.memory_space<hbm>> -> memref<80x128xi32, #tpu.memory_space<hbm>>
    tpu.enqueue_dma source(%dma_start3A_10 : memref<80x128xi32, #tpu.memory_space<hbm>>) target(%arg9 : memref<80x128xi32, #tpu.memory_space<vmem>>) target_semaphore(%arg19 : memref<!tpu.dma_semaphore, #tpu.memory_space<semaphore_mem>>)
    %dma_start3A_11 = arith.constant 1 : i32
    %dma_start3A_12 = arith.constant 0 : i32
    %dma_start3A_13 = arith.constant 0 : i32
    %dma_start3A_14 = tpu.memref_slice %arg2[%dma_start3A_11, %add3A, %dma_start3A_12, %dma_start3A_13] : memref<2x32x80x128xi32, #tpu.memory_space<hbm>> -> memref<1x1x80x128xi32, #tpu.memory_space<hbm>>
    %dma_start3A_15 = tpu.memref_squeeze %dma_start3A_14 : memref<1x1x80x128xi32, #tpu.memory_space<hbm>> -> memref<80x128xi32, #tpu.memory_space<hbm>>
    %dma_start3A_16 = arith.constant 0 : i32
    %dma_start3A_17 = arith.constant 0 : i32
    %dma_start3A_18 = tpu.memref_slice %arg2[%dma_start3A_11, %add3A, %dma_start3A_16, %dma_start3A_17] : memref<2x32x80x128xi32, #tpu.memory_space<hbm>> -> memref<1x1x80x128xi32, #tpu.memory_space<hbm>>
    %dma_start3A_19 = tpu.memref_squeeze %dma_start3A_18 : memref<1x1x80x128xi32, #tpu.memory_space<hbm>> -> memref<80x128xi32, #tpu.memory_space<hbm>>
    tpu.enqueue_dma source(%dma_start3A_19 : memref<80x128xi32, #tpu.memory_space<hbm>>) target(%arg10 : memref<80x128xi32, #tpu.memory_space<vmem>>) target_semaphore(%arg19 : memref<!tpu.dma_semaphore, #tpu.memory_space<semaphore_mem>>)
    %dma_start3A_20 = arith.constant 0 : i32
    %dma_start3A_21 = arith.constant 0 : i32
    %dma_start3A_22 = tpu.memref_slice %arg3[%add3A, %dma_start3A_20, %dma_start3A_21] : memref<32x80x128xf32, #tpu.memory_space<hbm>> -> memref<1x80x128xf32, #tpu.memory_space<hbm>>
    %dma_start3A_23 = tpu.memref_squeeze %dma_start3A_22 : memref<1x80x128xf32, #tpu.memory_space<hbm>> -> memref<80x128xf32, #tpu.memory_space<hbm>>
    %dma_start3A_24 = arith.constant 0 : i32
    %dma_start3A_25 = arith.constant 0 : i32
    %dma_start3A_26 = tpu.memref_slice %arg3[%add3A, %dma_start3A_24, %dma_start3A_25] : memref<32x80x128xf32, #tpu.memory_space<hbm>> -> memref<1x80x128xf32, #tpu.memory_space<hbm>>
    %dma_start3A_27 = tpu.memref_squeeze %dma_start3A_26 : memref<1x80x128xf32, #tpu.memory_space<hbm>> -> memref<80x128xf32, #tpu.memory_space<hbm>>
    tpu.enqueue_dma source(%dma_start3A_27 : memref<80x128xf32, #tpu.memory_space<hbm>>) target(%arg11 : memref<80x128xf32, #tpu.memory_space<vmem>>) target_semaphore(%arg19 : memref<!tpu.dma_semaphore, #tpu.memory_space<semaphore_mem>>)
    %dma_start3A_28 = arith.constant 0 : i32
    %dma_start3A_29 = arith.constant 0 : i32
    %dma_start3A_30 = tpu.memref_slice %arg4[%dma_start3A_28, %dma_start3A_29] : memref<2x10240xf32, #tpu.memory_space<hbm>> -> memref<1x10240xf32, #tpu.memory_space<hbm>>
    %dma_start3A_31 = tpu.memref_squeeze %dma_start3A_30 : memref<1x10240xf32, #tpu.memory_space<hbm>> -> memref<10240xf32, #tpu.memory_space<hbm>>
    %dma_start3A_32 = arith.constant 0 : i32
    %dma_start3A_33 = tpu.memref_slice %arg4[%dma_start3A_28, %dma_start3A_32] : memref<2x10240xf32, #tpu.memory_space<hbm>> -> memref<1x10240xf32, #tpu.memory_space<hbm>>
    %dma_start3A_34 = tpu.memref_squeeze %dma_start3A_33 : memref<1x10240xf32, #tpu.memory_space<hbm>> -> memref<10240xf32, #tpu.memory_space<hbm>>
    tpu.enqueue_dma source(%dma_start3A_34 : memref<10240xf32, #tpu.memory_space<hbm>>) target(%arg12 : memref<10240xf32, #tpu.memory_space<vmem>>) target_semaphore(%arg19 : memref<!tpu.dma_semaphore, #tpu.memory_space<semaphore_mem>>)
    %dma_start3A_35 = arith.constant 1 : i32
    %dma_start3A_36 = arith.constant 0 : i32
    %dma_start3A_37 = tpu.memref_slice %arg4[%dma_start3A_35, %dma_start3A_36] : memref<2x10240xf32, #tpu.memory_space<hbm>> -> memref<1x10240xf32, #tpu.memory_space<hbm>>
    %dma_start3A_38 = tpu.memref_squeeze %dma_start3A_37 : memref<1x10240xf32, #tpu.memory_space<hbm>> -> memref<10240xf32, #tpu.memory_space<hbm>>
    %dma_start3A_39 = arith.constant 0 : i32
    %dma_start3A_40 = tpu.memref_slice %arg4[%dma_start3A_35, %dma_start3A_39] : memref<2x10240xf32, #tpu.memory_space<hbm>> -> memref<1x10240xf32, #tpu.memory_space<hbm>>
    %dma_start3A_41 = tpu.memref_squeeze %dma_start3A_40 : memref<1x10240xf32, #tpu.memory_space<hbm>> -> memref<10240xf32, #tpu.memory_space<hbm>>
    tpu.enqueue_dma source(%dma_start3A_41 : memref<10240xf32, #tpu.memory_space<hbm>>) target(%arg13 : memref<10240xf32, #tpu.memory_space<vmem>>) target_semaphore(%arg19 : memref<!tpu.dma_semaphore, #tpu.memory_space<semaphore_mem>>)
    %dma_wait3A = arith.constant 0 : i32
    %dma_wait3A_42 = arith.constant 0 : i32
    %dma_wait3A_43 = arith.constant 0 : i32
    %dma_wait3A_44 = tpu.memref_slice %arg2[%dma_wait3A, %add3A, %dma_wait3A_42, %dma_wait3A_43] : memref<2x32x80x128xi32, #tpu.memory_space<hbm>> -> memref<1x1x80x128xi32, #tpu.memory_space<hbm>>
    %dma_wait3A_45 = tpu.memref_squeeze %dma_wait3A_44 : memref<1x1x80x128xi32, #tpu.memory_space<hbm>> -> memref<80x128xi32, #tpu.memory_space<hbm>>
    %dma_wait3A_46 = arith.constant 0 : i32
    %dma_wait3A_47 = arith.constant 0 : i32
    %dma_wait3A_48 = tpu.memref_slice %arg2[%dma_wait3A, %add3A, %dma_wait3A_46, %dma_wait3A_47] : memref<2x32x80x128xi32, #tpu.memory_space<hbm>> -> memref<1x1x80x128xi32, #tpu.memory_space<hbm>>
    %dma_wait3A_49 = tpu.memref_squeeze %dma_wait3A_48 : memref<1x1x80x128xi32, #tpu.memory_space<hbm>> -> memref<80x128xi32, #tpu.memory_space<hbm>>
    tpu.wait_dma2 semaphore(%arg19 : memref<!tpu.dma_semaphore, #tpu.memory_space<semaphore_mem>>) src(%dma_wait3A_49 : memref<80x128xi32, #tpu.memory_space<hbm>>) dst(%arg9 : memref<80x128xi32, #tpu.memory_space<vmem>>)
    %dma_wait3A_50 = arith.constant 1 : i32
    %dma_wait3A_51 = arith.constant 0 : i32
    %dma_wait3A_52 = arith.constant 0 : i32
    %dma_wait3A_53 = tpu.memref_slice %arg2[%dma_wait3A_50, %add3A, %dma_wait3A_51, %dma_wait3A_52] : memref<2x32x80x128xi32, #tpu.memory_space<hbm>> -> memref<1x1x80x128xi32, #tpu.memory_space<hbm>>
    %dma_wait3A_54 = tpu.memref_squeeze %dma_wait3A_53 : memref<1x1x80x128xi32, #tpu.memory_space<hbm>> -> memref<80x128xi32, #tpu.memory_space<hbm>>
    %dma_wait3A_55 = arith.constant 0 : i32
    %dma_wait3A_56 = arith.constant 0 : i32
    %dma_wait3A_57 = tpu.memref_slice %arg2[%dma_wait3A_50, %add3A, %dma_wait3A_55, %dma_wait3A_56] : memref<2x32x80x128xi32, #tpu.memory_space<hbm>> -> memref<1x1x80x128xi32, #tpu.memory_space<hbm>>
    %dma_wait3A_58 = tpu.memref_squeeze %dma_wait3A_57 : memref<1x1x80x128xi32, #tpu.memory_space<hbm>> -> memref<80x128xi32, #tpu.memory_space<hbm>>
    tpu.wait_dma2 semaphore(%arg19 : memref<!tpu.dma_semaphore, #tpu.memory_space<semaphore_mem>>) src(%dma_wait3A_58 : memref<80x128xi32, #tpu.memory_space<hbm>>) dst(%arg10 : memref<80x128xi32, #tpu.memory_space<vmem>>)
    %dma_wait3A_59 = arith.constant 0 : i32
    %dma_wait3A_60 = arith.constant 0 : i32
    %dma_wait3A_61 = tpu.memref_slice %arg3[%add3A, %dma_wait3A_59, %dma_wait3A_60] : memref<32x80x128xf32, #tpu.memory_space<hbm>> -> memref<1x80x128xf32, #tpu.memory_space<hbm>>
    %dma_wait3A_62 = tpu.memref_squeeze %dma_wait3A_61 : memref<1x80x128xf32, #tpu.memory_space<hbm>> -> memref<80x128xf32, #tpu.memory_space<hbm>>
    %dma_wait3A_63 = arith.constant 0 : i32
    %dma_wait3A_64 = arith.constant 0 : i32
    %dma_wait3A_65 = tpu.memref_slice %arg3[%add3A, %dma_wait3A_63, %dma_wait3A_64] : memref<32x80x128xf32, #tpu.memory_space<hbm>> -> memref<1x80x128xf32, #tpu.memory_space<hbm>>
    %dma_wait3A_66 = tpu.memref_squeeze %dma_wait3A_65 : memref<1x80x128xf32, #tpu.memory_space<hbm>> -> memref<80x128xf32, #tpu.memory_space<hbm>>
    tpu.wait_dma2 semaphore(%arg19 : memref<!tpu.dma_semaphore, #tpu.memory_space<semaphore_mem>>) src(%dma_wait3A_66 : memref<80x128xf32, #tpu.memory_space<hbm>>) dst(%arg11 : memref<80x128xf32, #tpu.memory_space<vmem>>)
    %dma_wait3A_67 = arith.constant 0 : i32
    %dma_wait3A_68 = arith.constant 0 : i32
    %dma_wait3A_69 = tpu.memref_slice %arg4[%dma_wait3A_67, %dma_wait3A_68] : memref<2x10240xf32, #tpu.memory_space<hbm>> -> memref<1x10240xf32, #tpu.memory_space<hbm>>
    %dma_wait3A_70 = tpu.memref_squeeze %dma_wait3A_69 : memref<1x10240xf32, #tpu.memory_space<hbm>> -> memref<10240xf32, #tpu.memory_space<hbm>>
    %dma_wait3A_71 = arith.constant 0 : i32
    %dma_wait3A_72 = tpu.memref_slice %arg4[%dma_wait3A_67, %dma_wait3A_71] : memref<2x10240xf32, #tpu.memory_space<hbm>> -> memref<1x10240xf32, #tpu.memory_space<hbm>>
    %dma_wait3A_73 = tpu.memref_squeeze %dma_wait3A_72 : memref<1x10240xf32, #tpu.memory_space<hbm>> -> memref<10240xf32, #tpu.memory_space<hbm>>
    tpu.wait_dma2 semaphore(%arg19 : memref<!tpu.dma_semaphore, #tpu.memory_space<semaphore_mem>>) src(%dma_wait3A_73 : memref<10240xf32, #tpu.memory_space<hbm>>) dst(%arg12 : memref<10240xf32, #tpu.memory_space<vmem>>)
    %dma_wait3A_74 = arith.constant 1 : i32
    %dma_wait3A_75 = arith.constant 0 : i32
    %dma_wait3A_76 = tpu.memref_slice %arg4[%dma_wait3A_74, %dma_wait3A_75] : memref<2x10240xf32, #tpu.memory_space<hbm>> -> memref<1x10240xf32, #tpu.memory_space<hbm>>
    %dma_wait3A_77 = tpu.memref_squeeze %dma_wait3A_76 : memref<1x10240xf32, #tpu.memory_space<hbm>> -> memref<10240xf32, #tpu.memory_space<hbm>>
    %dma_wait3A_78 = arith.constant 0 : i32
    %dma_wait3A_79 = tpu.memref_slice %arg4[%dma_wait3A_74, %dma_wait3A_78] : memref<2x10240xf32, #tpu.memory_space<hbm>> -> memref<1x10240xf32, #tpu.memory_space<hbm>>
    %dma_wait3A_80 = tpu.memref_squeeze %dma_wait3A_79 : memref<1x10240xf32, #tpu.memory_space<hbm>> -> memref<10240xf32, #tpu.memory_space<hbm>>
    tpu.wait_dma2 semaphore(%arg19 : memref<!tpu.dma_semaphore, #tpu.memory_space<semaphore_mem>>) src(%dma_wait3A_80 : memref<10240xf32, #tpu.memory_space<hbm>>) dst(%arg13 : memref<10240xf32, #tpu.memory_space<vmem>>)
    %scan3A = arith.constant 0 : i32
    %scan3A_81 = arith.constant 0 : i32
    %scan3A_82 = arith.constant 640 : i32
    %scan3A_83 = arith.addi %scan3A_81, %scan3A_82 : i32
    %scan3A_84 = arith.constant 1 : i32
    scf.for %scan3A_277 = %scan3A_81 to %scan3A_83 step %scan3A_84  : i32 {
      %mul3A_278 = arith.constant 16 : i32
      %mul3A_279 = arith.muli %scan3A_277, %mul3A_278 : i32
      %get3A = arith.index_cast %mul3A_279 : i32 to index
      %get3A_280 = tpu.vector_load %arg12[%get3A] {strides = array<i32>} : memref<10240xf32, #tpu.memory_space<vmem>>, vector<16xf32>,
      %mul3A_281 = arith.constant 16 : i32
      %mul3A_282 = arith.muli %scan3A_277, %mul3A_281 : i32
      %get3A_283 = arith.index_cast %mul3A_282 : i32 to index
      %get3A_284 = tpu.vector_load %arg13[%get3A_283] {strides = array<i32>} : memref<10240xf32, #tpu.memory_space<vmem>>, vector<16xf32>,
      %add3A_285 = arith.addf %get3A_280, %get3A_284 : vector<16xf32>
      %mul3A_286 = arith.constant 16 : i32
      %mul3A_287 = arith.muli %scan3A_277, %mul3A_286 : i32
      %swap3A = arith.index_cast %mul3A_287 : i32 to index
      %swap3A_288 = tpu.vector_load %arg12[%swap3A] {strides = array<i32>} : memref<10240xf32, #tpu.memory_space<vmem>>, vector<16xf32>,
      tpu.vector_store %arg12[%swap3A], %add3A_285 {strides = array<i32>} : memref<10240xf32, #tpu.memory_space<vmem>>, vector<16xf32>,
    }
    %scan3A_85 = arith.constant 640 : i32
    %while3A = arith.constant 0 : i32
    %while3A_86 = arith.constant 0 : i32
    %while3A_87 = arith.subi %select_n3A, %while3A_86 : i32
    %while3A_88 = arith.addi %while3A_86, %while3A_87 : i32
    %while3A_89 = arith.constant 1 : i32
    %while3A_90 = arith.divsi %while3A_87, %while3A_89 : i32
    %while3A_91 = arith.muli %while3A_90, %while3A_89 : i32
    %while3A_92 = arith.addi %while3A_86, %while3A_91 : i32
    %while3A_93 = arith.constant 1 : i32
    scf.for %while3A_277 = %while3A_86 to %while3A_92 step %while3A_93  : i32 {
      %get3A = arith.index_cast %while3A_277 : i32 to index
      %get3A_278 = arith.constant 0 : index
      %get3A_279 = tpu.vector_load %arg9[%get3A, %get3A_278] {strides = array<i32>} : memref<80x128xi32, #tpu.memory_space<vmem>>, vector<16xi32>,
      %get3A_280 = arith.index_cast %while3A_277 : i32 to index
      %get3A_281 = arith.constant 0 : index
      %get3A_282 = tpu.vector_load %arg11[%get3A_280, %get3A_281] {strides = array<i32>} : memref<80x128xf32, #tpu.memory_space<vmem>>, vector<16xf32>,
      %gather3A = tpu.vector_load_idx %arg12[%get3A_279] : memref<10240xf32, #tpu.memory_space<vmem>>[vector<16xi32>], vector<16xf32>,
      %div3A_283 = arith.divf %get3A_282, %gather3A : vector<16xf32>
      %swap3A = arith.index_cast %while3A_277 : i32 to index
      %swap3A_284 = arith.constant 0 : index
      %swap3A_285 = tpu.vector_load %arg11[%swap3A, %swap3A_284] {strides = array<i32>} : memref<80x128xf32, #tpu.memory_space<vmem>>, vector<16xf32>,
      tpu.vector_store %arg11[%swap3A, %swap3A_284], %div3A_283 {strides = array<i32>} : memref<80x128xf32, #tpu.memory_space<vmem>>, vector<16xf32>,
      %get3A_286 = arith.index_cast %while3A_277 : i32 to index
      %get3A_287 = arith.constant 16 : index
      %get3A_288 = tpu.vector_load %arg9[%get3A_286, %get3A_287] {strides = array<i32>} : memref<80x128xi32, #tpu.memory_space<vmem>>, vector<16xi32>,
      %get3A_289 = arith.index_cast %while3A_277 : i32 to index
      %get3A_290 = arith.constant 16 : index
      %get3A_291 = tpu.vector_load %arg11[%get3A_289, %get3A_290] {strides = array<i32>} : memref<80x128xf32, #tpu.memory_space<vmem>>, vector<16xf32>,
      %gather3A_292 = tpu.vector_load_idx %arg12[%get3A_288] : memref<10240xf32, #tpu.memory_space<vmem>>[vector<16xi32>], vector<16xf32>,
      %div3A_293 = arith.divf %get3A_291, %gather3A_292 : vector<16xf32>
      %swap3A_294 = arith.index_cast %while3A_277 : i32 to index
      %swap3A_295 = arith.constant 16 : index
      %swap3A_296 = tpu.vector_load %arg11[%swap3A_294, %swap3A_295] {strides = array<i32>} : memref<80x128xf32, #tpu.memory_space<vmem>>, vector<16xf32>,
      tpu.vector_store %arg11[%swap3A_294, %swap3A_295], %div3A_293 {strides = array<i32>} : memref<80x128xf32, #tpu.memory_space<vmem>>, vector<16xf32>,
      %get3A_297 = arith.index_cast %while3A_277 : i32 to index
      %get3A_298 = arith.constant 32 : index
      %get3A_299 = tpu.vector_load %arg9[%get3A_297, %get3A_298] {strides = array<i32>} : memref<80x128xi32, #tpu.memory_space<vmem>>, vector<16xi32>,
      %get3A_300 = arith.index_cast %while3A_277 : i32 to index
      %get3A_301 = arith.constant 32 : index
      %get3A_302 = tpu.vector_load %arg11[%get3A_300, %get3A_301] {strides = array<i32>} : memref<80x128xf32, #tpu.memory_space<vmem>>, vector<16xf32>,
      %gather3A_303 = tpu.vector_load_idx %arg12[%get3A_299] : memref<10240xf32, #tpu.memory_space<vmem>>[vector<16xi32>], vector<16xf32>,
      %div3A_304 = arith.divf %get3A_302, %gather3A_303 : vector<16xf32>
      %swap3A_305 = arith.index_cast %while3A_277 : i32 to index
      %swap3A_306 = arith.constant 32 : index
      %swap3A_307 = tpu.vector_load %arg11[%swap3A_305, %swap3A_306] {strides = array<i32>} : memref<80x128xf32, #tpu.memory_space<vmem>>, vector<16xf32>,
      tpu.vector_store %arg11[%swap3A_305, %swap3A_306], %div3A_304 {strides = array<i32>} : memref<80x128xf32, #tpu.memory_space<vmem>>, vector<16xf32>,
      %get3A_308 = arith.index_cast %while3A_277 : i32 to index
      %get3A_309 = arith.constant 48 : index
      %get3A_310 = tpu.vector_load %arg9[%get3A_308, %get3A_309] {strides = array<i32>} : memref<80x128xi32, #tpu.memory_space<vmem>>, vector<16xi32>,
      %get3A_311 = arith.index_cast %while3A_277 : i32 to index
      %get3A_312 = arith.constant 48 : index
      %get3A_313 = tpu.vector_load %arg11[%get3A_311, %get3A_312] {strides = array<i32>} : memref<80x128xf32, #tpu.memory_space<vmem>>, vector<16xf32>,
      %gather3A_314 = tpu.vector_load_idx %arg12[%get3A_310] : memref<10240xf32, #tpu.memory_space<vmem>>[vector<16xi32>], vector<16xf32>,
      %div3A_315 = arith.divf %get3A_313, %gather3A_314 : vector<16xf32>
      %swap3A_316 = arith.index_cast %while3A_277 : i32 to index
      %swap3A_317 = arith.constant 48 : index
      %swap3A_318 = tpu.vector_load %arg11[%swap3A_316, %swap3A_317] {strides = array<i32>} : memref<80x128xf32, #tpu.memory_space<vmem>>, vector<16xf32>,
      tpu.vector_store %arg11[%swap3A_316, %swap3A_317], %div3A_315 {strides = array<i32>} : memref<80x128xf32, #tpu.memory_space<vmem>>, vector<16xf32>,
      %get3A_319 = arith.index_cast %while3A_277 : i32 to index
      %get3A_320 = arith.constant 64 : index
      %get3A_321 = tpu.vector_load %arg9[%get3A_319, %get3A_320] {strides = array<i32>} : memref<80x128xi32, #tpu.memory_space<vmem>>, vector<16xi32>,
      %get3A_322 = arith.index_cast %while3A_277 : i32 to index
      %get3A_323 = arith.constant 64 : index
      %get3A_324 = tpu.vector_load %arg11[%get3A_322, %get3A_323] {strides = array<i32>} : memref<80x128xf32, #tpu.memory_space<vmem>>, vector<16xf32>,
      %gather3A_325 = tpu.vector_load_idx %arg12[%get3A_321] : memref<10240xf32, #tpu.memory_space<vmem>>[vector<16xi32>], vector<16xf32>,
      %div3A_326 = arith.divf %get3A_324, %gather3A_325 : vector<16xf32>
      %swap3A_327 = arith.index_cast %while3A_277 : i32 to index
      %swap3A_328 = arith.constant 64 : index
      %swap3A_329 = tpu.vector_load %arg11[%swap3A_327, %swap3A_328] {strides = array<i32>} : memref<80x128xf32, #tpu.memory_space<vmem>>, vector<16xf32>,
      tpu.vector_store %arg11[%swap3A_327, %swap3A_328], %div3A_326 {strides = array<i32>} : memref<80x128xf32, #tpu.memory_space<vmem>>, vector<16xf32>,
      %get3A_330 = arith.index_cast %while3A_277 : i32 to index
      %get3A_331 = arith.constant 80 : index
      %get3A_332 = tpu.vector_load %arg9[%get3A_330, %get3A_331] {strides = array<i32>} : memref<80x128xi32, #tpu.memory_space<vmem>>, vector<16xi32>,
      %get3A_333 = arith.index_cast %while3A_277 : i32 to index
      %get3A_334 = arith.constant 80 : index
      %get3A_335 = tpu.vector_load %arg11[%get3A_333, %get3A_334] {strides = array<i32>} : memref<80x128xf32, #tpu.memory_space<vmem>>, vector<16xf32>,
      %gather3A_336 = tpu.vector_load_idx %arg12[%get3A_332] : memref<10240xf32, #tpu.memory_space<vmem>>[vector<16xi32>], vector<16xf32>,
      %div3A_337 = arith.divf %get3A_335, %gather3A_336 : vector<16xf32>
      %swap3A_338 = arith.index_cast %while3A_277 : i32 to index
      %swap3A_339 = arith.constant 80 : index
      %swap3A_340 = tpu.vector_load %arg11[%swap3A_338, %swap3A_339] {strides = array<i32>} : memref<80x128xf32, #tpu.memory_space<vmem>>, vector<16xf32>,
      tpu.vector_store %arg11[%swap3A_338, %swap3A_339], %div3A_337 {strides = array<i32>} : memref<80x128xf32, #tpu.memory_space<vmem>>, vector<16xf32>,
      %get3A_341 = arith.index_cast %while3A_277 : i32 to index
      %get3A_342 = arith.constant 96 : index
      %get3A_343 = tpu.vector_load %arg9[%get3A_341, %get3A_342] {strides = array<i32>} : memref<80x128xi32, #tpu.memory_space<vmem>>, vector<16xi32>,
      %get3A_344 = arith.index_cast %while3A_277 : i32 to index
      %get3A_345 = arith.constant 96 : index
      %get3A_346 = tpu.vector_load %arg11[%get3A_344, %get3A_345] {strides = array<i32>} : memref<80x128xf32, #tpu.memory_space<vmem>>, vector<16xf32>,
      %gather3A_347 = tpu.vector_load_idx %arg12[%get3A_343] : memref<10240xf32, #tpu.memory_space<vmem>>[vector<16xi32>], vector<16xf32>,
      %div3A_348 = arith.divf %get3A_346, %gather3A_347 : vector<16xf32>
      %swap3A_349 = arith.index_cast %while3A_277 : i32 to index
      %swap3A_350 = arith.constant 96 : index
      %swap3A_351 = tpu.vector_load %arg11[%swap3A_349, %swap3A_350] {strides = array<i32>} : memref<80x128xf32, #tpu.memory_space<vmem>>, vector<16xf32>,
      tpu.vector_store %arg11[%swap3A_349, %swap3A_350], %div3A_348 {strides = array<i32>} : memref<80x128xf32, #tpu.memory_space<vmem>>, vector<16xf32>,
      %get3A_352 = arith.index_cast %while3A_277 : i32 to index
      %get3A_353 = arith.constant 112 : index
      %get3A_354 = tpu.vector_load %arg9[%get3A_352, %get3A_353] {strides = array<i32>} : memref<80x128xi32, #tpu.memory_space<vmem>>, vector<16xi32>,
      %get3A_355 = arith.index_cast %while3A_277 : i32 to index
      %get3A_356 = arith.constant 112 : index
      %get3A_357 = tpu.vector_load %arg11[%get3A_355, %get3A_356] {strides = array<i32>} : memref<80x128xf32, #tpu.memory_space<vmem>>, vector<16xf32>,
      %gather3A_358 = tpu.vector_load_idx %arg12[%get3A_354] : memref<10240xf32, #tpu.memory_space<vmem>>[vector<16xi32>], vector<16xf32>,
      %div3A_359 = arith.divf %get3A_357, %gather3A_358 : vector<16xf32>
      %swap3A_360 = arith.index_cast %while3A_277 : i32 to index
      %swap3A_361 = arith.constant 112 : index
      %swap3A_362 = tpu.vector_load %arg11[%swap3A_360, %swap3A_361] {strides = array<i32>} : memref<80x128xf32, #tpu.memory_space<vmem>>, vector<16xf32>,
      tpu.vector_store %arg11[%swap3A_360, %swap3A_361], %div3A_359 {strides = array<i32>} : memref<80x128xf32, #tpu.memory_space<vmem>>, vector<16xf32>,
    }
    %while3A_94 = arith.constant 1 : i32
    scf.for %while3A_277 = %while3A_92 to %while3A_88 step %while3A_94  : i32 {
      %get3A = arith.index_cast %while3A_277 : i32 to index
      %get3A_278 = arith.constant 0 : index
      %get3A_279 = tpu.vector_load %arg9[%get3A, %get3A_278] {strides = array<i32>} : memref<80x128xi32, #tpu.memory_space<vmem>>, vector<16xi32>,
      %get3A_280 = arith.index_cast %while3A_277 : i32 to index
      %get3A_281 = arith.constant 0 : index
      %get3A_282 = tpu.vector_load %arg11[%get3A_280, %get3A_281] {strides = array<i32>} : memref<80x128xf32, #tpu.memory_space<vmem>>, vector<16xf32>,
      %gather3A = tpu.vector_load_idx %arg12[%get3A_279] : memref<10240xf32, #tpu.memory_space<vmem>>[vector<16xi32>], vector<16xf32>,
      %div3A_283 = arith.divf %get3A_282, %gather3A : vector<16xf32>
      %swap3A = arith.index_cast %while3A_277 : i32 to index
      %swap3A_284 = arith.constant 0 : index
      %swap3A_285 = tpu.vector_load %arg11[%swap3A, %swap3A_284] {strides = array<i32>} : memref<80x128xf32, #tpu.memory_space<vmem>>, vector<16xf32>,
      tpu.vector_store %arg11[%swap3A, %swap3A_284], %div3A_283 {strides = array<i32>} : memref<80x128xf32, #tpu.memory_space<vmem>>, vector<16xf32>,
      %get3A_286 = arith.index_cast %while3A_277 : i32 to index
      %get3A_287 = arith.constant 16 : index
      %get3A_288 = tpu.vector_load %arg9[%get3A_286, %get3A_287] {strides = array<i32>} : memref<80x128xi32, #tpu.memory_space<vmem>>, vector<16xi32>,
      %get3A_289 = arith.index_cast %while3A_277 : i32 to index
      %get3A_290 = arith.constant 16 : index
      %get3A_291 = tpu.vector_load %arg11[%get3A_289, %get3A_290] {strides = array<i32>} : memref<80x128xf32, #tpu.memory_space<vmem>>, vector<16xf32>,
      %gather3A_292 = tpu.vector_load_idx %arg12[%get3A_288] : memref<10240xf32, #tpu.memory_space<vmem>>[vector<16xi32>], vector<16xf32>,
      %div3A_293 = arith.divf %get3A_291, %gather3A_292 : vector<16xf32>
      %swap3A_294 = arith.index_cast %while3A_277 : i32 to index
      %swap3A_295 = arith.constant 16 : index
      %swap3A_296 = tpu.vector_load %arg11[%swap3A_294, %swap3A_295] {strides = array<i32>} : memref<80x128xf32, #tpu.memory_space<vmem>>, vector<16xf32>,
      tpu.vector_store %arg11[%swap3A_294, %swap3A_295], %div3A_293 {strides = array<i32>} : memref<80x128xf32, #tpu.memory_space<vmem>>, vector<16xf32>,
      %get3A_297 = arith.index_cast %while3A_277 : i32 to index
      %get3A_298 = arith.constant 32 : index
      %get3A_299 = tpu.vector_load %arg9[%get3A_297, %get3A_298] {strides = array<i32>} : memref<80x128xi32, #tpu.memory_space<vmem>>, vector<16xi32>,
      %get3A_300 = arith.index_cast %while3A_277 : i32 to index
      %get3A_301 = arith.constant 32 : index
      %get3A_302 = tpu.vector_load %arg11[%get3A_300, %get3A_301] {strides = array<i32>} : memref<80x128xf32, #tpu.memory_space<vmem>>, vector<16xf32>,
      %gather3A_303 = tpu.vector_load_idx %arg12[%get3A_299] : memref<10240xf32, #tpu.memory_space<vmem>>[vector<16xi32>], vector<16xf32>,
      %div3A_304 = arith.divf %get3A_302, %gather3A_303 : vector<16xf32>
      %swap3A_305 = arith.index_cast %while3A_277 : i32 to index
      %swap3A_306 = arith.constant 32 : index
      %swap3A_307 = tpu.vector_load %arg11[%swap3A_305, %swap3A_306] {strides = array<i32>} : memref<80x128xf32, #tpu.memory_space<vmem>>, vector<16xf32>,
      tpu.vector_store %arg11[%swap3A_305, %swap3A_306], %div3A_304 {strides = array<i32>} : memref<80x128xf32, #tpu.memory_space<vmem>>, vector<16xf32>,
      %get3A_308 = arith.index_cast %while3A_277 : i32 to index
      %get3A_309 = arith.constant 48 : index
      %get3A_310 = tpu.vector_load %arg9[%get3A_308, %get3A_309] {strides = array<i32>} : memref<80x128xi32, #tpu.memory_space<vmem>>, vector<16xi32>,
      %get3A_311 = arith.index_cast %while3A_277 : i32 to index
      %get3A_312 = arith.constant 48 : index
      %get3A_313 = tpu.vector_load %arg11[%get3A_311, %get3A_312] {strides = array<i32>} : memref<80x128xf32, #tpu.memory_space<vmem>>, vector<16xf32>,
      %gather3A_314 = tpu.vector_load_idx %arg12[%get3A_310] : memref<10240xf32, #tpu.memory_space<vmem>>[vector<16xi32>], vector<16xf32>,
      %div3A_315 = arith.divf %get3A_313, %gather3A_314 : vector<16xf32>
      %swap3A_316 = arith.index_cast %while3A_277 : i32 to index
      %swap3A_317 = arith.constant 48 : index
      %swap3A_318 = tpu.vector_load %arg11[%swap3A_316, %swap3A_317] {strides = array<i32>} : memref<80x128xf32, #tpu.memory_space<vmem>>, vector<16xf32>,
      tpu.vector_store %arg11[%swap3A_316, %swap3A_317], %div3A_315 {strides = array<i32>} : memref<80x128xf32, #tpu.memory_space<vmem>>, vector<16xf32>,
      %get3A_319 = arith.index_cast %while3A_277 : i32 to index
      %get3A_320 = arith.constant 64 : index
      %get3A_321 = tpu.vector_load %arg9[%get3A_319, %get3A_320] {strides = array<i32>} : memref<80x128xi32, #tpu.memory_space<vmem>>, vector<16xi32>,
      %get3A_322 = arith.index_cast %while3A_277 : i32 to index
      %get3A_323 = arith.constant 64 : index
      %get3A_324 = tpu.vector_load %arg11[%get3A_322, %get3A_323] {strides = array<i32>} : memref<80x128xf32, #tpu.memory_space<vmem>>, vector<16xf32>,
      %gather3A_325 = tpu.vector_load_idx %arg12[%get3A_321] : memref<10240xf32, #tpu.memory_space<vmem>>[vector<16xi32>], vector<16xf32>,
      %div3A_326 = arith.divf %get3A_324, %gather3A_325 : vector<16xf32>
      %swap3A_327 = arith.index_cast %while3A_277 : i32 to index
      %swap3A_328 = arith.constant 64 : index
      %swap3A_329 = tpu.vector_load %arg11[%swap3A_327, %swap3A_328] {strides = array<i32>} : memref<80x128xf32, #tpu.memory_space<vmem>>, vector<16xf32>,
      tpu.vector_store %arg11[%swap3A_327, %swap3A_328], %div3A_326 {strides = array<i32>} : memref<80x128xf32, #tpu.memory_space<vmem>>, vector<16xf32>,
      %get3A_330 = arith.index_cast %while3A_277 : i32 to index
      %get3A_331 = arith.constant 80 : index
      %get3A_332 = tpu.vector_load %arg9[%get3A_330, %get3A_331] {strides = array<i32>} : memref<80x128xi32, #tpu.memory_space<vmem>>, vector<16xi32>,
      %get3A_333 = arith.index_cast %while3A_277 : i32 to index
      %get3A_334 = arith.constant 80 : index
      %get3A_335 = tpu.vector_load %arg11[%get3A_333, %get3A_334] {strides = array<i32>} : memref<80x128xf32, #tpu.memory_space<vmem>>, vector<16xf32>,
      %gather3A_336 = tpu.vector_load_idx %arg12[%get3A_332] : memref<10240xf32, #tpu.memory_space<vmem>>[vector<16xi32>], vector<16xf32>,
      %div3A_337 = arith.divf %get3A_335, %gather3A_336 : vector<16xf32>
      %swap3A_338 = arith.index_cast %while3A_277 : i32 to index
      %swap3A_339 = arith.constant 80 : index
      %swap3A_340 = tpu.vector_load %arg11[%swap3A_338, %swap3A_339] {strides = array<i32>} : memref<80x128xf32, #tpu.memory_space<vmem>>, vector<16xf32>,
      tpu.vector_store %arg11[%swap3A_338, %swap3A_339], %div3A_337 {strides = array<i32>} : memref<80x128xf32, #tpu.memory_space<vmem>>, vector<16xf32>,
      %get3A_341 = arith.index_cast %while3A_277 : i32 to index
      %get3A_342 = arith.constant 96 : index
      %get3A_343 = tpu.vector_load %arg9[%get3A_341, %get3A_342] {strides = array<i32>} : memref<80x128xi32, #tpu.memory_space<vmem>>, vector<16xi32>,
      %get3A_344 = arith.index_cast %while3A_277 : i32 to index
      %get3A_345 = arith.constant 96 : index
      %get3A_346 = tpu.vector_load %arg11[%get3A_344, %get3A_345] {strides = array<i32>} : memref<80x128xf32, #tpu.memory_space<vmem>>, vector<16xf32>,
      %gather3A_347 = tpu.vector_load_idx %arg12[%get3A_343] : memref<10240xf32, #tpu.memory_space<vmem>>[vector<16xi32>], vector<16xf32>,
      %div3A_348 = arith.divf %get3A_346, %gather3A_347 : vector<16xf32>
      %swap3A_349 = arith.index_cast %while3A_277 : i32 to index
      %swap3A_350 = arith.constant 96 : index
      %swap3A_351 = tpu.vector_load %arg11[%swap3A_349, %swap3A_350] {strides = array<i32>} : memref<80x128xf32, #tpu.memory_space<vmem>>, vector<16xf32>,
      tpu.vector_store %arg11[%swap3A_349, %swap3A_350], %div3A_348 {strides = array<i32>} : memref<80x128xf32, #tpu.memory_space<vmem>>, vector<16xf32>,
      %get3A_352 = arith.index_cast %while3A_277 : i32 to index
      %get3A_353 = arith.constant 112 : index
      %get3A_354 = tpu.vector_load %arg9[%get3A_352, %get3A_353] {strides = array<i32>} : memref<80x128xi32, #tpu.memory_space<vmem>>, vector<16xi32>,
      %get3A_355 = arith.index_cast %while3A_277 : i32 to index
      %get3A_356 = arith.constant 112 : index
      %get3A_357 = tpu.vector_load %arg11[%get3A_355, %get3A_356] {strides = array<i32>} : memref<80x128xf32, #tpu.memory_space<vmem>>, vector<16xf32>,
      %gather3A_358 = tpu.vector_load_idx %arg12[%get3A_354] : memref<10240xf32, #tpu.memory_space<vmem>>[vector<16xi32>], vector<16xf32>,
      %div3A_359 = arith.divf %get3A_357, %gather3A_358 : vector<16xf32>
      %swap3A_360 = arith.index_cast %while3A_277 : i32 to index
      %swap3A_361 = arith.constant 112 : index
      %swap3A_362 = tpu.vector_load %arg11[%swap3A_360, %swap3A_361] {strides = array<i32>} : memref<80x128xf32, #tpu.memory_space<vmem>>, vector<16xf32>,
      tpu.vector_store %arg11[%swap3A_360, %swap3A_361], %div3A_359 {strides = array<i32>} : memref<80x128xf32, #tpu.memory_space<vmem>>, vector<16xf32>,
    }
    "tpu.region"() ({
      %run_scoped3A_277 = tpu.sem_alloc : memref<!tpu.dma_semaphore, #tpu.memory_space<semaphore_mem>>
      %dma_start3A_278 = arith.constant 0 : i32
      %dma_start3A_279 = arith.constant 0 : i32
      %dma_start3A_280 = tpu.memref_slice %arg7[%add3A, %dma_start3A_278, %dma_start3A_279] : memref<32x80x128xf32, #tpu.memory_space<hbm>> -> memref<1x80x128xf32, #tpu.memory_space<hbm>>
      %dma_start3A_281 = tpu.memref_squeeze %dma_start3A_280 : memref<1x80x128xf32, #tpu.memory_space<hbm>> -> memref<80x128xf32, #tpu.memory_space<hbm>>
      %dma_start3A_282 = arith.constant 0 : i32
      %dma_start3A_283 = arith.constant 0 : i32
      %dma_start3A_284 = tpu.memref_slice %arg7[%add3A, %dma_start3A_282, %dma_start3A_283] : memref<32x80x128xf32, #tpu.memory_space<hbm>> -> memref<1x80x128xf32, #tpu.memory_space<hbm>>
      %dma_start3A_285 = tpu.memref_squeeze %dma_start3A_284 : memref<1x80x128xf32, #tpu.memory_space<hbm>> -> memref<80x128xf32, #tpu.memory_space<hbm>>
      tpu.enqueue_dma source(%arg11 : memref<80x128xf32, #tpu.memory_space<vmem>>) target(%dma_start3A_285 : memref<80x128xf32, #tpu.memory_space<hbm>>) target_semaphore(%run_scoped3A_277 : memref<!tpu.dma_semaphore, #tpu.memory_space<semaphore_mem>>)
      %dma_wait3A_286 = arith.constant 0 : i32
      %dma_wait3A_287 = arith.constant 0 : i32
      %dma_wait3A_288 = tpu.memref_slice %arg7[%add3A, %dma_wait3A_286, %dma_wait3A_287] : memref<32x80x128xf32, #tpu.memory_space<hbm>> -> memref<1x80x128xf32, #tpu.memory_space<hbm>>
      %dma_wait3A_289 = tpu.memref_squeeze %dma_wait3A_288 : memref<1x80x128xf32, #tpu.memory_space<hbm>> -> memref<80x128xf32, #tpu.memory_space<hbm>>
      %dma_wait3A_290 = arith.constant 0 : i32
      %dma_wait3A_291 = arith.constant 0 : i32
      %dma_wait3A_292 = tpu.memref_slice %arg7[%add3A, %dma_wait3A_290, %dma_wait3A_291] : memref<32x80x128xf32, #tpu.memory_space<hbm>> -> memref<1x80x128xf32, #tpu.memory_space<hbm>>
      %dma_wait3A_293 = tpu.memref_squeeze %dma_wait3A_292 : memref<1x80x128xf32, #tpu.memory_space<hbm>> -> memref<80x128xf32, #tpu.memory_space<hbm>>
      tpu.wait_dma2 semaphore(%run_scoped3A_277 : memref<!tpu.dma_semaphore, #tpu.memory_space<semaphore_mem>>) src(%arg11 : memref<80x128xf32, #tpu.memory_space<vmem>>) dst(%dma_wait3A_293 : memref<80x128xf32, #tpu.memory_space<hbm>>)
      tpu.yield
    }) : () -> ()
    %scan3A_95 = arith.constant 0 : i32
    %scan3A_96 = arith.constant 0 : i32
    %scan3A_97 = arith.constant 128 : i32
    %scan3A_98 = arith.addi %scan3A_96, %scan3A_97 : i32
    %scan3A_99 = arith.constant 1 : i32
    scf.for %scan3A_277 = %scan3A_96 to %scan3A_98 step %scan3A_99  : i32 {
      %broadcast_in_dim3A = arith.constant 0.000000e+00 : f32
      %broadcast_in_dim3A_278 = vector.broadcast %broadcast_in_dim3A : f32 to vector<16xf32>
      %swap3A = arith.index_cast %scan3A_277 : i32 to index
      %swap3A_279 = arith.constant 0 : index
      %swap3A_280 = tpu.vector_load %arg16[%swap3A, %swap3A_279] {strides = array<i32>} : memref<128x64xf32, #tpu.memory_space<vmem>>, vector<16xf32>,
      tpu.vector_store %arg16[%swap3A, %swap3A_279], %broadcast_in_dim3A_278 {strides = array<i32>} : memref<128x64xf32, #tpu.memory_space<vmem>>, vector<16xf32>,
      %broadcast_in_dim3A_281 = arith.constant 0.000000e+00 : f32
      %broadcast_in_dim3A_282 = vector.broadcast %broadcast_in_dim3A_281 : f32 to vector<16xf32>
      %swap3A_283 = arith.index_cast %scan3A_277 : i32 to index
      %swap3A_284 = arith.constant 16 : index
      %swap3A_285 = tpu.vector_load %arg16[%swap3A_283, %swap3A_284] {strides = array<i32>} : memref<128x64xf32, #tpu.memory_space<vmem>>, vector<16xf32>,
      tpu.vector_store %arg16[%swap3A_283, %swap3A_284], %broadcast_in_dim3A_282 {strides = array<i32>} : memref<128x64xf32, #tpu.memory_space<vmem>>, vector<16xf32>,
      %broadcast_in_dim3A_286 = arith.constant 0.000000e+00 : f32
      %broadcast_in_dim3A_287 = vector.broadcast %broadcast_in_dim3A_286 : f32 to vector<16xf32>
      %swap3A_288 = arith.index_cast %scan3A_277 : i32 to index
      %swap3A_289 = arith.constant 32 : index
      %swap3A_290 = tpu.vector_load %arg16[%swap3A_288, %swap3A_289] {strides = array<i32>} : memref<128x64xf32, #tpu.memory_space<vmem>>, vector<16xf32>,
      tpu.vector_store %arg16[%swap3A_288, %swap3A_289], %broadcast_in_dim3A_287 {strides = array<i32>} : memref<128x64xf32, #tpu.memory_space<vmem>>, vector<16xf32>,
      %broadcast_in_dim3A_291 = arith.constant 0.000000e+00 : f32
      %broadcast_in_dim3A_292 = vector.broadcast %broadcast_in_dim3A_291 : f32 to vector<16xf32>
      %swap3A_293 = arith.index_cast %scan3A_277 : i32 to index
      %swap3A_294 = arith.constant 48 : index
      %swap3A_295 = tpu.vector_load %arg16[%swap3A_293, %swap3A_294] {strides = array<i32>} : memref<128x64xf32, #tpu.memory_space<vmem>>, vector<16xf32>,
      tpu.vector_store %arg16[%swap3A_293, %swap3A_294], %broadcast_in_dim3A_292 {strides = array<i32>} : memref<128x64xf32, #tpu.memory_space<vmem>>, vector<16xf32>,
    }
    %scan3A_100 = arith.constant 128 : i32
    %mul3A_101 = arith.constant 640 : i32
    %mul3A_102 = arith.muli %arg1, %mul3A_101 : i32
    %add3A_103 = arith.constant 0 : i32
    %add3A_104 = arith.addi %mul3A_102, %add3A_103 : i32
    "tpu.region"() ({
      %run_scoped3A_277 = tpu.sem_alloc : memref<!tpu.dma_semaphore, #tpu.memory_space<semaphore_mem>>
      %dma_start3A_278 = arith.constant 0 : i32
      %dma_start3A_279 = tpu.memref_slice %arg18[%add3A_104, %dma_start3A_278] : memref<10240x64xf32, #tpu.memory_space<vmem_shared>> -> memref<128x64xf32, #tpu.memory_space<vmem_shared>>
      %dma_start3A_280 = arith.constant 0 : i32
      %dma_start3A_281 = tpu.memref_slice %arg18[%add3A_104, %dma_start3A_280] : memref<10240x64xf32, #tpu.memory_space<vmem_shared>> -> memref<128x64xf32, #tpu.memory_space<vmem_shared>>
      tpu.enqueue_dma source(%arg16 : memref<128x64xf32, #tpu.memory_space<vmem>>) target(%dma_start3A_281 : memref<128x64xf32, #tpu.memory_space<vmem_shared>>) target_semaphore(%run_scoped3A_277 : memref<!tpu.dma_semaphore, #tpu.memory_space<semaphore_mem>>)
      %dma_wait3A_282 = arith.constant 0 : i32
      %dma_wait3A_283 = tpu.memref_slice %arg18[%add3A_104, %dma_wait3A_282] : memref<10240x64xf32, #tpu.memory_space<vmem_shared>> -> memref<128x64xf32, #tpu.memory_space<vmem_shared>>
      %dma_wait3A_284 = arith.constant 0 : i32
      %dma_wait3A_285 = tpu.memref_slice %arg18[%add3A_104, %dma_wait3A_284] : memref<10240x64xf32, #tpu.memory_space<vmem_shared>> -> memref<128x64xf32, #tpu.memory_space<vmem_shared>>
      tpu.wait_dma2 semaphore(%run_scoped3A_277 : memref<!tpu.dma_semaphore, #tpu.memory_space<semaphore_mem>>) src(%arg16 : memref<128x64xf32, #tpu.memory_space<vmem>>) dst(%dma_wait3A_285 : memref<128x64xf32, #tpu.memory_space<vmem_shared>>)
      tpu.yield
    }) : () -> ()
    %mul3A_105 = arith.constant 640 : i32
    %mul3A_106 = arith.muli %arg1, %mul3A_105 : i32
    %add3A_107 = arith.constant 128 : i32
    %add3A_108 = arith.addi %mul3A_106, %add3A_107 : i32
    "tpu.region"() ({
      %run_scoped3A_277 = tpu.sem_alloc : memref<!tpu.dma_semaphore, #tpu.memory_space<semaphore_mem>>
      %dma_start3A_278 = arith.constant 0 : i32
      %dma_start3A_279 = tpu.memref_slice %arg18[%add3A_108, %dma_start3A_278] : memref<10240x64xf32, #tpu.memory_space<vmem_shared>> -> memref<128x64xf32, #tpu.memory_space<vmem_shared>>
      %dma_start3A_280 = arith.constant 0 : i32
      %dma_start3A_281 = tpu.memref_slice %arg18[%add3A_108, %dma_start3A_280] : memref<10240x64xf32, #tpu.memory_space<vmem_shared>> -> memref<128x64xf32, #tpu.memory_space<vmem_shared>>
      tpu.enqueue_dma source(%arg16 : memref<128x64xf32, #tpu.memory_space<vmem>>) target(%dma_start3A_281 : memref<128x64xf32, #tpu.memory_space<vmem_shared>>) target_semaphore(%run_scoped3A_277 : memref<!tpu.dma_semaphore, #tpu.memory_space<semaphore_mem>>)
      %dma_wait3A_282 = arith.constant 0 : i32
      %dma_wait3A_283 = tpu.memref_slice %arg18[%add3A_108, %dma_wait3A_282] : memref<10240x64xf32, #tpu.memory_space<vmem_shared>> -> memref<128x64xf32, #tpu.memory_space<vmem_shared>>
      %dma_wait3A_284 = arith.constant 0 : i32
      %dma_wait3A_285 = tpu.memref_slice %arg18[%add3A_108, %dma_wait3A_284] : memref<10240x64xf32, #tpu.memory_space<vmem_shared>> -> memref<128x64xf32, #tpu.memory_space<vmem_shared>>
      tpu.wait_dma2 semaphore(%run_scoped3A_277 : memref<!tpu.dma_semaphore, #tpu.memory_space<semaphore_mem>>) src(%arg16 : memref<128x64xf32, #tpu.memory_space<vmem>>) dst(%dma_wait3A_285 : memref<128x64xf32, #tpu.memory_space<vmem_shared>>)
      tpu.yield
    }) : () -> ()
    %mul3A_109 = arith.constant 640 : i32
    %mul3A_110 = arith.muli %arg1, %mul3A_109 : i32
    %add3A_111 = arith.constant 256 : i32
    %add3A_112 = arith.addi %mul3A_110, %add3A_111 : i32
    "tpu.region"() ({
      %run_scoped3A_277 = tpu.sem_alloc : memref<!tpu.dma_semaphore, #tpu.memory_space<semaphore_mem>>
      %dma_start3A_278 = arith.constant 0 : i32
      %dma_start3A_279 = tpu.memref_slice %arg18[%add3A_112, %dma_start3A_278] : memref<10240x64xf32, #tpu.memory_space<vmem_shared>> -> memref<128x64xf32, #tpu.memory_space<vmem_shared>>
      %dma_start3A_280 = arith.constant 0 : i32
      %dma_start3A_281 = tpu.memref_slice %arg18[%add3A_112, %dma_start3A_280] : memref<10240x64xf32, #tpu.memory_space<vmem_shared>> -> memref<128x64xf32, #tpu.memory_space<vmem_shared>>
      tpu.enqueue_dma source(%arg16 : memref<128x64xf32, #tpu.memory_space<vmem>>) target(%dma_start3A_281 : memref<128x64xf32, #tpu.memory_space<vmem_shared>>) target_semaphore(%run_scoped3A_277 : memref<!tpu.dma_semaphore, #tpu.memory_space<semaphore_mem>>)
      %dma_wait3A_282 = arith.constant 0 : i32
      %dma_wait3A_283 = tpu.memref_slice %arg18[%add3A_112, %dma_wait3A_282] : memref<10240x64xf32, #tpu.memory_space<vmem_shared>> -> memref<128x64xf32, #tpu.memory_space<vmem_shared>>
      %dma_wait3A_284 = arith.constant 0 : i32
      %dma_wait3A_285 = tpu.memref_slice %arg18[%add3A_112, %dma_wait3A_284] : memref<10240x64xf32, #tpu.memory_space<vmem_shared>> -> memref<128x64xf32, #tpu.memory_space<vmem_shared>>
      tpu.wait_dma2 semaphore(%run_scoped3A_277 : memref<!tpu.dma_semaphore, #tpu.memory_space<semaphore_mem>>) src(%arg16 : memref<128x64xf32, #tpu.memory_space<vmem>>) dst(%dma_wait3A_285 : memref<128x64xf32, #tpu.memory_space<vmem_shared>>)
      tpu.yield
    }) : () -> ()
    %mul3A_113 = arith.constant 640 : i32
    %mul3A_114 = arith.muli %arg1, %mul3A_113 : i32
    %add3A_115 = arith.constant 384 : i32
    %add3A_116 = arith.addi %mul3A_114, %add3A_115 : i32
    "tpu.region"() ({
      %run_scoped3A_277 = tpu.sem_alloc : memref<!tpu.dma_semaphore, #tpu.memory_space<semaphore_mem>>
      %dma_start3A_278 = arith.constant 0 : i32
      %dma_start3A_279 = tpu.memref_slice %arg18[%add3A_116, %dma_start3A_278] : memref<10240x64xf32, #tpu.memory_space<vmem_shared>> -> memref<128x64xf32, #tpu.memory_space<vmem_shared>>
      %dma_start3A_280 = arith.constant 0 : i32
      %dma_start3A_281 = tpu.memref_slice %arg18[%add3A_116, %dma_start3A_280] : memref<10240x64xf32, #tpu.memory_space<vmem_shared>> -> memref<128x64xf32, #tpu.memory_space<vmem_shared>>
      tpu.enqueue_dma source(%arg16 : memref<128x64xf32, #tpu.memory_space<vmem>>) target(%dma_start3A_281 : memref<128x64xf32, #tpu.memory_space<vmem_shared>>) target_semaphore(%run_scoped3A_277 : memref<!tpu.dma_semaphore, #tpu.memory_space<semaphore_mem>>)
      %dma_wait3A_282 = arith.constant 0 : i32
      %dma_wait3A_283 = tpu.memref_slice %arg18[%add3A_116, %dma_wait3A_282] : memref<10240x64xf32, #tpu.memory_space<vmem_shared>> -> memref<128x64xf32, #tpu.memory_space<vmem_shared>>
      %dma_wait3A_284 = arith.constant 0 : i32
      %dma_wait3A_285 = tpu.memref_slice %arg18[%add3A_116, %dma_wait3A_284] : memref<10240x64xf32, #tpu.memory_space<vmem_shared>> -> memref<128x64xf32, #tpu.memory_space<vmem_shared>>
      tpu.wait_dma2 semaphore(%run_scoped3A_277 : memref<!tpu.dma_semaphore, #tpu.memory_space<semaphore_mem>>) src(%arg16 : memref<128x64xf32, #tpu.memory_space<vmem>>) dst(%dma_wait3A_285 : memref<128x64xf32, #tpu.memory_space<vmem_shared>>)
      tpu.yield
    }) : () -> ()
    %mul3A_117 = arith.constant 640 : i32
    %mul3A_118 = arith.muli %arg1, %mul3A_117 : i32
    %add3A_119 = arith.constant 512 : i32
    %add3A_120 = arith.addi %mul3A_118, %add3A_119 : i32
    "tpu.region"() ({
      %run_scoped3A_277 = tpu.sem_alloc : memref<!tpu.dma_semaphore, #tpu.memory_space<semaphore_mem>>
      %dma_start3A_278 = arith.constant 0 : i32
      %dma_start3A_279 = tpu.memref_slice %arg18[%add3A_120, %dma_start3A_278] : memref<10240x64xf32, #tpu.memory_space<vmem_shared>> -> memref<128x64xf32, #tpu.memory_space<vmem_shared>>
      %dma_start3A_280 = arith.constant 0 : i32
      %dma_start3A_281 = tpu.memref_slice %arg18[%add3A_120, %dma_start3A_280] : memref<10240x64xf32, #tpu.memory_space<vmem_shared>> -> memref<128x64xf32, #tpu.memory_space<vmem_shared>>
      tpu.enqueue_dma source(%arg16 : memref<128x64xf32, #tpu.memory_space<vmem>>) target(%dma_start3A_281 : memref<128x64xf32, #tpu.memory_space<vmem_shared>>) target_semaphore(%run_scoped3A_277 : memref<!tpu.dma_semaphore, #tpu.memory_space<semaphore_mem>>)
      %dma_wait3A_282 = arith.constant 0 : i32
      %dma_wait3A_283 = tpu.memref_slice %arg18[%add3A_120, %dma_wait3A_282] : memref<10240x64xf32, #tpu.memory_space<vmem_shared>> -> memref<128x64xf32, #tpu.memory_space<vmem_shared>>
      %dma_wait3A_284 = arith.constant 0 : i32
      %dma_wait3A_285 = tpu.memref_slice %arg18[%add3A_120, %dma_wait3A_284] : memref<10240x64xf32, #tpu.memory_space<vmem_shared>> -> memref<128x64xf32, #tpu.memory_space<vmem_shared>>
      tpu.wait_dma2 semaphore(%run_scoped3A_277 : memref<!tpu.dma_semaphore, #tpu.memory_space<semaphore_mem>>) src(%arg16 : memref<128x64xf32, #tpu.memory_space<vmem>>) dst(%dma_wait3A_285 : memref<128x64xf32, #tpu.memory_space<vmem_shared>>)
      tpu.yield
    }) : () -> ()
    %barrier3A = arith.constant 0 : index
    tpu.barrier barrier_id(%barrier3A)
    %dma_start3A_121 = arith.constant 0 : i32
    %dma_start3A_122 = arith.constant 0 : i32
    %dma_start3A_123 = tpu.memref_slice %arg10[%dma_start3A_121, %dma_start3A_122] : memref<80x128xi32, #tpu.memory_space<vmem>> -> memref<1x128xi32, #tpu.memory_space<vmem>>
    %dma_start3A_124 = tpu.memref_squeeze %dma_start3A_123 : memref<1x128xi32, #tpu.memory_space<vmem>> -> memref<128xi32, #tpu.memory_space<vmem>>
    %dma_start3A_125 = arith.constant 0 : i32
    %dma_start3A_126 = arith.constant 0 : i32
    %dma_start3A_127 = tpu.memref_slice %arg5[%dma_start3A_125, %dma_start3A_126] : memref<10240x64xbf16, #tpu.memory_space<hbm>> -> memref<10240x64xbf16, #tpu.memory_space<hbm>>
    tpu.enqueue_indirect_dma source(%dma_start3A_127 : memref<10240x64xbf16, #tpu.memory_space<hbm>>) target(%arg14 : memref<128x64xbf16, #tpu.memory_space<vmem>>) offsets(%dma_start3A_124 : memref<128xi32, #tpu.memory_space<vmem>>) semaphore(%arg19 : memref<!tpu.dma_semaphore, #tpu.memory_space<semaphore_mem>>)
    %dma_start3A_128 = arith.constant 1 : i32
    %dma_start3A_129 = arith.constant 0 : i32
    %dma_start3A_130 = tpu.memref_slice %arg10[%dma_start3A_128, %dma_start3A_129] : memref<80x128xi32, #tpu.memory_space<vmem>> -> memref<1x128xi32, #tpu.memory_space<vmem>>
    %dma_start3A_131 = tpu.memref_squeeze %dma_start3A_130 : memref<1x128xi32, #tpu.memory_space<vmem>> -> memref<128xi32, #tpu.memory_space<vmem>>
    %dma_start3A_132 = arith.constant 0 : i32
    %dma_start3A_133 = arith.constant 0 : i32
    %dma_start3A_134 = tpu.memref_slice %arg5[%dma_start3A_132, %dma_start3A_133] : memref<10240x64xbf16, #tpu.memory_space<hbm>> -> memref<10240x64xbf16, #tpu.memory_space<hbm>>
    tpu.enqueue_indirect_dma source(%dma_start3A_134 : memref<10240x64xbf16, #tpu.memory_space<hbm>>) target(%arg15 : memref<128x64xbf16, #tpu.memory_space<vmem>>) offsets(%dma_start3A_131 : memref<128xi32, #tpu.memory_space<vmem>>) semaphore(%arg20 : memref<!tpu.dma_semaphore, #tpu.memory_space<semaphore_mem>>)
    %jit3A_135 = arith.constant 2 : i32
    %div3A = arith.divsi %select_n3A, %jit3A_135 : i32
    %sign3A = arith.constant 0 : i32
    %sign3A_136 = arith.cmpi sgt, %select_n3A, %sign3A : i32
    %sign3A_137 = arith.extui %sign3A_136 : i1 to i32
    %sign3A_138 = arith.constant 0 : i32
    %sign3A_139 = arith.cmpi slt, %select_n3A, %sign3A_138 : i32
    %sign3A_140 = arith.extui %sign3A_139 : i1 to i32
    %sign3A_141 = arith.subi %sign3A_137, %sign3A_140 : i32
    %sign3A_142 = arith.constant 0 : i32
    %sign3A_143 = arith.cmpi sgt, %jit3A_135, %sign3A_142 : i32
    %sign3A_144 = arith.extui %sign3A_143 : i1 to i32
    %sign3A_145 = arith.constant 0 : i32
    %sign3A_146 = arith.cmpi slt, %jit3A_135, %sign3A_145 : i32
    %sign3A_147 = arith.extui %sign3A_146 : i1 to i32
    %sign3A_148 = arith.subi %sign3A_144, %sign3A_147 : i32
    %ne3A = arith.cmpi ne, %sign3A_141, %sign3A_148 : i32
    %rem3A = arith.remsi %select_n3A, %jit3A_135 : i32
    %ne3A_149 = arith.constant 0 : i32
    %ne3A_150 = arith.cmpi ne, %rem3A, %ne3A_149 : i32
    %and3A = arith.andi %ne3A, %ne3A_150 : i1
    %sub3A = arith.constant 1 : i32
    %sub3A_151 = arith.subi %div3A, %sub3A : i32
    %select_n3A_152 = arith.select %and3A, %sub3A_151, %div3A : i32
    %while3A_153 = arith.constant 0 : i32
    %while3A_154 = arith.constant 0 : i32
    %while3A_155 = arith.subi %select_n3A_152, %while3A_154 : i32
    %while3A_156 = arith.addi %while3A_154, %while3A_155 : i32
    %while3A_157 = arith.constant 1 : i32
    %while3A_158 = arith.divsi %while3A_155, %while3A_157 : i32
    %while3A_159 = arith.muli %while3A_158, %while3A_157 : i32
    %while3A_160 = arith.addi %while3A_154, %while3A_159 : i32
    %while3A_161 = arith.constant 1 : i32
    scf.for %while3A_277 = %while3A_154 to %while3A_160 step %while3A_161  : i32 {
      %mul3A_278 = arith.constant 2 : i32
      %mul3A_279 = arith.muli %mul3A_278, %while3A_277 : i32
      %dma_wait3A_280 = arith.constant 0 : i32
      %dma_wait3A_281 = tpu.memref_slice %arg10[%mul3A_279, %dma_wait3A_280] : memref<80x128xi32, #tpu.memory_space<vmem>> -> memref<1x128xi32, #tpu.memory_space<vmem>>
      %dma_wait3A_282 = tpu.memref_squeeze %dma_wait3A_281 : memref<1x128xi32, #tpu.memory_space<vmem>> -> memref<128xi32, #tpu.memory_space<vmem>>
      %dma_wait3A_283 = arith.constant 0 : i32
      %dma_wait3A_284 = arith.constant 0 : i32
      %dma_wait3A_285 = tpu.memref_slice %arg5[%dma_wait3A_283, %dma_wait3A_284] : memref<10240x64xbf16, #tpu.memory_space<hbm>> -> memref<10240x64xbf16, #tpu.memory_space<hbm>>
      tpu.wait_indirect_dma semaphore(%arg19 : memref<!tpu.dma_semaphore, #tpu.memory_space<semaphore_mem>>) src(%dma_wait3A_285 : memref<10240x64xbf16, #tpu.memory_space<hbm>>) dst(%arg14 : memref<128x64xbf16, #tpu.memory_space<vmem>>)
      %gt3A = arith.constant 0 : i32
      %gt3A_286 = arith.cmpi sgt, %while3A_277, %gt3A : i32
      %convert_element_type3A = arith.extui %gt3A_286 : i1 to i32
      %cond3A = arith.constant 0 : i32
      %cond3A_287 = arith.cmpi ne, %convert_element_type3A, %cond3A : i32
      scf.if %cond3A_287 {
        %dma_wait3A_331 = arith.constant 0 : i32
        %dma_wait3A_332 = tpu.memref_slice %arg9[%mul3A_279, %dma_wait3A_331] : memref<80x128xi32, #tpu.memory_space<vmem>> -> memref<1x128xi32, #tpu.memory_space<vmem>>
        %dma_wait3A_333 = tpu.memref_squeeze %dma_wait3A_332 : memref<1x128xi32, #tpu.memory_space<vmem>> -> memref<128xi32, #tpu.memory_space<vmem>>
        %dma_wait3A_334 = arith.constant 0 : i32
        %dma_wait3A_335 = arith.constant 0 : i32
        %dma_wait3A_336 = tpu.memref_slice %arg18[%dma_wait3A_334, %dma_wait3A_335] : memref<10240x64xf32, #tpu.memory_space<vmem_shared>> -> memref<10240x64xf32, #tpu.memory_space<vmem_shared>>
        tpu.wait_indirect_dma semaphore(%arg21 : memref<!tpu.dma_semaphore, #tpu.memory_space<semaphore_mem>>) src(%arg16 : memref<128x64xf32, #tpu.memory_space<vmem>>) dst(%dma_wait3A_336 : memref<10240x64xf32, #tpu.memory_space<vmem_shared>>)
      } else {
      }
      %parallel_loop3A = arith.constant 0 : i32
      %parallel_loop3A_288 = arith.constant 128 : i32
      %parallel_loop3A_289 = arith.constant 1 : i32
      scf.for %parallel_loop3A_331 = %parallel_loop3A to %parallel_loop3A_288 step %parallel_loop3A_289  : i32 {
        %parallel_loop3A_332 = vector.broadcast %mul3A_279 : i32 to vector<16xi32>
        %parallel_loop3A_333 = vector.broadcast %parallel_loop3A_331 : i32 to vector<16xi32>
        %parallel_loop3A_334 = tpu.vector_load_idx %arg11[%parallel_loop3A_332, %parallel_loop3A_333] : memref<80x128xf32, #tpu.memory_space<vmem>>[vector<16xi32>, vector<16xi32>], vector<16xf32>,
        %parallel_loop3A_335 = arith.index_cast %parallel_loop3A_331 : i32 to index
        %parallel_loop3A_336 = arith.constant 0 : index
        %parallel_loop3A_337 = tpu.vector_load %arg14[%parallel_loop3A_335, %parallel_loop3A_336] {strides = array<i32>} : memref<128x64xbf16, #tpu.memory_space<vmem>>, vector<32xbf16>,
        %parallel_loop3A_338 = tpu.unpack_subelements %parallel_loop3A_337, 0 {pack_format = #tpu.pack_format<interleaved>} : vector<32xbf16> -> vector<16xf32>
        %parallel_loop3A_339 = tpu.unpack_subelements %parallel_loop3A_337, 1 {pack_format = #tpu.pack_format<interleaved>} : vector<32xbf16> -> vector<16xf32>
        %parallel_loop3A_340 = arith.mulf %parallel_loop3A_338, %parallel_loop3A_334 : vector<16xf32>
        %parallel_loop3A_341 = arith.index_cast %parallel_loop3A_331 : i32 to index
        %parallel_loop3A_342 = arith.constant 0 : index
        %parallel_loop3A_343 = tpu.vector_load %arg16[%parallel_loop3A_341, %parallel_loop3A_342] {strides = array<i32>} : memref<128x64xf32, #tpu.memory_space<vmem>>, vector<16xf32>,
        tpu.vector_store %arg16[%parallel_loop3A_341, %parallel_loop3A_342], %parallel_loop3A_340 {strides = array<i32>} : memref<128x64xf32, #tpu.memory_space<vmem>>, vector<16xf32>,
        %parallel_loop3A_344 = arith.mulf %parallel_loop3A_339, %parallel_loop3A_334 : vector<16xf32>
        %parallel_loop3A_345 = arith.index_cast %parallel_loop3A_331 : i32 to index
        %parallel_loop3A_346 = arith.constant 16 : index
        %parallel_loop3A_347 = tpu.vector_load %arg16[%parallel_loop3A_345, %parallel_loop3A_346] {strides = array<i32>} : memref<128x64xf32, #tpu.memory_space<vmem>>, vector<16xf32>,
        tpu.vector_store %arg16[%parallel_loop3A_345, %parallel_loop3A_346], %parallel_loop3A_344 {strides = array<i32>} : memref<128x64xf32, #tpu.memory_space<vmem>>, vector<16xf32>,
        %parallel_loop3A_348 = arith.index_cast %parallel_loop3A_331 : i32 to index
        %parallel_loop3A_349 = arith.constant 32 : index
        %parallel_loop3A_350 = tpu.vector_load %arg14[%parallel_loop3A_348, %parallel_loop3A_349] {strides = array<i32>} : memref<128x64xbf16, #tpu.memory_space<vmem>>, vector<32xbf16>,
        %parallel_loop3A_351 = tpu.unpack_subelements %parallel_loop3A_350, 0 {pack_format = #tpu.pack_format<interleaved>} : vector<32xbf16> -> vector<16xf32>
        %parallel_loop3A_352 = tpu.unpack_subelements %parallel_loop3A_350, 1 {pack_format = #tpu.pack_format<interleaved>} : vector<32xbf16> -> vector<16xf32>
        %parallel_loop3A_353 = arith.mulf %parallel_loop3A_351, %parallel_loop3A_334 : vector<16xf32>
        %parallel_loop3A_354 = arith.index_cast %parallel_loop3A_331 : i32 to index
        %parallel_loop3A_355 = arith.constant 32 : index
        %parallel_loop3A_356 = tpu.vector_load %arg16[%parallel_loop3A_354, %parallel_loop3A_355] {strides = array<i32>} : memref<128x64xf32, #tpu.memory_space<vmem>>, vector<16xf32>,
        tpu.vector_store %arg16[%parallel_loop3A_354, %parallel_loop3A_355], %parallel_loop3A_353 {strides = array<i32>} : memref<128x64xf32, #tpu.memory_space<vmem>>, vector<16xf32>,
        %parallel_loop3A_357 = arith.mulf %parallel_loop3A_352, %parallel_loop3A_334 : vector<16xf32>
        %parallel_loop3A_358 = arith.index_cast %parallel_loop3A_331 : i32 to index
        %parallel_loop3A_359 = arith.constant 48 : index
        %parallel_loop3A_360 = tpu.vector_load %arg16[%parallel_loop3A_358, %parallel_loop3A_359] {strides = array<i32>} : memref<128x64xf32, #tpu.memory_space<vmem>>, vector<16xf32>,
        tpu.vector_store %arg16[%parallel_loop3A_358, %parallel_loop3A_359], %parallel_loop3A_357 {strides = array<i32>} : memref<128x64xf32, #tpu.memory_space<vmem>>, vector<16xf32>,
      } {sc.loop_unroll_factor = 4 : i64, sc.parallel_access}
      %add3A_290 = arith.constant 2 : i32
      %add3A_291 = arith.addi %mul3A_279, %add3A_290 : i32
      %lt3A = arith.cmpi slt, %add3A_291, %select_n3A : i32
      %convert_element_type3A_292 = arith.extui %lt3A : i1 to i32
      %cond3A_293 = arith.constant 0 : i32
      %cond3A_294 = arith.cmpi ne, %convert_element_type3A_292, %cond3A_293 : i32
      scf.if %cond3A_294 {
        %add3A_331 = arith.constant 2 : i32
        %add3A_332 = arith.addi %mul3A_279, %add3A_331 : i32
        %dma_start3A_333 = arith.constant 0 : i32
        %dma_start3A_334 = tpu.memref_slice %arg10[%add3A_332, %dma_start3A_333] : memref<80x128xi32, #tpu.memory_space<vmem>> -> memref<1x128xi32, #tpu.memory_space<vmem>>
        %dma_start3A_335 = tpu.memref_squeeze %dma_start3A_334 : memref<1x128xi32, #tpu.memory_space<vmem>> -> memref<128xi32, #tpu.memory_space<vmem>>
        %dma_start3A_336 = arith.constant 0 : i32
        %dma_start3A_337 = arith.constant 0 : i32
        %dma_start3A_338 = tpu.memref_slice %arg5[%dma_start3A_336, %dma_start3A_337] : memref<10240x64xbf16, #tpu.memory_space<hbm>> -> memref<10240x64xbf16, #tpu.memory_space<hbm>>
        tpu.enqueue_indirect_dma source(%dma_start3A_338 : memref<10240x64xbf16, #tpu.memory_space<hbm>>) target(%arg14 : memref<128x64xbf16, #tpu.memory_space<vmem>>) offsets(%dma_start3A_335 : memref<128xi32, #tpu.memory_space<vmem>>) semaphore(%arg19 : memref<!tpu.dma_semaphore, #tpu.memory_space<semaphore_mem>>)
      } else {
      }
      %dma_start3A_295 = arith.constant 0 : i32
      %dma_start3A_296 = tpu.memref_slice %arg9[%mul3A_279, %dma_start3A_295] : memref<80x128xi32, #tpu.memory_space<vmem>> -> memref<1x128xi32, #tpu.memory_space<vmem>>
      %dma_start3A_297 = tpu.memref_squeeze %dma_start3A_296 : memref<1x128xi32, #tpu.memory_space<vmem>> -> memref<128xi32, #tpu.memory_space<vmem>>
      %dma_start3A_298 = arith.constant 0 : i32
      %dma_start3A_299 = arith.constant 0 : i32
      %dma_start3A_300 = tpu.memref_slice %arg18[%dma_start3A_298, %dma_start3A_299] : memref<10240x64xf32, #tpu.memory_space<vmem_shared>> -> memref<10240x64xf32, #tpu.memory_space<vmem_shared>>
      tpu.enqueue_indirect_dma source(%arg16 : memref<128x64xf32, #tpu.memory_space<vmem>>) target(%dma_start3A_300 : memref<10240x64xf32, #tpu.memory_space<vmem_shared>>) offsets(%dma_start3A_297 : memref<128xi32, #tpu.memory_space<vmem>>) semaphore(%arg21 : memref<!tpu.dma_semaphore, #tpu.memory_space<semaphore_mem>>) {add = true}
      %mul3A_301 = arith.constant 2 : i32
      %mul3A_302 = arith.muli %mul3A_301, %while3A_277 : i32
      %add3A_303 = arith.constant 1 : i32
      %add3A_304 = arith.addi %mul3A_302, %add3A_303 : i32
      %dma_wait3A_305 = arith.constant 0 : i32
      %dma_wait3A_306 = tpu.memref_slice %arg10[%add3A_304, %dma_wait3A_305] : memref<80x128xi32, #tpu.memory_space<vmem>> -> memref<1x128xi32, #tpu.memory_space<vmem>>
      %dma_wait3A_307 = tpu.memref_squeeze %dma_wait3A_306 : memref<1x128xi32, #tpu.memory_space<vmem>> -> memref<128xi32, #tpu.memory_space<vmem>>
      %dma_wait3A_308 = arith.constant 0 : i32
      %dma_wait3A_309 = arith.constant 0 : i32
      %dma_wait3A_310 = tpu.memref_slice %arg5[%dma_wait3A_308, %dma_wait3A_309] : memref<10240x64xbf16, #tpu.memory_space<hbm>> -> memref<10240x64xbf16, #tpu.memory_space<hbm>>
      tpu.wait_indirect_dma semaphore(%arg20 : memref<!tpu.dma_semaphore, #tpu.memory_space<semaphore_mem>>) src(%dma_wait3A_310 : memref<10240x64xbf16, #tpu.memory_space<hbm>>) dst(%arg15 : memref<128x64xbf16, #tpu.memory_space<vmem>>)
      %gt3A_311 = arith.constant 0 : i32
      %gt3A_312 = arith.cmpi sgt, %while3A_277, %gt3A_311 : i32
      %convert_element_type3A_313 = arith.extui %gt3A_312 : i1 to i32
      %cond3A_314 = arith.constant 0 : i32
      %cond3A_315 = arith.cmpi ne, %convert_element_type3A_313, %cond3A_314 : i32
      scf.if %cond3A_315 {
        %dma_wait3A_331 = arith.constant 0 : i32
        %dma_wait3A_332 = tpu.memref_slice %arg9[%add3A_304, %dma_wait3A_331] : memref<80x128xi32, #tpu.memory_space<vmem>> -> memref<1x128xi32, #tpu.memory_space<vmem>>
        %dma_wait3A_333 = tpu.memref_squeeze %dma_wait3A_332 : memref<1x128xi32, #tpu.memory_space<vmem>> -> memref<128xi32, #tpu.memory_space<vmem>>
        %dma_wait3A_334 = arith.constant 0 : i32
        %dma_wait3A_335 = arith.constant 0 : i32
        %dma_wait3A_336 = tpu.memref_slice %arg18[%dma_wait3A_334, %dma_wait3A_335] : memref<10240x64xf32, #tpu.memory_space<vmem_shared>> -> memref<10240x64xf32, #tpu.memory_space<vmem_shared>>
        tpu.wait_indirect_dma semaphore(%arg22 : memref<!tpu.dma_semaphore, #tpu.memory_space<semaphore_mem>>) src(%arg17 : memref<128x64xf32, #tpu.memory_space<vmem>>) dst(%dma_wait3A_336 : memref<10240x64xf32, #tpu.memory_space<vmem_shared>>)
      } else {
      }
      %parallel_loop3A_316 = arith.constant 0 : i32
      %parallel_loop3A_317 = arith.constant 128 : i32
      %parallel_loop3A_318 = arith.constant 1 : i32
      scf.for %parallel_loop3A_331 = %parallel_loop3A_316 to %parallel_loop3A_317 step %parallel_loop3A_318  : i32 {
        %parallel_loop3A_332 = vector.broadcast %add3A_304 : i32 to vector<16xi32>
        %parallel_loop3A_333 = vector.broadcast %parallel_loop3A_331 : i32 to vector<16xi32>
        %parallel_loop3A_334 = tpu.vector_load_idx %arg11[%parallel_loop3A_332, %parallel_loop3A_333] : memref<80x128xf32, #tpu.memory_space<vmem>>[vector<16xi32>, vector<16xi32>], vector<16xf32>,
        %parallel_loop3A_335 = arith.index_cast %parallel_loop3A_331 : i32 to index
        %parallel_loop3A_336 = arith.constant 0 : index
        %parallel_loop3A_337 = tpu.vector_load %arg15[%parallel_loop3A_335, %parallel_loop3A_336] {strides = array<i32>} : memref<128x64xbf16, #tpu.memory_space<vmem>>, vector<32xbf16>,
        %parallel_loop3A_338 = tpu.unpack_subelements %parallel_loop3A_337, 0 {pack_format = #tpu.pack_format<interleaved>} : vector<32xbf16> -> vector<16xf32>
        %parallel_loop3A_339 = tpu.unpack_subelements %parallel_loop3A_337, 1 {pack_format = #tpu.pack_format<interleaved>} : vector<32xbf16> -> vector<16xf32>
        %parallel_loop3A_340 = arith.mulf %parallel_loop3A_338, %parallel_loop3A_334 : vector<16xf32>
        %parallel_loop3A_341 = arith.index_cast %parallel_loop3A_331 : i32 to index
        %parallel_loop3A_342 = arith.constant 0 : index
        %parallel_loop3A_343 = tpu.vector_load %arg17[%parallel_loop3A_341, %parallel_loop3A_342] {strides = array<i32>} : memref<128x64xf32, #tpu.memory_space<vmem>>, vector<16xf32>,
        tpu.vector_store %arg17[%parallel_loop3A_341, %parallel_loop3A_342], %parallel_loop3A_340 {strides = array<i32>} : memref<128x64xf32, #tpu.memory_space<vmem>>, vector<16xf32>,
        %parallel_loop3A_344 = arith.mulf %parallel_loop3A_339, %parallel_loop3A_334 : vector<16xf32>
        %parallel_loop3A_345 = arith.index_cast %parallel_loop3A_331 : i32 to index
        %parallel_loop3A_346 = arith.constant 16 : index
        %parallel_loop3A_347 = tpu.vector_load %arg17[%parallel_loop3A_345, %parallel_loop3A_346] {strides = array<i32>} : memref<128x64xf32, #tpu.memory_space<vmem>>, vector<16xf32>,
        tpu.vector_store %arg17[%parallel_loop3A_345, %parallel_loop3A_346], %parallel_loop3A_344 {strides = array<i32>} : memref<128x64xf32, #tpu.memory_space<vmem>>, vector<16xf32>,
        %parallel_loop3A_348 = arith.index_cast %parallel_loop3A_331 : i32 to index
        %parallel_loop3A_349 = arith.constant 32 : index
        %parallel_loop3A_350 = tpu.vector_load %arg15[%parallel_loop3A_348, %parallel_loop3A_349] {strides = array<i32>} : memref<128x64xbf16, #tpu.memory_space<vmem>>, vector<32xbf16>,
        %parallel_loop3A_351 = tpu.unpack_subelements %parallel_loop3A_350, 0 {pack_format = #tpu.pack_format<interleaved>} : vector<32xbf16> -> vector<16xf32>
        %parallel_loop3A_352 = tpu.unpack_subelements %parallel_loop3A_350, 1 {pack_format = #tpu.pack_format<interleaved>} : vector<32xbf16> -> vector<16xf32>
        %parallel_loop3A_353 = arith.mulf %parallel_loop3A_351, %parallel_loop3A_334 : vector<16xf32>
        %parallel_loop3A_354 = arith.index_cast %parallel_loop3A_331 : i32 to index
        %parallel_loop3A_355 = arith.constant 32 : index
        %parallel_loop3A_356 = tpu.vector_load %arg17[%parallel_loop3A_354, %parallel_loop3A_355] {strides = array<i32>} : memref<128x64xf32, #tpu.memory_space<vmem>>, vector<16xf32>,
        tpu.vector_store %arg17[%parallel_loop3A_354, %parallel_loop3A_355], %parallel_loop3A_353 {strides = array<i32>} : memref<128x64xf32, #tpu.memory_space<vmem>>, vector<16xf32>,
        %parallel_loop3A_357 = arith.mulf %parallel_loop3A_352, %parallel_loop3A_334 : vector<16xf32>
        %parallel_loop3A_358 = arith.index_cast %parallel_loop3A_331 : i32 to index
        %parallel_loop3A_359 = arith.constant 48 : index
        %parallel_loop3A_360 = tpu.vector_load %arg17[%parallel_loop3A_358, %parallel_loop3A_359] {strides = array<i32>} : memref<128x64xf32, #tpu.memory_space<vmem>>, vector<16xf32>,
        tpu.vector_store %arg17[%parallel_loop3A_358, %parallel_loop3A_359], %parallel_loop3A_357 {strides = array<i32>} : memref<128x64xf32, #tpu.memory_space<vmem>>, vector<16xf32>,
      } {sc.loop_unroll_factor = 4 : i64, sc.parallel_access}
      %add3A_319 = arith.constant 2 : i32
      %add3A_320 = arith.addi %add3A_304, %add3A_319 : i32
      %lt3A_321 = arith.cmpi slt, %add3A_320, %select_n3A : i32
      %convert_element_type3A_322 = arith.extui %lt3A_321 : i1 to i32
      %cond3A_323 = arith.constant 0 : i32
      %cond3A_324 = arith.cmpi ne, %convert_element_type3A_322, %cond3A_323 : i32
      scf.if %cond3A_324 {
        %add3A_331 = arith.constant 2 : i32
        %add3A_332 = arith.addi %add3A_304, %add3A_331 : i32
        %dma_start3A_333 = arith.constant 0 : i32
        %dma_start3A_334 = tpu.memref_slice %arg10[%add3A_332, %dma_start3A_333] : memref<80x128xi32, #tpu.memory_space<vmem>> -> memref<1x128xi32, #tpu.memory_space<vmem>>
        %dma_start3A_335 = tpu.memref_squeeze %dma_start3A_334 : memref<1x128xi32, #tpu.memory_space<vmem>> -> memref<128xi32, #tpu.memory_space<vmem>>
        %dma_start3A_336 = arith.constant 0 : i32
        %dma_start3A_337 = arith.constant 0 : i32
        %dma_start3A_338 = tpu.memref_slice %arg5[%dma_start3A_336, %dma_start3A_337] : memref<10240x64xbf16, #tpu.memory_space<hbm>> -> memref<10240x64xbf16, #tpu.memory_space<hbm>>
        tpu.enqueue_indirect_dma source(%dma_start3A_338 : memref<10240x64xbf16, #tpu.memory_space<hbm>>) target(%arg15 : memref<128x64xbf16, #tpu.memory_space<vmem>>) offsets(%dma_start3A_335 : memref<128xi32, #tpu.memory_space<vmem>>) semaphore(%arg20 : memref<!tpu.dma_semaphore, #tpu.memory_space<semaphore_mem>>)
      } else {
      }
      %dma_start3A_325 = arith.constant 0 : i32
      %dma_start3A_326 = tpu.memref_slice %arg9[%add3A_304, %dma_start3A_325] : memref<80x128xi32, #tpu.memory_space<vmem>> -> memref<1x128xi32, #tpu.memory_space<vmem>>
      %dma_start3A_327 = tpu.memref_squeeze %dma_start3A_326 : memref<1x128xi32, #tpu.memory_space<vmem>> -> memref<128xi32, #tpu.memory_space<vmem>>
      %dma_start3A_328 = arith.constant 0 : i32
      %dma_start3A_329 = arith.constant 0 : i32
      %dma_start3A_330 = tpu.memref_slice %arg18[%dma_start3A_328, %dma_start3A_329] : memref<10240x64xf32, #tpu.memory_space<vmem_shared>> -> memref<10240x64xf32, #tpu.memory_space<vmem_shared>>
      tpu.enqueue_indirect_dma source(%arg17 : memref<128x64xf32, #tpu.memory_space<vmem>>) target(%dma_start3A_330 : memref<10240x64xf32, #tpu.memory_space<vmem_shared>>) offsets(%dma_start3A_327 : memref<128xi32, #tpu.memory_space<vmem>>) semaphore(%arg22 : memref<!tpu.dma_semaphore, #tpu.memory_space<semaphore_mem>>) {add = true}
    }
    %while3A_162 = arith.constant 1 : i32
    scf.for %while3A_277 = %while3A_160 to %while3A_156 step %while3A_162  : i32 {
      %mul3A_278 = arith.constant 2 : i32
      %mul3A_279 = arith.muli %mul3A_278, %while3A_277 : i32
      %dma_wait3A_280 = arith.constant 0 : i32
      %dma_wait3A_281 = tpu.memref_slice %arg10[%mul3A_279, %dma_wait3A_280] : memref<80x128xi32, #tpu.memory_space<vmem>> -> memref<1x128xi32, #tpu.memory_space<vmem>>
      %dma_wait3A_282 = tpu.memref_squeeze %dma_wait3A_281 : memref<1x128xi32, #tpu.memory_space<vmem>> -> memref<128xi32, #tpu.memory_space<vmem>>
      %dma_wait3A_283 = arith.constant 0 : i32
      %dma_wait3A_284 = arith.constant 0 : i32
      %dma_wait3A_285 = tpu.memref_slice %arg5[%dma_wait3A_283, %dma_wait3A_284] : memref<10240x64xbf16, #tpu.memory_space<hbm>> -> memref<10240x64xbf16, #tpu.memory_space<hbm>>
      tpu.wait_indirect_dma semaphore(%arg19 : memref<!tpu.dma_semaphore, #tpu.memory_space<semaphore_mem>>) src(%dma_wait3A_285 : memref<10240x64xbf16, #tpu.memory_space<hbm>>) dst(%arg14 : memref<128x64xbf16, #tpu.memory_space<vmem>>)
      %gt3A = arith.constant 0 : i32
      %gt3A_286 = arith.cmpi sgt, %while3A_277, %gt3A : i32
      %convert_element_type3A = arith.extui %gt3A_286 : i1 to i32
      %cond3A = arith.constant 0 : i32
      %cond3A_287 = arith.cmpi ne, %convert_element_type3A, %cond3A : i32
      scf.if %cond3A_287 {
        %dma_wait3A_331 = arith.constant 0 : i32
        %dma_wait3A_332 = tpu.memref_slice %arg9[%mul3A_279, %dma_wait3A_331] : memref<80x128xi32, #tpu.memory_space<vmem>> -> memref<1x128xi32, #tpu.memory_space<vmem>>
        %dma_wait3A_333 = tpu.memref_squeeze %dma_wait3A_332 : memref<1x128xi32, #tpu.memory_space<vmem>> -> memref<128xi32, #tpu.memory_space<vmem>>
        %dma_wait3A_334 = arith.constant 0 : i32
        %dma_wait3A_335 = arith.constant 0 : i32
        %dma_wait3A_336 = tpu.memref_slice %arg18[%dma_wait3A_334, %dma_wait3A_335] : memref<10240x64xf32, #tpu.memory_space<vmem_shared>> -> memref<10240x64xf32, #tpu.memory_space<vmem_shared>>
        tpu.wait_indirect_dma semaphore(%arg21 : memref<!tpu.dma_semaphore, #tpu.memory_space<semaphore_mem>>) src(%arg16 : memref<128x64xf32, #tpu.memory_space<vmem>>) dst(%dma_wait3A_336 : memref<10240x64xf32, #tpu.memory_space<vmem_shared>>)
      } else {
      }
      %parallel_loop3A = arith.constant 0 : i32
      %parallel_loop3A_288 = arith.constant 128 : i32
      %parallel_loop3A_289 = arith.constant 1 : i32
      scf.for %parallel_loop3A_331 = %parallel_loop3A to %parallel_loop3A_288 step %parallel_loop3A_289  : i32 {
        %parallel_loop3A_332 = vector.broadcast %mul3A_279 : i32 to vector<16xi32>
        %parallel_loop3A_333 = vector.broadcast %parallel_loop3A_331 : i32 to vector<16xi32>
        %parallel_loop3A_334 = tpu.vector_load_idx %arg11[%parallel_loop3A_332, %parallel_loop3A_333] : memref<80x128xf32, #tpu.memory_space<vmem>>[vector<16xi32>, vector<16xi32>], vector<16xf32>,
        %parallel_loop3A_335 = arith.index_cast %parallel_loop3A_331 : i32 to index
        %parallel_loop3A_336 = arith.constant 0 : index
        %parallel_loop3A_337 = tpu.vector_load %arg14[%parallel_loop3A_335, %parallel_loop3A_336] {strides = array<i32>} : memref<128x64xbf16, #tpu.memory_space<vmem>>, vector<32xbf16>,
        %parallel_loop3A_338 = tpu.unpack_subelements %parallel_loop3A_337, 0 {pack_format = #tpu.pack_format<interleaved>} : vector<32xbf16> -> vector<16xf32>
        %parallel_loop3A_339 = tpu.unpack_subelements %parallel_loop3A_337, 1 {pack_format = #tpu.pack_format<interleaved>} : vector<32xbf16> -> vector<16xf32>
        %parallel_loop3A_340 = arith.mulf %parallel_loop3A_338, %parallel_loop3A_334 : vector<16xf32>
        %parallel_loop3A_341 = arith.index_cast %parallel_loop3A_331 : i32 to index
        %parallel_loop3A_342 = arith.constant 0 : index
        %parallel_loop3A_343 = tpu.vector_load %arg16[%parallel_loop3A_341, %parallel_loop3A_342] {strides = array<i32>} : memref<128x64xf32, #tpu.memory_space<vmem>>, vector<16xf32>,
        tpu.vector_store %arg16[%parallel_loop3A_341, %parallel_loop3A_342], %parallel_loop3A_340 {strides = array<i32>} : memref<128x64xf32, #tpu.memory_space<vmem>>, vector<16xf32>,
        %parallel_loop3A_344 = arith.mulf %parallel_loop3A_339, %parallel_loop3A_334 : vector<16xf32>
        %parallel_loop3A_345 = arith.index_cast %parallel_loop3A_331 : i32 to index
        %parallel_loop3A_346 = arith.constant 16 : index
        %parallel_loop3A_347 = tpu.vector_load %arg16[%parallel_loop3A_345, %parallel_loop3A_346] {strides = array<i32>} : memref<128x64xf32, #tpu.memory_space<vmem>>, vector<16xf32>,
        tpu.vector_store %arg16[%parallel_loop3A_345, %parallel_loop3A_346], %parallel_loop3A_344 {strides = array<i32>} : memref<128x64xf32, #tpu.memory_space<vmem>>, vector<16xf32>,
        %parallel_loop3A_348 = arith.index_cast %parallel_loop3A_331 : i32 to index
        %parallel_loop3A_349 = arith.constant 32 : index
        %parallel_loop3A_350 = tpu.vector_load %arg14[%parallel_loop3A_348, %parallel_loop3A_349] {strides = array<i32>} : memref<128x64xbf16, #tpu.memory_space<vmem>>, vector<32xbf16>,
        %parallel_loop3A_351 = tpu.unpack_subelements %parallel_loop3A_350, 0 {pack_format = #tpu.pack_format<interleaved>} : vector<32xbf16> -> vector<16xf32>
        %parallel_loop3A_352 = tpu.unpack_subelements %parallel_loop3A_350, 1 {pack_format = #tpu.pack_format<interleaved>} : vector<32xbf16> -> vector<16xf32>
        %parallel_loop3A_353 = arith.mulf %parallel_loop3A_351, %parallel_loop3A_334 : vector<16xf32>
        %parallel_loop3A_354 = arith.index_cast %parallel_loop3A_331 : i32 to index
        %parallel_loop3A_355 = arith.constant 32 : index
        %parallel_loop3A_356 = tpu.vector_load %arg16[%parallel_loop3A_354, %parallel_loop3A_355] {strides = array<i32>} : memref<128x64xf32, #tpu.memory_space<vmem>>, vector<16xf32>,
        tpu.vector_store %arg16[%parallel_loop3A_354, %parallel_loop3A_355], %parallel_loop3A_353 {strides = array<i32>} : memref<128x64xf32, #tpu.memory_space<vmem>>, vector<16xf32>,
        %parallel_loop3A_357 = arith.mulf %parallel_loop3A_352, %parallel_loop3A_334 : vector<16xf32>
        %parallel_loop3A_358 = arith.index_cast %parallel_loop3A_331 : i32 to index
        %parallel_loop3A_359 = arith.constant 48 : index
        %parallel_loop3A_360 = tpu.vector_load %arg16[%parallel_loop3A_358, %parallel_loop3A_359] {strides = array<i32>} : memref<128x64xf32, #tpu.memory_space<vmem>>, vector<16xf32>,
        tpu.vector_store %arg16[%parallel_loop3A_358, %parallel_loop3A_359], %parallel_loop3A_357 {strides = array<i32>} : memref<128x64xf32, #tpu.memory_space<vmem>>, vector<16xf32>,
      } {sc.loop_unroll_factor = 4 : i64, sc.parallel_access}
      %add3A_290 = arith.constant 2 : i32
      %add3A_291 = arith.addi %mul3A_279, %add3A_290 : i32
      %lt3A = arith.cmpi slt, %add3A_291, %select_n3A : i32
      %convert_element_type3A_292 = arith.extui %lt3A : i1 to i32
      %cond3A_293 = arith.constant 0 : i32
      %cond3A_294 = arith.cmpi ne, %convert_element_type3A_292, %cond3A_293 : i32
      scf.if %cond3A_294 {
        %add3A_331 = arith.constant 2 : i32
        %add3A_332 = arith.addi %mul3A_279, %add3A_331 : i32
        %dma_start3A_333 = arith.constant 0 : i32
        %dma_start3A_334 = tpu.memref_slice %arg10[%add3A_332, %dma_start3A_333] : memref<80x128xi32, #tpu.memory_space<vmem>> -> memref<1x128xi32, #tpu.memory_space<vmem>>
        %dma_start3A_335 = tpu.memref_squeeze %dma_start3A_334 : memref<1x128xi32, #tpu.memory_space<vmem>> -> memref<128xi32, #tpu.memory_space<vmem>>
        %dma_start3A_336 = arith.constant 0 : i32
        %dma_start3A_337 = arith.constant 0 : i32
        %dma_start3A_338 = tpu.memref_slice %arg5[%dma_start3A_336, %dma_start3A_337] : memref<10240x64xbf16, #tpu.memory_space<hbm>> -> memref<10240x64xbf16, #tpu.memory_space<hbm>>
        tpu.enqueue_indirect_dma source(%dma_start3A_338 : memref<10240x64xbf16, #tpu.memory_space<hbm>>) target(%arg14 : memref<128x64xbf16, #tpu.memory_space<vmem>>) offsets(%dma_start3A_335 : memref<128xi32, #tpu.memory_space<vmem>>) semaphore(%arg19 : memref<!tpu.dma_semaphore, #tpu.memory_space<semaphore_mem>>)
      } else {
      }
      %dma_start3A_295 = arith.constant 0 : i32
      %dma_start3A_296 = tpu.memref_slice %arg9[%mul3A_279, %dma_start3A_295] : memref<80x128xi32, #tpu.memory_space<vmem>> -> memref<1x128xi32, #tpu.memory_space<vmem>>
      %dma_start3A_297 = tpu.memref_squeeze %dma_start3A_296 : memref<1x128xi32, #tpu.memory_space<vmem>> -> memref<128xi32, #tpu.memory_space<vmem>>
      %dma_start3A_298 = arith.constant 0 : i32
      %dma_start3A_299 = arith.constant 0 : i32
      %dma_start3A_300 = tpu.memref_slice %arg18[%dma_start3A_298, %dma_start3A_299] : memref<10240x64xf32, #tpu.memory_space<vmem_shared>> -> memref<10240x64xf32, #tpu.memory_space<vmem_shared>>
      tpu.enqueue_indirect_dma source(%arg16 : memref<128x64xf32, #tpu.memory_space<vmem>>) target(%dma_start3A_300 : memref<10240x64xf32, #tpu.memory_space<vmem_shared>>) offsets(%dma_start3A_297 : memref<128xi32, #tpu.memory_space<vmem>>) semaphore(%arg21 : memref<!tpu.dma_semaphore, #tpu.memory_space<semaphore_mem>>) {add = true}
      %mul3A_301 = arith.constant 2 : i32
      %mul3A_302 = arith.muli %mul3A_301, %while3A_277 : i32
      %add3A_303 = arith.constant 1 : i32
      %add3A_304 = arith.addi %mul3A_302, %add3A_303 : i32
      %dma_wait3A_305 = arith.constant 0 : i32
      %dma_wait3A_306 = tpu.memref_slice %arg10[%add3A_304, %dma_wait3A_305] : memref<80x128xi32, #tpu.memory_space<vmem>> -> memref<1x128xi32, #tpu.memory_space<vmem>>
      %dma_wait3A_307 = tpu.memref_squeeze %dma_wait3A_306 : memref<1x128xi32, #tpu.memory_space<vmem>> -> memref<128xi32, #tpu.memory_space<vmem>>
      %dma_wait3A_308 = arith.constant 0 : i32
      %dma_wait3A_309 = arith.constant 0 : i32
      %dma_wait3A_310 = tpu.memref_slice %arg5[%dma_wait3A_308, %dma_wait3A_309] : memref<10240x64xbf16, #tpu.memory_space<hbm>> -> memref<10240x64xbf16, #tpu.memory_space<hbm>>
      tpu.wait_indirect_dma semaphore(%arg20 : memref<!tpu.dma_semaphore, #tpu.memory_space<semaphore_mem>>) src(%dma_wait3A_310 : memref<10240x64xbf16, #tpu.memory_space<hbm>>) dst(%arg15 : memref<128x64xbf16, #tpu.memory_space<vmem>>)
      %gt3A_311 = arith.constant 0 : i32
      %gt3A_312 = arith.cmpi sgt, %while3A_277, %gt3A_311 : i32
      %convert_element_type3A_313 = arith.extui %gt3A_312 : i1 to i32
      %cond3A_314 = arith.constant 0 : i32
      %cond3A_315 = arith.cmpi ne, %convert_element_type3A_313, %cond3A_314 : i32
      scf.if %cond3A_315 {
        %dma_wait3A_331 = arith.constant 0 : i32
        %dma_wait3A_332 = tpu.memref_slice %arg9[%add3A_304, %dma_wait3A_331] : memref<80x128xi32, #tpu.memory_space<vmem>> -> memref<1x128xi32, #tpu.memory_space<vmem>>
        %dma_wait3A_333 = tpu.memref_squeeze %dma_wait3A_332 : memref<1x128xi32, #tpu.memory_space<vmem>> -> memref<128xi32, #tpu.memory_space<vmem>>
        %dma_wait3A_334 = arith.constant 0 : i32
        %dma_wait3A_335 = arith.constant 0 : i32
        %dma_wait3A_336 = tpu.memref_slice %arg18[%dma_wait3A_334, %dma_wait3A_335] : memref<10240x64xf32, #tpu.memory_space<vmem_shared>> -> memref<10240x64xf32, #tpu.memory_space<vmem_shared>>
        tpu.wait_indirect_dma semaphore(%arg22 : memref<!tpu.dma_semaphore, #tpu.memory_space<semaphore_mem>>) src(%arg17 : memref<128x64xf32, #tpu.memory_space<vmem>>) dst(%dma_wait3A_336 : memref<10240x64xf32, #tpu.memory_space<vmem_shared>>)
      } else {
      }
      %parallel_loop3A_316 = arith.constant 0 : i32
      %parallel_loop3A_317 = arith.constant 128 : i32
      %parallel_loop3A_318 = arith.constant 1 : i32
      scf.for %parallel_loop3A_331 = %parallel_loop3A_316 to %parallel_loop3A_317 step %parallel_loop3A_318  : i32 {
        %parallel_loop3A_332 = vector.broadcast %add3A_304 : i32 to vector<16xi32>
        %parallel_loop3A_333 = vector.broadcast %parallel_loop3A_331 : i32 to vector<16xi32>
        %parallel_loop3A_334 = tpu.vector_load_idx %arg11[%parallel_loop3A_332, %parallel_loop3A_333] : memref<80x128xf32, #tpu.memory_space<vmem>>[vector<16xi32>, vector<16xi32>], vector<16xf32>,
        %parallel_loop3A_335 = arith.index_cast %parallel_loop3A_331 : i32 to index
        %parallel_loop3A_336 = arith.constant 0 : index
        %parallel_loop3A_337 = tpu.vector_load %arg15[%parallel_loop3A_335, %parallel_loop3A_336] {strides = array<i32>} : memref<128x64xbf16, #tpu.memory_space<vmem>>, vector<32xbf16>,
        %parallel_loop3A_338 = tpu.unpack_subelements %parallel_loop3A_337, 0 {pack_format = #tpu.pack_format<interleaved>} : vector<32xbf16> -> vector<16xf32>
        %parallel_loop3A_339 = tpu.unpack_subelements %parallel_loop3A_337, 1 {pack_format = #tpu.pack_format<interleaved>} : vector<32xbf16> -> vector<16xf32>
        %parallel_loop3A_340 = arith.mulf %parallel_loop3A_338, %parallel_loop3A_334 : vector<16xf32>
        %parallel_loop3A_341 = arith.index_cast %parallel_loop3A_331 : i32 to index
        %parallel_loop3A_342 = arith.constant 0 : index
        %parallel_loop3A_343 = tpu.vector_load %arg17[%parallel_loop3A_341, %parallel_loop3A_342] {strides = array<i32>} : memref<128x64xf32, #tpu.memory_space<vmem>>, vector<16xf32>,
        tpu.vector_store %arg17[%parallel_loop3A_341, %parallel_loop3A_342], %parallel_loop3A_340 {strides = array<i32>} : memref<128x64xf32, #tpu.memory_space<vmem>>, vector<16xf32>,
        %parallel_loop3A_344 = arith.mulf %parallel_loop3A_339, %parallel_loop3A_334 : vector<16xf32>
        %parallel_loop3A_345 = arith.index_cast %parallel_loop3A_331 : i32 to index
        %parallel_loop3A_346 = arith.constant 16 : index
        %parallel_loop3A_347 = tpu.vector_load %arg17[%parallel_loop3A_345, %parallel_loop3A_346] {strides = array<i32>} : memref<128x64xf32, #tpu.memory_space<vmem>>, vector<16xf32>,
        tpu.vector_store %arg17[%parallel_loop3A_345, %parallel_loop3A_346], %parallel_loop3A_344 {strides = array<i32>} : memref<128x64xf32, #tpu.memory_space<vmem>>, vector<16xf32>,
        %parallel_loop3A_348 = arith.index_cast %parallel_loop3A_331 : i32 to index
        %parallel_loop3A_349 = arith.constant 32 : index
        %parallel_loop3A_350 = tpu.vector_load %arg15[%parallel_loop3A_348, %parallel_loop3A_349] {strides = array<i32>} : memref<128x64xbf16, #tpu.memory_space<vmem>>, vector<32xbf16>,
        %parallel_loop3A_351 = tpu.unpack_subelements %parallel_loop3A_350, 0 {pack_format = #tpu.pack_format<interleaved>} : vector<32xbf16> -> vector<16xf32>
        %parallel_loop3A_352 = tpu.unpack_subelements %parallel_loop3A_350, 1 {pack_format = #tpu.pack_format<interleaved>} : vector<32xbf16> -> vector<16xf32>
        %parallel_loop3A_353 = arith.mulf %parallel_loop3A_351, %parallel_loop3A_334 : vector<16xf32>
        %parallel_loop3A_354 = arith.index_cast %parallel_loop3A_331 : i32 to index
        %parallel_loop3A_355 = arith.constant 32 : index
        %parallel_loop3A_356 = tpu.vector_load %arg17[%parallel_loop3A_354, %parallel_loop3A_355] {strides = array<i32>} : memref<128x64xf32, #tpu.memory_space<vmem>>, vector<16xf32>,
        tpu.vector_store %arg17[%parallel_loop3A_354, %parallel_loop3A_355], %parallel_loop3A_353 {strides = array<i32>} : memref<128x64xf32, #tpu.memory_space<vmem>>, vector<16xf32>,
        %parallel_loop3A_357 = arith.mulf %parallel_loop3A_352, %parallel_loop3A_334 : vector<16xf32>
        %parallel_loop3A_358 = arith.index_cast %parallel_loop3A_331 : i32 to index
        %parallel_loop3A_359 = arith.constant 48 : index
        %parallel_loop3A_360 = tpu.vector_load %arg17[%parallel_loop3A_358, %parallel_loop3A_359] {strides = array<i32>} : memref<128x64xf32, #tpu.memory_space<vmem>>, vector<16xf32>,
        tpu.vector_store %arg17[%parallel_loop3A_358, %parallel_loop3A_359], %parallel_loop3A_357 {strides = array<i32>} : memref<128x64xf32, #tpu.memory_space<vmem>>, vector<16xf32>,
      } {sc.loop_unroll_factor = 4 : i64, sc.parallel_access}
      %add3A_319 = arith.constant 2 : i32
      %add3A_320 = arith.addi %add3A_304, %add3A_319 : i32
      %lt3A_321 = arith.cmpi slt, %add3A_320, %select_n3A : i32
      %convert_element_type3A_322 = arith.extui %lt3A_321 : i1 to i32
      %cond3A_323 = arith.constant 0 : i32
      %cond3A_324 = arith.cmpi ne, %convert_element_type3A_322, %cond3A_323 : i32
      scf.if %cond3A_324 {
        %add3A_331 = arith.constant 2 : i32
        %add3A_332 = arith.addi %add3A_304, %add3A_331 : i32
        %dma_start3A_333 = arith.constant 0 : i32
        %dma_start3A_334 = tpu.memref_slice %arg10[%add3A_332, %dma_start3A_333] : memref<80x128xi32, #tpu.memory_space<vmem>> -> memref<1x128xi32, #tpu.memory_space<vmem>>
        %dma_start3A_335 = tpu.memref_squeeze %dma_start3A_334 : memref<1x128xi32, #tpu.memory_space<vmem>> -> memref<128xi32, #tpu.memory_space<vmem>>
        %dma_start3A_336 = arith.constant 0 : i32
        %dma_start3A_337 = arith.constant 0 : i32
        %dma_start3A_338 = tpu.memref_slice %arg5[%dma_start3A_336, %dma_start3A_337] : memref<10240x64xbf16, #tpu.memory_space<hbm>> -> memref<10240x64xbf16, #tpu.memory_space<hbm>>
        tpu.enqueue_indirect_dma source(%dma_start3A_338 : memref<10240x64xbf16, #tpu.memory_space<hbm>>) target(%arg15 : memref<128x64xbf16, #tpu.memory_space<vmem>>) offsets(%dma_start3A_335 : memref<128xi32, #tpu.memory_space<vmem>>) semaphore(%arg20 : memref<!tpu.dma_semaphore, #tpu.memory_space<semaphore_mem>>)
      } else {
      }
      %dma_start3A_325 = arith.constant 0 : i32
      %dma_start3A_326 = tpu.memref_slice %arg9[%add3A_304, %dma_start3A_325] : memref<80x128xi32, #tpu.memory_space<vmem>> -> memref<1x128xi32, #tpu.memory_space<vmem>>
      %dma_start3A_327 = tpu.memref_squeeze %dma_start3A_326 : memref<1x128xi32, #tpu.memory_space<vmem>> -> memref<128xi32, #tpu.memory_space<vmem>>
      %dma_start3A_328 = arith.constant 0 : i32
      %dma_start3A_329 = arith.constant 0 : i32
      %dma_start3A_330 = tpu.memref_slice %arg18[%dma_start3A_328, %dma_start3A_329] : memref<10240x64xf32, #tpu.memory_space<vmem_shared>> -> memref<10240x64xf32, #tpu.memory_space<vmem_shared>>
      tpu.enqueue_indirect_dma source(%arg17 : memref<128x64xf32, #tpu.memory_space<vmem>>) target(%dma_start3A_330 : memref<10240x64xf32, #tpu.memory_space<vmem_shared>>) offsets(%dma_start3A_327 : memref<128xi32, #tpu.memory_space<vmem>>) semaphore(%arg22 : memref<!tpu.dma_semaphore, #tpu.memory_space<semaphore_mem>>) {add = true}
    }
    %dma_wait3A_163 = arith.constant 0 : i32
    %dma_wait3A_164 = arith.constant 0 : i32
    %dma_wait3A_165 = tpu.memref_slice %arg9[%dma_wait3A_163, %dma_wait3A_164] : memref<80x128xi32, #tpu.memory_space<vmem>> -> memref<1x128xi32, #tpu.memory_space<vmem>>
    %dma_wait3A_166 = tpu.memref_squeeze %dma_wait3A_165 : memref<1x128xi32, #tpu.memory_space<vmem>> -> memref<128xi32, #tpu.memory_space<vmem>>
    %dma_wait3A_167 = arith.constant 0 : i32
    %dma_wait3A_168 = arith.constant 0 : i32
    %dma_wait3A_169 = tpu.memref_slice %arg18[%dma_wait3A_167, %dma_wait3A_168] : memref<10240x64xf32, #tpu.memory_space<vmem_shared>> -> memref<10240x64xf32, #tpu.memory_space<vmem_shared>>
    tpu.wait_indirect_dma semaphore(%arg21 : memref<!tpu.dma_semaphore, #tpu.memory_space<semaphore_mem>>) src(%arg16 : memref<128x64xf32, #tpu.memory_space<vmem>>) dst(%dma_wait3A_169 : memref<10240x64xf32, #tpu.memory_space<vmem_shared>>)
    %dma_wait3A_170 = arith.constant 0 : i32
    %dma_wait3A_171 = arith.constant 0 : i32
    %dma_wait3A_172 = tpu.memref_slice %arg9[%dma_wait3A_170, %dma_wait3A_171] : memref<80x128xi32, #tpu.memory_space<vmem>> -> memref<1x128xi32, #tpu.memory_space<vmem>>
    %dma_wait3A_173 = tpu.memref_squeeze %dma_wait3A_172 : memref<1x128xi32, #tpu.memory_space<vmem>> -> memref<128xi32, #tpu.memory_space<vmem>>
    %dma_wait3A_174 = arith.constant 0 : i32
    %dma_wait3A_175 = arith.constant 0 : i32
    %dma_wait3A_176 = tpu.memref_slice %arg18[%dma_wait3A_174, %dma_wait3A_175] : memref<10240x64xf32, #tpu.memory_space<vmem_shared>> -> memref<10240x64xf32, #tpu.memory_space<vmem_shared>>
    tpu.wait_indirect_dma semaphore(%arg22 : memref<!tpu.dma_semaphore, #tpu.memory_space<semaphore_mem>>) src(%arg17 : memref<128x64xf32, #tpu.memory_space<vmem>>) dst(%dma_wait3A_176 : memref<10240x64xf32, #tpu.memory_space<vmem_shared>>)
    %barrier3A_177 = arith.constant 0 : index
    tpu.barrier barrier_id(%barrier3A_177)
    %mul3A_178 = arith.constant 640 : i32
    %mul3A_179 = arith.muli %arg1, %mul3A_178 : i32
    %mul3A_180 = arith.constant 640 : i32
    %mul3A_181 = arith.muli %arg1, %mul3A_180 : i32
    %run_scoped3A = arith.constant 0 : i32
    "tpu.region"() ({
      %run_scoped3A_277 = tpu.sem_alloc : memref<!tpu.dma_semaphore, #tpu.memory_space<semaphore_mem>>
      %dma_start3A_278 = arith.constant 0 : i32
      %dma_start3A_279 = tpu.memref_slice %arg8[%arg0, %run_scoped3A, %mul3A_181, %dma_start3A_278] : memref<2x2x10240x64xf32, #tpu.memory_space<hbm>> -> memref<1x1x640x64xf32, #tpu.memory_space<hbm>>
      %dma_start3A_280 = tpu.memref_squeeze %dma_start3A_279 : memref<1x1x640x64xf32, #tpu.memory_space<hbm>> -> memref<640x64xf32, #tpu.memory_space<hbm>>
      %dma_start3A_281 = arith.constant 0 : i32
      %dma_start3A_282 = tpu.memref_slice %arg18[%mul3A_179, %dma_start3A_281] : memref<10240x64xf32, #tpu.memory_space<vmem_shared>> -> memref<640x64xf32, #tpu.memory_space<vmem_shared>>
      tpu.enqueue_dma source(%dma_start3A_282 : memref<640x64xf32, #tpu.memory_space<vmem_shared>>) target(%dma_start3A_280 : memref<640x64xf32, #tpu.memory_space<hbm>>) target_semaphore(%run_scoped3A_277 : memref<!tpu.dma_semaphore, #tpu.memory_space<semaphore_mem>>)
      %dma_wait3A_283 = arith.constant 0 : i32
      %dma_wait3A_284 = tpu.memref_slice %arg8[%arg0, %run_scoped3A, %mul3A_181, %dma_wait3A_283] : memref<2x2x10240x64xf32, #tpu.memory_space<hbm>> -> memref<1x1x640x64xf32, #tpu.memory_space<hbm>>
      %dma_wait3A_285 = tpu.memref_squeeze %dma_wait3A_284 : memref<1x1x640x64xf32, #tpu.memory_space<hbm>> -> memref<640x64xf32, #tpu.memory_space<hbm>>
      %dma_wait3A_286 = arith.constant 0 : i32
      %dma_wait3A_287 = tpu.memref_slice %arg18[%mul3A_179, %dma_wait3A_286] : memref<10240x64xf32, #tpu.memory_space<vmem_shared>> -> memref<640x64xf32, #tpu.memory_space<vmem_shared>>
      tpu.wait_dma2 semaphore(%run_scoped3A_277 : memref<!tpu.dma_semaphore, #tpu.memory_space<semaphore_mem>>) src(%dma_wait3A_287 : memref<640x64xf32, #tpu.memory_space<vmem_shared>>) dst(%dma_wait3A_285 : memref<640x64xf32, #tpu.memory_space<hbm>>)
      tpu.yield
    }) : () -> ()
    %scan3A_182 = arith.constant 0 : i32
    %scan3A_183 = arith.constant 0 : i32
    %scan3A_184 = arith.constant 128 : i32
    %scan3A_185 = arith.addi %scan3A_183, %scan3A_184 : i32
    %scan3A_186 = arith.constant 1 : i32
    scf.for %scan3A_277 = %scan3A_183 to %scan3A_185 step %scan3A_186  : i32 {
      %broadcast_in_dim3A = arith.constant 0.000000e+00 : f32
      %broadcast_in_dim3A_278 = vector.broadcast %broadcast_in_dim3A : f32 to vector<16xf32>
      %swap3A = arith.index_cast %scan3A_277 : i32 to index
      %swap3A_279 = arith.constant 0 : index
      %swap3A_280 = tpu.vector_load %arg16[%swap3A, %swap3A_279] {strides = array<i32>} : memref<128x64xf32, #tpu.memory_space<vmem>>, vector<16xf32>,
      tpu.vector_store %arg16[%swap3A, %swap3A_279], %broadcast_in_dim3A_278 {strides = array<i32>} : memref<128x64xf32, #tpu.memory_space<vmem>>, vector<16xf32>,
      %broadcast_in_dim3A_281 = arith.constant 0.000000e+00 : f32
      %broadcast_in_dim3A_282 = vector.broadcast %broadcast_in_dim3A_281 : f32 to vector<16xf32>
      %swap3A_283 = arith.index_cast %scan3A_277 : i32 to index
      %swap3A_284 = arith.constant 16 : index
      %swap3A_285 = tpu.vector_load %arg16[%swap3A_283, %swap3A_284] {strides = array<i32>} : memref<128x64xf32, #tpu.memory_space<vmem>>, vector<16xf32>,
      tpu.vector_store %arg16[%swap3A_283, %swap3A_284], %broadcast_in_dim3A_282 {strides = array<i32>} : memref<128x64xf32, #tpu.memory_space<vmem>>, vector<16xf32>,
      %broadcast_in_dim3A_286 = arith.constant 0.000000e+00 : f32
      %broadcast_in_dim3A_287 = vector.broadcast %broadcast_in_dim3A_286 : f32 to vector<16xf32>
      %swap3A_288 = arith.index_cast %scan3A_277 : i32 to index
      %swap3A_289 = arith.constant 32 : index
      %swap3A_290 = tpu.vector_load %arg16[%swap3A_288, %swap3A_289] {strides = array<i32>} : memref<128x64xf32, #tpu.memory_space<vmem>>, vector<16xf32>,
      tpu.vector_store %arg16[%swap3A_288, %swap3A_289], %broadcast_in_dim3A_287 {strides = array<i32>} : memref<128x64xf32, #tpu.memory_space<vmem>>, vector<16xf32>,
      %broadcast_in_dim3A_291 = arith.constant 0.000000e+00 : f32
      %broadcast_in_dim3A_292 = vector.broadcast %broadcast_in_dim3A_291 : f32 to vector<16xf32>
      %swap3A_293 = arith.index_cast %scan3A_277 : i32 to index
      %swap3A_294 = arith.constant 48 : index
      %swap3A_295 = tpu.vector_load %arg16[%swap3A_293, %swap3A_294] {strides = array<i32>} : memref<128x64xf32, #tpu.memory_space<vmem>>, vector<16xf32>,
      tpu.vector_store %arg16[%swap3A_293, %swap3A_294], %broadcast_in_dim3A_292 {strides = array<i32>} : memref<128x64xf32, #tpu.memory_space<vmem>>, vector<16xf32>,
    }
    %scan3A_187 = arith.constant 128 : i32
    %mul3A_188 = arith.constant 640 : i32
    %mul3A_189 = arith.muli %arg1, %mul3A_188 : i32
    %add3A_190 = arith.constant 0 : i32
    %add3A_191 = arith.addi %mul3A_189, %add3A_190 : i32
    "tpu.region"() ({
      %run_scoped3A_277 = tpu.sem_alloc : memref<!tpu.dma_semaphore, #tpu.memory_space<semaphore_mem>>
      %dma_start3A_278 = arith.constant 0 : i32
      %dma_start3A_279 = tpu.memref_slice %arg18[%add3A_191, %dma_start3A_278] : memref<10240x64xf32, #tpu.memory_space<vmem_shared>> -> memref<128x64xf32, #tpu.memory_space<vmem_shared>>
      %dma_start3A_280 = arith.constant 0 : i32
      %dma_start3A_281 = tpu.memref_slice %arg18[%add3A_191, %dma_start3A_280] : memref<10240x64xf32, #tpu.memory_space<vmem_shared>> -> memref<128x64xf32, #tpu.memory_space<vmem_shared>>
      tpu.enqueue_dma source(%arg16 : memref<128x64xf32, #tpu.memory_space<vmem>>) target(%dma_start3A_281 : memref<128x64xf32, #tpu.memory_space<vmem_shared>>) target_semaphore(%run_scoped3A_277 : memref<!tpu.dma_semaphore, #tpu.memory_space<semaphore_mem>>)
      %dma_wait3A_282 = arith.constant 0 : i32
      %dma_wait3A_283 = tpu.memref_slice %arg18[%add3A_191, %dma_wait3A_282] : memref<10240x64xf32, #tpu.memory_space<vmem_shared>> -> memref<128x64xf32, #tpu.memory_space<vmem_shared>>
      %dma_wait3A_284 = arith.constant 0 : i32
      %dma_wait3A_285 = tpu.memref_slice %arg18[%add3A_191, %dma_wait3A_284] : memref<10240x64xf32, #tpu.memory_space<vmem_shared>> -> memref<128x64xf32, #tpu.memory_space<vmem_shared>>
      tpu.wait_dma2 semaphore(%run_scoped3A_277 : memref<!tpu.dma_semaphore, #tpu.memory_space<semaphore_mem>>) src(%arg16 : memref<128x64xf32, #tpu.memory_space<vmem>>) dst(%dma_wait3A_285 : memref<128x64xf32, #tpu.memory_space<vmem_shared>>)
      tpu.yield
    }) : () -> ()
    %mul3A_192 = arith.constant 640 : i32
    %mul3A_193 = arith.muli %arg1, %mul3A_192 : i32
    %add3A_194 = arith.constant 128 : i32
    %add3A_195 = arith.addi %mul3A_193, %add3A_194 : i32
    "tpu.region"() ({
      %run_scoped3A_277 = tpu.sem_alloc : memref<!tpu.dma_semaphore, #tpu.memory_space<semaphore_mem>>
      %dma_start3A_278 = arith.constant 0 : i32
      %dma_start3A_279 = tpu.memref_slice %arg18[%add3A_195, %dma_start3A_278] : memref<10240x64xf32, #tpu.memory_space<vmem_shared>> -> memref<128x64xf32, #tpu.memory_space<vmem_shared>>
      %dma_start3A_280 = arith.constant 0 : i32
      %dma_start3A_281 = tpu.memref_slice %arg18[%add3A_195, %dma_start3A_280] : memref<10240x64xf32, #tpu.memory_space<vmem_shared>> -> memref<128x64xf32, #tpu.memory_space<vmem_shared>>
      tpu.enqueue_dma source(%arg16 : memref<128x64xf32, #tpu.memory_space<vmem>>) target(%dma_start3A_281 : memref<128x64xf32, #tpu.memory_space<vmem_shared>>) target_semaphore(%run_scoped3A_277 : memref<!tpu.dma_semaphore, #tpu.memory_space<semaphore_mem>>)
      %dma_wait3A_282 = arith.constant 0 : i32
      %dma_wait3A_283 = tpu.memref_slice %arg18[%add3A_195, %dma_wait3A_282] : memref<10240x64xf32, #tpu.memory_space<vmem_shared>> -> memref<128x64xf32, #tpu.memory_space<vmem_shared>>
      %dma_wait3A_284 = arith.constant 0 : i32
      %dma_wait3A_285 = tpu.memref_slice %arg18[%add3A_195, %dma_wait3A_284] : memref<10240x64xf32, #tpu.memory_space<vmem_shared>> -> memref<128x64xf32, #tpu.memory_space<vmem_shared>>
      tpu.wait_dma2 semaphore(%run_scoped3A_277 : memref<!tpu.dma_semaphore, #tpu.memory_space<semaphore_mem>>) src(%arg16 : memref<128x64xf32, #tpu.memory_space<vmem>>) dst(%dma_wait3A_285 : memref<128x64xf32, #tpu.memory_space<vmem_shared>>)
      tpu.yield
    }) : () -> ()
    %mul3A_196 = arith.constant 640 : i32
    %mul3A_197 = arith.muli %arg1, %mul3A_196 : i32
    %add3A_198 = arith.constant 256 : i32
    %add3A_199 = arith.addi %mul3A_197, %add3A_198 : i32
    "tpu.region"() ({
      %run_scoped3A_277 = tpu.sem_alloc : memref<!tpu.dma_semaphore, #tpu.memory_space<semaphore_mem>>
      %dma_start3A_278 = arith.constant 0 : i32
      %dma_start3A_279 = tpu.memref_slice %arg18[%add3A_199, %dma_start3A_278] : memref<10240x64xf32, #tpu.memory_space<vmem_shared>> -> memref<128x64xf32, #tpu.memory_space<vmem_shared>>
      %dma_start3A_280 = arith.constant 0 : i32
      %dma_start3A_281 = tpu.memref_slice %arg18[%add3A_199, %dma_start3A_280] : memref<10240x64xf32, #tpu.memory_space<vmem_shared>> -> memref<128x64xf32, #tpu.memory_space<vmem_shared>>
      tpu.enqueue_dma source(%arg16 : memref<128x64xf32, #tpu.memory_space<vmem>>) target(%dma_start3A_281 : memref<128x64xf32, #tpu.memory_space<vmem_shared>>) target_semaphore(%run_scoped3A_277 : memref<!tpu.dma_semaphore, #tpu.memory_space<semaphore_mem>>)
      %dma_wait3A_282 = arith.constant 0 : i32
      %dma_wait3A_283 = tpu.memref_slice %arg18[%add3A_199, %dma_wait3A_282] : memref<10240x64xf32, #tpu.memory_space<vmem_shared>> -> memref<128x64xf32, #tpu.memory_space<vmem_shared>>
      %dma_wait3A_284 = arith.constant 0 : i32
      %dma_wait3A_285 = tpu.memref_slice %arg18[%add3A_199, %dma_wait3A_284] : memref<10240x64xf32, #tpu.memory_space<vmem_shared>> -> memref<128x64xf32, #tpu.memory_space<vmem_shared>>
      tpu.wait_dma2 semaphore(%run_scoped3A_277 : memref<!tpu.dma_semaphore, #tpu.memory_space<semaphore_mem>>) src(%arg16 : memref<128x64xf32, #tpu.memory_space<vmem>>) dst(%dma_wait3A_285 : memref<128x64xf32, #tpu.memory_space<vmem_shared>>)
      tpu.yield
    }) : () -> ()
    %mul3A_200 = arith.constant 640 : i32
    %mul3A_201 = arith.muli %arg1, %mul3A_200 : i32
    %add3A_202 = arith.constant 384 : i32
    %add3A_203 = arith.addi %mul3A_201, %add3A_202 : i32
    "tpu.region"() ({
      %run_scoped3A_277 = tpu.sem_alloc : memref<!tpu.dma_semaphore, #tpu.memory_space<semaphore_mem>>
      %dma_start3A_278 = arith.constant 0 : i32
      %dma_start3A_279 = tpu.memref_slice %arg18[%add3A_203, %dma_start3A_278] : memref<10240x64xf32, #tpu.memory_space<vmem_shared>> -> memref<128x64xf32, #tpu.memory_space<vmem_shared>>
      %dma_start3A_280 = arith.constant 0 : i32
      %dma_start3A_281 = tpu.memref_slice %arg18[%add3A_203, %dma_start3A_280] : memref<10240x64xf32, #tpu.memory_space<vmem_shared>> -> memref<128x64xf32, #tpu.memory_space<vmem_shared>>
      tpu.enqueue_dma source(%arg16 : memref<128x64xf32, #tpu.memory_space<vmem>>) target(%dma_start3A_281 : memref<128x64xf32, #tpu.memory_space<vmem_shared>>) target_semaphore(%run_scoped3A_277 : memref<!tpu.dma_semaphore, #tpu.memory_space<semaphore_mem>>)
      %dma_wait3A_282 = arith.constant 0 : i32
      %dma_wait3A_283 = tpu.memref_slice %arg18[%add3A_203, %dma_wait3A_282] : memref<10240x64xf32, #tpu.memory_space<vmem_shared>> -> memref<128x64xf32, #tpu.memory_space<vmem_shared>>
      %dma_wait3A_284 = arith.constant 0 : i32
      %dma_wait3A_285 = tpu.memref_slice %arg18[%add3A_203, %dma_wait3A_284] : memref<10240x64xf32, #tpu.memory_space<vmem_shared>> -> memref<128x64xf32, #tpu.memory_space<vmem_shared>>
      tpu.wait_dma2 semaphore(%run_scoped3A_277 : memref<!tpu.dma_semaphore, #tpu.memory_space<semaphore_mem>>) src(%arg16 : memref<128x64xf32, #tpu.memory_space<vmem>>) dst(%dma_wait3A_285 : memref<128x64xf32, #tpu.memory_space<vmem_shared>>)
      tpu.yield
    }) : () -> ()
    %mul3A_204 = arith.constant 640 : i32
    %mul3A_205 = arith.muli %arg1, %mul3A_204 : i32
    %add3A_206 = arith.constant 512 : i32
    %add3A_207 = arith.addi %mul3A_205, %add3A_206 : i32
    "tpu.region"() ({
      %run_scoped3A_277 = tpu.sem_alloc : memref<!tpu.dma_semaphore, #tpu.memory_space<semaphore_mem>>
      %dma_start3A_278 = arith.constant 0 : i32
      %dma_start3A_279 = tpu.memref_slice %arg18[%add3A_207, %dma_start3A_278] : memref<10240x64xf32, #tpu.memory_space<vmem_shared>> -> memref<128x64xf32, #tpu.memory_space<vmem_shared>>
      %dma_start3A_280 = arith.constant 0 : i32
      %dma_start3A_281 = tpu.memref_slice %arg18[%add3A_207, %dma_start3A_280] : memref<10240x64xf32, #tpu.memory_space<vmem_shared>> -> memref<128x64xf32, #tpu.memory_space<vmem_shared>>
      tpu.enqueue_dma source(%arg16 : memref<128x64xf32, #tpu.memory_space<vmem>>) target(%dma_start3A_281 : memref<128x64xf32, #tpu.memory_space<vmem_shared>>) target_semaphore(%run_scoped3A_277 : memref<!tpu.dma_semaphore, #tpu.memory_space<semaphore_mem>>)
      %dma_wait3A_282 = arith.constant 0 : i32
      %dma_wait3A_283 = tpu.memref_slice %arg18[%add3A_207, %dma_wait3A_282] : memref<10240x64xf32, #tpu.memory_space<vmem_shared>> -> memref<128x64xf32, #tpu.memory_space<vmem_shared>>
      %dma_wait3A_284 = arith.constant 0 : i32
      %dma_wait3A_285 = tpu.memref_slice %arg18[%add3A_207, %dma_wait3A_284] : memref<10240x64xf32, #tpu.memory_space<vmem_shared>> -> memref<128x64xf32, #tpu.memory_space<vmem_shared>>
      tpu.wait_dma2 semaphore(%run_scoped3A_277 : memref<!tpu.dma_semaphore, #tpu.memory_space<semaphore_mem>>) src(%arg16 : memref<128x64xf32, #tpu.memory_space<vmem>>) dst(%dma_wait3A_285 : memref<128x64xf32, #tpu.memory_space<vmem_shared>>)
      tpu.yield
    }) : () -> ()
    %barrier3A_208 = arith.constant 0 : index
    tpu.barrier barrier_id(%barrier3A_208)
    %dma_start3A_209 = arith.constant 0 : i32
    %dma_start3A_210 = arith.constant 0 : i32
    %dma_start3A_211 = tpu.memref_slice %arg10[%dma_start3A_209, %dma_start3A_210] : memref<80x128xi32, #tpu.memory_space<vmem>> -> memref<1x128xi32, #tpu.memory_space<vmem>>
    %dma_start3A_212 = tpu.memref_squeeze %dma_start3A_211 : memref<1x128xi32, #tpu.memory_space<vmem>> -> memref<128xi32, #tpu.memory_space<vmem>>
    %dma_start3A_213 = arith.constant 0 : i32
    %dma_start3A_214 = arith.constant 0 : i32
    %dma_start3A_215 = tpu.memref_slice %arg6[%dma_start3A_213, %dma_start3A_214] : memref<10240x64xbf16, #tpu.memory_space<hbm>> -> memref<10240x64xbf16, #tpu.memory_space<hbm>>
    tpu.enqueue_indirect_dma source(%dma_start3A_215 : memref<10240x64xbf16, #tpu.memory_space<hbm>>) target(%arg14 : memref<128x64xbf16, #tpu.memory_space<vmem>>) offsets(%dma_start3A_212 : memref<128xi32, #tpu.memory_space<vmem>>) semaphore(%arg19 : memref<!tpu.dma_semaphore, #tpu.memory_space<semaphore_mem>>)
    %dma_start3A_216 = arith.constant 1 : i32
    %dma_start3A_217 = arith.constant 0 : i32
    %dma_start3A_218 = tpu.memref_slice %arg10[%dma_start3A_216, %dma_start3A_217] : memref<80x128xi32, #tpu.memory_space<vmem>> -> memref<1x128xi32, #tpu.memory_space<vmem>>
    %dma_start3A_219 = tpu.memref_squeeze %dma_start3A_218 : memref<1x128xi32, #tpu.memory_space<vmem>> -> memref<128xi32, #tpu.memory_space<vmem>>
    %dma_start3A_220 = arith.constant 0 : i32
    %dma_start3A_221 = arith.constant 0 : i32
    %dma_start3A_222 = tpu.memref_slice %arg6[%dma_start3A_220, %dma_start3A_221] : memref<10240x64xbf16, #tpu.memory_space<hbm>> -> memref<10240x64xbf16, #tpu.memory_space<hbm>>
    tpu.enqueue_indirect_dma source(%dma_start3A_222 : memref<10240x64xbf16, #tpu.memory_space<hbm>>) target(%arg15 : memref<128x64xbf16, #tpu.memory_space<vmem>>) offsets(%dma_start3A_219 : memref<128xi32, #tpu.memory_space<vmem>>) semaphore(%arg20 : memref<!tpu.dma_semaphore, #tpu.memory_space<semaphore_mem>>)
    %jit3A_223 = arith.constant 2 : i32
    %div3A_224 = arith.divsi %select_n3A, %jit3A_223 : i32
    %sign3A_225 = arith.constant 0 : i32
    %sign3A_226 = arith.cmpi sgt, %select_n3A, %sign3A_225 : i32
    %sign3A_227 = arith.extui %sign3A_226 : i1 to i32
    %sign3A_228 = arith.constant 0 : i32
    %sign3A_229 = arith.cmpi slt, %select_n3A, %sign3A_228 : i32
    %sign3A_230 = arith.extui %sign3A_229 : i1 to i32
    %sign3A_231 = arith.subi %sign3A_227, %sign3A_230 : i32
    %sign3A_232 = arith.constant 0 : i32
    %sign3A_233 = arith.cmpi sgt, %jit3A_223, %sign3A_232 : i32
    %sign3A_234 = arith.extui %sign3A_233 : i1 to i32
    %sign3A_235 = arith.constant 0 : i32
    %sign3A_236 = arith.cmpi slt, %jit3A_223, %sign3A_235 : i32
    %sign3A_237 = arith.extui %sign3A_236 : i1 to i32
    %sign3A_238 = arith.subi %sign3A_234, %sign3A_237 : i32
    %ne3A_239 = arith.cmpi ne, %sign3A_231, %sign3A_238 : i32
    %rem3A_240 = arith.remsi %select_n3A, %jit3A_223 : i32
    %ne3A_241 = arith.constant 0 : i32
    %ne3A_242 = arith.cmpi ne, %rem3A_240, %ne3A_241 : i32
    %and3A_243 = arith.andi %ne3A_239, %ne3A_242 : i1
    %sub3A_244 = arith.constant 1 : i32
    %sub3A_245 = arith.subi %div3A_224, %sub3A_244 : i32
    %select_n3A_246 = arith.select %and3A_243, %sub3A_245, %div3A_224 : i32
    %while3A_247 = arith.constant 0 : i32
    %while3A_248 = arith.constant 0 : i32
    %while3A_249 = arith.subi %select_n3A_246, %while3A_248 : i32
    %while3A_250 = arith.addi %while3A_248, %while3A_249 : i32
    %while3A_251 = arith.constant 1 : i32
    %while3A_252 = arith.divsi %while3A_249, %while3A_251 : i32
    %while3A_253 = arith.muli %while3A_252, %while3A_251 : i32
    %while3A_254 = arith.addi %while3A_248, %while3A_253 : i32
    %while3A_255 = arith.constant 1 : i32
    scf.for %while3A_277 = %while3A_248 to %while3A_254 step %while3A_255  : i32 {
      %mul3A_278 = arith.constant 2 : i32
      %mul3A_279 = arith.muli %mul3A_278, %while3A_277 : i32
      %dma_wait3A_280 = arith.constant 0 : i32
      %dma_wait3A_281 = tpu.memref_slice %arg10[%mul3A_279, %dma_wait3A_280] : memref<80x128xi32, #tpu.memory_space<vmem>> -> memref<1x128xi32, #tpu.memory_space<vmem>>
      %dma_wait3A_282 = tpu.memref_squeeze %dma_wait3A_281 : memref<1x128xi32, #tpu.memory_space<vmem>> -> memref<128xi32, #tpu.memory_space<vmem>>
      %dma_wait3A_283 = arith.constant 0 : i32
      %dma_wait3A_284 = arith.constant 0 : i32
      %dma_wait3A_285 = tpu.memref_slice %arg6[%dma_wait3A_283, %dma_wait3A_284] : memref<10240x64xbf16, #tpu.memory_space<hbm>> -> memref<10240x64xbf16, #tpu.memory_space<hbm>>
      tpu.wait_indirect_dma semaphore(%arg19 : memref<!tpu.dma_semaphore, #tpu.memory_space<semaphore_mem>>) src(%dma_wait3A_285 : memref<10240x64xbf16, #tpu.memory_space<hbm>>) dst(%arg14 : memref<128x64xbf16, #tpu.memory_space<vmem>>)
      %gt3A = arith.constant 0 : i32
      %gt3A_286 = arith.cmpi sgt, %while3A_277, %gt3A : i32
      %convert_element_type3A = arith.extui %gt3A_286 : i1 to i32
      %cond3A = arith.constant 0 : i32
      %cond3A_287 = arith.cmpi ne, %convert_element_type3A, %cond3A : i32
      scf.if %cond3A_287 {
        %dma_wait3A_331 = arith.constant 0 : i32
        %dma_wait3A_332 = tpu.memref_slice %arg9[%mul3A_279, %dma_wait3A_331] : memref<80x128xi32, #tpu.memory_space<vmem>> -> memref<1x128xi32, #tpu.memory_space<vmem>>
        %dma_wait3A_333 = tpu.memref_squeeze %dma_wait3A_332 : memref<1x128xi32, #tpu.memory_space<vmem>> -> memref<128xi32, #tpu.memory_space<vmem>>
        %dma_wait3A_334 = arith.constant 0 : i32
        %dma_wait3A_335 = arith.constant 0 : i32
        %dma_wait3A_336 = tpu.memref_slice %arg18[%dma_wait3A_334, %dma_wait3A_335] : memref<10240x64xf32, #tpu.memory_space<vmem_shared>> -> memref<10240x64xf32, #tpu.memory_space<vmem_shared>>
        tpu.wait_indirect_dma semaphore(%arg21 : memref<!tpu.dma_semaphore, #tpu.memory_space<semaphore_mem>>) src(%arg16 : memref<128x64xf32, #tpu.memory_space<vmem>>) dst(%dma_wait3A_336 : memref<10240x64xf32, #tpu.memory_space<vmem_shared>>)
      } else {
      }
      %parallel_loop3A = arith.constant 0 : i32
      %parallel_loop3A_288 = arith.constant 128 : i32
      %parallel_loop3A_289 = arith.constant 1 : i32
      scf.for %parallel_loop3A_331 = %parallel_loop3A to %parallel_loop3A_288 step %parallel_loop3A_289  : i32 {
        %parallel_loop3A_332 = vector.broadcast %mul3A_279 : i32 to vector<16xi32>
        %parallel_loop3A_333 = vector.broadcast %parallel_loop3A_331 : i32 to vector<16xi32>
        %parallel_loop3A_334 = tpu.vector_load_idx %arg11[%parallel_loop3A_332, %parallel_loop3A_333] : memref<80x128xf32, #tpu.memory_space<vmem>>[vector<16xi32>, vector<16xi32>], vector<16xf32>,
        %parallel_loop3A_335 = arith.index_cast %parallel_loop3A_331 : i32 to index
        %parallel_loop3A_336 = arith.constant 0 : index
        %parallel_loop3A_337 = tpu.vector_load %arg14[%parallel_loop3A_335, %parallel_loop3A_336] {strides = array<i32>} : memref<128x64xbf16, #tpu.memory_space<vmem>>, vector<32xbf16>,
        %parallel_loop3A_338 = tpu.unpack_subelements %parallel_loop3A_337, 0 {pack_format = #tpu.pack_format<interleaved>} : vector<32xbf16> -> vector<16xf32>
        %parallel_loop3A_339 = tpu.unpack_subelements %parallel_loop3A_337, 1 {pack_format = #tpu.pack_format<interleaved>} : vector<32xbf16> -> vector<16xf32>
        %parallel_loop3A_340 = arith.mulf %parallel_loop3A_338, %parallel_loop3A_334 : vector<16xf32>
        %parallel_loop3A_341 = arith.index_cast %parallel_loop3A_331 : i32 to index
        %parallel_loop3A_342 = arith.constant 0 : index
        %parallel_loop3A_343 = tpu.vector_load %arg16[%parallel_loop3A_341, %parallel_loop3A_342] {strides = array<i32>} : memref<128x64xf32, #tpu.memory_space<vmem>>, vector<16xf32>,
        tpu.vector_store %arg16[%parallel_loop3A_341, %parallel_loop3A_342], %parallel_loop3A_340 {strides = array<i32>} : memref<128x64xf32, #tpu.memory_space<vmem>>, vector<16xf32>,
        %parallel_loop3A_344 = arith.mulf %parallel_loop3A_339, %parallel_loop3A_334 : vector<16xf32>
        %parallel_loop3A_345 = arith.index_cast %parallel_loop3A_331 : i32 to index
        %parallel_loop3A_346 = arith.constant 16 : index
        %parallel_loop3A_347 = tpu.vector_load %arg16[%parallel_loop3A_345, %parallel_loop3A_346] {strides = array<i32>} : memref<128x64xf32, #tpu.memory_space<vmem>>, vector<16xf32>,
        tpu.vector_store %arg16[%parallel_loop3A_345, %parallel_loop3A_346], %parallel_loop3A_344 {strides = array<i32>} : memref<128x64xf32, #tpu.memory_space<vmem>>, vector<16xf32>,
        %parallel_loop3A_348 = arith.index_cast %parallel_loop3A_331 : i32 to index
        %parallel_loop3A_349 = arith.constant 32 : index
        %parallel_loop3A_350 = tpu.vector_load %arg14[%parallel_loop3A_348, %parallel_loop3A_349] {strides = array<i32>} : memref<128x64xbf16, #tpu.memory_space<vmem>>, vector<32xbf16>,
        %parallel_loop3A_351 = tpu.unpack_subelements %parallel_loop3A_350, 0 {pack_format = #tpu.pack_format<interleaved>} : vector<32xbf16> -> vector<16xf32>
        %parallel_loop3A_352 = tpu.unpack_subelements %parallel_loop3A_350, 1 {pack_format = #tpu.pack_format<interleaved>} : vector<32xbf16> -> vector<16xf32>
        %parallel_loop3A_353 = arith.mulf %parallel_loop3A_351, %parallel_loop3A_334 : vector<16xf32>
        %parallel_loop3A_354 = arith.index_cast %parallel_loop3A_331 : i32 to index
        %parallel_loop3A_355 = arith.constant 32 : index
        %parallel_loop3A_356 = tpu.vector_load %arg16[%parallel_loop3A_354, %parallel_loop3A_355] {strides = array<i32>} : memref<128x64xf32, #tpu.memory_space<vmem>>, vector<16xf32>,
        tpu.vector_store %arg16[%parallel_loop3A_354, %parallel_loop3A_355], %parallel_loop3A_353 {strides = array<i32>} : memref<128x64xf32, #tpu.memory_space<vmem>>, vector<16xf32>,
        %parallel_loop3A_357 = arith.mulf %parallel_loop3A_352, %parallel_loop3A_334 : vector<16xf32>
        %parallel_loop3A_358 = arith.index_cast %parallel_loop3A_331 : i32 to index
        %parallel_loop3A_359 = arith.constant 48 : index
        %parallel_loop3A_360 = tpu.vector_load %arg16[%parallel_loop3A_358, %parallel_loop3A_359] {strides = array<i32>} : memref<128x64xf32, #tpu.memory_space<vmem>>, vector<16xf32>,
        tpu.vector_store %arg16[%parallel_loop3A_358, %parallel_loop3A_359], %parallel_loop3A_357 {strides = array<i32>} : memref<128x64xf32, #tpu.memory_space<vmem>>, vector<16xf32>,
      } {sc.loop_unroll_factor = 4 : i64, sc.parallel_access}
      %add3A_290 = arith.constant 2 : i32
      %add3A_291 = arith.addi %mul3A_279, %add3A_290 : i32
      %lt3A = arith.cmpi slt, %add3A_291, %select_n3A : i32
      %convert_element_type3A_292 = arith.extui %lt3A : i1 to i32
      %cond3A_293 = arith.constant 0 : i32
      %cond3A_294 = arith.cmpi ne, %convert_element_type3A_292, %cond3A_293 : i32
      scf.if %cond3A_294 {
        %add3A_331 = arith.constant 2 : i32
        %add3A_332 = arith.addi %mul3A_279, %add3A_331 : i32
        %dma_start3A_333 = arith.constant 0 : i32
        %dma_start3A_334 = tpu.memref_slice %arg10[%add3A_332, %dma_start3A_333] : memref<80x128xi32, #tpu.memory_space<vmem>> -> memref<1x128xi32, #tpu.memory_space<vmem>>
        %dma_start3A_335 = tpu.memref_squeeze %dma_start3A_334 : memref<1x128xi32, #tpu.memory_space<vmem>> -> memref<128xi32, #tpu.memory_space<vmem>>
        %dma_start3A_336 = arith.constant 0 : i32
        %dma_start3A_337 = arith.constant 0 : i32
        %dma_start3A_338 = tpu.memref_slice %arg6[%dma_start3A_336, %dma_start3A_337] : memref<10240x64xbf16, #tpu.memory_space<hbm>> -> memref<10240x64xbf16, #tpu.memory_space<hbm>>
        tpu.enqueue_indirect_dma source(%dma_start3A_338 : memref<10240x64xbf16, #tpu.memory_space<hbm>>) target(%arg14 : memref<128x64xbf16, #tpu.memory_space<vmem>>) offsets(%dma_start3A_335 : memref<128xi32, #tpu.memory_space<vmem>>) semaphore(%arg19 : memref<!tpu.dma_semaphore, #tpu.memory_space<semaphore_mem>>)
      } else {
      }
      %dma_start3A_295 = arith.constant 0 : i32
      %dma_start3A_296 = tpu.memref_slice %arg9[%mul3A_279, %dma_start3A_295] : memref<80x128xi32, #tpu.memory_space<vmem>> -> memref<1x128xi32, #tpu.memory_space<vmem>>
      %dma_start3A_297 = tpu.memref_squeeze %dma_start3A_296 : memref<1x128xi32, #tpu.memory_space<vmem>> -> memref<128xi32, #tpu.memory_space<vmem>>
      %dma_start3A_298 = arith.constant 0 : i32
      %dma_start3A_299 = arith.constant 0 : i32
      %dma_start3A_300 = tpu.memref_slice %arg18[%dma_start3A_298, %dma_start3A_299] : memref<10240x64xf32, #tpu.memory_space<vmem_shared>> -> memref<10240x64xf32, #tpu.memory_space<vmem_shared>>
      tpu.enqueue_indirect_dma source(%arg16 : memref<128x64xf32, #tpu.memory_space<vmem>>) target(%dma_start3A_300 : memref<10240x64xf32, #tpu.memory_space<vmem_shared>>) offsets(%dma_start3A_297 : memref<128xi32, #tpu.memory_space<vmem>>) semaphore(%arg21 : memref<!tpu.dma_semaphore, #tpu.memory_space<semaphore_mem>>) {add = true}
      %mul3A_301 = arith.constant 2 : i32
      %mul3A_302 = arith.muli %mul3A_301, %while3A_277 : i32
      %add3A_303 = arith.constant 1 : i32
      %add3A_304 = arith.addi %mul3A_302, %add3A_303 : i32
      %dma_wait3A_305 = arith.constant 0 : i32
      %dma_wait3A_306 = tpu.memref_slice %arg10[%add3A_304, %dma_wait3A_305] : memref<80x128xi32, #tpu.memory_space<vmem>> -> memref<1x128xi32, #tpu.memory_space<vmem>>
      %dma_wait3A_307 = tpu.memref_squeeze %dma_wait3A_306 : memref<1x128xi32, #tpu.memory_space<vmem>> -> memref<128xi32, #tpu.memory_space<vmem>>
      %dma_wait3A_308 = arith.constant 0 : i32
      %dma_wait3A_309 = arith.constant 0 : i32
      %dma_wait3A_310 = tpu.memref_slice %arg6[%dma_wait3A_308, %dma_wait3A_309] : memref<10240x64xbf16, #tpu.memory_space<hbm>> -> memref<10240x64xbf16, #tpu.memory_space<hbm>>
      tpu.wait_indirect_dma semaphore(%arg20 : memref<!tpu.dma_semaphore, #tpu.memory_space<semaphore_mem>>) src(%dma_wait3A_310 : memref<10240x64xbf16, #tpu.memory_space<hbm>>) dst(%arg15 : memref<128x64xbf16, #tpu.memory_space<vmem>>)
      %gt3A_311 = arith.constant 0 : i32
      %gt3A_312 = arith.cmpi sgt, %while3A_277, %gt3A_311 : i32
      %convert_element_type3A_313 = arith.extui %gt3A_312 : i1 to i32
      %cond3A_314 = arith.constant 0 : i32
      %cond3A_315 = arith.cmpi ne, %convert_element_type3A_313, %cond3A_314 : i32
      scf.if %cond3A_315 {
        %dma_wait3A_331 = arith.constant 0 : i32
        %dma_wait3A_332 = tpu.memref_slice %arg9[%add3A_304, %dma_wait3A_331] : memref<80x128xi32, #tpu.memory_space<vmem>> -> memref<1x128xi32, #tpu.memory_space<vmem>>
        %dma_wait3A_333 = tpu.memref_squeeze %dma_wait3A_332 : memref<1x128xi32, #tpu.memory_space<vmem>> -> memref<128xi32, #tpu.memory_space<vmem>>
        %dma_wait3A_334 = arith.constant 0 : i32
        %dma_wait3A_335 = arith.constant 0 : i32
        %dma_wait3A_336 = tpu.memref_slice %arg18[%dma_wait3A_334, %dma_wait3A_335] : memref<10240x64xf32, #tpu.memory_space<vmem_shared>> -> memref<10240x64xf32, #tpu.memory_space<vmem_shared>>
        tpu.wait_indirect_dma semaphore(%arg22 : memref<!tpu.dma_semaphore, #tpu.memory_space<semaphore_mem>>) src(%arg17 : memref<128x64xf32, #tpu.memory_space<vmem>>) dst(%dma_wait3A_336 : memref<10240x64xf32, #tpu.memory_space<vmem_shared>>)
      } else {
      }
      %parallel_loop3A_316 = arith.constant 0 : i32
      %parallel_loop3A_317 = arith.constant 128 : i32
      %parallel_loop3A_318 = arith.constant 1 : i32
      scf.for %parallel_loop3A_331 = %parallel_loop3A_316 to %parallel_loop3A_317 step %parallel_loop3A_318  : i32 {
        %parallel_loop3A_332 = vector.broadcast %add3A_304 : i32 to vector<16xi32>
        %parallel_loop3A_333 = vector.broadcast %parallel_loop3A_331 : i32 to vector<16xi32>
        %parallel_loop3A_334 = tpu.vector_load_idx %arg11[%parallel_loop3A_332, %parallel_loop3A_333] : memref<80x128xf32, #tpu.memory_space<vmem>>[vector<16xi32>, vector<16xi32>], vector<16xf32>,
        %parallel_loop3A_335 = arith.index_cast %parallel_loop3A_331 : i32 to index
        %parallel_loop3A_336 = arith.constant 0 : index
        %parallel_loop3A_337 = tpu.vector_load %arg15[%parallel_loop3A_335, %parallel_loop3A_336] {strides = array<i32>} : memref<128x64xbf16, #tpu.memory_space<vmem>>, vector<32xbf16>,
        %parallel_loop3A_338 = tpu.unpack_subelements %parallel_loop3A_337, 0 {pack_format = #tpu.pack_format<interleaved>} : vector<32xbf16> -> vector<16xf32>
        %parallel_loop3A_339 = tpu.unpack_subelements %parallel_loop3A_337, 1 {pack_format = #tpu.pack_format<interleaved>} : vector<32xbf16> -> vector<16xf32>
        %parallel_loop3A_340 = arith.mulf %parallel_loop3A_338, %parallel_loop3A_334 : vector<16xf32>
        %parallel_loop3A_341 = arith.index_cast %parallel_loop3A_331 : i32 to index
        %parallel_loop3A_342 = arith.constant 0 : index
        %parallel_loop3A_343 = tpu.vector_load %arg17[%parallel_loop3A_341, %parallel_loop3A_342] {strides = array<i32>} : memref<128x64xf32, #tpu.memory_space<vmem>>, vector<16xf32>,
        tpu.vector_store %arg17[%parallel_loop3A_341, %parallel_loop3A_342], %parallel_loop3A_340 {strides = array<i32>} : memref<128x64xf32, #tpu.memory_space<vmem>>, vector<16xf32>,
        %parallel_loop3A_344 = arith.mulf %parallel_loop3A_339, %parallel_loop3A_334 : vector<16xf32>
        %parallel_loop3A_345 = arith.index_cast %parallel_loop3A_331 : i32 to index
        %parallel_loop3A_346 = arith.constant 16 : index
        %parallel_loop3A_347 = tpu.vector_load %arg17[%parallel_loop3A_345, %parallel_loop3A_346] {strides = array<i32>} : memref<128x64xf32, #tpu.memory_space<vmem>>, vector<16xf32>,
        tpu.vector_store %arg17[%parallel_loop3A_345, %parallel_loop3A_346], %parallel_loop3A_344 {strides = array<i32>} : memref<128x64xf32, #tpu.memory_space<vmem>>, vector<16xf32>,
        %parallel_loop3A_348 = arith.index_cast %parallel_loop3A_331 : i32 to index
        %parallel_loop3A_349 = arith.constant 32 : index
        %parallel_loop3A_350 = tpu.vector_load %arg15[%parallel_loop3A_348, %parallel_loop3A_349] {strides = array<i32>} : memref<128x64xbf16, #tpu.memory_space<vmem>>, vector<32xbf16>,
        %parallel_loop3A_351 = tpu.unpack_subelements %parallel_loop3A_350, 0 {pack_format = #tpu.pack_format<interleaved>} : vector<32xbf16> -> vector<16xf32>
        %parallel_loop3A_352 = tpu.unpack_subelements %parallel_loop3A_350, 1 {pack_format = #tpu.pack_format<interleaved>} : vector<32xbf16> -> vector<16xf32>
        %parallel_loop3A_353 = arith.mulf %parallel_loop3A_351, %parallel_loop3A_334 : vector<16xf32>
        %parallel_loop3A_354 = arith.index_cast %parallel_loop3A_331 : i32 to index
        %parallel_loop3A_355 = arith.constant 32 : index
        %parallel_loop3A_356 = tpu.vector_load %arg17[%parallel_loop3A_354, %parallel_loop3A_355] {strides = array<i32>} : memref<128x64xf32, #tpu.memory_space<vmem>>, vector<16xf32>,
        tpu.vector_store %arg17[%parallel_loop3A_354, %parallel_loop3A_355], %parallel_loop3A_353 {strides = array<i32>} : memref<128x64xf32, #tpu.memory_space<vmem>>, vector<16xf32>,
        %parallel_loop3A_357 = arith.mulf %parallel_loop3A_352, %parallel_loop3A_334 : vector<16xf32>
        %parallel_loop3A_358 = arith.index_cast %parallel_loop3A_331 : i32 to index
        %parallel_loop3A_359 = arith.constant 48 : index
        %parallel_loop3A_360 = tpu.vector_load %arg17[%parallel_loop3A_358, %parallel_loop3A_359] {strides = array<i32>} : memref<128x64xf32, #tpu.memory_space<vmem>>, vector<16xf32>,
        tpu.vector_store %arg17[%parallel_loop3A_358, %parallel_loop3A_359], %parallel_loop3A_357 {strides = array<i32>} : memref<128x64xf32, #tpu.memory_space<vmem>>, vector<16xf32>,
      } {sc.loop_unroll_factor = 4 : i64, sc.parallel_access}
      %add3A_319 = arith.constant 2 : i32
      %add3A_320 = arith.addi %add3A_304, %add3A_319 : i32
      %lt3A_321 = arith.cmpi slt, %add3A_320, %select_n3A : i32
      %convert_element_type3A_322 = arith.extui %lt3A_321 : i1 to i32
      %cond3A_323 = arith.constant 0 : i32
      %cond3A_324 = arith.cmpi ne, %convert_element_type3A_322, %cond3A_323 : i32
      scf.if %cond3A_324 {
        %add3A_331 = arith.constant 2 : i32
        %add3A_332 = arith.addi %add3A_304, %add3A_331 : i32
        %dma_start3A_333 = arith.constant 0 : i32
        %dma_start3A_334 = tpu.memref_slice %arg10[%add3A_332, %dma_start3A_333] : memref<80x128xi32, #tpu.memory_space<vmem>> -> memref<1x128xi32, #tpu.memory_space<vmem>>
        %dma_start3A_335 = tpu.memref_squeeze %dma_start3A_334 : memref<1x128xi32, #tpu.memory_space<vmem>> -> memref<128xi32, #tpu.memory_space<vmem>>
        %dma_start3A_336 = arith.constant 0 : i32
        %dma_start3A_337 = arith.constant 0 : i32
        %dma_start3A_338 = tpu.memref_slice %arg6[%dma_start3A_336, %dma_start3A_337] : memref<10240x64xbf16, #tpu.memory_space<hbm>> -> memref<10240x64xbf16, #tpu.memory_space<hbm>>
        tpu.enqueue_indirect_dma source(%dma_start3A_338 : memref<10240x64xbf16, #tpu.memory_space<hbm>>) target(%arg15 : memref<128x64xbf16, #tpu.memory_space<vmem>>) offsets(%dma_start3A_335 : memref<128xi32, #tpu.memory_space<vmem>>) semaphore(%arg20 : memref<!tpu.dma_semaphore, #tpu.memory_space<semaphore_mem>>)
      } else {
      }
      %dma_start3A_325 = arith.constant 0 : i32
      %dma_start3A_326 = tpu.memref_slice %arg9[%add3A_304, %dma_start3A_325] : memref<80x128xi32, #tpu.memory_space<vmem>> -> memref<1x128xi32, #tpu.memory_space<vmem>>
      %dma_start3A_327 = tpu.memref_squeeze %dma_start3A_326 : memref<1x128xi32, #tpu.memory_space<vmem>> -> memref<128xi32, #tpu.memory_space<vmem>>
      %dma_start3A_328 = arith.constant 0 : i32
      %dma_start3A_329 = arith.constant 0 : i32
      %dma_start3A_330 = tpu.memref_slice %arg18[%dma_start3A_328, %dma_start3A_329] : memref<10240x64xf32, #tpu.memory_space<vmem_shared>> -> memref<10240x64xf32, #tpu.memory_space<vmem_shared>>
      tpu.enqueue_indirect_dma source(%arg17 : memref<128x64xf32, #tpu.memory_space<vmem>>) target(%dma_start3A_330 : memref<10240x64xf32, #tpu.memory_space<vmem_shared>>) offsets(%dma_start3A_327 : memref<128xi32, #tpu.memory_space<vmem>>) semaphore(%arg22 : memref<!tpu.dma_semaphore, #tpu.memory_space<semaphore_mem>>) {add = true}
    }
    %while3A_256 = arith.constant 1 : i32
    scf.for %while3A_277 = %while3A_254 to %while3A_250 step %while3A_256  : i32 {
      %mul3A_278 = arith.constant 2 : i32
      %mul3A_279 = arith.muli %mul3A_278, %while3A_277 : i32
      %dma_wait3A_280 = arith.constant 0 : i32
      %dma_wait3A_281 = tpu.memref_slice %arg10[%mul3A_279, %dma_wait3A_280] : memref<80x128xi32, #tpu.memory_space<vmem>> -> memref<1x128xi32, #tpu.memory_space<vmem>>
      %dma_wait3A_282 = tpu.memref_squeeze %dma_wait3A_281 : memref<1x128xi32, #tpu.memory_space<vmem>> -> memref<128xi32, #tpu.memory_space<vmem>>
      %dma_wait3A_283 = arith.constant 0 : i32
      %dma_wait3A_284 = arith.constant 0 : i32
      %dma_wait3A_285 = tpu.memref_slice %arg6[%dma_wait3A_283, %dma_wait3A_284] : memref<10240x64xbf16, #tpu.memory_space<hbm>> -> memref<10240x64xbf16, #tpu.memory_space<hbm>>
      tpu.wait_indirect_dma semaphore(%arg19 : memref<!tpu.dma_semaphore, #tpu.memory_space<semaphore_mem>>) src(%dma_wait3A_285 : memref<10240x64xbf16, #tpu.memory_space<hbm>>) dst(%arg14 : memref<128x64xbf16, #tpu.memory_space<vmem>>)
      %gt3A = arith.constant 0 : i32
      %gt3A_286 = arith.cmpi sgt, %while3A_277, %gt3A : i32
      %convert_element_type3A = arith.extui %gt3A_286 : i1 to i32
      %cond3A = arith.constant 0 : i32
      %cond3A_287 = arith.cmpi ne, %convert_element_type3A, %cond3A : i32
      scf.if %cond3A_287 {
        %dma_wait3A_331 = arith.constant 0 : i32
        %dma_wait3A_332 = tpu.memref_slice %arg9[%mul3A_279, %dma_wait3A_331] : memref<80x128xi32, #tpu.memory_space<vmem>> -> memref<1x128xi32, #tpu.memory_space<vmem>>
        %dma_wait3A_333 = tpu.memref_squeeze %dma_wait3A_332 : memref<1x128xi32, #tpu.memory_space<vmem>> -> memref<128xi32, #tpu.memory_space<vmem>>
        %dma_wait3A_334 = arith.constant 0 : i32
        %dma_wait3A_335 = arith.constant 0 : i32
        %dma_wait3A_336 = tpu.memref_slice %arg18[%dma_wait3A_334, %dma_wait3A_335] : memref<10240x64xf32, #tpu.memory_space<vmem_shared>> -> memref<10240x64xf32, #tpu.memory_space<vmem_shared>>
        tpu.wait_indirect_dma semaphore(%arg21 : memref<!tpu.dma_semaphore, #tpu.memory_space<semaphore_mem>>) src(%arg16 : memref<128x64xf32, #tpu.memory_space<vmem>>) dst(%dma_wait3A_336 : memref<10240x64xf32, #tpu.memory_space<vmem_shared>>)
      } else {
      }
      %parallel_loop3A = arith.constant 0 : i32
      %parallel_loop3A_288 = arith.constant 128 : i32
      %parallel_loop3A_289 = arith.constant 1 : i32
      scf.for %parallel_loop3A_331 = %parallel_loop3A to %parallel_loop3A_288 step %parallel_loop3A_289  : i32 {
        %parallel_loop3A_332 = vector.broadcast %mul3A_279 : i32 to vector<16xi32>
        %parallel_loop3A_333 = vector.broadcast %parallel_loop3A_331 : i32 to vector<16xi32>
        %parallel_loop3A_334 = tpu.vector_load_idx %arg11[%parallel_loop3A_332, %parallel_loop3A_333] : memref<80x128xf32, #tpu.memory_space<vmem>>[vector<16xi32>, vector<16xi32>], vector<16xf32>,
        %parallel_loop3A_335 = arith.index_cast %parallel_loop3A_331 : i32 to index
        %parallel_loop3A_336 = arith.constant 0 : index
        %parallel_loop3A_337 = tpu.vector_load %arg14[%parallel_loop3A_335, %parallel_loop3A_336] {strides = array<i32>} : memref<128x64xbf16, #tpu.memory_space<vmem>>, vector<32xbf16>,
        %parallel_loop3A_338 = tpu.unpack_subelements %parallel_loop3A_337, 0 {pack_format = #tpu.pack_format<interleaved>} : vector<32xbf16> -> vector<16xf32>
        %parallel_loop3A_339 = tpu.unpack_subelements %parallel_loop3A_337, 1 {pack_format = #tpu.pack_format<interleaved>} : vector<32xbf16> -> vector<16xf32>
        %parallel_loop3A_340 = arith.mulf %parallel_loop3A_338, %parallel_loop3A_334 : vector<16xf32>
        %parallel_loop3A_341 = arith.index_cast %parallel_loop3A_331 : i32 to index
        %parallel_loop3A_342 = arith.constant 0 : index
        %parallel_loop3A_343 = tpu.vector_load %arg16[%parallel_loop3A_341, %parallel_loop3A_342] {strides = array<i32>} : memref<128x64xf32, #tpu.memory_space<vmem>>, vector<16xf32>,
        tpu.vector_store %arg16[%parallel_loop3A_341, %parallel_loop3A_342], %parallel_loop3A_340 {strides = array<i32>} : memref<128x64xf32, #tpu.memory_space<vmem>>, vector<16xf32>,
        %parallel_loop3A_344 = arith.mulf %parallel_loop3A_339, %parallel_loop3A_334 : vector<16xf32>
        %parallel_loop3A_345 = arith.index_cast %parallel_loop3A_331 : i32 to index
        %parallel_loop3A_346 = arith.constant 16 : index
        %parallel_loop3A_347 = tpu.vector_load %arg16[%parallel_loop3A_345, %parallel_loop3A_346] {strides = array<i32>} : memref<128x64xf32, #tpu.memory_space<vmem>>, vector<16xf32>,
        tpu.vector_store %arg16[%parallel_loop3A_345, %parallel_loop3A_346], %parallel_loop3A_344 {strides = array<i32>} : memref<128x64xf32, #tpu.memory_space<vmem>>, vector<16xf32>,
        %parallel_loop3A_348 = arith.index_cast %parallel_loop3A_331 : i32 to index
        %parallel_loop3A_349 = arith.constant 32 : index
        %parallel_loop3A_350 = tpu.vector_load %arg14[%parallel_loop3A_348, %parallel_loop3A_349] {strides = array<i32>} : memref<128x64xbf16, #tpu.memory_space<vmem>>, vector<32xbf16>,
        %parallel_loop3A_351 = tpu.unpack_subelements %parallel_loop3A_350, 0 {pack_format = #tpu.pack_format<interleaved>} : vector<32xbf16> -> vector<16xf32>
        %parallel_loop3A_352 = tpu.unpack_subelements %parallel_loop3A_350, 1 {pack_format = #tpu.pack_format<interleaved>} : vector<32xbf16> -> vector<16xf32>
        %parallel_loop3A_353 = arith.mulf %parallel_loop3A_351, %parallel_loop3A_334 : vector<16xf32>
        %parallel_loop3A_354 = arith.index_cast %parallel_loop3A_331 : i32 to index
        %parallel_loop3A_355 = arith.constant 32 : index
        %parallel_loop3A_356 = tpu.vector_load %arg16[%parallel_loop3A_354, %parallel_loop3A_355] {strides = array<i32>} : memref<128x64xf32, #tpu.memory_space<vmem>>, vector<16xf32>,
        tpu.vector_store %arg16[%parallel_loop3A_354, %parallel_loop3A_355], %parallel_loop3A_353 {strides = array<i32>} : memref<128x64xf32, #tpu.memory_space<vmem>>, vector<16xf32>,
        %parallel_loop3A_357 = arith.mulf %parallel_loop3A_352, %parallel_loop3A_334 : vector<16xf32>
        %parallel_loop3A_358 = arith.index_cast %parallel_loop3A_331 : i32 to index
        %parallel_loop3A_359 = arith.constant 48 : index
        %parallel_loop3A_360 = tpu.vector_load %arg16[%parallel_loop3A_358, %parallel_loop3A_359] {strides = array<i32>} : memref<128x64xf32, #tpu.memory_space<vmem>>, vector<16xf32>,
        tpu.vector_store %arg16[%parallel_loop3A_358, %parallel_loop3A_359], %parallel_loop3A_357 {strides = array<i32>} : memref<128x64xf32, #tpu.memory_space<vmem>>, vector<16xf32>,
      } {sc.loop_unroll_factor = 4 : i64, sc.parallel_access}
      %add3A_290 = arith.constant 2 : i32
      %add3A_291 = arith.addi %mul3A_279, %add3A_290 : i32
      %lt3A = arith.cmpi slt, %add3A_291, %select_n3A : i32
      %convert_element_type3A_292 = arith.extui %lt3A : i1 to i32
      %cond3A_293 = arith.constant 0 : i32
      %cond3A_294 = arith.cmpi ne, %convert_element_type3A_292, %cond3A_293 : i32
      scf.if %cond3A_294 {
        %add3A_331 = arith.constant 2 : i32
        %add3A_332 = arith.addi %mul3A_279, %add3A_331 : i32
        %dma_start3A_333 = arith.constant 0 : i32
        %dma_start3A_334 = tpu.memref_slice %arg10[%add3A_332, %dma_start3A_333] : memref<80x128xi32, #tpu.memory_space<vmem>> -> memref<1x128xi32, #tpu.memory_space<vmem>>
        %dma_start3A_335 = tpu.memref_squeeze %dma_start3A_334 : memref<1x128xi32, #tpu.memory_space<vmem>> -> memref<128xi32, #tpu.memory_space<vmem>>
        %dma_start3A_336 = arith.constant 0 : i32
        %dma_start3A_337 = arith.constant 0 : i32
        %dma_start3A_338 = tpu.memref_slice %arg6[%dma_start3A_336, %dma_start3A_337] : memref<10240x64xbf16, #tpu.memory_space<hbm>> -> memref<10240x64xbf16, #tpu.memory_space<hbm>>
        tpu.enqueue_indirect_dma source(%dma_start3A_338 : memref<10240x64xbf16, #tpu.memory_space<hbm>>) target(%arg14 : memref<128x64xbf16, #tpu.memory_space<vmem>>) offsets(%dma_start3A_335 : memref<128xi32, #tpu.memory_space<vmem>>) semaphore(%arg19 : memref<!tpu.dma_semaphore, #tpu.memory_space<semaphore_mem>>)
      } else {
      }
      %dma_start3A_295 = arith.constant 0 : i32
      %dma_start3A_296 = tpu.memref_slice %arg9[%mul3A_279, %dma_start3A_295] : memref<80x128xi32, #tpu.memory_space<vmem>> -> memref<1x128xi32, #tpu.memory_space<vmem>>
      %dma_start3A_297 = tpu.memref_squeeze %dma_start3A_296 : memref<1x128xi32, #tpu.memory_space<vmem>> -> memref<128xi32, #tpu.memory_space<vmem>>
      %dma_start3A_298 = arith.constant 0 : i32
      %dma_start3A_299 = arith.constant 0 : i32
      %dma_start3A_300 = tpu.memref_slice %arg18[%dma_start3A_298, %dma_start3A_299] : memref<10240x64xf32, #tpu.memory_space<vmem_shared>> -> memref<10240x64xf32, #tpu.memory_space<vmem_shared>>
      tpu.enqueue_indirect_dma source(%arg16 : memref<128x64xf32, #tpu.memory_space<vmem>>) target(%dma_start3A_300 : memref<10240x64xf32, #tpu.memory_space<vmem_shared>>) offsets(%dma_start3A_297 : memref<128xi32, #tpu.memory_space<vmem>>) semaphore(%arg21 : memref<!tpu.dma_semaphore, #tpu.memory_space<semaphore_mem>>) {add = true}
      %mul3A_301 = arith.constant 2 : i32
      %mul3A_302 = arith.muli %mul3A_301, %while3A_277 : i32
      %add3A_303 = arith.constant 1 : i32
      %add3A_304 = arith.addi %mul3A_302, %add3A_303 : i32
      %dma_wait3A_305 = arith.constant 0 : i32
      %dma_wait3A_306 = tpu.memref_slice %arg10[%add3A_304, %dma_wait3A_305] : memref<80x128xi32, #tpu.memory_space<vmem>> -> memref<1x128xi32, #tpu.memory_space<vmem>>
      %dma_wait3A_307 = tpu.memref_squeeze %dma_wait3A_306 : memref<1x128xi32, #tpu.memory_space<vmem>> -> memref<128xi32, #tpu.memory_space<vmem>>
      %dma_wait3A_308 = arith.constant 0 : i32
      %dma_wait3A_309 = arith.constant 0 : i32
      %dma_wait3A_310 = tpu.memref_slice %arg6[%dma_wait3A_308, %dma_wait3A_309] : memref<10240x64xbf16, #tpu.memory_space<hbm>> -> memref<10240x64xbf16, #tpu.memory_space<hbm>>
      tpu.wait_indirect_dma semaphore(%arg20 : memref<!tpu.dma_semaphore, #tpu.memory_space<semaphore_mem>>) src(%dma_wait3A_310 : memref<10240x64xbf16, #tpu.memory_space<hbm>>) dst(%arg15 : memref<128x64xbf16, #tpu.memory_space<vmem>>)
      %gt3A_311 = arith.constant 0 : i32
      %gt3A_312 = arith.cmpi sgt, %while3A_277, %gt3A_311 : i32
      %convert_element_type3A_313 = arith.extui %gt3A_312 : i1 to i32
      %cond3A_314 = arith.constant 0 : i32
      %cond3A_315 = arith.cmpi ne, %convert_element_type3A_313, %cond3A_314 : i32
      scf.if %cond3A_315 {
        %dma_wait3A_331 = arith.constant 0 : i32
        %dma_wait3A_332 = tpu.memref_slice %arg9[%add3A_304, %dma_wait3A_331] : memref<80x128xi32, #tpu.memory_space<vmem>> -> memref<1x128xi32, #tpu.memory_space<vmem>>
        %dma_wait3A_333 = tpu.memref_squeeze %dma_wait3A_332 : memref<1x128xi32, #tpu.memory_space<vmem>> -> memref<128xi32, #tpu.memory_space<vmem>>
        %dma_wait3A_334 = arith.constant 0 : i32
        %dma_wait3A_335 = arith.constant 0 : i32
        %dma_wait3A_336 = tpu.memref_slice %arg18[%dma_wait3A_334, %dma_wait3A_335] : memref<10240x64xf32, #tpu.memory_space<vmem_shared>> -> memref<10240x64xf32, #tpu.memory_space<vmem_shared>>
        tpu.wait_indirect_dma semaphore(%arg22 : memref<!tpu.dma_semaphore, #tpu.memory_space<semaphore_mem>>) src(%arg17 : memref<128x64xf32, #tpu.memory_space<vmem>>) dst(%dma_wait3A_336 : memref<10240x64xf32, #tpu.memory_space<vmem_shared>>)
      } else {
      }
      %parallel_loop3A_316 = arith.constant 0 : i32
      %parallel_loop3A_317 = arith.constant 128 : i32
      %parallel_loop3A_318 = arith.constant 1 : i32
      scf.for %parallel_loop3A_331 = %parallel_loop3A_316 to %parallel_loop3A_317 step %parallel_loop3A_318  : i32 {
        %parallel_loop3A_332 = vector.broadcast %add3A_304 : i32 to vector<16xi32>
        %parallel_loop3A_333 = vector.broadcast %parallel_loop3A_331 : i32 to vector<16xi32>
        %parallel_loop3A_334 = tpu.vector_load_idx %arg11[%parallel_loop3A_332, %parallel_loop3A_333] : memref<80x128xf32, #tpu.memory_space<vmem>>[vector<16xi32>, vector<16xi32>], vector<16xf32>,
        %parallel_loop3A_335 = arith.index_cast %parallel_loop3A_331 : i32 to index
        %parallel_loop3A_336 = arith.constant 0 : index
        %parallel_loop3A_337 = tpu.vector_load %arg15[%parallel_loop3A_335, %parallel_loop3A_336] {strides = array<i32>} : memref<128x64xbf16, #tpu.memory_space<vmem>>, vector<32xbf16>,
        %parallel_loop3A_338 = tpu.unpack_subelements %parallel_loop3A_337, 0 {pack_format = #tpu.pack_format<interleaved>} : vector<32xbf16> -> vector<16xf32>
        %parallel_loop3A_339 = tpu.unpack_subelements %parallel_loop3A_337, 1 {pack_format = #tpu.pack_format<interleaved>} : vector<32xbf16> -> vector<16xf32>
        %parallel_loop3A_340 = arith.mulf %parallel_loop3A_338, %parallel_loop3A_334 : vector<16xf32>
        %parallel_loop3A_341 = arith.index_cast %parallel_loop3A_331 : i32 to index
        %parallel_loop3A_342 = arith.constant 0 : index
        %parallel_loop3A_343 = tpu.vector_load %arg17[%parallel_loop3A_341, %parallel_loop3A_342] {strides = array<i32>} : memref<128x64xf32, #tpu.memory_space<vmem>>, vector<16xf32>,
        tpu.vector_store %arg17[%parallel_loop3A_341, %parallel_loop3A_342], %parallel_loop3A_340 {strides = array<i32>} : memref<128x64xf32, #tpu.memory_space<vmem>>, vector<16xf32>,
        %parallel_loop3A_344 = arith.mulf %parallel_loop3A_339, %parallel_loop3A_334 : vector<16xf32>
        %parallel_loop3A_345 = arith.index_cast %parallel_loop3A_331 : i32 to index
        %parallel_loop3A_346 = arith.constant 16 : index
        %parallel_loop3A_347 = tpu.vector_load %arg17[%parallel_loop3A_345, %parallel_loop3A_346] {strides = array<i32>} : memref<128x64xf32, #tpu.memory_space<vmem>>, vector<16xf32>,
        tpu.vector_store %arg17[%parallel_loop3A_345, %parallel_loop3A_346], %parallel_loop3A_344 {strides = array<i32>} : memref<128x64xf32, #tpu.memory_space<vmem>>, vector<16xf32>,
        %parallel_loop3A_348 = arith.index_cast %parallel_loop3A_331 : i32 to index
        %parallel_loop3A_349 = arith.constant 32 : index
        %parallel_loop3A_350 = tpu.vector_load %arg15[%parallel_loop3A_348, %parallel_loop3A_349] {strides = array<i32>} : memref<128x64xbf16, #tpu.memory_space<vmem>>, vector<32xbf16>,
        %parallel_loop3A_351 = tpu.unpack_subelements %parallel_loop3A_350, 0 {pack_format = #tpu.pack_format<interleaved>} : vector<32xbf16> -> vector<16xf32>
        %parallel_loop3A_352 = tpu.unpack_subelements %parallel_loop3A_350, 1 {pack_format = #tpu.pack_format<interleaved>} : vector<32xbf16> -> vector<16xf32>
        %parallel_loop3A_353 = arith.mulf %parallel_loop3A_351, %parallel_loop3A_334 : vector<16xf32>
        %parallel_loop3A_354 = arith.index_cast %parallel_loop3A_331 : i32 to index
        %parallel_loop3A_355 = arith.constant 32 : index
        %parallel_loop3A_356 = tpu.vector_load %arg17[%parallel_loop3A_354, %parallel_loop3A_355] {strides = array<i32>} : memref<128x64xf32, #tpu.memory_space<vmem>>, vector<16xf32>,
        tpu.vector_store %arg17[%parallel_loop3A_354, %parallel_loop3A_355], %parallel_loop3A_353 {strides = array<i32>} : memref<128x64xf32, #tpu.memory_space<vmem>>, vector<16xf32>,
        %parallel_loop3A_357 = arith.mulf %parallel_loop3A_352, %parallel_loop3A_334 : vector<16xf32>
        %parallel_loop3A_358 = arith.index_cast %parallel_loop3A_331 : i32 to index
        %parallel_loop3A_359 = arith.constant 48 : index
        %parallel_loop3A_360 = tpu.vector_load %arg17[%parallel_loop3A_358, %parallel_loop3A_359] {strides = array<i32>} : memref<128x64xf32, #tpu.memory_space<vmem>>, vector<16xf32>,
        tpu.vector_store %arg17[%parallel_loop3A_358, %parallel_loop3A_359], %parallel_loop3A_357 {strides = array<i32>} : memref<128x64xf32, #tpu.memory_space<vmem>>, vector<16xf32>,
      } {sc.loop_unroll_factor = 4 : i64, sc.parallel_access}
      %add3A_319 = arith.constant 2 : i32
      %add3A_320 = arith.addi %add3A_304, %add3A_319 : i32
      %lt3A_321 = arith.cmpi slt, %add3A_320, %select_n3A : i32
      %convert_element_type3A_322 = arith.extui %lt3A_321 : i1 to i32
      %cond3A_323 = arith.constant 0 : i32
      %cond3A_324 = arith.cmpi ne, %convert_element_type3A_322, %cond3A_323 : i32
      scf.if %cond3A_324 {
        %add3A_331 = arith.constant 2 : i32
        %add3A_332 = arith.addi %add3A_304, %add3A_331 : i32
        %dma_start3A_333 = arith.constant 0 : i32
        %dma_start3A_334 = tpu.memref_slice %arg10[%add3A_332, %dma_start3A_333] : memref<80x128xi32, #tpu.memory_space<vmem>> -> memref<1x128xi32, #tpu.memory_space<vmem>>
        %dma_start3A_335 = tpu.memref_squeeze %dma_start3A_334 : memref<1x128xi32, #tpu.memory_space<vmem>> -> memref<128xi32, #tpu.memory_space<vmem>>
        %dma_start3A_336 = arith.constant 0 : i32
        %dma_start3A_337 = arith.constant 0 : i32
        %dma_start3A_338 = tpu.memref_slice %arg6[%dma_start3A_336, %dma_start3A_337] : memref<10240x64xbf16, #tpu.memory_space<hbm>> -> memref<10240x64xbf16, #tpu.memory_space<hbm>>
        tpu.enqueue_indirect_dma source(%dma_start3A_338 : memref<10240x64xbf16, #tpu.memory_space<hbm>>) target(%arg15 : memref<128x64xbf16, #tpu.memory_space<vmem>>) offsets(%dma_start3A_335 : memref<128xi32, #tpu.memory_space<vmem>>) semaphore(%arg20 : memref<!tpu.dma_semaphore, #tpu.memory_space<semaphore_mem>>)
      } else {
      }
      %dma_start3A_325 = arith.constant 0 : i32
      %dma_start3A_326 = tpu.memref_slice %arg9[%add3A_304, %dma_start3A_325] : memref<80x128xi32, #tpu.memory_space<vmem>> -> memref<1x128xi32, #tpu.memory_space<vmem>>
      %dma_start3A_327 = tpu.memref_squeeze %dma_start3A_326 : memref<1x128xi32, #tpu.memory_space<vmem>> -> memref<128xi32, #tpu.memory_space<vmem>>
      %dma_start3A_328 = arith.constant 0 : i32
      %dma_start3A_329 = arith.constant 0 : i32
      %dma_start3A_330 = tpu.memref_slice %arg18[%dma_start3A_328, %dma_start3A_329] : memref<10240x64xf32, #tpu.memory_space<vmem_shared>> -> memref<10240x64xf32, #tpu.memory_space<vmem_shared>>
      tpu.enqueue_indirect_dma source(%arg17 : memref<128x64xf32, #tpu.memory_space<vmem>>) target(%dma_start3A_330 : memref<10240x64xf32, #tpu.memory_space<vmem_shared>>) offsets(%dma_start3A_327 : memref<128xi32, #tpu.memory_space<vmem>>) semaphore(%arg22 : memref<!tpu.dma_semaphore, #tpu.memory_space<semaphore_mem>>) {add = true}
    }
    %dma_wait3A_257 = arith.constant 0 : i32
    %dma_wait3A_258 = arith.constant 0 : i32
    %dma_wait3A_259 = tpu.memref_slice %arg9[%dma_wait3A_257, %dma_wait3A_258] : memref<80x128xi32, #tpu.memory_space<vmem>> -> memref<1x128xi32, #tpu.memory_space<vmem>>
    %dma_wait3A_260 = tpu.memref_squeeze %dma_wait3A_259 : memref<1x128xi32, #tpu.memory_space<vmem>> -> memref<128xi32, #tpu.memory_space<vmem>>
    %dma_wait3A_261 = arith.constant 0 : i32
    %dma_wait3A_262 = arith.constant 0 : i32
    %dma_wait3A_263 = tpu.memref_slice %arg18[%dma_wait3A_261, %dma_wait3A_262] : memref<10240x64xf32, #tpu.memory_space<vmem_shared>> -> memref<10240x64xf32, #tpu.memory_space<vmem_shared>>
    tpu.wait_indirect_dma semaphore(%arg21 : memref<!tpu.dma_semaphore, #tpu.memory_space<semaphore_mem>>) src(%arg16 : memref<128x64xf32, #tpu.memory_space<vmem>>) dst(%dma_wait3A_263 : memref<10240x64xf32, #tpu.memory_space<vmem_shared>>)
    %dma_wait3A_264 = arith.constant 0 : i32
    %dma_wait3A_265 = arith.constant 0 : i32
    %dma_wait3A_266 = tpu.memref_slice %arg9[%dma_wait3A_264, %dma_wait3A_265] : memref<80x128xi32, #tpu.memory_space<vmem>> -> memref<1x128xi32, #tpu.memory_space<vmem>>
    %dma_wait3A_267 = tpu.memref_squeeze %dma_wait3A_266 : memref<1x128xi32, #tpu.memory_space<vmem>> -> memref<128xi32, #tpu.memory_space<vmem>>
    %dma_wait3A_268 = arith.constant 0 : i32
    %dma_wait3A_269 = arith.constant 0 : i32
    %dma_wait3A_270 = tpu.memref_slice %arg18[%dma_wait3A_268, %dma_wait3A_269] : memref<10240x64xf32, #tpu.memory_space<vmem_shared>> -> memref<10240x64xf32, #tpu.memory_space<vmem_shared>>
    tpu.wait_indirect_dma semaphore(%arg22 : memref<!tpu.dma_semaphore, #tpu.memory_space<semaphore_mem>>) src(%arg17 : memref<128x64xf32, #tpu.memory_space<vmem>>) dst(%dma_wait3A_270 : memref<10240x64xf32, #tpu.memory_space<vmem_shared>>)
    %barrier3A_271 = arith.constant 0 : index
    tpu.barrier barrier_id(%barrier3A_271)
    %mul3A_272 = arith.constant 640 : i32
    %mul3A_273 = arith.muli %arg1, %mul3A_272 : i32
    %mul3A_274 = arith.constant 640 : i32
    %mul3A_275 = arith.muli %arg1, %mul3A_274 : i32
    %run_scoped3A_276 = arith.constant 1 : i32
    "tpu.region"() ({
      %run_scoped3A_277 = tpu.sem_alloc : memref<!tpu.dma_semaphore, #tpu.memory_space<semaphore_mem>>
      %dma_start3A_278 = arith.constant 0 : i32
      %dma_start3A_279 = tpu.memref_slice %arg8[%arg0, %run_scoped3A_276, %mul3A_275, %dma_start3A_278] : memref<2x2x10240x64xf32, #tpu.memory_space<hbm>> -> memref<1x1x640x64xf32, #tpu.memory_space<hbm>>
      %dma_start3A_280 = tpu.memref_squeeze %dma_start3A_279 : memref<1x1x640x64xf32, #tpu.memory_space<hbm>> -> memref<640x64xf32, #tpu.memory_space<hbm>>
      %dma_start3A_281 = arith.constant 0 : i32
      %dma_start3A_282 = tpu.memref_slice %arg18[%mul3A_273, %dma_start3A_281] : memref<10240x64xf32, #tpu.memory_space<vmem_shared>> -> memref<640x64xf32, #tpu.memory_space<vmem_shared>>
      tpu.enqueue_dma source(%dma_start3A_282 : memref<640x64xf32, #tpu.memory_space<vmem_shared>>) target(%dma_start3A_280 : memref<640x64xf32, #tpu.memory_space<hbm>>) target_semaphore(%run_scoped3A_277 : memref<!tpu.dma_semaphore, #tpu.memory_space<semaphore_mem>>)
      %dma_wait3A_283 = arith.constant 0 : i32
      %dma_wait3A_284 = tpu.memref_slice %arg8[%arg0, %run_scoped3A_276, %mul3A_275, %dma_wait3A_283] : memref<2x2x10240x64xf32, #tpu.memory_space<hbm>> -> memref<1x1x640x64xf32, #tpu.memory_space<hbm>>
      %dma_wait3A_285 = tpu.memref_squeeze %dma_wait3A_284 : memref<1x1x640x64xf32, #tpu.memory_space<hbm>> -> memref<640x64xf32, #tpu.memory_space<hbm>>
      %dma_wait3A_286 = arith.constant 0 : i32
      %dma_wait3A_287 = tpu.memref_slice %arg18[%mul3A_273, %dma_wait3A_286] : memref<10240x64xf32, #tpu.memory_space<vmem_shared>> -> memref<640x64xf32, #tpu.memory_space<vmem_shared>>
      tpu.wait_dma2 semaphore(%run_scoped3A_277 : memref<!tpu.dma_semaphore, #tpu.memory_space<semaphore_mem>>) src(%dma_wait3A_287 : memref<640x64xf32, #tpu.memory_space<vmem_shared>>) dst(%dma_wait3A_285 : memref<640x64xf32, #tpu.memory_space<hbm>>)
      tpu.yield
    }) : () -> ()
    return
  }
}

module attributes {stable_mosaic.version = 14 : i64} {
  func.func @_k1_body(%arg0: i32, %arg1: memref<1024x128xf32, #tpu.memory_space<vmem>>, %arg2: memref<128x128xf32, #tpu.memory_space<vmem>>, %arg3: memref<2x128xf32, #tpu.memory_space<vmem>>, %arg4: memref<2x1xf32, #tpu.memory_space<vmem>>, %arg5: memref<1024x64xbf16, #tpu.memory_space<vmem>>, %arg6: memref<1024x64xbf16, #tpu.memory_space<vmem>>, %arg7: memref<2x1024xf32, #tpu.memory_space<vmem>>) attributes {dimension_semantics = [#tpu.dimension_semantics<arbitrary>], iteration_bounds = array<i64: 10>, scalar_prefetch = 0 : i64, scratch_operands = 0 : i64, tpu.core_type = #tpu.core_type<tc>, window_params = [{transform_indices = @transform_0, window_bounds = array<i64: 1024, 128>}, {pipeline_mode = #tpu.pipeline_mode<synchronous>, transform_indices = @transform_1, window_bounds = array<i64: 128, 128>}, {pipeline_mode = #tpu.pipeline_mode<synchronous>, transform_indices = @transform_2, window_bounds = array<i64: 2, 128>}, {pipeline_mode = #tpu.pipeline_mode<synchronous>, transform_indices = @transform_3, window_bounds = array<i64: 2, 1>}, {transform_indices = @transform_4, window_bounds = array<i64: 1024, 64>}, {transform_indices = @transform_5, window_bounds = array<i64: 1024, 64>}, {transform_indices = @transform_6, window_bounds = array<i64: 2, 1024>}]} {
    %get3A = arith.constant 0 : index
    %get3A_0 = arith.constant 0 : index
    %get3A_1 = vector.load %arg1[%get3A, %get3A_0] : memref<1024x128xf32, #tpu.memory_space<vmem>>, vector<1024x128xf32>
    %get3A_2 = arith.constant 0 : index
    %get3A_3 = arith.constant 0 : index
    %get3A_4 = vector.load %arg2[%get3A_2, %get3A_3] : memref<128x128xf32, #tpu.memory_space<vmem>>, vector<128x128xf32>
    %dot_general3A = arith.constant dense<0.000000e+00> : vector<1024x128xf32>
    %dot_general3A_5 = tpu.matmul %get3A_1, %get3A_4, %dot_general3A {dimension_numbers = #tpu.dot_dimension_numbers<[1], [1], [0], [0], [0, 0, 1, 0], [], []>, transpose_lhs_hint = false} : vector<1024x128xf32>, vector<128x128xf32>, vector<1024x128xf32> -> vector<1024x128xf32>
    %slice3A = vector.extract_strided_slice %dot_general3A_5 {offsets = [0, 0], sizes = [1024, 64], strides = [1, 1]} : vector<1024x128xf32> to vector<1024x64xf32>
    %convert_element_type3A = arith.truncf %slice3A : vector<1024x64xf32> to vector<1024x64xbf16>
    %swap3A = arith.constant 0 : index
    %swap3A_6 = arith.constant 0 : index
    %swap3A_7 = vector.load %arg5[%swap3A, %swap3A_6] : memref<1024x64xbf16, #tpu.memory_space<vmem>>, vector<1024x64xbf16>
    tpu.vector_store %arg5[%swap3A, %swap3A_6], %convert_element_type3A {strides = array<i32>} : memref<1024x64xbf16, #tpu.memory_space<vmem>>, vector<1024x64xbf16>,
    %slice3A_8 = vector.extract_strided_slice %dot_general3A_5 {offsets = [0, 64], sizes = [1024, 64], strides = [1, 1]} : vector<1024x128xf32> to vector<1024x64xf32>
    %convert_element_type3A_9 = arith.truncf %slice3A_8 : vector<1024x64xf32> to vector<1024x64xbf16>
    %swap3A_10 = arith.constant 0 : index
    %swap3A_11 = arith.constant 0 : index
    %swap3A_12 = vector.load %arg6[%swap3A_10, %swap3A_11] : memref<1024x64xbf16, #tpu.memory_space<vmem>>, vector<1024x64xbf16>
    tpu.vector_store %arg6[%swap3A_10, %swap3A_11], %convert_element_type3A_9 {strides = array<i32>} : memref<1024x64xbf16, #tpu.memory_space<vmem>>, vector<1024x64xbf16>,
    %get3A_13 = arith.constant 0 : index
    %get3A_14 = arith.constant 0 : index
    %get3A_15 = vector.load %arg3[%get3A_13, %get3A_14] : memref<2x128xf32, #tpu.memory_space<vmem>>, vector<2x128xf32>
    %dot_general3A_16 = arith.constant dense<0.000000e+00> : vector<2x1024xf32>
    %dot_general3A_17 = tpu.matmul %get3A_15, %dot_general3A_5, %dot_general3A_16 {dimension_numbers = #tpu.dot_dimension_numbers<[1], [1], [0], [0], [0, 0, 1, 0], [], []>, transpose_lhs_hint = false} : vector<2x128xf32>, vector<1024x128xf32>, vector<2x1024xf32> -> vector<2x1024xf32>
    %get3A_18 = arith.constant 0 : index
    %get3A_19 = arith.constant 0 : index
    %get3A_20 = vector.load %arg4[%get3A_18, %get3A_19] : memref<2x1xf32, #tpu.memory_space<vmem>>, vector<2x1xf32>
    %add3A = vector.broadcast %get3A_20 : vector<2x1xf32> to vector<2x1024xf32>
    %add3A_21 = arith.addf %dot_general3A_17, %add3A : vector<2x1024xf32>
    %swap3A_22 = arith.constant 0 : index
    %swap3A_23 = arith.constant 0 : index
    %swap3A_24 = vector.load %arg7[%swap3A_22, %swap3A_23] : memref<2x1024xf32, #tpu.memory_space<vmem>>, vector<2x1024xf32>
    tpu.vector_store %arg7[%swap3A_22, %swap3A_23], %add3A_21 {strides = array<i32>} : memref<2x1024xf32, #tpu.memory_space<vmem>>, vector<2x1024xf32>,
    return
  }
  func.func @transform_0(%arg0: i32) -> (i32, i32) {
    %c0_i32 = arith.constant 0 : i32
    %c0_i32_0 = arith.constant 0 : i32
    return %arg0, %c0_i32 : i32, i32
  }
  func.func @transform_1(%arg0: i32) -> (i32, i32) {
    %c0_i32 = arith.constant 0 : i32
    %c0_i32_0 = arith.constant 0 : i32
    %c0_i32_1 = arith.constant 0 : i32
    return %c0_i32, %c0_i32_0 : i32, i32
  }
  func.func @transform_2(%arg0: i32) -> (i32, i32) {
    %c0_i32 = arith.constant 0 : i32
    %c0_i32_0 = arith.constant 0 : i32
    %c0_i32_1 = arith.constant 0 : i32
    return %c0_i32, %c0_i32_0 : i32, i32
  }
  func.func @transform_3(%arg0: i32) -> (i32, i32) {
    %c0_i32 = arith.constant 0 : i32
    %c0_i32_0 = arith.constant 0 : i32
    %c0_i32_1 = arith.constant 0 : i32
    return %c0_i32, %c0_i32_0 : i32, i32
  }
  func.func @transform_4(%arg0: i32) -> (i32, i32) {
    %c0_i32 = arith.constant 0 : i32
    %c0_i32_0 = arith.constant 0 : i32
    return %arg0, %c0_i32 : i32, i32
  }
  func.func @transform_5(%arg0: i32) -> (i32, i32) {
    %c0_i32 = arith.constant 0 : i32
    %c0_i32_0 = arith.constant 0 : i32
    return %arg0, %c0_i32 : i32, i32
  }
  func.func @transform_6(%arg0: i32) -> (i32, i32) {
    %c0_i32 = arith.constant 0 : i32
    %c0_i32_0 = arith.constant 0 : i32
    return %c0_i32, %arg0 : i32, i32
  }
}

module attributes {stable_mosaic.version = 14 : i64} {
  func.func @_k4_body(%arg0: i32, %arg1: memref<2x2x1000x64xf32, #tpu.memory_space<vmem>>, %arg2: memref<1000x128xf32, #tpu.memory_space<vmem>>) attributes {dimension_semantics = [#tpu.dimension_semantics<arbitrary>], iteration_bounds = array<i64: 10>, scalar_prefetch = 0 : i64, scratch_operands = 0 : i64, tpu.core_type = #tpu.core_type<tc>, window_params = [{transform_indices = @transform_0, window_bounds = array<i64: 2, 2, 1000, 64>}, {transform_indices = @transform_1, window_bounds = array<i64: 1000, 128>}]} {
    %get3A = arith.constant 0 : index
    %get3A_0 = arith.constant 0 : index
    %get3A_1 = arith.constant 0 : index
    %get3A_2 = arith.constant 0 : index
    %get3A_3 = vector.load %arg1[%get3A, %get3A_0, %get3A_1, %get3A_2] : memref<2x2x1000x64xf32, #tpu.memory_space<vmem>>, vector<1x1x1000x64xf32>
    %get3A_4 = vector.shape_cast %get3A_3 : vector<1x1x1000x64xf32> to vector<1000x64xf32>
    %get3A_5 = arith.constant 1 : index
    %get3A_6 = arith.constant 0 : index
    %get3A_7 = arith.constant 0 : index
    %get3A_8 = arith.constant 0 : index
    %get3A_9 = vector.load %arg1[%get3A_5, %get3A_6, %get3A_7, %get3A_8] : memref<2x2x1000x64xf32, #tpu.memory_space<vmem>>, vector<1x1x1000x64xf32>
    %get3A_10 = vector.shape_cast %get3A_9 : vector<1x1x1000x64xf32> to vector<1000x64xf32>
    %add3A = arith.addf %get3A_4, %get3A_10 : vector<1000x64xf32>
    %swap3A = arith.constant 0 : index
    %swap3A_11 = arith.constant 0 : index
    %swap3A_12 = vector.load %arg2[%swap3A, %swap3A_11] : memref<1000x128xf32, #tpu.memory_space<vmem>>, vector<1000x64xf32>
    tpu.vector_store %arg2[%swap3A, %swap3A_11], %add3A {strides = array<i32>} : memref<1000x128xf32, #tpu.memory_space<vmem>>, vector<1000x64xf32>,
    %get3A_13 = arith.constant 0 : index
    %get3A_14 = arith.constant 1 : index
    %get3A_15 = arith.constant 0 : index
    %get3A_16 = arith.constant 0 : index
    %get3A_17 = vector.load %arg1[%get3A_13, %get3A_14, %get3A_15, %get3A_16] : memref<2x2x1000x64xf32, #tpu.memory_space<vmem>>, vector<1x1x1000x64xf32>
    %get3A_18 = vector.shape_cast %get3A_17 : vector<1x1x1000x64xf32> to vector<1000x64xf32>
    %get3A_19 = arith.constant 1 : index
    %get3A_20 = arith.constant 1 : index
    %get3A_21 = arith.constant 0 : index
    %get3A_22 = arith.constant 0 : index
    %get3A_23 = vector.load %arg1[%get3A_19, %get3A_20, %get3A_21, %get3A_22] : memref<2x2x1000x64xf32, #tpu.memory_space<vmem>>, vector<1x1x1000x64xf32>
    %get3A_24 = vector.shape_cast %get3A_23 : vector<1x1x1000x64xf32> to vector<1000x64xf32>
    %add3A_25 = arith.addf %get3A_18, %get3A_24 : vector<1000x64xf32>
    %swap3A_26 = arith.constant 0 : index
    %swap3A_27 = arith.constant 64 : index
    %swap3A_28 = vector.load %arg2[%swap3A_26, %swap3A_27] : memref<1000x128xf32, #tpu.memory_space<vmem>>, vector<1000x64xf32>
    tpu.vector_store %arg2[%swap3A_26, %swap3A_27], %add3A_25 {strides = array<i32>} : memref<1000x128xf32, #tpu.memory_space<vmem>>, vector<1000x64xf32>,
    return
  }
  func.func @transform_0(%arg0: i32) -> (i32, i32, i32, i32) {
    %c0_i32 = arith.constant 0 : i32
    %c0_i32_0 = arith.constant 0 : i32
    %c0_i32_1 = arith.constant 0 : i32
    %c0_i32_2 = arith.constant 0 : i32
    return %c0_i32, %c0_i32_0, %arg0, %c0_i32_1 : i32, i32, i32, i32
  }
  func.func @transform_1(%arg0: i32) -> (i32, i32) {
    %c0_i32 = arith.constant 0 : i32
    %c0_i32_0 = arith.constant 0 : i32
    return %arg0, %c0_i32 : i32, i32
  }
}

</mosaic_0001>

<sc_bundles>
// kernel: kernel.6.cloned.1.call-start
scs
__scs_entry_jumppad:
0x0: {  	(pc) =	sbr.rel $0x88, $3  }
0x1: {  	(tag) =	ssettag $0x0;
	lr =	simm.s32 $0x1  }
0x2: {  	[smem:$0x3F9C] =	sst lr;
	_ =	strace $0xD0000000  }
0x3: {  	_ = 	snop  }
0x4: {  	_ = 	snop  }
0x5: {  	_ = 	snop  }
0x6: {  	_ = 	snop  }
0x7: {  	_ = 	snop  }
__scs_overlays_trampoline_lowered:
0x8: {  	[smem:$0x3FAB] =	sst s0  }
0x9: {  	[smem:$0x3FAC] =	sst s1  }
0xa: {  	[smem:$0x3FAD] =	sst s2  }
0xb: {  	[smem:$0x3FAE] =	sst s3  }
0xc: {  	[smem:$0x3FAF] =	sst s4  }
0xd: {  	[smem:$0x3FB0] =	sst s5  }
0xe: {  	[smem:$0x3FB1] =	sst s6  }
0xf: {  	[smem:$0x3FB2] =	sst s7  }
0x10: {  	[smem:$0x3FB3] =	sst s8  }
0x11: {  	[smem:$0x3FB4] =	sst s9;
	s0 =	simm.s32 @!p0 $0x0  }
0x12: {  	s1 =	sld [smem:$0x3F9A];
	s0 =	simm.s32 @p0 $0x1  }
0x13: {  	[smem:$0x3FB5] =	sst s0;
	s0 =	simm.s32 @!p1 $0x0  }
0x14: {  	s2 =	sld [smem:$0x3F99];
	s0 =	simm.s32 @p1 $0x1  }
0x15: {  	[smem:$0x3FB6] =	sst s0;
	s0 =	simm.s32 @!p2 $0x0  }
0x16: {  	s3 =	sld [smem:$0x3FDB];
	s0 =	simm.s32 @p2 $0x1  }
0x17: {  	s4 =	simm.s32 $0x1BF5;
	[smem:$0x3FB8] =	sst s0  }
0x18: {  	s0 =	sld [smem:$0x3F9B];
	_ =	swait.ge [sflag:s4], $0x0  }
0x19: {  	s7 =	sld [smem:$0x3F9C]  }
0x1a: {  	s8 =	sadd.s32 $0xFFFFE003, lr  }
0x1b: {  	s9 =	sadd.s32 $0xFFFFFEF7, lr;
	s5 =	simm.s32 $0xFFFFFFFF;
	p2 =	slt.u32 s8, $0xFFFFF086  }
0x1c: {  	p1 =	slt.u32 s9, $0xF7A;
	s5 =	simm.s32 @!p2 $0x0  }
0x1d: {  	s5 =	simm.s32 @p1 $0x1;
	p0 =	seq.s32 s7, s2  }
0x1e: {  	s7 =	smul.u32 @!p0 $0xF7A, s2;
	p2 =	seq.s32 @!p0 s5, $0x0  }
0x1f: {  	s9 =	smul.u32 $0xF7A, s1;
	s8 =	simm.s32 @!p0 $0x1BF5;
	p2 =	por !p2, p0  }
0x20: {  	[sflag:s8] =	ssyncset.s32 @!p0 $0xFFFFF086;
	s6 =	sadd.s32 @!p0 s3, s7;
	s7 =	simm.s32 @!p0 $0x108  }
0x21: {  	s3 =	sadd.s32 s3, s9;
	s6 =	sadd.s32 @!p0 $0x88, s6;
	s7 =	simm.s32 @p2 $0x1082  }
0x22: {  	[simem:s7], [sflag:s8] =	dma.local @!p0 [hbm:s6], $0xF7A  }
0x23: {  	s9 =	sor.u32 $0xD0000000, s2;
	s6 =	simm.s32 $0x108;
	_ =	swait.ge @!p0 [sflag:s8], $0x0  }
0x24: {  	s3 =	sadd.s32 $0x88, s3;
	s6 =	simm.s32 @!p1 $0x1082;
	[sflag:s4] =	ssyncset.s32 $0xFFFFF086  }
0x25: {  	[simem:s6], [sflag:s4] =	dma.local [hbm:s3], $0xF7A  }
0x26: {  	[smem:$0x3F9C] =	sst s1;
	(tag) =	ssettag s2;
	_ =	strace s9  }
0x27: {  	s1 =	sld [smem:$0x3FAC]  }
0x28: {  	s2 =	sld [smem:$0x3FAD]  }
0x29: {  	s4 =	sld [smem:$0x3FAF]  }
0x2a: {  	p0 =	seq.s32 s5, $0x0;
	s5 =	sld [smem:$0x3FB0]  }
0x2b: {  	s6 =	sld [smem:$0x3FB1]  }
0x2c: {  	s7 =	sld [smem:$0x3FB2]  }
0x2d: {  	s3 =	simm.s32 $0x108;
	s8 =	sld [smem:$0x3FB3]  }
0x2e: {  	s3 =	simm.s32 @!p0 $0x1082;
	s9 =	sld [smem:$0x3FB4]  }
0x2f: {  	lr =	sadd.s32 s0, s3;
	s0 =	sld [smem:$0x3FAB]  }
0x30: {  	s3 =	sld [smem:$0x3FAE]  }
0x31: {  	[smem:$0x3FB7] =	sst s10  }
0x32: {  	s10 =	sld [smem:$0x3FB5];
	_ =	sdelay $0x3  }
0x33: {  	p0 =	seq.s32 s10, $0x1;
	s10 =	sld [smem:$0x3FB7];
	_ =	sdelay $0x3  }
0x34: {  	[smem:$0x3FB7] =	sst s10  }
0x35: {  	s10 =	sld [smem:$0x3FB6];
	_ =	sdelay $0x3  }
0x36: {  	p1 =	seq.s32 s10, $0x1;
	s10 =	sld [smem:$0x3FB7];
	_ =	sdelay $0x3  }
0x37: {  	[smem:$0x3FB7] =	sst s10  }
0x38: {  	s10 =	sld [smem:$0x3FB8]  }
0x39: {  	_ = 	snop;
	(pc) =	sbr.ind lr, $3  }
0x3a: {  	_ = 	snop  }
0x3b: {  	_ = 	snop  }
0x3c: {  	p2 =	seq.s32 s10, $0x1;
	s10 =	sld [smem:$0x3FB7]  }
0x3d: {  	_ =	shalt  }
0x3e: {  	_ =	shalt  }
0x3f: {  	_ =	shalt  }
0x40: {  	_ =	shalt  }
0x41: {  	_ =	shalt  }
0x42: {  	_ =	shalt  }
0x43: {  	_ =	shalt  }
0x44: {  	_ =	shalt  }
0x45: {  	_ =	shalt  }
0x46: {  	_ =	shalt  }
0x47: {  	_ =	shalt  }
0x48: {  	_ =	shalt  }
0x49: {  	_ =	shalt  }
0x4a: {  	_ =	shalt  }
0x4b: {  	_ =	shalt  }
0x4c: {  	_ =	shalt  }
0x4d: {  	_ =	shalt  }
0x4e: {  	_ =	shalt  }
0x4f: {  	_ =	shalt  }
0x50: {  	_ =	shalt  }
0x51: {  	_ =	shalt  }
0x52: {  	_ =	shalt  }
0x53: {  	_ =	shalt  }
0x54: {  	_ =	shalt  }
0x55: {  	_ =	shalt  }
0x56: {  	_ =	shalt  }
0x57: {  	_ =	shalt  }
0x58: {  	_ =	shalt  }
0x59: {  	_ =	shalt  }
0x5a: {  	_ =	shalt  }
0x5b: {  	_ =	shalt  }
0x5c: {  	_ =	shalt  }
0x5d: {  	_ =	shalt  }
0x5e: {  	_ =	shalt  }
0x5f: {  	_ =	shalt  }
0x60: {  	_ =	shalt  }
0x61: {  	_ =	shalt  }
0x62: {  	_ =	shalt  }
0x63: {  	_ =	shalt  }
0x64: {  	_ =	shalt  }
0x65: {  	_ =	shalt  }
0x66: {  	_ =	shalt  }
0x67: {  	_ =	shalt  }
0x68: {  	_ =	shalt  }
0x69: {  	_ =	shalt  }
0x6a: {  	_ =	shalt  }
0x6b: {  	_ =	shalt  }
0x6c: {  	_ =	shalt  }
0x6d: {  	_ =	shalt  }
0x6e: {  	_ =	shalt  }
0x6f: {  	_ =	shalt  }
0x70: {  	_ =	shalt  }
0x71: {  	_ =	shalt  }
0x72: {  	_ =	shalt  }
0x73: {  	_ =	shalt  }
0x74: {  	_ =	shalt  }
0x75: {  	_ =	shalt  }
0x76: {  	_ =	shalt  }
0x77: {  	_ =	shalt  }
0x78: {  	_ =	shalt  }
0x79: {  	_ =	shalt  }
0x7a: {  	_ =	shalt  }
0x7b: {  	_ =	shalt  }
0x7c: {  	_ =	shalt  }
0x7d: {  	_ =	shalt  }
0x7e: {  	_ =	shalt  }
0x7f: {  	_ =	shalt  }
0x80: {  	_ =	shalt  }
0x81: {  	_ =	shalt  }
0x82: {  	_ =	shalt  }
0x83: {  	_ =	shalt  }
0x84: {  	_ =	shalt  }
0x85: {  	_ =	shalt  }
0x86: {  	_ =	shalt  }
0x87: {  	_ =	shalt  }
.Lfunc_end0:
.L_simem_size_0:
called_computation_lowered:
.L_overlay_start_0:
0x88: {  	s2 =	sld [smem:$0x3FD9]  }
0x89: {  	s3 =	sld [smem:$0x3FFE];
	_ =	sdelay $0x1  }
0x8a: {  	s1 =	srdreg.scid  }
0x8b: {  	s0 =	sand.u32 $0x1, s1  }
0x8c: {  	s14 =	sshll.u32 s0, $0xA;
	s2 =	sadd.s32 s3, s2  }
0x8d: {  	s2 =	sadd.s32 s2, s14  }
0x8e: {  	[smem:$0x3FC3] =	sst s2  }
0x8f: {  	_ = 	snop  }
0x90: {  	s2 =	sld [smem:$0x3FD0];
	_ =	sdelay $0x2  }
0x91: {  	s15 =	simm.s32 $0xA;
	s4 =	simm.s32 $0x10  }
0x92: {  	[smem:s4], [sflag:s15] =	dma.local [hbm:s2], $0x1  }
0x93: {  	_ =	swait.eq [sflag:s15], $0x1  }
0x94: {  	[sflag:s15] =	ssyncset.done $0x0  }
0x95: {  	s16 =	sld [smem:$0x10];
	[sflag:s15] =	ssyncadd.s32 $0xFFFFFFFF  }
0x96: {  	s17 =	sld [smem:$0x11];
	(tm) =	ssettm $0x1  }
0x97: {  	s18 =	sld [smem:$0x3FFB];
	_ =	sdelay $0x3  }
0x98: {  	_ =	strace s18  }
0x99: {  	s4 =	sld [smem:$0x3FFC];
	_ =	sdelay $0x3  }
0x9a: {  	_ =	strace s4  }
0x9b: {  	s4 =	sld [smem:$0x3FFD];
	_ =	sdelay $0x3  }
0x9c: {  	_ =	strace s4  }
0x9d: {  	_ =	strace $0x8FFFFFFF  }
0x9e: {  	s19 =	sld [smem:$0x3FDB];
	_ =	sdelay $0x1  }
0x9f: {  	s5 =	simm.s32 $_scs_section_size  }
0xa0: {  	s6 =	simm.s32 $_size__tile_overlayer_lowered;
	s7 =	simm.s32 $_tile_overlayer_lowered  }
0xa1: {  	s22 =	simm.s32 $0x1BFF;
	s21 =	sshll.u32 s7, $0x1;
	s4 =	sadd.s32 s5, s19  }
0xa2: {  	s8 =	simm.s32 $0x0;
	s20 =	sshll.u32 s6, $0x1;
	s6 =	sadd.s32 s21, s4  }
0xa3: {  	[timem:s8], [sflag:s22] =	dma.local [hbm:s6], s20  }
0xa4: {  	_ =	swait.ge [sflag:s22], s20  }
0xa5: {  	s5 =	ssub.s32 $0x0, s20;
	[sflag:s22] =	ssyncset.done $0x0  }
0xa6: {  	[sflag:s22] =	ssyncadd.s32 s5;
	_ =	sdelay $0x1  }
0xa7: {  	s23 =	simm.s32 $0x1B8B  }
0xa8: {  	_ =	swait.ge [sflag:s23], $0x1  }
0xa9: {  	[sflag:s23] =	ssyncset.done $0x0  }
0xaa: {  	s25 =	simm.s32 $0x1B8E;
	s24 =	sld [smem:$0x3FFE];
	[sflag:s23] =	ssyncadd.s32 $0xFFFFFFFF  }
0xab: {  	s26 =	simm.s32 $execute0_lowered;
	[smem:$0x3FD2] =	sst s25  }
0xac: {  	s6 =	sshll.u32 s26, $0x1;
	_ =	strace $0x80000046;
	[dreg:$0x1] =	wrdreg $0xFFFFFFFF  }
0xad: {  	s28 =	simm.s32 $_size_execute0_lowered;
	s4 =	sadd.s32 s4, s6;
	[dreg:$0x0] =	wrdreg $0x0  }
0xae: {  	s6 =	sshll.u32 s28, $0x1;
	[dreg:$0x2] =	wrdreg s4  }
0xaf: {  	[dreg:$0x3] =	wrdreg s6  }
0xb0: {  	[dreg:$0x4] =	wrdreg $0xC0  }
0xb1: {  	_ =	task [dreg:s8], $0x5FFFF  }
0xb2: {  	[dreg:$0x1] =	wrdreg $0xFFFFFFFF  }
0xb3: {  	[dreg:$0x0] =	wrdreg $0x60  }
0xb4: {  	[dreg:$0x2] =	wrdreg s16  }
0xb5: {  	[dreg:$0x3] =	wrdreg s17  }
0xb6: {  	[dreg:$0x4] =	wrdreg s24  }
0xb7: {  	[dreg:$0x5] =	wrdreg $0xCA800  }
0xb8: {  	[dreg:$0x6] =	wrdreg $0x9  }
0xb9: {  	_ =	task.clear_ibuf [dreg:s8], $0x7FFFF;
	_ =	strace $0x90000046  }
0xba: {  	s29 =	simm.s32 $0x9;
	_ =	strace $0x80000048  }
0xbb: {  	_ =	swait.ge [sflag:s29], $0x1  }
0xbc: {  	[sflag:s29] =	ssyncadd.s32 $0xFFFFFFFF  }
0xbd: {  	_ =	strace $0x90000048  }
0xbe: {  	_ =	sfence  }
0xbf: {  	s30 =	sld [smem:$0x0];
	_ =	sdelay $0x2  }
0xc0: {  	s31 =	sshll.u32 s1, $0xD;
	s1 =	sshrl.u32 s1, $0x2  }
0xc1: {  	s3 =	sand.u32 $0x4000, s31;
	s1 =	sadd.s32 s1, s30  }
0xc2: {  	s0 =	sor.u32 s3, s0;
	s1 =	sshll.u32 s1, $0x11  }
0xc3: {  	s0 =	sor.u32 s1, s0  }
0xc4: {  	s0 =	sadd.s32 $0x8F2B, s0  }
0xc5: {  	[sflag:s0] =	ssyncadd.remote.s32 $0x1  }
0xc6: {  	_ =	sfence.sel $0xFFFF  }
0xc7: {  	[dreg:$0x0] =	wrdreg $0xFFFFFFFF;
	(pc) =	sbr.abs _section_cstart, $3  }
0xc8: {  	[dreg:$0x1] =	wrdreg $0xFFFFFFFF  }
0xc9: {  	_ =	task.clear_ibuf [dreg:s8], $0x2FFFF;
	_ =	strace $0x9FFFFFFF  }
0xca: {  	(tm) =	ssettm $0x7FFFFFFF  }
0xcb: {  	_ =	shalt  }
tec
execute0_lowered:
.L_overlay_start_1:
0x0: {  	(tag) =	ssettag $0x1  }
0x1: {  	s6 =	rddreg [dreg:$0x0]  }
0x2: {  	s1 =	rddreg [dreg:$0x1]  }
0x3: {  	s5 =	rddreg [dreg:$0x2]  }
0x4: {  	s3 =	rddreg [dreg:$0x3]  }
0x5: {  	s0 =	rddreg [dreg:$0x4];
	s4 =	srdreg.scid  }
0x6: {  	s2 =	stileid.u32;
	s15 =	simm.s32 $0x7800;
	s16 =	simm.s32 $0x1  }
0x7: {  	s17 =	simm.s32 $0xC800;
	s18 =	simm.s32 $0x2;
	s19 =	simm.s32 $0x80  }
0x8: {  	s20 =	simm.s32 $0x0;
	s7 =	sand.u32 $0x1, s4;
	s8 =	sshll.u32 s2, $0x1  }
0x9: {  	s9 =	smul.u32 $0x280, s2;
	s4 =	simm.s32 $0x0;
	s8 =	sor.u32 s7, s8  }
0xa: {  	s10 =	smul.u32 $0x2800, s7;
	[smem:$0x7FF] =	sst s4;
	s7 =	ssub.s32 $0x2, s7  }
0xb: {  	s11 =	smul.u32 $0x2800, s8;
	_ =	strace $0x80000047;
	s12 =	sshrl.u32 s7, $0x1  }
0xc: {  	p0 =	seq.s32 s8, $0x1F;
	s8 =	sadd.s32 $0x500, s1;
	s10 =	sadd.s32 s9, s10  }
0xd: {  	s12 =	ssub.s32 s7, s12;
	s9 =	sadd.s32 s9, s3;
	s11 =	sshrl.u32 s11, $0x3  }
0xe: {  	s10 =	sshrl.u32 s10, $0x3;
	s12 =	smax.u32 s12, $0x1;
	s13 =	sadd.s32 s11, s5  }
0xf: {  	s14 =	sadd.s32 s10, s5;
	s5 =	simm.s32 $0x14;
	s6 =	sadd.s32 s6, s11  }
0x10: {  	s5 =	simm.s32 @!p0 $0x50;
	s7 =	sadd.s32 $0xA000, s6;
	s10 =	sadd.s32 $0x1E00, s13  }
0x11: {  	v0 =	vimm.f32 $0.0e+00;
	s11 =	sadd.s32 $0xBE00, s14;
	s13 =	simm.s32 $0x2800;
	s14 =	simm.s32 $0x5000  }
.LBB2_1:
0x12: {  	[tilespmem:s4], [sflag:$0x1] =	stream.linear.gather [hbm4b:s6+s4], $0x2800, $0x38;
	[tilespmem:$0xCD00] =	vst v63  }
0x13: {  	_ = 	snop  }
0x14: {  	[tilespmem:s13], [sflag:$0x1] =	stream.linear.gather [hbm4b:s7+s4], $0x2800, $0x38;
	[tilespmem:$0xCD00] =	vst v63  }
0x15: {  	_ = 	snop  }
0x16: {  	[tilespmem:s14], [sflag:$0x1] =	stream.linear.gather [hbm4b:s1+s4], $0x2800, $0x38;
	[tilespmem:$0xCD00] =	vst v63  }
0x17: {  	_ = 	snop  }
0x18: {  	[tilespmem:s15], [sflag:$0x1] =	stream.linear.gather [hbm4b:s8+s4], $0x2800, $0x38;
	[tilespmem:$0xCD00] =	vst v63  }
0x19: {  	_ =	swait.ge [sflag:s16], $0x2800  }
0x1a: {  	[sflag:s16] =	ssyncset.done $0x0  }
0x1b: {  	[sflag:s16] =	ssyncadd.s32 $0xFFFFD800  }
0x1c: {  	_ =	swait.ge [sflag:s16], $0x2800  }
0x1d: {  	[sflag:s16] =	ssyncset.done $0x0  }
0x1e: {  	[sflag:s16] =	ssyncadd.s32 $0xFFFFD800  }
0x1f: {  	_ =	swait.ge [sflag:s16], $0x2800  }
0x20: {  	[sflag:s16] =	ssyncset.done $0x0  }
0x21: {  	[sflag:s16] =	ssyncadd.s32 $0xFFFFD800  }
0x22: {  	_ =	swait.ge [sflag:s16], $0x2800  }
0x23: {  	[sflag:s16] =	ssyncset.done $0x0  }
0x24: {  	[sflag:s16] =	ssyncadd.s32 $0xFFFFD800  }
0x25: {  	[tilespmem:$0xC800] =	vst v0  }
0x26: {  	[tilespmem:$0xC810] =	vst v0  }
0x27: {  	[tilespmem:$0xC820] =	vst v0  }
0x28: {  	[tilespmem:$0xC830] =	vst v0  }
0x29: {  	[tilespmem:$0xC840] =	vst v0  }
0x2a: {  	[tilespmem:$0xC850] =	vst v0  }
0x2b: {  	[tilespmem:$0xC860] =	vst v0  }
0x2c: {  	[tilespmem:$0xC870] =	vst v0  }
0x2d: {  	[tilespmem:$0xC880] =	vst v0  }
0x2e: {  	[tilespmem:$0xC890] =	vst v0  }
0x2f: {  	[tilespmem:$0xC8A0] =	vst v0  }
0x30: {  	[tilespmem:$0xC8B0] =	vst v0  }
0x31: {  	[tilespmem:$0xC8C0] =	vst v0  }
0x32: {  	[tilespmem:$0xC8D0] =	vst v0  }
0x33: {  	[tilespmem:$0xC8E0] =	vst v0  }
0x34: {  	[tilespmem:$0xC8F0] =	vst v0  }
0x35: {  	[tilespmem:$0xC900] =	vst v0  }
0x36: {  	[tilespmem:$0xC910] =	vst v0  }
0x37: {  	[tilespmem:$0xC920] =	vst v0  }
0x38: {  	[tilespmem:$0xC930] =	vst v0  }
0x39: {  	[tilespmem:$0xC940] =	vst v0  }
0x3a: {  	[tilespmem:$0xC950] =	vst v0  }
0x3b: {  	[tilespmem:$0xC960] =	vst v0  }
0x3c: {  	[tilespmem:$0xC970] =	vst v0  }
0x3d: {  	[tilespmem:$0xC980] =	vst v0  }
0x3e: {  	[tilespmem:$0xC990] =	vst v0  }
0x3f: {  	[tilespmem:$0xC9A0] =	vst v0  }
0x40: {  	[tilespmem:$0xC9B0] =	vst v0  }
0x41: {  	[tilespmem:$0xC9C0] =	vst v0  }
0x42: {  	[tilespmem:$0xC9D0] =	vst v0  }
0x43: {  	[tilespmem:$0xC9E0] =	vst v0  }
0x44: {  	[tilespmem:$0xC9F0] =	vst v0  }
0x45: {  	[tilespmem:$0xCA00] =	vst v0  }
0x46: {  	[tilespmem:$0xCA10] =	vst v0  }
0x47: {  	[tilespmem:$0xCA20] =	vst v0  }
0x48: {  	[tilespmem:$0xCA30] =	vst v0  }
0x49: {  	[tilespmem:$0xCA40] =	vst v0  }
0x4a: {  	[tilespmem:$0xCA50] =	vst v0  }
0x4b: {  	[tilespmem:$0xCA60] =	vst v0  }
0x4c: {  	[tilespmem:$0xCA70] =	vst v0  }
0x4d: {  	[spmem:s9] =	stream.linear.scatter [tilespmem:s17], [sflag:$0x2], $0x280, $0x38;
	[tilespmem:$0xCD00] =	vst v63  }
0x4e: {  	_ =	swait.ge [sflag:s18], $0x280  }
0x4f: {  	[sflag:s18] =	ssyncset.done $0x0  }
0x50: {  	s21 =	simm.s32 $0x40;
	s22 =	simm.s32 $0x2840;
	[sflag:s18] =	ssyncadd.s32 $0xFFFFFD80  }
0x51: {  	s23 =	simm.s32 $0xA040;
	s24 =	smov.u32 s5;
	[bflag:$0x0] =	sbarrier.arrive $0xFFFF  }
.LBB2_2:
0x52: {  	v1 =	vld [tilespmem:s21+$0xFFFFFFC0]  }
0x53: {  	v2 =	vld [tilespmem:s22+$0xFFFFFFC0];
	_ =	sdelay $0x6  }
0x54: {  	v1 =	vld.idx.msk [tilespmem:v1+s14+$0x0], $0xffff  }
0x55: {  	v2 =	vld.idx.msk [tilespmem:v2+s15+$0x0], $0xffff;
	_ =	sdelay $0x4  }
0x56: {  	v1 =	vadd.f32 v2, v1;
	_ =	sdelay $0x1  }
0x57: {  	v2 =	vmul.f32 $5.000000070e-02, v1  }
0x58: {  	vm0 =	vge.f32 v1, $0.0e+00  }
0x59: {  	v1 =	vsel vm0, v1, v2  }
0x5a: {  	v1 =	vmul.f32 $1.442695020e+00, v1;
	_ =	sdelay $0x1  }
0x5b: {  	(erf) = vpow2.f32 v1;
	_ =	sdelay $0x8  }
0x5c: {  	v1 =	vpop (erf)  }
0x5d: {  	[tilespmem:s23+$0xFFFFFFC0] =	vst v1  }
0x5e: {  	v1 =	vld [tilespmem:s21+$0xFFFFFFD0]  }
0x5f: {  	v2 =	vld [tilespmem:s22+$0xFFFFFFD0];
	_ =	sdelay $0x6  }
0x60: {  	v1 =	vld.idx.msk [tilespmem:v1+s14+$0x0], $0xffff  }
0x61: {  	v2 =	vld.idx.msk [tilespmem:v2+s15+$0x0], $0xffff;
	_ =	sdelay $0x4  }
0x62: {  	v1 =	vadd.f32 v2, v1;
	_ =	sdelay $0x1  }
0x63: {  	v2 =	vmul.f32 $5.000000070e-02, v1  }
0x64: {  	vm9 =	vge.f32 v1, $0.0e+00  }
0x65: {  	v1 =	vsel vm9, v1, v2  }
0x66: {  	v1 =	vmul.f32 $1.442695020e+00, v1;
	_ =	sdelay $0x1  }
0x67: {  	(erf) = vpow2.f32 v1;
	_ =	sdelay $0x8  }
0x68: {  	v1 =	vpop (erf)  }
0x69: {  	[tilespmem:s23+$0xFFFFFFD0] =	vst v1  }
0x6a: {  	v1 =	vld [tilespmem:s21+$0xFFFFFFE0]  }
0x6b: {  	v2 =	vld [tilespmem:s22+$0xFFFFFFE0];
	_ =	sdelay $0x6  }
0x6c: {  	v1 =	vld.idx.msk [tilespmem:v1+s14+$0x0], $0xffff  }
0x6d: {  	v2 =	vld.idx.msk [tilespmem:v2+s15+$0x0], $0xffff;
	_ =	sdelay $0x4  }
0x6e: {  	v1 =	vadd.f32 v2, v1;
	_ =	sdelay $0x1  }
0x6f: {  	v2 =	vmul.f32 $5.000000070e-02, v1  }
0x70: {  	vm10 =	vge.f32 v1, $0.0e+00  }
0x71: {  	v1 =	vsel vm10, v1, v2  }
0x72: {  	v1 =	vmul.f32 $1.442695020e+00, v1;
	_ =	sdelay $0x1  }
0x73: {  	(erf) = vpow2.f32 v1;
	_ =	sdelay $0x8  }
0x74: {  	v1 =	vpop (erf)  }
0x75: {  	[tilespmem:s23+$0xFFFFFFE0] =	vst v1  }
0x76: {  	v1 =	vld [tilespmem:s21+$0xFFFFFFF0]  }
0x77: {  	v2 =	vld [tilespmem:s22+$0xFFFFFFF0];
	_ =	sdelay $0x6  }
0x78: {  	v1 =	vld.idx.msk [tilespmem:v1+s14+$0x0], $0xffff  }
0x79: {  	v2 =	vld.idx.msk [tilespmem:v2+s15+$0x0], $0xffff;
	_ =	sdelay $0x4  }
0x7a: {  	v1 =	vadd.f32 v2, v1;
	_ =	sdelay $0x1  }
0x7b: {  	v2 =	vmul.f32 $5.000000070e-02, v1  }
0x7c: {  	vm11 =	vge.f32 v1, $0.0e+00  }
0x7d: {  	v1 =	vsel vm11, v1, v2  }
0x7e: {  	v1 =	vmul.f32 $1.442695020e+00, v1;
	_ =	sdelay $0x1  }
0x7f: {  	(erf) = vpow2.f32 v1;
	_ =	sdelay $0x8  }
0x80: {  	v1 =	vpop (erf)  }
0x81: {  	[tilespmem:s23+$0xFFFFFFF0] =	vst v1  }
0x82: {  	v1 =	vld [tilespmem:s21+$0x0]  }
0x83: {  	v2 =	vld [tilespmem:s22+$0x0];
	_ =	sdelay $0x6  }
0x84: {  	v1 =	vld.idx.msk [tilespmem:v1+s14+$0x0], $0xffff  }
0x85: {  	v2 =	vld.idx.msk [tilespmem:v2+s15+$0x0], $0xffff;
	_ =	sdelay $0x4  }
0x86: {  	v1 =	vadd.f32 v2, v1;
	_ =	sdelay $0x1  }
0x87: {  	v2 =	vmul.f32 $5.000000070e-02, v1  }
0x88: {  	vm12 =	vge.f32 v1, $0.0e+00  }
0x89: {  	v1 =	vsel vm12, v1, v2  }
0x8a: {  	v1 =	vmul.f32 $1.442695020e+00, v1;
	_ =	sdelay $0x1  }
0x8b: {  	(erf) = vpow2.f32 v1;
	_ =	sdelay $0x8  }
0x8c: {  	v1 =	vpop (erf)  }
0x8d: {  	[tilespmem:s23+$0x0] =	vst v1  }
0x8e: {  	v1 =	vld [tilespmem:s21+$0x10]  }
0x8f: {  	v2 =	vld [tilespmem:s22+$0x10];
	_ =	sdelay $0x6  }
0x90: {  	v1 =	vld.idx.msk [tilespmem:v1+s14+$0x0], $0xffff  }
0x91: {  	v2 =	vld.idx.msk [tilespmem:v2+s15+$0x0], $0xffff;
	_ =	sdelay $0x4  }
0x92: {  	v1 =	vadd.f32 v2, v1;
	_ =	sdelay $0x1  }
0x93: {  	v2 =	vmul.f32 $5.000000070e-02, v1  }
0x94: {  	vm13 =	vge.f32 v1, $0.0e+00  }
0x95: {  	v1 =	vsel vm13, v1, v2  }
0x96: {  	v1 =	vmul.f32 $1.442695020e+00, v1;
	_ =	sdelay $0x1  }
0x97: {  	(erf) = vpow2.f32 v1;
	_ =	sdelay $0x8  }
0x98: {  	v1 =	vpop (erf)  }
0x99: {  	[tilespmem:s23+$0x10] =	vst v1  }
0x9a: {  	v1 =	vld [tilespmem:s21+$0x20]  }
0x9b: {  	v2 =	vld [tilespmem:s22+$0x20];
	_ =	sdelay $0x6  }
0x9c: {  	v1 =	vld.idx.msk [tilespmem:v1+s14+$0x0], $0xffff  }
0x9d: {  	v2 =	vld.idx.msk [tilespmem:v2+s15+$0x0], $0xffff;
	_ =	sdelay $0x4  }
0x9e: {  	v1 =	vadd.f32 v2, v1;
	_ =	sdelay $0x1  }
0x9f: {  	v2 =	vmul.f32 $5.000000070e-02, v1  }
0xa0: {  	vm14 =	vge.f32 v1, $0.0e+00  }
0xa1: {  	v1 =	vsel vm14, v1, v2  }
0xa2: {  	v1 =	vmul.f32 $1.442695020e+00, v1;
	_ =	sdelay $0x1  }
0xa3: {  	(erf) = vpow2.f32 v1;
	_ =	sdelay $0x8  }
0xa4: {  	v1 =	vpop (erf)  }
0xa5: {  	[tilespmem:s23+$0x20] =	vst v1  }
0xa6: {  	v1 =	vld [tilespmem:s21+$0x30]  }
0xa7: {  	v2 =	vld [tilespmem:s22+$0x30];
	_ =	sdelay $0x6  }
0xa8: {  	v1 =	vld.idx.msk [tilespmem:v1+s14+$0x0], $0xffff  }
0xa9: {  	v2 =	vld.idx.msk [tilespmem:v2+s15+$0x0], $0xffff;
	_ =	sdelay $0x4  }
0xaa: {  	v1 =	vadd.f32 v2, v1;
	_ =	sdelay $0x1  }
0xab: {  	v2 =	vmul.f32 $5.000000070e-02, v1  }
0xac: {  	vm15 =	vge.f32 v1, $0.0e+00  }
0xad: {  	v1 =	vsel vm15, v1, v2  }
0xae: {  	v1 =	vmul.f32 $1.442695020e+00, v1;
	_ =	sdelay $0x1  }
0xaf: {  	(erf) = vpow2.f32 v1;
	_ =	sdelay $0x4  }
0xb0: {  	p0 =	sne.s32 s24, $0x1  }
.Ltmp0:
0xb1: {  	_ = 	snop;
	(pc) =	sbr.rel @p0 .LBB2_2-.Ltmp0, $3  }
0xb2: {  	_ =	sdelay $0x1  }
0xb3: {  	s24 =	sadd.s32 $0xFFFFFFFF, s24;
	v1 =	vpop (erf)  }
0xb4: {  	s21 =	sadd.s32 $0x80, s21;
	s22 =	sadd.s32 $0x80, s22;
	[tilespmem:s23+$0x30] =	vst v1;
	s23 =	sadd.s32 $0x80, s23  }
0xb5: {  	s21 =	simm.s32 $0x0;
	s22 =	simm.s32 $0xA000;
	p0 =	sne.s32 s5, $0x1  }
0xb6: {  	[hbm4b:s10+s21] =	stream.linear.scatter [tilespmem:s22], [sflag:$0x2], $0x2800, $0x38;
	[tilespmem:$0xCD00] =	vst v63  }
.Ltmp1:
0xb7: {  	_ = 	snop;
	(pc) =	sbr.rel @!p0 .LBB2_5-.Ltmp1, $4  }
0xb8: {  	_ =	swait.ge [sflag:s18], $0x2800  }
0xb9: {  	[sflag:s18] =	ssyncset.done $0x0  }
0xba: {  	s23 =	sadd.s32 $0xFFFFFFFF, s5;
	[sflag:s18] =	ssyncadd.s32 $0xFFFFD800  }
0xbb: {  	[spmem:s3] =	stream.indirect.scatter.add.f32 [tilespmem:s22], [sflag:$0x1], $0x1, s21, s19, $0xb8;
	[tilespmem:$0xCD00] =	vst v63  }
.LBB2_4:
0xbc: {  	p1 =	sne.s32 s23, $0x1  }
.Ltmp2:
0xbd: {  	_ = 	snop;
	(pc) =	sbr.rel @p1 .LBB2_4-.Ltmp2, $4  }
0xbe: {  	_ = 	snop  }
0xbf: {  	s22 =	sadd.s32 $0x80, s22;
	s21 =	sadd.s32 $0x80, s21  }
0xc0: {  	s23 =	sadd.s32 $0xFFFFFFFF, s23  }
0xc1: {  	[spmem:s3] =	stream.indirect.scatter.add.f32 [tilespmem:s22], [sflag:$0x1], $0x1, s21, s19, $0xb8;
	[tilespmem:$0xCD00] =	vst v63  }
.LBB2_5:
.Ltmp3:
0xc2: {  	(pc) =	sbr.rel @!p0 .LBB2_7-.Ltmp3, $3  }
0xc3: {  	_ =	sdelay $0x1  }
0xc4: {  	_ =	swait.ge [sflag:s16], $0x80  }
0xc5: {  	s21 =	sadd.s32 $0xFFFFFFFF, s5;
	[sflag:s16] =	ssyncset.done $0x0  }
.LBB2_6:
0xc6: {  	p0 =	sne.s32 s21, $0x1;
	s21 =	sadd.s32 $0xFFFFFFFF, s21;
	[sflag:s16] =	ssyncadd.s32 $0xFFFFFF80  }
.Ltmp4:
0xc7: {  	(pc) =	sbr.rel @p0 .LBB2_6-.Ltmp4, $3  }
0xc8: {  	_ =	sdelay $0x1  }
0xc9: {  	_ =	swait.ge [sflag:s16], $0x80  }
0xca: {  	[sflag:s16] =	ssyncset.done $0x0  }
.LBB2_7:
0xcb: {  	[sflag:s16] =	ssyncadd.s32 $0xFFFFFF80;
	s20 =	sadd.s32 $0x1, s20  }
0xcc: {  	s21 =	sshll.u32 s2, $0x6;
	s22 =	sshrl.u32 s9, $0x3;
	p0 =	sne.s32 s20, s12  }
.Ltmp5:
0xcd: {  	[bflag:$0x0] =	sbarrier.arrive $0xFFFF;
	s21 =	sor.u32 $0x1C02, s21;
	(pc) =	sbr.rel @p0 .LBB2_1-.Ltmp5, $4  }
0xce: {  	[hbm:s11], [sflag:s21] =	dma.local [spmem:s22], $0x50  }
0xcf: {  	_ =	swait.ge [sflag:s18], $0x50  }
0xd0: {  	[sflag:s18] =	ssyncset.done $0x0  }
0xd1: {  	[sflag:s18] =	ssyncadd.s32 $0xFFFFFFB0  }
0xd2: {  	_ =	sfence.sel $0x180000  }
0xd3: {  	[bflag:$0x0] =	sbarrier.arrive $0xFFFF  }
0xd4: {  	p0 =	sne.s32 s2, $0x0;
	_ =	strace $0x90000047  }
0xd5: {  	s0 =	sadd.s32 @!p0 $0x100000, s0;
	[bflag:$0x2] =	sbarrier.arrive $0xFFFF  }
0xd6: {  	[sflag:s0] =	ssyncadd.tile.s32 @!p0 $0x1;
	_ =	shalt  }
.Lfunc_end2:
_tile_overlayer_lowered:
.L_overlay_start_2:
0xd7: {  	(tag) =	ssettag $0x2  }
0xd8: {  	s0 =	rddreg [dreg:$0x0];
	s2 =	stileid.u32  }
0xd9: {  	s1 =	rddreg [dreg:$0x1];
	p0 =	sne.s32 s2, $0x0  }
0xda: {  	s3 =	rddreg [dreg:$0x2];
	[bflag:$0x3] =	sbarrier.arrive $0xFFFF;
	s2 =	simm.s32 @!p0 $0x1C02  }
0xdb: {  	[timem:s3], [sflag:s2] =	dma.local @!p0 [hbm:s0], s1  }
0xdc: {  	s0 =	simm.s32 @!p0 $0x2  }
0xdd: {  	_ =	swait.ge @!p0 [sflag:s0], s1  }
0xde: {  	s1 =	ssub.s32 @!p0 $0x0, s1;
	[sflag:s0] =	ssyncset.done @!p0 $0x0  }
0xdf: {  	[sflag:s0] =	ssyncadd.s32 @!p0 s1  }
0xe0: {  	[bflag:$0x3] =	sbarrier.arrive $0xFFFF  }
0xe1: {  	_ =	shalt  }

// kernel: kernel.9.cloned.1.call-start
scs
__scs_entry_jumppad:
0x0: {  	(pc) =	sbr.rel $0x88, $3  }
0x1: {  	(tag) =	ssettag $0x0;
	lr =	simm.s32 $0x1  }
0x2: {  	[smem:$0x3F9C] =	sst lr;
	_ =	strace $0xD0000000  }
0x3: {  	_ = 	snop  }
0x4: {  	_ = 	snop  }
0x5: {  	_ = 	snop  }
0x6: {  	_ = 	snop  }
0x7: {  	_ = 	snop  }
__scs_overlays_trampoline_lowered:
0x8: {  	[smem:$0x3FAB] =	sst s0  }
0x9: {  	[smem:$0x3FAC] =	sst s1  }
0xa: {  	[smem:$0x3FAD] =	sst s2  }
0xb: {  	[smem:$0x3FAE] =	sst s3  }
0xc: {  	[smem:$0x3FAF] =	sst s4  }
0xd: {  	[smem:$0x3FB0] =	sst s5  }
0xe: {  	[smem:$0x3FB1] =	sst s6  }
0xf: {  	[smem:$0x3FB2] =	sst s7  }
0x10: {  	[smem:$0x3FB3] =	sst s8  }
0x11: {  	[smem:$0x3FB4] =	sst s9;
	s0 =	simm.s32 @!p0 $0x0  }
0x12: {  	s1 =	sld [smem:$0x3F9A];
	s0 =	simm.s32 @p0 $0x1  }
0x13: {  	[smem:$0x3FB5] =	sst s0;
	s0 =	simm.s32 @!p1 $0x0  }
0x14: {  	s2 =	sld [smem:$0x3F99];
	s0 =	simm.s32 @p1 $0x1  }
0x15: {  	[smem:$0x3FB6] =	sst s0;
	s0 =	simm.s32 @!p2 $0x0  }
0x16: {  	s3 =	sld [smem:$0x3FDB];
	s0 =	simm.s32 @p2 $0x1  }
0x17: {  	s4 =	simm.s32 $0x1BF5;
	[smem:$0x3FB8] =	sst s0  }
0x18: {  	s0 =	sld [smem:$0x3F9B];
	_ =	swait.ge [sflag:s4], $0x0  }
0x19: {  	s7 =	sld [smem:$0x3F9C]  }
0x1a: {  	s8 =	sadd.s32 $0xFFFFE003, lr  }
0x1b: {  	s9 =	sadd.s32 $0xFFFFFEF7, lr;
	s5 =	simm.s32 $0xFFFFFFFF;
	p2 =	slt.u32 s8, $0xFFFFF086  }
0x1c: {  	p1 =	slt.u32 s9, $0xF7A;
	s5 =	simm.s32 @!p2 $0x0  }
0x1d: {  	s5 =	simm.s32 @p1 $0x1;
	p0 =	seq.s32 s7, s2  }
0x1e: {  	s7 =	smul.u32 @!p0 $0xF7A, s2;
	p2 =	seq.s32 @!p0 s5, $0x0  }
0x1f: {  	s9 =	smul.u32 $0xF7A, s1;
	s8 =	simm.s32 @!p0 $0x1BF5;
	p2 =	por !p2, p0  }
0x20: {  	[sflag:s8] =	ssyncset.s32 @!p0 $0xFFFFF086;
	s6 =	sadd.s32 @!p0 s3, s7;
	s7 =	simm.s32 @!p0 $0x108  }
0x21: {  	s3 =	sadd.s32 s3, s9;
	s6 =	sadd.s32 @!p0 $0x88, s6;
	s7 =	simm.s32 @p2 $0x1082  }
0x22: {  	[simem:s7], [sflag:s8] =	dma.local @!p0 [hbm:s6], $0xF7A  }
0x23: {  	s9 =	sor.u32 $0xD0000000, s2;
	s6 =	simm.s32 $0x108;
	_ =	swait.ge @!p0 [sflag:s8], $0x0  }
0x24: {  	s3 =	sadd.s32 $0x88, s3;
	s6 =	simm.s32 @!p1 $0x1082;
	[sflag:s4] =	ssyncset.s32 $0xFFFFF086  }
0x25: {  	[simem:s6], [sflag:s4] =	dma.local [hbm:s3], $0xF7A  }
0x26: {  	[smem:$0x3F9C] =	sst s1;
	(tag) =	ssettag s2;
	_ =	strace s9  }
0x27: {  	s1 =	sld [smem:$0x3FAC]  }
0x28: {  	s2 =	sld [smem:$0x3FAD]  }
0x29: {  	s4 =	sld [smem:$0x3FAF]  }
0x2a: {  	p0 =	seq.s32 s5, $0x0;
	s5 =	sld [smem:$0x3FB0]  }
0x2b: {  	s6 =	sld [smem:$0x3FB1]  }
0x2c: {  	s7 =	sld [smem:$0x3FB2]  }
0x2d: {  	s3 =	simm.s32 $0x108;
	s8 =	sld [smem:$0x3FB3]  }
0x2e: {  	s3 =	simm.s32 @!p0 $0x1082;
	s9 =	sld [smem:$0x3FB4]  }
0x2f: {  	lr =	sadd.s32 s0, s3;
	s0 =	sld [smem:$0x3FAB]  }
0x30: {  	s3 =	sld [smem:$0x3FAE]  }
0x31: {  	[smem:$0x3FB7] =	sst s10  }
0x32: {  	s10 =	sld [smem:$0x3FB5];
	_ =	sdelay $0x3  }
0x33: {  	p0 =	seq.s32 s10, $0x1;
	s10 =	sld [smem:$0x3FB7];
	_ =	sdelay $0x3  }
0x34: {  	[smem:$0x3FB7] =	sst s10  }
0x35: {  	s10 =	sld [smem:$0x3FB6];
	_ =	sdelay $0x3  }
0x36: {  	p1 =	seq.s32 s10, $0x1;
	s10 =	sld [smem:$0x3FB7];
	_ =	sdelay $0x3  }
0x37: {  	[smem:$0x3FB7] =	sst s10  }
0x38: {  	s10 =	sld [smem:$0x3FB8]  }
0x39: {  	_ = 	snop;
	(pc) =	sbr.ind lr, $3  }
0x3a: {  	_ = 	snop  }
0x3b: {  	_ = 	snop  }
0x3c: {  	p2 =	seq.s32 s10, $0x1;
	s10 =	sld [smem:$0x3FB7]  }
0x3d: {  	_ =	shalt  }
0x3e: {  	_ =	shalt  }
0x3f: {  	_ =	shalt  }
0x40: {  	_ =	shalt  }
0x41: {  	_ =	shalt  }
0x42: {  	_ =	shalt  }
0x43: {  	_ =	shalt  }
0x44: {  	_ =	shalt  }
0x45: {  	_ =	shalt  }
0x46: {  	_ =	shalt  }
0x47: {  	_ =	shalt  }
0x48: {  	_ =	shalt  }
0x49: {  	_ =	shalt  }
0x4a: {  	_ =	shalt  }
0x4b: {  	_ =	shalt  }
0x4c: {  	_ =	shalt  }
0x4d: {  	_ =	shalt  }
0x4e: {  	_ =	shalt  }
0x4f: {  	_ =	shalt  }
0x50: {  	_ =	shalt  }
0x51: {  	_ =	shalt  }
0x52: {  	_ =	shalt  }
0x53: {  	_ =	shalt  }
0x54: {  	_ =	shalt  }
0x55: {  	_ =	shalt  }
0x56: {  	_ =	shalt  }
0x57: {  	_ =	shalt  }
0x58: {  	_ =	shalt  }
0x59: {  	_ =	shalt  }
0x5a: {  	_ =	shalt  }
0x5b: {  	_ =	shalt  }
0x5c: {  	_ =	shalt  }
0x5d: {  	_ =	shalt  }
0x5e: {  	_ =	shalt  }
0x5f: {  	_ =	shalt  }
0x60: {  	_ =	shalt  }
0x61: {  	_ =	shalt  }
0x62: {  	_ =	shalt  }
0x63: {  	_ =	shalt  }
0x64: {  	_ =	shalt  }
0x65: {  	_ =	shalt  }
0x66: {  	_ =	shalt  }
0x67: {  	_ =	shalt  }
0x68: {  	_ =	shalt  }
0x69: {  	_ =	shalt  }
0x6a: {  	_ =	shalt  }
0x6b: {  	_ =	shalt  }
0x6c: {  	_ =	shalt  }
0x6d: {  	_ =	shalt  }
0x6e: {  	_ =	shalt  }
0x6f: {  	_ =	shalt  }
0x70: {  	_ =	shalt  }
0x71: {  	_ =	shalt  }
0x72: {  	_ =	shalt  }
0x73: {  	_ =	shalt  }
0x74: {  	_ =	shalt  }
0x75: {  	_ =	shalt  }
0x76: {  	_ =	shalt  }
0x77: {  	_ =	shalt  }
0x78: {  	_ =	shalt  }
0x79: {  	_ =	shalt  }
0x7a: {  	_ =	shalt  }
0x7b: {  	_ =	shalt  }
0x7c: {  	_ =	shalt  }
0x7d: {  	_ =	shalt  }
0x7e: {  	_ =	shalt  }
0x7f: {  	_ =	shalt  }
0x80: {  	_ =	shalt  }
0x81: {  	_ =	shalt  }
0x82: {  	_ =	shalt  }
0x83: {  	_ =	shalt  }
0x84: {  	_ =	shalt  }
0x85: {  	_ =	shalt  }
0x86: {  	_ =	shalt  }
0x87: {  	_ =	shalt  }
.Lfunc_end0:
.L_simem_size_0:
called_computation.1_lowered:
.L_overlay_start_0:
0x88: {  	s2 =	sld [smem:$0x3FD9]  }
0x89: {  	s3 =	sld [smem:$0x3FFE];
	_ =	sdelay $0x1  }
0x8a: {  	s1 =	srdreg.scid  }
0x8b: {  	s0 =	sand.u32 $0x1, s1  }
0x8c: {  	s14 =	sshll.u32 s0, $0xA;
	s2 =	sadd.s32 s3, s2  }
0x8d: {  	s2 =	sadd.s32 s2, s14  }
0x8e: {  	[smem:$0x3FC3] =	sst s2  }
0x8f: {  	_ = 	snop  }
0x90: {  	s2 =	sld [smem:$0x3FD0];
	_ =	sdelay $0x2  }
0x91: {  	s15 =	simm.s32 $0xA;
	s4 =	simm.s32 $0x10  }
0x92: {  	[smem:s4], [sflag:s15] =	dma.local [hbm:s2], $0x1  }
0x93: {  	_ =	swait.eq [sflag:s15], $0x1  }
0x94: {  	[sflag:s15] =	ssyncset.done $0x0  }
0x95: {  	[sflag:s15] =	ssyncadd.s32 $0xFFFFFFFF  }
0x96: {  	s16 =	sld [smem:$0x10];
	(tm) =	ssettm $0x1  }
0x97: {  	s17 =	sld [smem:$0x3FFB];
	_ =	sdelay $0x3  }
0x98: {  	_ =	strace s17  }
0x99: {  	s3 =	sld [smem:$0x3FFC];
	_ =	sdelay $0x3  }
0x9a: {  	_ =	strace s3  }
0x9b: {  	s3 =	sld [smem:$0x3FFD];
	_ =	sdelay $0x3  }
0x9c: {  	_ =	strace s3  }
0x9d: {  	_ =	strace $0x8FFFFFFF  }
0x9e: {  	s18 =	sld [smem:$0x3FDB];
	_ =	sdelay $0x1  }
0x9f: {  	s19 =	simm.s32 $_scs_section_size  }
0xa0: {  	s5 =	simm.s32 $_size__tile_overlayer_lowered;
	s6 =	simm.s32 $_tile_overlayer_lowered  }
0xa1: {  	s22 =	simm.s32 $0x1BFF;
	s21 =	sshll.u32 s6, $0x1;
	s3 =	sadd.s32 s19, s18  }
0xa2: {  	s7 =	simm.s32 $0x0;
	s20 =	sshll.u32 s5, $0x1;
	s5 =	sadd.s32 s21, s3  }
0xa3: {  	[timem:s7], [sflag:s22] =	dma.local [hbm:s5], s20  }
0xa4: {  	_ =	swait.ge [sflag:s22], s20  }
0xa5: {  	s4 =	ssub.s32 $0x0, s20;
	[sflag:s22] =	ssyncset.done $0x0  }
0xa6: {  	[sflag:s22] =	ssyncadd.s32 s4;
	_ =	sdelay $0x1  }
0xa7: {  	s23 =	simm.s32 $0x1B8B  }
0xa8: {  	_ =	swait.ge [sflag:s23], $0x1  }
0xa9: {  	[sflag:s23] =	ssyncset.done $0x0  }
0xaa: {  	s25 =	simm.s32 $0x1B8E;
	s24 =	sld [smem:$0x3FFE];
	[sflag:s23] =	ssyncadd.s32 $0xFFFFFFFF  }
0xab: {  	s26 =	simm.s32 $execute0_lowered;
	[smem:$0x3FD2] =	sst s25  }
0xac: {  	s5 =	sshll.u32 s26, $0x1;
	_ =	strace $0x80000049;
	[dreg:$0x1] =	wrdreg $0xFFFFFFFF  }
0xad: {  	s28 =	simm.s32 $_size_execute0_lowered;
	s3 =	sadd.s32 s3, s5;
	[dreg:$0x0] =	wrdreg $0x0  }
0xae: {  	s5 =	sshll.u32 s28, $0x1;
	[dreg:$0x2] =	wrdreg s3  }
0xaf: {  	[dreg:$0x3] =	wrdreg s5  }
0xb0: {  	[dreg:$0x4] =	wrdreg $0xC0  }
0xb1: {  	_ =	task [dreg:s7], $0x5FFFF  }
0xb2: {  	[dreg:$0x1] =	wrdreg $0xFFFFFFFF  }
0xb3: {  	[dreg:$0x0] =	wrdreg $0x60  }
0xb4: {  	[dreg:$0x2] =	wrdreg s16  }
0xb5: {  	[dreg:$0x3] =	wrdreg s24  }
0xb6: {  	[dreg:$0x4] =	wrdreg $0x128000  }
0xb7: {  	[dreg:$0x5] =	wrdreg $0x9  }
0xb8: {  	_ =	task.clear_ibuf [dreg:s7], $0x6FFFF;
	_ =	strace $0x90000049  }
0xb9: {  	s29 =	simm.s32 $0x9;
	_ =	strace $0x8000004B  }
0xba: {  	_ =	swait.ge [sflag:s29], $0x1  }
0xbb: {  	[sflag:s29] =	ssyncadd.s32 $0xFFFFFFFF  }
0xbc: {  	_ =	strace $0x9000004B  }
0xbd: {  	_ =	sfence  }
0xbe: {  	s30 =	sld [smem:$0x0];
	_ =	sdelay $0x2  }
0xbf: {  	s31 =	sshll.u32 s1, $0xD;
	s1 =	sshrl.u32 s1, $0x2  }
0xc0: {  	s3 =	sand.u32 $0x4000, s31;
	s1 =	sadd.s32 s1, s30  }
0xc1: {  	s0 =	sor.u32 s3, s0;
	s1 =	sshll.u32 s1, $0x11  }
0xc2: {  	s0 =	sor.u32 s1, s0  }
0xc3: {  	s0 =	sadd.s32 $0x8F2B, s0  }
0xc4: {  	[sflag:s0] =	ssyncadd.remote.s32 $0x1  }
0xc5: {  	_ =	sfence.sel $0xFFFF  }
0xc6: {  	[dreg:$0x0] =	wrdreg $0xFFFFFFFF;
	(pc) =	sbr.abs _section_cstart, $3  }
0xc7: {  	[dreg:$0x1] =	wrdreg $0xFFFFFFFF  }
0xc8: {  	_ =	task.clear_ibuf [dreg:s7], $0x2FFFF;
	_ =	strace $0x9FFFFFFF  }
0xc9: {  	(tm) =	ssettm $0x7FFFFFFF  }
tec
execute0_lowered:
.L_overlay_start_1:
0x0: {  	(tag) =	ssettag $0x1  }
0x1: {  	s0 =	srdreg.scid;
	s1 =	rddreg [dreg:$0x0]  }
0x2: {  	s3 =	stileid.u32;
	s4 =	rddreg [dreg:$0x1]  }
0x3: {  	s5 =	simm.s32 $0x0;
	s28 =	simm.s32 $0x5;
	s29 =	simm.s32 $0xE800  }
0x4: {  	s30 =	simm.s32 $0x80;
	s0 =	sand.u32 $0x1, s0;
	s2 =	sshll.u32 s3, $0x1  }
0x5: {  	s9 =	smul.u32 $0xA000, s3;
	[smem:$0x7FF] =	sst s5;
	s18 =	sadd.s32 $0xBE00, s4  }
0x6: {  	s5 =	sadd.s32 $0xC800, s4;
	s6 =	sadd.s32 $0x16800, s4;
	s19 =	smul.u32 $0x28000, s3  }
0x7: {  	s22 =	sadd.s32 $0xC300, s4;
	s7 =	sor.u32 s0, s2;
	s2 =	rddreg [dreg:$0x2]  }
0x8: {  	s10 =	smul.u32 $0x140000, s0;
	_ =	strace $0x8000004A;
	[dreg:$0x4] =	wrdreg s18  }
0x9: {  	s0 =	ssub.s32 $0x2, s0;
	[dreg:$0x8] =	wrdreg s22;
	s8 =	smul.u32 $0x2800, s7  }
0xa: {  	s12 =	sshrl.u32 s0, $0x1;
	p0 =	seq.s32 s7, $0x1F;
	s7 =	simm.s32 $0x14  }
0xb: {  	s13 =	sadd.s32 s9, s2;
	s10 =	sadd.s32 s9, s10;
	s0 =	ssub.s32 s0, s12  }
0xc: {  	s7 =	simm.s32 @!p0 $0x50;
	s8 =	sshrl.u32 s8, $0x3;
	s0 =	smax.u32 s0, $0x1  }
0xd: {  	s11 =	sadd.s32 s8, s4;
	s8 =	sadd.s32 s1, s8;
	[dreg:$0xf] =	wrdreg s0  }
0xe: {  	s10 =	sshrl.u32 s10, $0x3;
	[dreg:$0x5] =	wrdreg s8;
	s20 =	sadd.s32 $0xA000, s8  }
0xf: {  	s18 =	sshrl.u32 s7, $0x1;
	s21 =	sadd.s32 $0x1E00, s11;
	[dreg:$0x6] =	wrdreg s20  }
0x10: {  	s10 =	sadd.s32 s10, s4;
	s23 =	sadd.s32 $0x20800, s11;
	[dreg:$0x7] =	wrdreg s21  }
0x11: {  	s1 =	sshrl.u32 s19, $0x2;
	s26 =	sadd.s32 $0x2A800, s10;
	[dreg:$0x9] =	wrdreg s23  }
0x12: {  	s1 =	sadd.s32 s1, s2;
	s31 =	sadd.s32 $0x3E800, s10;
	[dreg:$0xd] =	wrdreg s26  }
0x13: {  	s0 =	simm.s32 $0x2;
	s24 =	sadd.s32 $0x4000, s1;
	[dreg:$0xe] =	wrdreg s31  }
0x14: {  	s4 =	simm.s32 $0x10800;
	s25 =	sadd.s32 $0x6000, s1;
	[dreg:$0xa] =	wrdreg s24  }
0x15: {  	s17 =	sadd.s32 $0x2000, s1;
	s1 =	sadd.s32 $0x8000, s1;
	[dreg:$0xb] =	wrdreg s25  }
0x16: {  	s23 =	simm.s32 $0x5000;
	s26 =	simm.s32 $0x1;
	[dreg:$0xc] =	wrdreg s1  }
0x17: {  	v0 =	vimm.f32 $0.0e+00;
	s24 =	simm.s32 $0x7800;
	s1 =	simm.s32 $0x4;
	s25 =	simm.s32 $0x0  }
.LBB2_1:
0x18: {  	s3 =	simm.s32 $0x0;
	s8 =	rddreg [dreg:$0x5]  }
0x19: {  	[tilespmem:s3], [sflag:$0x1] =	stream.linear.gather [hbm4b:s8+s3], $0x2800, $0x38;
	[tilespmem:$0x1C800] =	vst v63  }
0x1a: {  	s19 =	rddreg [dreg:$0x6];
	s9 =	simm.s32 $0x2800  }
0x1b: {  	[tilespmem:s9], [sflag:$0x1] =	stream.linear.gather [hbm4b:s19+s3], $0x2800, $0x38;
	[tilespmem:$0x1C800] =	vst v63  }
0x1c: {  	s20 =	rddreg [dreg:$0x7]  }
0x1d: {  	[tilespmem:s23], [sflag:$0x1] =	stream.linear.gather [hbm4b:s20+s3], $0x2800, $0x38;
	[tilespmem:$0x1C800] =	vst v63  }
0x1e: {  	s21 =	rddreg [dreg:$0x4]  }
0x1f: {  	[tilespmem:s24], [sflag:$0x1] =	stream.linear.gather [hbm4b:s21+s3], $0x2800, $0x38;
	[tilespmem:$0x1C800] =	vst v63  }
0x20: {  	s22 =	rddreg [dreg:$0x8];
	s31 =	simm.s32 $0xA000  }
0x21: {  	[tilespmem:s31], [sflag:$0x1] =	stream.linear.gather [hbm4b:s22+s3], $0x2800, $0x38;
	[tilespmem:$0x1C800] =	vst v63  }
0x22: {  	_ =	swait.ge [sflag:s26], $0x2800  }
0x23: {  	[sflag:s26] =	ssyncset.done $0x0  }
0x24: {  	[sflag:s26] =	ssyncadd.s32 $0xFFFFD800  }
0x25: {  	_ =	swait.ge [sflag:s26], $0x2800  }
0x26: {  	[sflag:s26] =	ssyncset.done $0x0  }
0x27: {  	[sflag:s26] =	ssyncadd.s32 $0xFFFFD800  }
0x28: {  	_ =	swait.ge [sflag:s26], $0x2800  }
0x29: {  	[sflag:s26] =	ssyncset.done $0x0  }
0x2a: {  	[sflag:s26] =	ssyncadd.s32 $0xFFFFD800  }
0x2b: {  	_ =	swait.ge [sflag:s26], $0x2800  }
0x2c: {  	[sflag:s26] =	ssyncset.done $0x0  }
0x2d: {  	[sflag:s26] =	ssyncadd.s32 $0xFFFFD800  }
0x2e: {  	_ =	swait.ge [sflag:s26], $0x2800  }
0x2f: {  	[sflag:s26] =	ssyncset.done $0x0  }
0x30: {  	s8 =	simm.s32 $0x0;
	[sflag:s26] =	ssyncadd.s32 $0xFFFFD800  }
0x31: {  	s9 =	simm.s32 $0x40;
	v1 =	vld [tilespmem:s8+$0xA000]  }
.LBB2_2:
0x32: {  	p0 =	sne.s32 s9, $0x9FC0;
	v2 =	vld [tilespmem:s8+$0x7800];
	_ =	sdelay $0x2  }
.Ltmp0:
0x33: {  	(pc) =	sbr.rel @p0 .LBB2_2-.Ltmp0, $4  }
0x34: {  	_ = 	snop  }
0x35: {  	v2 =	vadd.f32 v1, v2  }
0x36: {  	s10 =	sshra.s32 s9, $0x2  }
0x37: {  	s9 =	sadd.s32 $0x40, s9;
	v1 =	vld [tilespmem:s10+$0xA000];
	[tilespmem:s8+$0x7800] =	vst v2;
	s8 =	smov.u32 s10  }
0x38: {  	v2 =	vld [tilespmem:s8+$0x7800];
	_ =	sdelay $0x4  }
0x39: {  	v1 =	vadd.f32 v1, v2;
	_ =	sdelay $0x1  }
0x3a: {  	s9 =	simm.s32 $0x5040;
	s10 =	smov.u32 s7;
	[tilespmem:s8+$0x7800] =	vst v1;
	s8 =	simm.s32 $0x40  }
.LBB2_4:
0x3b: {  	v1 =	vld [tilespmem:s8+$0xFFFFFFC0];
	_ =	sdelay $0x7  }
0x3c: {  	v1 =	vld.idx.msk [tilespmem:v1+s24+$0x0], $0xffff;
	_ =	sdelay $0x4  }
0x3d: {  	(erf) = vrcp.f32 v1;
	_ =	sdelay $0x4  }
0x3e: {  	v1 =	vld [tilespmem:s9+$0xFFFFFFC0];
	_ =	sdelay $0x3  }
0x3f: {  	v2 =	vpop (erf)  }
0x40: {  	v1 =	vmul.f32 v2, v1;
	_ =	sdelay $0x1  }
0x41: {  	[tilespmem:s9+$0xFFFFFFC0] =	vst v1  }
0x42: {  	v1 =	vld [tilespmem:s8+$0xFFFFFFD0];
	_ =	sdelay $0x7  }
0x43: {  	v1 =	vld.idx.msk [tilespmem:v1+s24+$0x0], $0xffff;
	_ =	sdelay $0x4  }
0x44: {  	(erf) = vrcp.f32 v1;
	_ =	sdelay $0x4  }
0x45: {  	v1 =	vld [tilespmem:s9+$0xFFFFFFD0];
	_ =	sdelay $0x3  }
0x46: {  	v2 =	vpop (erf)  }
0x47: {  	v1 =	vmul.f32 v2, v1;
	_ =	sdelay $0x1  }
0x48: {  	[tilespmem:s9+$0xFFFFFFD0] =	vst v1  }
0x49: {  	v1 =	vld [tilespmem:s8+$0xFFFFFFE0];
	_ =	sdelay $0x7  }
0x4a: {  	v1 =	vld.idx.msk [tilespmem:v1+s24+$0x0], $0xffff;
	_ =	sdelay $0x4  }
0x4b: {  	(erf) = vrcp.f32 v1;
	_ =	sdelay $0x4  }
0x4c: {  	v1 =	vld [tilespmem:s9+$0xFFFFFFE0];
	_ =	sdelay $0x3  }
0x4d: {  	v2 =	vpop (erf)  }
0x4e: {  	v1 =	vmul.f32 v2, v1;
	_ =	sdelay $0x1  }
0x4f: {  	[tilespmem:s9+$0xFFFFFFE0] =	vst v1  }
0x50: {  	v1 =	vld [tilespmem:s8+$0xFFFFFFF0];
	_ =	sdelay $0x7  }
0x51: {  	v1 =	vld.idx.msk [tilespmem:v1+s24+$0x0], $0xffff;
	_ =	sdelay $0x4  }
0x52: {  	(erf) = vrcp.f32 v1;
	_ =	sdelay $0x4  }
0x53: {  	v1 =	vld [tilespmem:s9+$0xFFFFFFF0];
	_ =	sdelay $0x3  }
0x54: {  	v2 =	vpop (erf)  }
0x55: {  	v1 =	vmul.f32 v2, v1;
	_ =	sdelay $0x1  }
0x56: {  	[tilespmem:s9+$0xFFFFFFF0] =	vst v1  }
0x57: {  	v1 =	vld [tilespmem:s8+$0x0];
	_ =	sdelay $0x7  }
0x58: {  	v1 =	vld.idx.msk [tilespmem:v1+s24+$0x0], $0xffff;
	_ =	sdelay $0x4  }
0x59: {  	(erf) = vrcp.f32 v1;
	_ =	sdelay $0x4  }
0x5a: {  	v1 =	vld [tilespmem:s9+$0x0];
	_ =	sdelay $0x3  }
0x5b: {  	v2 =	vpop (erf)  }
0x5c: {  	v1 =	vmul.f32 v2, v1;
	_ =	sdelay $0x1  }
0x5d: {  	[tilespmem:s9+$0x0] =	vst v1  }
0x5e: {  	v1 =	vld [tilespmem:s8+$0x10];
	_ =	sdelay $0x7  }
0x5f: {  	v1 =	vld.idx.msk [tilespmem:v1+s24+$0x0], $0xffff;
	_ =	sdelay $0x4  }
0x60: {  	(erf) = vrcp.f32 v1;
	_ =	sdelay $0x4  }
0x61: {  	v1 =	vld [tilespmem:s9+$0x10];
	_ =	sdelay $0x3  }
0x62: {  	v2 =	vpop (erf)  }
0x63: {  	v1 =	vmul.f32 v2, v1;
	_ =	sdelay $0x1  }
0x64: {  	[tilespmem:s9+$0x10] =	vst v1  }
0x65: {  	v1 =	vld [tilespmem:s8+$0x20];
	_ =	sdelay $0x7  }
0x66: {  	v1 =	vld.idx.msk [tilespmem:v1+s24+$0x0], $0xffff;
	_ =	sdelay $0x4  }
0x67: {  	(erf) = vrcp.f32 v1;
	_ =	sdelay $0x4  }
0x68: {  	v1 =	vld [tilespmem:s9+$0x20];
	_ =	sdelay $0x3  }
0x69: {  	v2 =	vpop (erf)  }
0x6a: {  	v1 =	vmul.f32 v2, v1;
	_ =	sdelay $0x1  }
0x6b: {  	[tilespmem:s9+$0x20] =	vst v1  }
0x6c: {  	v1 =	vld [tilespmem:s8+$0x30];
	_ =	sdelay $0x7  }
0x6d: {  	v1 =	vld.idx.msk [tilespmem:v1+s24+$0x0], $0xffff;
	_ =	sdelay $0x4  }
0x6e: {  	(erf) = vrcp.f32 v1;
	_ =	sdelay $0x4  }
0x6f: {  	v1 =	vld [tilespmem:s9+$0x30];
	_ =	sdelay $0x1  }
0x70: {  	p0 =	sne.s32 s10, $0x1  }
.Ltmp1:
0x71: {  	_ = 	snop;
	(pc) =	sbr.rel @p0 .LBB2_4-.Ltmp1, $3  }
0x72: {  	v2 =	vpop (erf)  }
0x73: {  	v1 =	vmul.f32 v2, v1;
	_ =	sdelay $0x1  }
0x74: {  	s10 =	sadd.s32 $0xFFFFFFFF, s10;
	s8 =	sadd.s32 $0x80, s8;
	[tilespmem:s9+$0x30] =	vst v1;
	s9 =	sadd.s32 $0x80, s9  }
0x75: {  	s8 =	simm.s32 $0x0;
	s3 =	rddreg [dreg:$0x9]  }
0x76: {  	[hbm4b:s3+s8] =	stream.linear.scatter [tilespmem:s23], [sflag:$0x5], $0x2800, $0x38;
	[tilespmem:$0x1C800] =	vst v63  }
0x77: {  	_ =	swait.ge [sflag:s28], $0x2800  }
0x78: {  	[sflag:s28] =	ssyncset.done $0x0  }
0x79: {  	s9 =	simm.s32 $0x100;
	s8 =	simm.s32 $0x0;
	[sflag:s28] =	ssyncadd.s32 $0xFFFFD800  }
.LBB2_6:
0x7a: {  	p0 =	sne.s32 s9, $0x7F00;
	[tilespmem:s8+$0xE830] =	vst v0;
	s10 =	smov.u32 s9;
	s9 =	sadd.s32 $0x100, s9  }
.Ltmp2:
0x7b: {  	[tilespmem:s8+$0xE820] =	vst v0;
	(pc) =	sbr.rel @p0 .LBB2_6-.Ltmp2, $3  }
0x7c: {  	[tilespmem:s8+$0xE800] =	vst v0  }
0x7d: {  	[tilespmem:s8+$0xE810] =	vst v0;
	_ =	sdelay $0x1  }
0x7e: {  	s8 =	sshra.s32 s10, $0x2  }
0x7f: {  	[tilespmem:s8+$0xE830] =	vst v0  }
0x80: {  	[tilespmem:s8+$0xE820] =	vst v0  }
0x81: {  	[tilespmem:s8+$0xE800] =	vst v0  }
0x82: {  	[tilespmem:s8+$0xE810] =	vst v0  }
0x83: {  	[spmem:s13] =	stream.linear.scatter [tilespmem:s29], [sflag:$0x5], $0x2000, $0x38;
	[tilespmem:$0x1C800] =	vst v63  }
0x84: {  	_ =	swait.ge [sflag:s28], $0x2000  }
0x85: {  	[sflag:s28] =	ssyncset.done $0x0  }
0x86: {  	[sflag:s28] =	ssyncadd.s32 $0xFFFFE000  }
0x87: {  	[spmem:s17] =	stream.linear.scatter [tilespmem:s29], [sflag:$0x5], $0x2000, $0x38;
	[tilespmem:$0x1C800] =	vst v63  }
0x88: {  	_ =	swait.ge [sflag:s28], $0x2000  }
0x89: {  	[sflag:s28] =	ssyncset.done $0x0  }
0x8a: {  	s3 =	rddreg [dreg:$0xa];
	[sflag:s28] =	ssyncadd.s32 $0xFFFFE000  }
0x8b: {  	[spmem:s3] =	stream.linear.scatter [tilespmem:s29], [sflag:$0x5], $0x2000, $0x38;
	[tilespmem:$0x1C800] =	vst v63  }
0x8c: {  	_ =	swait.ge [sflag:s28], $0x2000  }
0x8d: {  	[sflag:s28] =	ssyncset.done $0x0  }
0x8e: {  	s16 =	rddreg [dreg:$0xb];
	[sflag:s28] =	ssyncadd.s32 $0xFFFFE000  }
0x8f: {  	[spmem:s16] =	stream.linear.scatter [tilespmem:s29], [sflag:$0x5], $0x2000, $0x38;
	[tilespmem:$0x1C800] =	vst v63  }
0x90: {  	_ =	swait.ge [sflag:s28], $0x2000  }
0x91: {  	[sflag:s28] =	ssyncset.done $0x0  }
0x92: {  	s19 =	rddreg [dreg:$0xc];
	[sflag:s28] =	ssyncadd.s32 $0xFFFFE000  }
0x93: {  	[spmem:s19] =	stream.linear.scatter [tilespmem:s29], [sflag:$0x5], $0x2000, $0x38;
	[tilespmem:$0x1C800] =	vst v63  }
0x94: {  	_ =	swait.ge [sflag:s28], $0x2000  }
0x95: {  	[sflag:s28] =	ssyncset.done $0x0  }
0x96: {  	s20 =	simm.s32 $0x2800;
	[sflag:s28] =	ssyncadd.s32 $0xFFFFE000  }
0x97: {  	s21 =	simm.s32 $0xC800;
	s22 =	simm.s32 $0x2880;
	[bflag:$0x0] =	sbarrier.arrive $0xFFFF  }
0x98: {  	[tilespmem:s21], [sflag:$0x1] =	stream.indirect.gather [hbm4b:s5+s30], $0x20, s20, s30, $0xb8;
	[tilespmem:$0x1C800] =	vst v63  }
0x99: {  	s31 =	simm.s32 $0xD800;
	s9 =	simm.s32 $0x0;
	s10 =	simm.s32 $0x0  }
0x9a: {  	[tilespmem:s31], [sflag:$0x2] =	stream.indirect.gather [hbm4b:s5+s30], $0x20, s22, s30, $0xb8;
	[tilespmem:$0x1C800] =	vst v63  }
.LBB2_8:
0x9b: {  	s11 =	sshll.u32 s10, $0x1;
	s8 =	simm.s32 $0x3  }
0x9c: {  	s12 =	sshll.u32 s11, $0x7;
	v2 =	vmov s8  }
0x9d: {  	v1 =	vmov s12;
	v2 =	vand.u32 $0x7F, v2  }
0x9e: {  	_ =	swait.ge [sflag:s26], $0x1000;
	v2 =	vor.u32 v1, v2  }
0x9f: {  	s15 =	simm.s32 $0x1;
	p0 =	seq.s32 s10, $0x0;
	[sflag:s26] =	ssyncset.done $0x0;
	v2 =	vbroadcast v2, $0x0  }
0xa0: {  	v3 =	vmov s15;
	[sflag:s26] =	ssyncadd.s32 $0xFFFFF000;
	s12 =	simm.s32 @!p0 $0x3  }
0xa1: {  	v3 =	vand.u32 $0x7D, v3;
	_ =	swait.ge @!p0 [sflag:s12], $0x2000  }
0xa2: {  	s16 =	simm.s32 $0x2;
	v5 =	vmov s9;
	v3 =	vor.u32 v1, v3;
	[sflag:s12] =	ssyncset.done @!p0 $0x0  }
0xa3: {  	s14 =	simm.s32 $0xC840;
	v4 =	vmov s16;
	v5 =	vand.u32 $0x7C, v5;
	v3 =	vbroadcast v3, $0x0;
	[sflag:s12] =	ssyncadd.s32 @!p0 $0xFFFFE000  }
0xa4: {  	v4 =	vand.u32 $0x7E, v4;
	v5 =	vor.u32 v1, v5;
	v6 =	vld [tilespmem:s14+$0x20]  }
0xa5: {  	v4 =	vor.u32 v1, v4;
	v5 =	vbroadcast v5, $0x0;
	v2 =	vld.idx.msk [tilespmem:v2+s23+$0x0], $0xffff  }
0xa6: {  	s19 =	simm.s32 $0x4;
	s20 =	simm.s32 $0x5;
	v4 =	vbroadcast v4, $0x0  }
0xa7: {  	s22 =	simm.s32 $0x7;
	v7 =	vmov s19;
	v8 =	vmov s20;
	v9 =	vld [tilespmem:s14+$0xFFFFFFE0]  }
0xa8: {  	v14 =	vmov s22;
	s16 =	simm.s32 $0xA;
	v7 =	vand.u32 $0x7C, v7;
	v8 =	vand.u32 $0x7D, v8;
	v12 =	vld [tilespmem:s14+$0xFFFFFFC0]  }
0xa9: {  	v14 =	vand.u32 $0x7F, v14;
	v20 =	vmov s16;
	v3 =	vld.idx.msk [tilespmem:v3+s23+$0x0], $0xffff;
	v11 =	vunpack.i.l.bf16.f32 v6  }
0xaa: {  	v7 =	vor.u32 v1, v7;
	v13 =	vld [tilespmem:s14+$0x0];
	v6 =	vunpack.i.u.bf16.f32 v6;
	v11 =	vmul.f32 v11, v2  }
0xab: {  	s21 =	simm.s32 $0x6;
	v8 =	vor.u32 v1, v8;
	v14 =	vor.u32 v1, v14;
	s12 =	simm.s32 $0xE880;
	v5 =	vld.idx.msk [tilespmem:v5+s23+$0x0], $0xffff;
	v6 =	vmul.f32 v6, v2  }
0xac: {  	v8 =	vbroadcast v8, $0x0;
	v7 =	vbroadcast v7, $0x0;
	v10 =	vld.idx.msk [tilespmem:v4+s23+$0x0], $0xffff;
	v4 =	vmov s21;
	[tilespmem:s12+$0x40] =	vst v11  }
0xad: {  	v4 =	vand.u32 $0x7E, v4;
	v15 =	vunpack.i.u.bf16.f32 v12;
	v11 =	vunpack.i.l.bf16.f32 v9;
	[tilespmem:s12+$0x50] =	vst v6  }
0xae: {  	v6 =	vunpack.i.u.bf16.f32 v9;
	v9 =	vbroadcast v14, $0x0;
	v11 =	vmul.f32 v11, v3;
	v14 =	vld [tilespmem:s14+$0x30]  }
0xaf: {  	s31 =	simm.s32 $0xC8C0;
	v12 =	vunpack.i.l.bf16.f32 v12;
	v4 =	vor.u32 v1, v4;
	v6 =	vmul.f32 v6, v3  }
0xb0: {  	s15 =	simm.s32 $0x8;
	v17 =	vld [tilespmem:s31+$0x20];
	v16 =	vunpack.i.l.bf16.f32 v13;
	v4 =	vbroadcast v4, $0x0;
	v12 =	vmul.f32 v12, v5;
	[tilespmem:s12+$0xFFFFFFC0] =	vst v11  }
0xb1: {  	v21 =	vld [tilespmem:s31+$0xFFFFFFC0];
	v11 =	vunpack.i.u.bf16.f32 v13;
	v13 =	vmul.f32 v16, v10;
	[tilespmem:s12+$0xFFFFFFD0] =	vst v6;
	v16 =	vmov s15  }
0xb2: {  	v6 =	vmul.f32 v11, v10;
	v11 =	vmul.f32 v15, v5;
	v15 =	vld [tilespmem:s14+$0xFFFFFFF0];
	v16 =	vand.u32 $0x7C, v16  }
0xb3: {  	v8 =	vld.idx.msk [tilespmem:v8+s23+$0x0], $0xffff;
	v16 =	vor.u32 v1, v16;
	[tilespmem:s12+$0x0] =	vst v13;
	v13 =	vand.u32 $0x7E, v20;
	v18 =	vunpack.i.u.bf16.f32 v14  }
0xb4: {  	s3 =	simm.s32 $0x9;
	v14 =	vunpack.i.l.bf16.f32 v14;
	v19 =	vld.idx.msk [tilespmem:v9+s23+$0x0], $0xffff;
	v22 =	vbroadcast v16, $0x0;
	v13 =	vor.u32 v1, v13  }
0xb5: {  	[tilespmem:s12+$0x10] =	vst v6;
	v6 =	vld [tilespmem:s31+$0xFFFFFFE0];
	v9 =	vmul.f32 v14, v2;
	v14 =	vmul.f32 v18, v2;
	v18 =	vmov s3  }
0xb6: {  	[tilespmem:s12+$0xFFFFFF80] =	vst v12;
	v2 =	vld.idx.msk [tilespmem:v4+s23+$0x0], $0xffff;
	v13 =	vbroadcast v13, $0x0;
	v4 =	vand.u32 $0x7D, v18;
	v18 =	vunpack.i.u.bf16.f32 v21  }
0xb7: {  	v12 =	vld [tilespmem:s31+$0x0];
	[tilespmem:s12+$0xFFFFFF90] =	vst v11;
	v4 =	vor.u32 v1, v4;
	v16 =	vunpack.i.u.bf16.f32 v15;
	v15 =	vunpack.i.l.bf16.f32 v15  }
0xb8: {  	v11 =	vld [tilespmem:s14+$0x10];
	[tilespmem:s12+$0x60] =	vst v9;
	v9 =	vunpack.i.l.bf16.f32 v21;
	v15 =	vmul.f32 v15, v3;
	v16 =	vmul.f32 v16, v3  }
0xb9: {  	s19 =	simm.s32 $0xB;
	[tilespmem:s12+$0x70] =	vst v14;
	v14 =	vld [tilespmem:s14+$0xFFFFFFD0];
	v4 =	vbroadcast v4, $0x0;
	v3 =	vunpack.i.l.bf16.f32 v17;
	v17 =	vunpack.i.u.bf16.f32 v17  }
0xba: {  	v20 =	vmul.f32 v3, v19;
	v3 =	vld.idx.msk [tilespmem:v7+s23+$0x0], $0xffff;
	v7 =	vmov s19;
	v17 =	vmul.f32 v17, v19;
	[tilespmem:s12+$0xFFFFFFE0] =	vst v15  }
0xbb: {  	s19 =	simm.s32 $0xE980;
	v21 =	vunpack.i.u.bf16.f32 v6;
	v6 =	vunpack.i.l.bf16.f32 v6;
	v7 =	vand.u32 $0x7F, v7;
	[tilespmem:s12+$0xFFFFFFF0] =	vst v16  }
0xbc: {  	v6 =	vmul.f32 v6, v8;
	v16 =	vmul.f32 v21, v8;
	[tilespmem:s19+$0x40] =	vst v20;
	v7 =	vor.u32 v1, v7  }
0xbd: {  	v20 =	vunpack.i.u.bf16.f32 v12;
	v12 =	vunpack.i.l.bf16.f32 v12;
	[tilespmem:s19+$0x50] =	vst v17;
	v17 =	vunpack.i.u.bf16.f32 v11  }
0xbe: {  	v11 =	vunpack.i.l.bf16.f32 v11;
	v7 =	vbroadcast v7, $0x0;
	v15 =	vld [tilespmem:s31+$0x30];
	v12 =	vmul.f32 v12, v2;
	[tilespmem:s19+$0xFFFFFFC0] =	vst v6  }
0xbf: {  	s14 =	simm.s32 $0xC940;
	v6 =	vmul.f32 v20, v2;
	v20 =	vunpack.i.u.bf16.f32 v14;
	[tilespmem:s19+$0xFFFFFFD0] =	vst v16;
	v11 =	vmul.f32 v11, v10  }
0xc0: {  	s20 =	simm.s32 $0xC;
	v23 =	vld [tilespmem:s14+$0x20];
	v21 =	vmul.f32 v9, v3;
	v18 =	vmul.f32 v18, v3;
	v9 =	vunpack.i.l.bf16.f32 v14;
	[tilespmem:s19+$0x0] =	vst v12  }
0xc1: {  	s22 =	simm.s32 $0xE;
	v16 =	vld [tilespmem:s31+$0xFFFFFFF0];
	v14 =	vmov s20;
	v12 =	vmul.f32 v17, v10;
	[tilespmem:s19+$0x10] =	vst v6;
	v10 =	vmul.f32 v20, v5  }
0xc2: {  	v24 =	vld [tilespmem:s14+$0xFFFFFFC0];
	v17 =	vmov s22;
	[tilespmem:s12+$0x20] =	vst v11;
	v9 =	vmul.f32 v9, v5;
	v5 =	vand.u32 $0x7C, v14  }
0xc3: {  	v4 =	vld.idx.msk [tilespmem:v4+s23+$0x0], $0xffff;
	[tilespmem:s19+$0xFFFFFF90] =	vst v18;
	v18 =	vand.u32 $0x7E, v17;
	v6 =	vunpack.i.u.bf16.f32 v15;
	v15 =	vunpack.i.l.bf16.f32 v15  }
0xc4: {  	s21 =	simm.s32 $0xD;
	v11 =	vor.u32 v1, v18;
	v7 =	vld.idx.msk [tilespmem:v7+s23+$0x0], $0xffff;
	v20 =	vmul.f32 v15, v19;
	v14 =	vmul.f32 v6, v19  }
0xc5: {  	v17 =	vld [tilespmem:s14+$0xFFFFFFE0];
	[tilespmem:s12+$0x30] =	vst v12;
	v6 =	vor.u32 v1, v5;
	v15 =	vmov s21;
	v12 =	vbroadcast v11, $0x0  }
0xc6: {  	v5 =	vld.idx.msk [tilespmem:v13+s23+$0x0], $0xffff;
	v13 =	vand.u32 $0x7D, v15;
	[tilespmem:s19+$0x70] =	vst v14;
	v14 =	vunpack.i.u.bf16.f32 v16;
	v16 =	vunpack.i.l.bf16.f32 v16  }
0xc7: {  	[tilespmem:s19+$0xFFFFFF80] =	vst v21;
	v6 =	vbroadcast v6, $0x0;
	v15 =	vld [tilespmem:s14+$0x0];
	v13 =	vor.u32 v1, v13;
	v18 =	vmul.f32 v16, v8  }
0xc8: {  	[tilespmem:s19+$0x60] =	vst v20;
	v20 =	vunpack.i.u.bf16.f32 v23;
	v25 =	vmul.f32 v14, v8;
	v14 =	vld [tilespmem:s31+$0x10];
	v8 =	vunpack.i.l.bf16.f32 v23  }
0xc9: {  	v11 =	vld [tilespmem:s31+$0xFFFFFFD0];
	v13 =	vbroadcast v13, $0x0;
	s31 =	simm.s32 $0xF;
	v16 =	vunpack.i.u.bf16.f32 v24;
	v19 =	vmul.f32 v8, v7;
	[tilespmem:s19+$0xFFFFFFE0] =	vst v18  }
0xca: {  	s8 =	simm.s32 $0xEA80;
	s15 =	simm.s32 $0x10;
	s20 =	simm.s32 $0xC940;
	v21 =	vmov s31;
	v8 =	vld.idx.msk [tilespmem:v22+s23+$0x0], $0xffff;
	v18 =	vunpack.i.l.bf16.f32 v24;
	v20 =	vmul.f32 v20, v7;
	[tilespmem:s19+$0xFFFFFFF0] =	vst v25  }
.LBB2_9:
0xcb: {  	p1 =	slt.u32 s15, $0x7C;
	v21 =	vand.u32 $0x7F, v21;
	v22 =	vunpack.i.u.bf16.f32 v17;
	v17 =	vunpack.i.l.bf16.f32 v17;
	[tilespmem:s8+$0x40] =	vst v19  }
0xcc: {  	v19 =	vor.u32 v1, v21;
	v21 =	vunpack.i.u.bf16.f32 v15;
	v15 =	vunpack.i.l.bf16.f32 v15;
	[tilespmem:s8+$0x50] =	vst v20  }
0xcd: {  	v17 =	vmul.f32 v17, v4;
	v23 =	vunpack.i.u.bf16.f32 v14;
	v19 =	vbroadcast v19, $0x0;
	v20 =	vld [tilespmem:s14+$0x30];
	[tilespmem:s12+$0xFFFFFFA0] =	vst v9  }
0xce: {  	v14 =	vunpack.i.l.bf16.f32 v14;
	v9 =	vmul.f32 v22, v4;
	v15 =	vmul.f32 v15, v5;
	[tilespmem:s12+$0xFFFFFFB0] =	vst v10;
	s12 =	smov.u32 s19;
	s19 =	smov.u32 s8  }
0xcf: {  	v10 =	vmul.f32 v21, v5;
	v22 =	vld.idx.msk [tilespmem:v13+s23+$0x0], $0xffff;
	v13 =	vmul.f32 v18, v8;
	[tilespmem:s8+$0xFFFFFFC0] =	vst v17;
	v17 =	vunpack.i.u.bf16.f32 v11  }
0xd0: {  	v16 =	vmul.f32 v16, v8;
	v12 =	vld.idx.msk [tilespmem:v12+s23+$0x0], $0xffff;
	[tilespmem:s8+$0xFFFFFFD0] =	vst v9;
	v9 =	vunpack.i.l.bf16.f32 v11;
	v11 =	vmul.f32 v14, v2  }
0xd1: {  	s14 =	sadd.s32 $0x80, s14;
	v21 =	vmul.f32 v23, v2;
	v14 =	vmov s15;
	v2 =	vmovc v5;
	v18 =	vld [tilespmem:s20+$0xFFFFFFF0];
	[tilespmem:s8+$0x0] =	vst v15;
	v9 =	vmul.f32 v9, v3  }
0xd2: {  	v23 =	vld [tilespmem:s14+$0x20];
	[tilespmem:s8+$0x10] =	vst v10;
	v5 =	vunpack.i.u.bf16.f32 v20;
	v15 =	vunpack.i.l.bf16.f32 v20;
	v10 =	vmul.f32 v17, v3;
	v3 =	vmovc v8  }
0xd3: {  	s16 =	sadd.s32 $0x1, s15;
	s21 =	sadd.s32 $0x2, s15;
	v8 =	vand.u32 $0x7C, v14;
	[tilespmem:s8+$0xFFFFFF80] =	vst v13;
	v20 =	vmul.f32 v15, v7;
	v26 =	vmul.f32 v5, v7;
	v7 =	vld.idx.msk [tilespmem:v19+s23+$0x0], $0xffff  }
0xd4: {  	v14 =	vmov s21;
	v8 =	vor.u32 v1, v8;
	v13 =	vmov s16;
	v24 =	vld [tilespmem:s14+$0xFFFFFFC0];
	[tilespmem:s8+$0xFFFFFF90] =	vst v16  }
0xd5: {  	v25 =	vbroadcast v8, $0x0;
	v8 =	vand.u32 $0x7D, v13;
	v13 =	vand.u32 $0x7E, v14;
	v17 =	vld [tilespmem:s14+$0xFFFFFFE0];
	[tilespmem:s8+$0x70] =	vst v26  }
.Ltmp3:
0xd6: {  	v8 =	vor.u32 v1, v8;
	v5 =	vmovc v12;
	v15 =	vld [tilespmem:s14+$0x0];
	v14 =	vunpack.i.u.bf16.f32 v18;
	v16 =	vunpack.i.l.bf16.f32 v18;
	[tilespmem:s12+$0x20] =	vst v11;
	(pc) =	sbr.rel @p1 .LBB2_9-.Ltmp3, $4  }
0xd7: {  	v11 =	vor.u32 v1, v13;
	v18 =	vmul.f32 v16, v4;
	v26 =	vmul.f32 v14, v4;
	v14 =	vld [tilespmem:s20+$0x10];
	[tilespmem:s12+$0x30] =	vst v21  }
0xd8: {  	v13 =	vbroadcast v8, $0x0;
	v12 =	vbroadcast v11, $0x0;
	v19 =	vunpack.i.l.bf16.f32 v23;
	v4 =	vmovc v22;
	v11 =	vld [tilespmem:s20+$0xFFFFFFD0];
	[tilespmem:s8+$0x60] =	vst v20;
	s20 =	smov.u32 s14  }
0xd9: {  	s16 =	sadd.s32 $0x3, s15;
	v20 =	vunpack.i.u.bf16.f32 v23;
	v19 =	vmul.f32 v19, v7;
	v8 =	vld.idx.msk [tilespmem:v6+s23+$0x0], $0xffff;
	v16 =	vunpack.i.u.bf16.f32 v24;
	[tilespmem:s8+$0xFFFFFFE0] =	vst v18;
	v6 =	vmovc v25  }
0xda: {  	s15 =	sadd.s32 $0x4, s15;
	v21 =	vmov s16;
	v18 =	vunpack.i.l.bf16.f32 v24;
	v20 =	vmul.f32 v20, v7;
	s8 =	sadd.s32 $0x100, s8;
	[tilespmem:s19+$0xFFFFFFF0] =	vst v26  }
0xdb: {  	[tilespmem:s8+$0x40] =	vst v19  }
0xdc: {  	v19 =	vand.u32 $0x7F, v21;
	v21 =	vunpack.i.l.bf16.f32 v17;
	[tilespmem:s12+$0xFFFFFFA0] =	vst v9  }
0xdd: {  	v17 =	vunpack.i.u.bf16.f32 v17;
	[tilespmem:s12+$0xFFFFFFB0] =	vst v10;
	v1 =	vor.u32 v1, v19;
	v19 =	vmul.f32 v21, v4  }
0xde: {  	v9 =	vunpack.i.l.bf16.f32 v15;
	[tilespmem:s8+$0x50] =	vst v20;
	v17 =	vmul.f32 v17, v4;
	v1 =	vbroadcast v1, $0x0  }
0xdf: {  	v10 =	vunpack.i.u.bf16.f32 v15;
	v9 =	vmul.f32 v9, v5;
	v20 =	vld [tilespmem:s14+$0x30];
	[tilespmem:s8+$0xFFFFFFC0] =	vst v19  }
0xe0: {  	v10 =	vmul.f32 v10, v5;
	[tilespmem:s8+$0xFFFFFFD0] =	vst v17  }
0xe1: {  	v15 =	vmul.f32 v18, v8;
	[tilespmem:s8+$0x0] =	vst v9;
	v17 =	vld [tilespmem:s20+$0xFFFFFFF0]  }
0xe2: {  	s16 =	sadd.s32 $0x80, s14;
	v9 =	vmul.f32 v16, v8;
	[tilespmem:s8+$0x10] =	vst v10;
	v16 =	vunpack.i.l.bf16.f32 v14  }
0xe3: {  	v18 =	vld [tilespmem:s16+$0x20];
	v14 =	vunpack.i.u.bf16.f32 v14;
	[tilespmem:s8+$0xFFFFFF80] =	vst v15;
	v15 =	vmul.f32 v16, v2  }
0xe4: {  	[tilespmem:s8+$0xFFFFFF90] =	vst v9;
	v2 =	vmul.f32 v14, v2;
	v10 =	vunpack.i.u.bf16.f32 v20;
	v1 =	vld.idx.msk [tilespmem:v1+s23+$0x0], $0xffff  }
0xe5: {  	v9 =	vunpack.i.l.bf16.f32 v20;
	[tilespmem:s19+$0x20] =	vst v15;
	v10 =	vmul.f32 v10, v7  }
0xe6: {  	[tilespmem:s19+$0x30] =	vst v2;
	v7 =	vmul.f32 v9, v7;
	v9 =	vunpack.i.l.bf16.f32 v17  }
0xe7: {  	v14 =	vunpack.i.u.bf16.f32 v17;
	[tilespmem:s8+$0x70] =	vst v10;
	v10 =	vld [tilespmem:s16+$0xFFFFFFE0];
	v9 =	vmul.f32 v9, v4  }
0xe8: {  	v2 =	vld.idx.msk [tilespmem:v13+s23+$0x0], $0xffff;
	v13 =	vunpack.i.l.bf16.f32 v18;
	v4 =	vmul.f32 v14, v4;
	[tilespmem:s8+$0x60] =	vst v7  }
0xe9: {  	v7 =	vld [tilespmem:s16+$0x0];
	v14 =	vunpack.i.u.bf16.f32 v18;
	[tilespmem:s8+$0xFFFFFFE0] =	vst v9;
	v13 =	vmul.f32 v13, v1  }
0xea: {  	s21 =	sadd.s32 $0x100, s8;
	v9 =	vld.idx.msk [tilespmem:v12+s23+$0x0], $0xffff;
	v12 =	vunpack.i.l.bf16.f32 v11;
	[tilespmem:s8+$0xFFFFFFF0] =	vst v4;
	v14 =	vmul.f32 v14, v1  }
0xeb: {  	v4 =	vunpack.i.u.bf16.f32 v11;
	v11 =	vmul.f32 v12, v3;
	v12 =	vld [tilespmem:s16+$0xFFFFFFC0];
	[tilespmem:s21+$0x40] =	vst v13  }
0xec: {  	v3 =	vmul.f32 v4, v3;
	v4 =	vld.idx.msk [tilespmem:v6+s23+$0x0], $0xffff;
	v6 =	vunpack.i.l.bf16.f32 v10;
	[tilespmem:s21+$0x50] =	vst v14  }
0xed: {  	v10 =	vunpack.i.u.bf16.f32 v10;
	[tilespmem:s19+$0xFFFFFFA0] =	vst v11;
	v6 =	vmul.f32 v6, v2;
	v13 =	vld [tilespmem:s16+$0x30]  }
0xee: {  	v11 =	vld [tilespmem:s20+$0x10];
	v14 =	vunpack.i.l.bf16.f32 v7;
	[tilespmem:s19+$0xFFFFFFB0] =	vst v3;
	v10 =	vmul.f32 v10, v2  }
0xef: {  	v3 =	vunpack.i.u.bf16.f32 v7;
	v7 =	vmul.f32 v14, v9;
	[tilespmem:s21+$0xFFFFFFC0] =	vst v6  }
0xf0: {  	v3 =	vmul.f32 v3, v9;
	v6 =	vunpack.i.l.bf16.f32 v12;
	[tilespmem:s21+$0xFFFFFFD0] =	vst v10  }
0xf1: {  	v10 =	vunpack.i.u.bf16.f32 v12;
	v6 =	vmul.f32 v6, v4;
	v12 =	vld [tilespmem:s16+$0xFFFFFFF0];
	[tilespmem:s21+$0x0] =	vst v7  }
0xf2: {  	v7 =	vmul.f32 v10, v4;
	[tilespmem:s21+$0x10] =	vst v3;
	v3 =	vunpack.i.u.bf16.f32 v13  }
0xf3: {  	v10 =	vld [tilespmem:s20+$0xFFFFFFD0];
	v14 =	vunpack.i.l.bf16.f32 v11;
	[tilespmem:s21+$0xFFFFFF80] =	vst v6;
	v3 =	vmul.f32 v3, v1  }
0xf4: {  	v6 =	vunpack.i.u.bf16.f32 v11;
	v11 =	vmul.f32 v14, v5;
	[tilespmem:s21+$0xFFFFFF90] =	vst v7  }
0xf5: {  	v5 =	vmul.f32 v6, v5;
	v6 =	vunpack.i.l.bf16.f32 v13;
	[tilespmem:s21+$0x70] =	vst v3;
	v3 =	vld [tilespmem:s16+$0x10]  }
0xf6: {  	v1 =	vmul.f32 v6, v1;
	[tilespmem:s8+$0x20] =	vst v11;
	v6 =	vunpack.i.l.bf16.f32 v12  }
0xf7: {  	v7 =	vunpack.i.u.bf16.f32 v12;
	[tilespmem:s8+$0x30] =	vst v5;
	v5 =	vld [tilespmem:s16+$0xFFFFFFD0];
	v6 =	vmul.f32 v6, v2  }
0xf8: {  	v11 =	vunpack.i.l.bf16.f32 v10;
	v2 =	vmul.f32 v7, v2;
	[tilespmem:s21+$0x60] =	vst v1  }
0xf9: {  	v1 =	vunpack.i.u.bf16.f32 v10;
	v7 =	vmul.f32 v11, v8;
	[tilespmem:s21+$0xFFFFFFE0] =	vst v6  }
0xfa: {  	v1 =	vmul.f32 v1, v8;
	[tilespmem:s21+$0xFFFFFFF0] =	vst v2;
	v2 =	vunpack.i.l.bf16.f32 v3  }
0xfb: {  	[tilespmem:s8+$0xFFFFFFA0] =	vst v7;
	v3 =	vunpack.i.u.bf16.f32 v3;
	v2 =	vmul.f32 v2, v9  }
0xfc: {  	[tilespmem:s8+$0xFFFFFFB0] =	vst v1;
	s8 =	sadd.s32 $0x2, s11;
	v1 =	vunpack.i.l.bf16.f32 v5;
	v3 =	vmul.f32 v3, v9  }
0xfd: {  	v5 =	vunpack.i.u.bf16.f32 v5;
	p1 =	sge.u32 s8, s7;
	v1 =	vmul.f32 v1, v4;
	[tilespmem:s21+$0x20] =	vst v2  }
0xfe: {  	s8 =	sshll.u32 @!p1 s8, $0x7;
	v2 =	vmul.f32 v5, v4;
	[tilespmem:s21+$0x30] =	vst v3  }
0xff: {  	s8 =	sand.u32 @!p1 $0x3FFFFF80, s8;
	[tilespmem:s21+$0xFFFFFFA0] =	vst v1  }
0x100: {  	s12 =	simm.s32 @!p1 $0x80;
	s14 =	simm.s32 @!p1 $0xC800;
	s8 =	sadd.s32 @!p1 $0x2800, s8;
	[tilespmem:s21+$0xFFFFFFB0] =	vst v2  }
0x101: {  	[tilespmem:s14], [sflag:$0x1] =	stream.indirect.gather @!p1 [hbm4b:s5+s12], $0x20, s8, s12, $0xb8;
	[tilespmem:$0x1C800] =	vst v63  }
0x102: {  	s22 =	sshll.u32 s10, $0xA;
	s31 =	simm.s32 $0x3;
	s12 =	sor.u32 $0x1, s11  }
0x103: {  	v2 =	vmov s31;
	s8 =	sshra.s32 s22, $0x2;
	s3 =	sshll.u32 s12, $0x7  }
0x104: {  	v2 =	vand.u32 $0x7F, v2;
	[spmem:s2] =	stream.indirect.scatter.add.f32 [tilespmem:s29], [sflag:$0x3], $0x40, s8, s30, $0xb8;
	v1 =	vmov s3;
	[tilespmem:$0x1C800] =	vst v63  }
0x105: {  	_ =	swait.ge [sflag:s0], $0x1000;
	v2 =	vor.u32 v1, v2  }
0x106: {  	s14 =	simm.s32 $0x1;
	[sflag:s0] =	ssyncset.done $0x0;
	v2 =	vbroadcast v2, $0x0  }
0x107: {  	s15 =	simm.s32 $0x2;
	v3 =	vmov s14;
	s14 =	simm.s32 @!p0 $0x4;
	[sflag:s0] =	ssyncadd.s32 $0xFFFFF000  }
0x108: {  	s16 =	simm.s32 $0x0;
	v4 =	vmov s15;
	v3 =	vand.u32 $0x7D, v3;
	_ =	swait.ge @!p0 [sflag:s14], $0x2000  }
0x109: {  	v5 =	vmov s16;
	v4 =	vand.u32 $0x7E, v4;
	v3 =	vor.u32 v1, v3;
	[sflag:s14] =	ssyncset.done @!p0 $0x0  }
0x10a: {  	v5 =	vand.u32 $0x7C, v5;
	v4 =	vor.u32 v1, v4;
	v3 =	vbroadcast v3, $0x0;
	[sflag:s14] =	ssyncadd.s32 @!p0 $0xFFFFE000;
	s14 =	simm.s32 $0xD840  }
0x10b: {  	v5 =	vor.u32 v1, v5;
	v4 =	vbroadcast v4, $0x0;
	v6 =	vld [tilespmem:s14+$0x20]  }
0x10c: {  	v5 =	vbroadcast v5, $0x0;
	v2 =	vld.idx.msk [tilespmem:v2+s23+$0x0], $0xffff  }
0x10d: {  	s19 =	simm.s32 $0x4;
	s20 =	simm.s32 $0x5;
	v9 =	vld [tilespmem:s14+$0xFFFFFFE0]  }
0x10e: {  	v8 =	vmov s20;
	v7 =	vmov s19;
	s21 =	simm.s32 $0x7;
	v12 =	vld [tilespmem:s14+$0xFFFFFFC0]  }
0x10f: {  	v8 =	vand.u32 $0x7D, v8;
	v7 =	vand.u32 $0x7C, v7;
	s16 =	simm.s32 $0xA;
	v14 =	vmov s21;
	v13 =	vld [tilespmem:s14+$0x0]  }
0x110: {  	v20 =	vmov s16;
	v14 =	vand.u32 $0x7F, v14;
	v3 =	vld.idx.msk [tilespmem:v3+s23+$0x0], $0xffff;
	v11 =	vunpack.i.l.bf16.f32 v6  }
0x111: {  	s15 =	simm.s32 $0x6;
	v7 =	vor.u32 v1, v7;
	v10 =	vld.idx.msk [tilespmem:v4+s23+$0x0], $0xffff;
	v6 =	vunpack.i.u.bf16.f32 v6;
	v11 =	vmul.f32 v11, v2  }
0x112: {  	s19 =	simm.s32 $0x10880;
	v8 =	vor.u32 v1, v8;
	v4 =	vmov s15;
	v5 =	vld.idx.msk [tilespmem:v5+s23+$0x0], $0xffff;
	v6 =	vmul.f32 v6, v2  }
0x113: {  	v14 =	vor.u32 v1, v14;
	v8 =	vbroadcast v8, $0x0;
	v4 =	vand.u32 $0x7E, v4;
	[tilespmem:s19+$0x40] =	vst v11  }
0x114: {  	v7 =	vbroadcast v7, $0x0;
	v4 =	vor.u32 v1, v4;
	v11 =	vunpack.i.l.bf16.f32 v9;
	[tilespmem:s19+$0x50] =	vst v6  }
0x115: {  	v6 =	vunpack.i.u.bf16.f32 v9;
	v9 =	vbroadcast v14, $0x0;
	v11 =	vmul.f32 v11, v3;
	v14 =	vld [tilespmem:s14+$0x30]  }
0x116: {  	s31 =	simm.s32 $0xD8C0;
	v15 =	vunpack.i.u.bf16.f32 v12;
	v12 =	vunpack.i.l.bf16.f32 v12;
	v6 =	vmul.f32 v6, v3  }
0x117: {  	s22 =	simm.s32 $0x8;
	v17 =	vld [tilespmem:s31+$0x20];
	v4 =	vbroadcast v4, $0x0;
	v16 =	vunpack.i.l.bf16.f32 v13;
	v12 =	vmul.f32 v12, v5;
	[tilespmem:s19+$0xFFFFFFC0] =	vst v11  }
0x118: {  	v21 =	vld [tilespmem:s31+$0xFFFFFFC0];
	v11 =	vunpack.i.u.bf16.f32 v13;
	v13 =	vmul.f32 v16, v10;
	[tilespmem:s19+$0xFFFFFFD0] =	vst v6;
	v16 =	vmov s22  }
0x119: {  	v6 =	vmul.f32 v11, v10;
	v11 =	vmul.f32 v15, v5;
	v15 =	vld [tilespmem:s14+$0xFFFFFFF0];
	v16 =	vand.u32 $0x7C, v16  }
0x11a: {  	v8 =	vld.idx.msk [tilespmem:v8+s23+$0x0], $0xffff;
	v16 =	vor.u32 v1, v16;
	[tilespmem:s19+$0x0] =	vst v13;
	v13 =	vand.u32 $0x7E, v20;
	v18 =	vunpack.i.u.bf16.f32 v14  }
0x11b: {  	s3 =	simm.s32 $0x9;
	v14 =	vunpack.i.l.bf16.f32 v14;
	v19 =	vld.idx.msk [tilespmem:v9+s23+$0x0], $0xffff;
	v22 =	vbroadcast v16, $0x0;
	v13 =	vor.u32 v1, v13  }
0x11c: {  	[tilespmem:s19+$0x10] =	vst v6;
	v6 =	vld [tilespmem:s31+$0xFFFFFFE0];
	v9 =	vmul.f32 v14, v2;
	v14 =	vmul.f32 v18, v2;
	v18 =	vmov s3  }
0x11d: {  	[tilespmem:s19+$0xFFFFFF80] =	vst v12;
	v2 =	vld.idx.msk [tilespmem:v4+s23+$0x0], $0xffff;
	v13 =	vbroadcast v13, $0x0;
	v4 =	vand.u32 $0x7D, v18;
	v18 =	vunpack.i.u.bf16.f32 v21  }
0x11e: {  	v12 =	vld [tilespmem:s31+$0x0];
	[tilespmem:s19+$0xFFFFFF90] =	vst v11;
	v4 =	vor.u32 v1, v4;
	v16 =	vunpack.i.u.bf16.f32 v15;
	v15 =	vunpack.i.l.bf16.f32 v15  }
0x11f: {  	v11 =	vld [tilespmem:s14+$0x10];
	[tilespmem:s19+$0x60] =	vst v9;
	v9 =	vunpack.i.l.bf16.f32 v21;
	v15 =	vmul.f32 v15, v3;
	v16 =	vmul.f32 v16, v3  }
0x120: {  	s15 =	simm.s32 $0xB;
	[tilespmem:s19+$0x70] =	vst v14;
	v14 =	vld [tilespmem:s14+$0xFFFFFFD0];
	v4 =	vbroadcast v4, $0x0;
	v3 =	vunpack.i.l.bf16.f32 v17;
	v17 =	vunpack.i.u.bf16.f32 v17  }
0x121: {  	v20 =	vmul.f32 v3, v19;
	v3 =	vld.idx.msk [tilespmem:v7+s23+$0x0], $0xffff;
	v7 =	vmov s15;
	v17 =	vmul.f32 v17, v19;
	[tilespmem:s19+$0xFFFFFFE0] =	vst v15  }
0x122: {  	s20 =	simm.s32 $0x10980;
	v21 =	vunpack.i.u.bf16.f32 v6;
	v6 =	vunpack.i.l.bf16.f32 v6;
	v7 =	vand.u32 $0x7F, v7;
	[tilespmem:s19+$0xFFFFFFF0] =	vst v16  }
0x123: {  	v6 =	vmul.f32 v6, v8;
	v16 =	vmul.f32 v21, v8;
	[tilespmem:s20+$0x40] =	vst v20;
	v7 =	vor.u32 v1, v7  }
0x124: {  	v20 =	vunpack.i.u.bf16.f32 v12;
	v12 =	vunpack.i.l.bf16.f32 v12;
	[tilespmem:s20+$0x50] =	vst v17;
	v17 =	vunpack.i.u.bf16.f32 v11  }
0x125: {  	v11 =	vunpack.i.l.bf16.f32 v11;
	v7 =	vbroadcast v7, $0x0;
	v15 =	vld [tilespmem:s31+$0x30];
	v12 =	vmul.f32 v12, v2;
	[tilespmem:s20+$0xFFFFFFC0] =	vst v6  }
0x126: {  	s14 =	simm.s32 $0xD940;
	v6 =	vmul.f32 v20, v2;
	v20 =	vunpack.i.u.bf16.f32 v14;
	[tilespmem:s20+$0xFFFFFFD0] =	vst v16;
	v11 =	vmul.f32 v11, v10  }
0x127: {  	s16 =	simm.s32 $0xC;
	v23 =	vld [tilespmem:s14+$0x20];
	v21 =	vmul.f32 v9, v3;
	v18 =	vmul.f32 v18, v3;
	v9 =	vunpack.i.l.bf16.f32 v14;
	[tilespmem:s20+$0x0] =	vst v12  }
0x128: {  	s22 =	simm.s32 $0xE;
	v16 =	vld [tilespmem:s31+$0xFFFFFFF0];
	v14 =	vmov s16;
	v12 =	vmul.f32 v17, v10;
	[tilespmem:s20+$0x10] =	vst v6;
	v10 =	vmul.f32 v20, v5  }
0x129: {  	v24 =	vld [tilespmem:s14+$0xFFFFFFC0];
	v17 =	vmov s22;
	[tilespmem:s19+$0x20] =	vst v11;
	v9 =	vmul.f32 v9, v5;
	v5 =	vand.u32 $0x7C, v14  }
0x12a: {  	v4 =	vld.idx.msk [tilespmem:v4+s23+$0x0], $0xffff;
	[tilespmem:s20+$0xFFFFFF90] =	vst v18;
	v18 =	vand.u32 $0x7E, v17;
	v6 =	vunpack.i.u.bf16.f32 v15;
	v15 =	vunpack.i.l.bf16.f32 v15  }
0x12b: {  	s21 =	simm.s32 $0xD;
	v11 =	vor.u32 v1, v18;
	v7 =	vld.idx.msk [tilespmem:v7+s23+$0x0], $0xffff;
	v20 =	vmul.f32 v15, v19;
	v14 =	vmul.f32 v6, v19  }
0x12c: {  	v17 =	vld [tilespmem:s14+$0xFFFFFFE0];
	[tilespmem:s19+$0x30] =	vst v12;
	v6 =	vor.u32 v1, v5;
	v15 =	vmov s21;
	v12 =	vbroadcast v11, $0x0  }
0x12d: {  	v5 =	vld.idx.msk [tilespmem:v13+s23+$0x0], $0xffff;
	v13 =	vand.u32 $0x7D, v15;
	[tilespmem:s20+$0x70] =	vst v14;
	v14 =	vunpack.i.u.bf16.f32 v16;
	v16 =	vunpack.i.l.bf16.f32 v16  }
0x12e: {  	[tilespmem:s20+$0xFFFFFF80] =	vst v21;
	v6 =	vbroadcast v6, $0x0;
	v15 =	vld [tilespmem:s14+$0x0];
	v13 =	vor.u32 v1, v13;
	v18 =	vmul.f32 v16, v8  }
0x12f: {  	[tilespmem:s20+$0x60] =	vst v20;
	v20 =	vunpack.i.u.bf16.f32 v23;
	v25 =	vmul.f32 v14, v8;
	v14 =	vld [tilespmem:s31+$0x10];
	v8 =	vunpack.i.l.bf16.f32 v23  }
0x130: {  	v11 =	vld [tilespmem:s31+$0xFFFFFFD0];
	v13 =	vbroadcast v13, $0x0;
	s31 =	simm.s32 $0xF;
	v16 =	vunpack.i.u.bf16.f32 v24;
	v19 =	vmul.f32 v8, v7;
	[tilespmem:s20+$0xFFFFFFE0] =	vst v18  }
0x131: {  	s8 =	simm.s32 $0x10A80;
	s15 =	simm.s32 $0x10;
	s21 =	simm.s32 $0xD940;
	v21 =	vmov s31;
	v8 =	vld.idx.msk [tilespmem:v22+s23+$0x0], $0xffff;
	v18 =	vunpack.i.l.bf16.f32 v24;
	v20 =	vmul.f32 v20, v7;
	[tilespmem:s20+$0xFFFFFFF0] =	vst v25  }
.LBB2_11:
0x132: {  	p0 =	slt.u32 s15, $0x7C;
	v21 =	vand.u32 $0x7F, v21;
	v22 =	vunpack.i.u.bf16.f32 v17;
	v17 =	vunpack.i.l.bf16.f32 v17;
	[tilespmem:s8+$0x40] =	vst v19  }
0x133: {  	v19 =	vor.u32 v1, v21;
	v21 =	vunpack.i.u.bf16.f32 v15;
	v15 =	vunpack.i.l.bf16.f32 v15;
	[tilespmem:s8+$0x50] =	vst v20  }
0x134: {  	v17 =	vmul.f32 v17, v4;
	v23 =	vunpack.i.u.bf16.f32 v14;
	v19 =	vbroadcast v19, $0x0;
	v20 =	vld [tilespmem:s14+$0x30];
	[tilespmem:s19+$0xFFFFFFA0] =	vst v9  }
0x135: {  	v14 =	vunpack.i.l.bf16.f32 v14;
	v9 =	vmul.f32 v22, v4;
	v15 =	vmul.f32 v15, v5;
	[tilespmem:s19+$0xFFFFFFB0] =	vst v10;
	s19 =	smov.u32 s20;
	s20 =	smov.u32 s8  }
0x136: {  	v10 =	vmul.f32 v21, v5;
	v22 =	vld.idx.msk [tilespmem:v13+s23+$0x0], $0xffff;
	v13 =	vmul.f32 v18, v8;
	[tilespmem:s8+$0xFFFFFFC0] =	vst v17;
	v17 =	vunpack.i.u.bf16.f32 v11  }
0x137: {  	v16 =	vmul.f32 v16, v8;
	v12 =	vld.idx.msk [tilespmem:v12+s23+$0x0], $0xffff;
	[tilespmem:s8+$0xFFFFFFD0] =	vst v9;
	v9 =	vunpack.i.l.bf16.f32 v11;
	v11 =	vmul.f32 v14, v2  }
0x138: {  	s14 =	sadd.s32 $0x80, s14;
	v21 =	vmul.f32 v23, v2;
	v14 =	vmov s15;
	v2 =	vmovc v5;
	v18 =	vld [tilespmem:s21+$0xFFFFFFF0];
	[tilespmem:s8+$0x0] =	vst v15;
	v9 =	vmul.f32 v9, v3  }
0x139: {  	v23 =	vld [tilespmem:s14+$0x20];
	[tilespmem:s8+$0x10] =	vst v10;
	v5 =	vunpack.i.u.bf16.f32 v20;
	v15 =	vunpack.i.l.bf16.f32 v20;
	v10 =	vmul.f32 v17, v3;
	v3 =	vmovc v8  }
0x13a: {  	s16 =	sadd.s32 $0x1, s15;
	s22 =	sadd.s32 $0x2, s15;
	v8 =	vand.u32 $0x7C, v14;
	[tilespmem:s8+$0xFFFFFF80] =	vst v13;
	v20 =	vmul.f32 v15, v7;
	v26 =	vmul.f32 v5, v7;
	v7 =	vld.idx.msk [tilespmem:v19+s23+$0x0], $0xffff  }
0x13b: {  	v14 =	vmov s22;
	v8 =	vor.u32 v1, v8;
	v13 =	vmov s16;
	v24 =	vld [tilespmem:s14+$0xFFFFFFC0];
	[tilespmem:s8+$0xFFFFFF90] =	vst v16  }
0x13c: {  	v25 =	vbroadcast v8, $0x0;
	v8 =	vand.u32 $0x7D, v13;
	v13 =	vand.u32 $0x7E, v14;
	v17 =	vld [tilespmem:s14+$0xFFFFFFE0];
	[tilespmem:s8+$0x70] =	vst v26  }
.Ltmp4:
0x13d: {  	v8 =	vor.u32 v1, v8;
	v5 =	vmovc v12;
	v15 =	vld [tilespmem:s14+$0x0];
	v14 =	vunpack.i.u.bf16.f32 v18;
	v16 =	vunpack.i.l.bf16.f32 v18;
	[tilespmem:s19+$0x20] =	vst v11;
	(pc) =	sbr.rel @p0 .LBB2_11-.Ltmp4, $4  }
0x13e: {  	v11 =	vor.u32 v1, v13;
	v18 =	vmul.f32 v16, v4;
	v26 =	vmul.f32 v14, v4;
	v14 =	vld [tilespmem:s21+$0x10];
	[tilespmem:s19+$0x30] =	vst v21  }
0x13f: {  	v13 =	vbroadcast v8, $0x0;
	v12 =	vbroadcast v11, $0x0;
	v19 =	vunpack.i.l.bf16.f32 v23;
	v4 =	vmovc v22;
	v11 =	vld [tilespmem:s21+$0xFFFFFFD0];
	[tilespmem:s8+$0x60] =	vst v20;
	s21 =	smov.u32 s14  }
0x140: {  	s16 =	sadd.s32 $0x3, s15;
	v20 =	vunpack.i.u.bf16.f32 v23;
	v19 =	vmul.f32 v19, v7;
	v8 =	vld.idx.msk [tilespmem:v6+s23+$0x0], $0xffff;
	v16 =	vunpack.i.u.bf16.f32 v24;
	[tilespmem:s8+$0xFFFFFFE0] =	vst v18;
	v6 =	vmovc v25  }
0x141: {  	s15 =	sadd.s32 $0x4, s15;
	v21 =	vmov s16;
	v18 =	vunpack.i.l.bf16.f32 v24;
	v20 =	vmul.f32 v20, v7;
	s8 =	sadd.s32 $0x100, s8;
	[tilespmem:s20+$0xFFFFFFF0] =	vst v26  }
0x142: {  	[tilespmem:s8+$0x40] =	vst v19  }
0x143: {  	v61 =	vunpack.i.l.bf16.f32 v17;
	[tilespmem:s19+$0xFFFFFFA0] =	vst v9  }
0x144: {  	v60 =	vand.u32 $0x7F, v21;
	v62 =	vunpack.i.u.bf16.f32 v17;
	[tilespmem:s19+$0xFFFFFFB0] =	vst v10;
	v63 =	vmul.f32 v61, v4  }
0x145: {  	v21 =	vunpack.i.l.bf16.f32 v15;
	[tilespmem:s8+$0x50] =	vst v20;
	v1 =	vor.u32 v1, v60;
	v17 =	vmul.f32 v62, v4  }
0x146: {  	v22 =	vunpack.i.u.bf16.f32 v15;
	v9 =	vmul.f32 v21, v5;
	v1 =	vbroadcast v1, $0x0;
	[tilespmem:s8+$0xFFFFFFC0] =	vst v63  }
0x147: {  	s22 =	sadd.s32 $0x80, s14;
	v39 =	vld.idx.msk [tilespmem:v12+s23+$0x0], $0xffff;
	v10 =	vmul.f32 v22, v5;
	v26 =	vunpack.i.l.bf16.f32 v14;
	[tilespmem:s8+$0xFFFFFFD0] =	vst v17  }
0x148: {  	v28 =	vunpack.i.u.bf16.f32 v14;
	v37 =	vld [tilespmem:s22+$0x0];
	v29 =	vmul.f32 v26, v2;
	[tilespmem:s8+$0x0] =	vst v9  }
0x149: {  	v44 =	vld.idx.msk [tilespmem:v6+s23+$0x0], $0xffff;
	v2 =	vmul.f32 v28, v2;
	[tilespmem:s8+$0x10] =	vst v10  }
0x14a: {  	v43 =	vld [tilespmem:s22+$0xFFFFFFC0];
	v23 =	vmul.f32 v18, v8;
	[tilespmem:s20+$0x20] =	vst v29  }
0x14b: {  	v27 =	vld [tilespmem:s22+$0x20];
	v40 =	vunpack.i.l.bf16.f32 v11;
	v41 =	vunpack.i.u.bf16.f32 v11;
	v24 =	vmul.f32 v16, v8;
	[tilespmem:s20+$0x30] =	vst v2  }
0x14c: {  	v42 =	vmul.f32 v40, v3;
	v3 =	vmul.f32 v41, v3;
	[tilespmem:s8+$0xFFFFFF80] =	vst v23;
	v1 =	vld.idx.msk [tilespmem:v1+s23+$0x0], $0xffff  }
0x14d: {  	v20 =	vld [tilespmem:s14+$0x30];
	[tilespmem:s8+$0xFFFFFF90] =	vst v24;
	v47 =	vunpack.i.l.bf16.f32 v37  }
0x14e: {  	v33 =	vld [tilespmem:s22+$0xFFFFFFE0];
	[tilespmem:s20+$0xFFFFFFB0] =	vst v3;
	v3 =	vunpack.i.u.bf16.f32 v37;
	v48 =	vmul.f32 v47, v39  }
0x14f: {  	s15 =	sadd.s32 $0x100, s8;
	v17 =	vld [tilespmem:s21+$0xFFFFFFF0];
	[tilespmem:s20+$0xFFFFFFA0] =	vst v42;
	v50 =	vunpack.i.u.bf16.f32 v43;
	v3 =	vmul.f32 v3, v39  }
0x150: {  	v2 =	vld.idx.msk [tilespmem:v13+s23+$0x0], $0xffff;
	v36 =	vunpack.i.l.bf16.f32 v27;
	v52 =	vmul.f32 v50, v44;
	[tilespmem:s15+$0x0] =	vst v48  }
0x151: {  	v38 =	vunpack.i.u.bf16.f32 v27;
	[tilespmem:s15+$0x10] =	vst v3;
	v13 =	vmul.f32 v36, v1  }
0x152: {  	v25 =	vunpack.i.u.bf16.f32 v20;
	[tilespmem:s15+$0xFFFFFF90] =	vst v52;
	v14 =	vmul.f32 v38, v1  }
0x153: {  	v30 =	vunpack.i.l.bf16.f32 v20;
	v10 =	vmul.f32 v25, v7;
	[tilespmem:s15+$0x40] =	vst v13  }
0x154: {  	v46 =	vld [tilespmem:s21+$0x10];
	v45 =	vunpack.i.l.bf16.f32 v33;
	v31 =	vmul.f32 v30, v7;
	[tilespmem:s15+$0x50] =	vst v14  }
0x155: {  	v32 =	vunpack.i.l.bf16.f32 v17;
	v6 =	vmul.f32 v45, v2;
	[tilespmem:s8+$0x70] =	vst v10;
	v13 =	vld [tilespmem:s22+$0x30]  }
0x156: {  	v9 =	vmul.f32 v32, v4;
	[tilespmem:s8+$0x60] =	vst v31;
	v10 =	vunpack.i.u.bf16.f32 v33  }
0x157: {  	v34 =	vunpack.i.u.bf16.f32 v17;
	v10 =	vmul.f32 v10, v2;
	[tilespmem:s15+$0xFFFFFFC0] =	vst v6  }
0x158: {  	v49 =	vunpack.i.l.bf16.f32 v43;
	v53 =	vld [tilespmem:s21+$0xFFFFFFD0];
	v35 =	vmul.f32 v34, v4;
	[tilespmem:s8+$0xFFFFFFE0] =	vst v9  }
0x159: {  	v54 =	vunpack.i.l.bf16.f32 v46;
	v6 =	vmul.f32 v49, v44;
	[tilespmem:s15+$0xFFFFFFD0] =	vst v10  }
0x15a: {  	v56 =	vmul.f32 v54, v5;
	[tilespmem:s8+$0xFFFFFFF0] =	vst v35;
	v51 =	vld [tilespmem:s22+$0xFFFFFFF0];
	v3 =	vunpack.i.u.bf16.f32 v13  }
0x15b: {  	[tilespmem:s15+$0xFFFFFF80] =	vst v6;
	v58 =	vunpack.i.l.bf16.f32 v13;
	v3 =	vmul.f32 v3, v1  }
0x15c: {  	v55 =	vunpack.i.u.bf16.f32 v46;
	[tilespmem:s8+$0x20] =	vst v56;
	v61 =	vld [tilespmem:s22+$0xFFFFFFD0];
	v1 =	vmul.f32 v58, v1  }
0x15d: {  	v57 =	vmul.f32 v55, v5;
	v62 =	vunpack.i.l.bf16.f32 v53;
	[tilespmem:s15+$0x70] =	vst v3;
	v3 =	vld [tilespmem:s22+$0x10]  }
0x15e: {  	v63 =	vmul.f32 v62, v8;
	[tilespmem:s15+$0x60] =	vst v1;
	v1 =	vunpack.i.u.bf16.f32 v53  }
0x15f: {  	[tilespmem:s8+$0x30] =	vst v57;
	v59 =	vunpack.i.l.bf16.f32 v51;
	v60 =	vunpack.i.u.bf16.f32 v51;
	v1 =	vmul.f32 v1, v8  }
0x160: {  	[tilespmem:s8+$0xFFFFFFA0] =	vst v63;
	v6 =	vmul.f32 v59, v2;
	v2 =	vmul.f32 v60, v2  }
0x161: {  	[tilespmem:s8+$0xFFFFFFB0] =	vst v1;
	v1 =	vunpack.i.l.bf16.f32 v61  }
0x162: {  	[tilespmem:s15+$0xFFFFFFF0] =	vst v2;
	v1 =	vmul.f32 v1, v44;
	v2 =	vunpack.i.l.bf16.f32 v3  }
0x163: {  	[tilespmem:s15+$0xFFFFFFE0] =	vst v6;
	s8 =	sadd.s32 $0x3, s11;
	v3 =	vunpack.i.u.bf16.f32 v3;
	v2 =	vmul.f32 v2, v39  }
0x164: {  	v5 =	vunpack.i.u.bf16.f32 v61;
	p0 =	sge.u32 s8, s7;
	v3 =	vmul.f32 v3, v39;
	[tilespmem:s15+$0xFFFFFFA0] =	vst v1  }
0x165: {  	s8 =	sshll.u32 @!p0 s8, $0x7;
	[tilespmem:s15+$0x20] =	vst v2;
	v2 =	vmul.f32 v5, v44  }
0x166: {  	s10 =	sadd.s32 $0x1, s10;
	s8 =	sand.u32 @!p0 $0x3FFFFF80, s8;
	[tilespmem:s15+$0x30] =	vst v3  }
0x167: {  	s11 =	simm.s32 @!p0 $0x80;
	s14 =	simm.s32 @!p0 $0xD800;
	s8 =	sadd.s32 @!p0 $0x2800, s8;
	[tilespmem:s15+$0xFFFFFFB0] =	vst v2  }
0x168: {  	[tilespmem:s14], [sflag:$0x2] =	stream.indirect.gather @!p0 [hbm4b:s5+s11], $0x20, s8, s11, $0xb8;
	[tilespmem:$0x1C800] =	vst v63  }
0x169: {  	p0 =	sne.s32 s10, s18  }
.Ltmp5:
0x16a: {  	_ = 	snop;
	(pc) =	sbr.rel @p0 .LBB2_8-.Ltmp5, $4  }
0x16b: {  	_ = 	snop  }
0x16c: {  	s31 =	sshll.u32 s12, $0x9  }
0x16d: {  	s8 =	sshra.s32 s31, $0x2  }
0x16e: {  	[spmem:s2] =	stream.indirect.scatter.add.f32 [tilespmem:s4], [sflag:$0x4], $0x40, s8, s30, $0xb8;
	[tilespmem:$0x1C800] =	vst v63  }
0x16f: {  	s3 =	simm.s32 $0x3  }
0x170: {  	_ =	swait.ge [sflag:s3], $0x2000  }
0x171: {  	[sflag:s3] =	ssyncset.done $0x0  }
0x172: {  	[sflag:s3] =	ssyncadd.s32 $0xFFFFE000  }
0x173: {  	_ =	swait.ge [sflag:s1], $0x2000  }
0x174: {  	[sflag:s1] =	ssyncset.done $0x0  }
0x175: {  	s22 =	stileid.u32;
	[sflag:s1] =	ssyncadd.s32 $0xFFFFE000  }
0x176: {  	s8 =	sshll.u32 s22, $0x6;
	[bflag:$0x0] =	sbarrier.arrive $0xFFFF  }
0x177: {  	s10 =	sshrl.u32 s13, $0x3;
	s9 =	sor.u32 $0x1C05, s8;
	s31 =	rddreg [dreg:$0xd]  }
0x178: {  	[hbm:s31], [sflag:s9] =	dma.local [spmem:s10], $0x1400  }
0x179: {  	_ =	swait.ge [sflag:s28], $0x1400  }
0x17a: {  	[sflag:s28] =	ssyncset.done $0x0  }
0x17b: {  	s11 =	simm.s32 $0x100;
	s8 =	simm.s32 $0x0;
	[sflag:s28] =	ssyncadd.s32 $0xFFFFEC00  }
.LBB2_14:
0x17c: {  	p0 =	sne.s32 s11, $0x7F00;
	[tilespmem:s8+$0xE830] =	vst v0;
	s12 =	smov.u32 s11;
	s11 =	sadd.s32 $0x100, s11  }
.Ltmp6:
0x17d: {  	[tilespmem:s8+$0xE820] =	vst v0;
	(pc) =	sbr.rel @p0 .LBB2_14-.Ltmp6, $3  }
0x17e: {  	[tilespmem:s8+$0xE800] =	vst v0  }
0x17f: {  	[tilespmem:s8+$0xE810] =	vst v0;
	_ =	sdelay $0x1  }
0x180: {  	s8 =	sshra.s32 s12, $0x2  }
0x181: {  	[tilespmem:s8+$0xE830] =	vst v0  }
0x182: {  	[tilespmem:s8+$0xE820] =	vst v0  }
0x183: {  	[tilespmem:s8+$0xE800] =	vst v0  }
0x184: {  	[tilespmem:s8+$0xE810] =	vst v0  }
0x185: {  	[spmem:s13] =	stream.linear.scatter [tilespmem:s29], [sflag:$0x5], $0x2000, $0x38;
	[tilespmem:$0x1C800] =	vst v63  }
0x186: {  	_ =	swait.ge [sflag:s28], $0x2000  }
0x187: {  	[sflag:s28] =	ssyncset.done $0x0  }
0x188: {  	[sflag:s28] =	ssyncadd.s32 $0xFFFFE000  }
0x189: {  	[spmem:s17] =	stream.linear.scatter [tilespmem:s29], [sflag:$0x5], $0x2000, $0x38;
	[tilespmem:$0x1C800] =	vst v63  }
0x18a: {  	_ =	swait.ge [sflag:s28], $0x2000  }
0x18b: {  	[sflag:s28] =	ssyncset.done $0x0  }
0x18c: {  	s3 =	rddreg [dreg:$0xa];
	[sflag:s28] =	ssyncadd.s32 $0xFFFFE000  }
0x18d: {  	[spmem:s3] =	stream.linear.scatter [tilespmem:s29], [sflag:$0x5], $0x2000, $0x38;
	[tilespmem:$0x1C800] =	vst v63  }
0x18e: {  	_ =	swait.ge [sflag:s28], $0x2000  }
0x18f: {  	[sflag:s28] =	ssyncset.done $0x0  }
0x190: {  	s16 =	rddreg [dreg:$0xb];
	[sflag:s28] =	ssyncadd.s32 $0xFFFFE000  }
0x191: {  	[spmem:s16] =	stream.linear.scatter [tilespmem:s29], [sflag:$0x5], $0x2000, $0x38;
	[tilespmem:$0x1C800] =	vst v63  }
0x192: {  	_ =	swait.ge [sflag:s28], $0x2000  }
0x193: {  	s31 =	smov.u32 s13;
	[sflag:s28] =	ssyncset.done $0x0  }
0x194: {  	s13 =	smov.u32 s17;
	s17 =	rddreg [dreg:$0xc];
	[sflag:s28] =	ssyncadd.s32 $0xFFFFE000  }
0x195: {  	[spmem:s17] =	stream.linear.scatter [tilespmem:s29], [sflag:$0x5], $0x2000, $0x38;
	[tilespmem:$0x1C800] =	vst v63  }
0x196: {  	_ =	swait.ge [sflag:s28], $0x2000  }
0x197: {  	[sflag:s28] =	ssyncset.done $0x0  }
0x198: {  	s19 =	simm.s32 $0x2800;
	[sflag:s28] =	ssyncadd.s32 $0xFFFFE000  }
0x199: {  	s20 =	simm.s32 $0xC800;
	s21 =	simm.s32 $0x2880;
	[bflag:$0x0] =	sbarrier.arrive $0xFFFF  }
0x19a: {  	[tilespmem:s20], [sflag:$0x1] =	stream.indirect.gather [hbm4b:s6+s30], $0x20, s19, s30, $0xb8;
	[tilespmem:$0x1C800] =	vst v63  }
0x19b: {  	s22 =	simm.s32 $0xD800;
	s11 =	simm.s32 $0x0;
	s12 =	simm.s32 $0x0  }
0x19c: {  	[tilespmem:s22], [sflag:$0x2] =	stream.indirect.gather [hbm4b:s6+s30], $0x20, s21, s30, $0xb8;
	[tilespmem:$0x1C800] =	vst v63  }
.LBB2_16:
0x19d: {  	s19 =	sshll.u32 s12, $0x1;
	s8 =	simm.s32 $0x3  }
0x19e: {  	s14 =	sshll.u32 s19, $0x7;
	v2 =	vmov s8  }
0x19f: {  	v1 =	vmov s14;
	v2 =	vand.u32 $0x7F, v2  }
0x1a0: {  	_ =	swait.ge [sflag:s26], $0x1000;
	v2 =	vor.u32 v1, v2  }
0x1a1: {  	s21 =	simm.s32 $0x1;
	p0 =	seq.s32 s12, $0x0;
	[sflag:s26] =	ssyncset.done $0x0;
	v2 =	vbroadcast v2, $0x0  }
0x1a2: {  	v3 =	vmov s21;
	[sflag:s26] =	ssyncadd.s32 $0xFFFFF000;
	s14 =	simm.s32 @!p0 $0x3  }
0x1a3: {  	v3 =	vand.u32 $0x7D, v3;
	_ =	swait.ge @!p0 [sflag:s14], $0x2000  }
0x1a4: {  	s22 =	simm.s32 $0x2;
	v5 =	vmov s11;
	v3 =	vor.u32 v1, v3;
	[sflag:s14] =	ssyncset.done @!p0 $0x0  }
0x1a5: {  	s3 =	simm.s32 $0xC840;
	v4 =	vmov s22;
	v5 =	vand.u32 $0x7C, v5;
	v3 =	vbroadcast v3, $0x0;
	[sflag:s14] =	ssyncadd.s32 @!p0 $0xFFFFE000  }
0x1a6: {  	v4 =	vand.u32 $0x7E, v4;
	v5 =	vor.u32 v1, v5;
	v6 =	vld [tilespmem:s3+$0x20]  }
0x1a7: {  	v4 =	vor.u32 v1, v4;
	v5 =	vbroadcast v5, $0x0;
	v2 =	vld.idx.msk [tilespmem:v2+s23+$0x0], $0xffff  }
0x1a8: {  	s15 =	simm.s32 $0x4;
	s16 =	simm.s32 $0x5;
	v4 =	vbroadcast v4, $0x0  }
0x1a9: {  	s17 =	simm.s32 $0x7;
	v7 =	vmov s15;
	v8 =	vmov s16;
	v9 =	vld [tilespmem:s3+$0xFFFFFFE0]  }
0x1aa: {  	v14 =	vmov s17;
	s16 =	simm.s32 $0xA;
	v7 =	vand.u32 $0x7C, v7;
	v8 =	vand.u32 $0x7D, v8;
	v12 =	vld [tilespmem:s3+$0xFFFFFFC0]  }
0x1ab: {  	v14 =	vand.u32 $0x7F, v14;
	v20 =	vmov s16;
	v3 =	vld.idx.msk [tilespmem:v3+s23+$0x0], $0xffff;
	v11 =	vunpack.i.l.bf16.f32 v6  }
0x1ac: {  	v7 =	vor.u32 v1, v7;
	v13 =	vld [tilespmem:s3+$0x0];
	v6 =	vunpack.i.u.bf16.f32 v6;
	v11 =	vmul.f32 v11, v2  }
0x1ad: {  	s20 =	simm.s32 $0xE880;
	s15 =	simm.s32 $0x6;
	v8 =	vor.u32 v1, v8;
	v14 =	vor.u32 v1, v14;
	v5 =	vld.idx.msk [tilespmem:v5+s23+$0x0], $0xffff;
	v6 =	vmul.f32 v6, v2  }
0x1ae: {  	v8 =	vbroadcast v8, $0x0;
	v7 =	vbroadcast v7, $0x0;
	v10 =	vld.idx.msk [tilespmem:v4+s23+$0x0], $0xffff;
	v4 =	vmov s15;
	[tilespmem:s20+$0x40] =	vst v11  }
0x1af: {  	v4 =	vand.u32 $0x7E, v4;
	v15 =	vunpack.i.u.bf16.f32 v12;
	v11 =	vunpack.i.l.bf16.f32 v9;
	[tilespmem:s20+$0x50] =	vst v6  }
0x1b0: {  	v6 =	vunpack.i.u.bf16.f32 v9;
	v9 =	vbroadcast v14, $0x0;
	v11 =	vmul.f32 v11, v3;
	v14 =	vld [tilespmem:s3+$0x30]  }
0x1b1: {  	s8 =	simm.s32 $0xC8C0;
	v12 =	vunpack.i.l.bf16.f32 v12;
	v4 =	vor.u32 v1, v4;
	v6 =	vmul.f32 v6, v3  }
0x1b2: {  	s21 =	simm.s32 $0x8;
	v17 =	vld [tilespmem:s8+$0x20];
	v16 =	vunpack.i.l.bf16.f32 v13;
	v4 =	vbroadcast v4, $0x0;
	v12 =	vmul.f32 v12, v5;
	[tilespmem:s20+$0xFFFFFFC0] =	vst v11  }
0x1b3: {  	v21 =	vld [tilespmem:s8+$0xFFFFFFC0];
	v11 =	vunpack.i.u.bf16.f32 v13;
	v13 =	vmul.f32 v16, v10;
	[tilespmem:s20+$0xFFFFFFD0] =	vst v6;
	v16 =	vmov s21  }
0x1b4: {  	v6 =	vmul.f32 v11, v10;
	v11 =	vmul.f32 v15, v5;
	v15 =	vld [tilespmem:s3+$0xFFFFFFF0];
	v16 =	vand.u32 $0x7C, v16  }
0x1b5: {  	v8 =	vld.idx.msk [tilespmem:v8+s23+$0x0], $0xffff;
	v16 =	vor.u32 v1, v16;
	[tilespmem:s20+$0x0] =	vst v13;
	v13 =	vand.u32 $0x7E, v20;
	v18 =	vunpack.i.u.bf16.f32 v14  }
0x1b6: {  	s22 =	simm.s32 $0x9;
	v14 =	vunpack.i.l.bf16.f32 v14;
	v19 =	vld.idx.msk [tilespmem:v9+s23+$0x0], $0xffff;
	v22 =	vbroadcast v16, $0x0;
	v13 =	vor.u32 v1, v13  }
0x1b7: {  	[tilespmem:s20+$0x10] =	vst v6;
	v6 =	vld [tilespmem:s8+$0xFFFFFFE0];
	v9 =	vmul.f32 v14, v2;
	v14 =	vmul.f32 v18, v2;
	v18 =	vmov s22  }
0x1b8: {  	[tilespmem:s20+$0xFFFFFF80] =	vst v12;
	v2 =	vld.idx.msk [tilespmem:v4+s23+$0x0], $0xffff;
	v13 =	vbroadcast v13, $0x0;
	v4 =	vand.u32 $0x7D, v18;
	v18 =	vunpack.i.u.bf16.f32 v21  }
0x1b9: {  	v12 =	vld [tilespmem:s8+$0x0];
	[tilespmem:s20+$0xFFFFFF90] =	vst v11;
	v4 =	vor.u32 v1, v4;
	v16 =	vunpack.i.u.bf16.f32 v15;
	v15 =	vunpack.i.l.bf16.f32 v15  }
0x1ba: {  	v11 =	vld [tilespmem:s3+$0x10];
	[tilespmem:s20+$0x60] =	vst v9;
	v9 =	vunpack.i.l.bf16.f32 v21;
	v15 =	vmul.f32 v15, v3;
	v16 =	vmul.f32 v16, v3  }
0x1bb: {  	[tilespmem:s20+$0x70] =	vst v14;
	v14 =	vld [tilespmem:s3+$0xFFFFFFD0];
	s3 =	simm.s32 $0xB;
	v4 =	vbroadcast v4, $0x0;
	v3 =	vunpack.i.l.bf16.f32 v17;
	v17 =	vunpack.i.u.bf16.f32 v17  }
0x1bc: {  	v20 =	vmul.f32 v3, v19;
	v3 =	vld.idx.msk [tilespmem:v7+s23+$0x0], $0xffff;
	v7 =	vmov s3;
	v17 =	vmul.f32 v17, v19;
	[tilespmem:s20+$0xFFFFFFE0] =	vst v15  }
0x1bd: {  	s21 =	simm.s32 $0xE980;
	v21 =	vunpack.i.u.bf16.f32 v6;
	v6 =	vunpack.i.l.bf16.f32 v6;
	v7 =	vand.u32 $0x7F, v7;
	[tilespmem:s20+$0xFFFFFFF0] =	vst v16  }
0x1be: {  	v6 =	vmul.f32 v6, v8;
	v16 =	vmul.f32 v21, v8;
	[tilespmem:s21+$0x40] =	vst v20;
	v7 =	vor.u32 v1, v7  }
0x1bf: {  	v20 =	vunpack.i.u.bf16.f32 v12;
	v12 =	vunpack.i.l.bf16.f32 v12;
	[tilespmem:s21+$0x50] =	vst v17;
	v17 =	vunpack.i.u.bf16.f32 v11  }
0x1c0: {  	v11 =	vunpack.i.l.bf16.f32 v11;
	v7 =	vbroadcast v7, $0x0;
	v15 =	vld [tilespmem:s8+$0x30];
	v12 =	vmul.f32 v12, v2;
	[tilespmem:s21+$0xFFFFFFC0] =	vst v6  }
0x1c1: {  	s14 =	simm.s32 $0xC940;
	v6 =	vmul.f32 v20, v2;
	v20 =	vunpack.i.u.bf16.f32 v14;
	[tilespmem:s21+$0xFFFFFFD0] =	vst v16;
	v11 =	vmul.f32 v11, v10  }
0x1c2: {  	v23 =	vld [tilespmem:s14+$0x20];
	s15 =	simm.s32 $0xC;
	v21 =	vmul.f32 v9, v3;
	v18 =	vmul.f32 v18, v3;
	v9 =	vunpack.i.l.bf16.f32 v14;
	[tilespmem:s21+$0x0] =	vst v12  }
0x1c3: {  	s17 =	simm.s32 $0xE;
	v16 =	vld [tilespmem:s8+$0xFFFFFFF0];
	v14 =	vmov s15;
	v12 =	vmul.f32 v17, v10;
	[tilespmem:s21+$0x10] =	vst v6;
	v10 =	vmul.f32 v20, v5  }
0x1c4: {  	v24 =	vld [tilespmem:s14+$0xFFFFFFC0];
	s22 =	simm.s32 $0xF;
	v17 =	vmov s17;
	v9 =	vmul.f32 v9, v5;
	v5 =	vand.u32 $0x7C, v14;
	[tilespmem:s21+$0xFFFFFF80] =	vst v21  }
0x1c5: {  	v4 =	vld.idx.msk [tilespmem:v4+s23+$0x0], $0xffff;
	[tilespmem:s21+$0xFFFFFF90] =	vst v18;
	v18 =	vand.u32 $0x7E, v17;
	v21 =	vmov s22;
	v6 =	vunpack.i.u.bf16.f32 v15  }
0x1c6: {  	s16 =	simm.s32 $0xD;
	[tilespmem:s20+$0x20] =	vst v11;
	v15 =	vunpack.i.l.bf16.f32 v15;
	v11 =	vor.u32 v1, v18;
	v7 =	vld.idx.msk [tilespmem:v7+s23+$0x0], $0xffff;
	v14 =	vmul.f32 v6, v19  }
0x1c7: {  	v17 =	vld [tilespmem:s14+$0xFFFFFFE0];
	[tilespmem:s20+$0x30] =	vst v12;
	v20 =	vmul.f32 v15, v19;
	v6 =	vor.u32 v1, v5;
	v15 =	vmov s16  }
0x1c8: {  	v5 =	vld.idx.msk [tilespmem:v13+s23+$0x0], $0xffff;
	v12 =	vbroadcast v11, $0x0;
	[tilespmem:s21+$0x70] =	vst v14;
	v14 =	vunpack.i.u.bf16.f32 v16;
	v16 =	vunpack.i.l.bf16.f32 v16  }
0x1c9: {  	v6 =	vbroadcast v6, $0x0;
	v13 =	vand.u32 $0x7D, v15;
	v15 =	vld [tilespmem:s14+$0x0];
	v18 =	vmul.f32 v16, v8  }
0x1ca: {  	v13 =	vor.u32 v1, v13;
	[tilespmem:s21+$0x60] =	vst v20;
	v25 =	vmul.f32 v14, v8;
	v14 =	vld [tilespmem:s8+$0x10];
	v8 =	vunpack.i.l.bf16.f32 v23  }
0x1cb: {  	v11 =	vld [tilespmem:s8+$0xFFFFFFD0];
	v20 =	vunpack.i.u.bf16.f32 v23;
	v13 =	vbroadcast v13, $0x0;
	v19 =	vmul.f32 v8, v7;
	[tilespmem:s21+$0xFFFFFFE0] =	vst v18  }
0x1cc: {  	s15 =	simm.s32 $0x10;
	s22 =	simm.s32 $0xC940;
	v16 =	vunpack.i.u.bf16.f32 v24;
	s8 =	simm.s32 $0xEA80;
	v8 =	vld.idx.msk [tilespmem:v22+s23+$0x0], $0xffff;
	v18 =	vunpack.i.l.bf16.f32 v24;
	v20 =	vmul.f32 v20, v7;
	[tilespmem:s21+$0xFFFFFFF0] =	vst v25  }
.LBB2_17:
0x1cd: {  	p1 =	slt.u32 s15, $0x7C;
	v21 =	vand.u32 $0x7F, v21;
	v22 =	vunpack.i.u.bf16.f32 v17;
	v17 =	vunpack.i.l.bf16.f32 v17;
	[tilespmem:s8+$0x40] =	vst v19  }
0x1ce: {  	v19 =	vor.u32 v1, v21;
	v21 =	vunpack.i.u.bf16.f32 v15;
	v15 =	vunpack.i.l.bf16.f32 v15;
	[tilespmem:s8+$0x50] =	vst v20  }
0x1cf: {  	v17 =	vmul.f32 v17, v4;
	v23 =	vunpack.i.u.bf16.f32 v14;
	v19 =	vbroadcast v19, $0x0;
	v20 =	vld [tilespmem:s14+$0x30];
	[tilespmem:s20+$0xFFFFFFA0] =	vst v9  }
0x1d0: {  	v14 =	vunpack.i.l.bf16.f32 v14;
	v9 =	vmul.f32 v22, v4;
	v15 =	vmul.f32 v15, v5;
	[tilespmem:s20+$0xFFFFFFB0] =	vst v10;
	s20 =	smov.u32 s21;
	s21 =	smov.u32 s8  }
0x1d1: {  	v10 =	vmul.f32 v21, v5;
	v22 =	vld.idx.msk [tilespmem:v13+s23+$0x0], $0xffff;
	v13 =	vmul.f32 v18, v8;
	[tilespmem:s8+$0xFFFFFFC0] =	vst v17;
	v17 =	vunpack.i.u.bf16.f32 v11  }
0x1d2: {  	v16 =	vmul.f32 v16, v8;
	v12 =	vld.idx.msk [tilespmem:v12+s23+$0x0], $0xffff;
	[tilespmem:s8+$0xFFFFFFD0] =	vst v9;
	v9 =	vunpack.i.l.bf16.f32 v11;
	v11 =	vmul.f32 v14, v2  }
0x1d3: {  	s14 =	sadd.s32 $0x80, s14;
	v21 =	vmul.f32 v23, v2;
	v14 =	vmov s15;
	v2 =	vmovc v5;
	v18 =	vld [tilespmem:s22+$0xFFFFFFF0];
	[tilespmem:s8+$0x0] =	vst v15;
	v9 =	vmul.f32 v9, v3  }
0x1d4: {  	v23 =	vld [tilespmem:s14+$0x20];
	[tilespmem:s8+$0x10] =	vst v10;
	v5 =	vunpack.i.u.bf16.f32 v20;
	v15 =	vunpack.i.l.bf16.f32 v20;
	v10 =	vmul.f32 v17, v3;
	v3 =	vmovc v8  }
0x1d5: {  	s16 =	sadd.s32 $0x1, s15;
	s17 =	sadd.s32 $0x2, s15;
	v8 =	vand.u32 $0x7C, v14;
	[tilespmem:s8+$0xFFFFFF80] =	vst v13;
	v20 =	vmul.f32 v15, v7;
	v26 =	vmul.f32 v5, v7;
	v7 =	vld.idx.msk [tilespmem:v19+s23+$0x0], $0xffff  }
0x1d6: {  	v14 =	vmov s17;
	v8 =	vor.u32 v1, v8;
	v13 =	vmov s16;
	v24 =	vld [tilespmem:s14+$0xFFFFFFC0];
	[tilespmem:s8+$0xFFFFFF90] =	vst v16  }
0x1d7: {  	v25 =	vbroadcast v8, $0x0;
	v8 =	vand.u32 $0x7D, v13;
	v13 =	vand.u32 $0x7E, v14;
	v17 =	vld [tilespmem:s14+$0xFFFFFFE0];
	[tilespmem:s8+$0x70] =	vst v26  }
.Ltmp7:
0x1d8: {  	v8 =	vor.u32 v1, v8;
	v5 =	vmovc v12;
	v15 =	vld [tilespmem:s14+$0x0];
	v14 =	vunpack.i.u.bf16.f32 v18;
	v16 =	vunpack.i.l.bf16.f32 v18;
	[tilespmem:s20+$0x20] =	vst v11;
	(pc) =	sbr.rel @p1 .LBB2_17-.Ltmp7, $4  }
0x1d9: {  	v11 =	vor.u32 v1, v13;
	v18 =	vmul.f32 v16, v4;
	v26 =	vmul.f32 v14, v4;
	v14 =	vld [tilespmem:s22+$0x10];
	[tilespmem:s20+$0x30] =	vst v21  }
0x1da: {  	v13 =	vbroadcast v8, $0x0;
	v12 =	vbroadcast v11, $0x0;
	v19 =	vunpack.i.l.bf16.f32 v23;
	v4 =	vmovc v22;
	v11 =	vld [tilespmem:s22+$0xFFFFFFD0];
	[tilespmem:s8+$0x60] =	vst v20;
	s22 =	smov.u32 s14  }
0x1db: {  	s16 =	sadd.s32 $0x3, s15;
	v20 =	vunpack.i.u.bf16.f32 v23;
	v19 =	vmul.f32 v19, v7;
	v8 =	vld.idx.msk [tilespmem:v6+s23+$0x0], $0xffff;
	v16 =	vunpack.i.u.bf16.f32 v24;
	[tilespmem:s8+$0xFFFFFFE0] =	vst v18;
	v6 =	vmovc v25  }
0x1dc: {  	s15 =	sadd.s32 $0x4, s15;
	v21 =	vmov s16;
	v18 =	vunpack.i.l.bf16.f32 v24;
	v20 =	vmul.f32 v20, v7;
	s8 =	sadd.s32 $0x100, s8;
	[tilespmem:s21+$0xFFFFFFF0] =	vst v26  }
0x1dd: {  	[tilespmem:s8+$0x40] =	vst v19  }
0x1de: {  	v19 =	vand.u32 $0x7F, v21;
	v21 =	vunpack.i.l.bf16.f32 v17;
	[tilespmem:s20+$0xFFFFFFA0] =	vst v9  }
0x1df: {  	v17 =	vunpack.i.u.bf16.f32 v17;
	[tilespmem:s20+$0xFFFFFFB0] =	vst v10;
	v1 =	vor.u32 v1, v19;
	v19 =	vmul.f32 v21, v4  }
0x1e0: {  	v9 =	vunpack.i.l.bf16.f32 v15;
	[tilespmem:s8+$0x50] =	vst v20;
	v17 =	vmul.f32 v17, v4;
	v1 =	vbroadcast v1, $0x0  }
0x1e1: {  	v10 =	vunpack.i.u.bf16.f32 v15;
	v9 =	vmul.f32 v9, v5;
	v20 =	vld [tilespmem:s14+$0x30];
	[tilespmem:s8+$0xFFFFFFC0] =	vst v19  }
0x1e2: {  	v10 =	vmul.f32 v10, v5;
	[tilespmem:s8+$0xFFFFFFD0] =	vst v17  }
0x1e3: {  	v15 =	vmul.f32 v18, v8;
	[tilespmem:s8+$0x0] =	vst v9;
	v17 =	vld [tilespmem:s22+$0xFFFFFFF0]  }
0x1e4: {  	s3 =	sadd.s32 $0x80, s14;
	v9 =	vmul.f32 v16, v8;
	[tilespmem:s8+$0x10] =	vst v10;
	v16 =	vunpack.i.l.bf16.f32 v14  }
0x1e5: {  	v18 =	vld [tilespmem:s3+$0x20];
	v14 =	vunpack.i.u.bf16.f32 v14;
	[tilespmem:s8+$0xFFFFFF80] =	vst v15;
	v15 =	vmul.f32 v16, v2  }
0x1e6: {  	[tilespmem:s8+$0xFFFFFF90] =	vst v9;
	v2 =	vmul.f32 v14, v2;
	v10 =	vunpack.i.u.bf16.f32 v20;
	v1 =	vld.idx.msk [tilespmem:v1+s23+$0x0], $0xffff  }
0x1e7: {  	v9 =	vunpack.i.l.bf16.f32 v20;
	[tilespmem:s21+$0x20] =	vst v15;
	v10 =	vmul.f32 v10, v7  }
0x1e8: {  	[tilespmem:s21+$0x30] =	vst v2;
	v7 =	vmul.f32 v9, v7;
	v9 =	vunpack.i.l.bf16.f32 v17  }
0x1e9: {  	v14 =	vunpack.i.u.bf16.f32 v17;
	[tilespmem:s8+$0x70] =	vst v10;
	v10 =	vld [tilespmem:s3+$0xFFFFFFE0];
	v9 =	vmul.f32 v9, v4  }
0x1ea: {  	v2 =	vld.idx.msk [tilespmem:v13+s23+$0x0], $0xffff;
	v13 =	vunpack.i.l.bf16.f32 v18;
	v4 =	vmul.f32 v14, v4;
	[tilespmem:s8+$0x60] =	vst v7  }
0x1eb: {  	v7 =	vld [tilespmem:s3+$0x0];
	v14 =	vunpack.i.u.bf16.f32 v18;
	[tilespmem:s8+$0xFFFFFFE0] =	vst v9;
	v13 =	vmul.f32 v13, v1  }
0x1ec: {  	s15 =	sadd.s32 $0x100, s8;
	v9 =	vld.idx.msk [tilespmem:v12+s23+$0x0], $0xffff;
	v12 =	vunpack.i.l.bf16.f32 v11;
	[tilespmem:s8+$0xFFFFFFF0] =	vst v4;
	v14 =	vmul.f32 v14, v1  }
0x1ed: {  	v4 =	vunpack.i.u.bf16.f32 v11;
	v11 =	vmul.f32 v12, v3;
	v12 =	vld [tilespmem:s3+$0xFFFFFFC0];
	[tilespmem:s15+$0x40] =	vst v13  }
0x1ee: {  	v3 =	vmul.f32 v4, v3;
	v4 =	vld.idx.msk [tilespmem:v6+s23+$0x0], $0xffff;
	v6 =	vunpack.i.l.bf16.f32 v10;
	[tilespmem:s15+$0x50] =	vst v14  }
0x1ef: {  	v10 =	vunpack.i.u.bf16.f32 v10;
	[tilespmem:s21+$0xFFFFFFA0] =	vst v11;
	v6 =	vmul.f32 v6, v2;
	v13 =	vld [tilespmem:s3+$0x30]  }
0x1f0: {  	v11 =	vld [tilespmem:s22+$0x10];
	v14 =	vunpack.i.l.bf16.f32 v7;
	[tilespmem:s21+$0xFFFFFFB0] =	vst v3;
	v10 =	vmul.f32 v10, v2  }
0x1f1: {  	v3 =	vunpack.i.u.bf16.f32 v7;
	v7 =	vmul.f32 v14, v9;
	[tilespmem:s15+$0xFFFFFFC0] =	vst v6  }
0x1f2: {  	v3 =	vmul.f32 v3, v9;
	v6 =	vunpack.i.l.bf16.f32 v12;
	[tilespmem:s15+$0xFFFFFFD0] =	vst v10  }
0x1f3: {  	v10 =	vunpack.i.u.bf16.f32 v12;
	v6 =	vmul.f32 v6, v4;
	v12 =	vld [tilespmem:s3+$0xFFFFFFF0];
	[tilespmem:s15+$0x0] =	vst v7  }
0x1f4: {  	v7 =	vmul.f32 v10, v4;
	[tilespmem:s15+$0x10] =	vst v3;
	v3 =	vunpack.i.u.bf16.f32 v13  }
0x1f5: {  	v10 =	vld [tilespmem:s22+$0xFFFFFFD0];
	v14 =	vunpack.i.l.bf16.f32 v11;
	[tilespmem:s15+$0xFFFFFF80] =	vst v6;
	v3 =	vmul.f32 v3, v1  }
0x1f6: {  	v6 =	vunpack.i.u.bf16.f32 v11;
	v11 =	vmul.f32 v14, v5;
	[tilespmem:s15+$0xFFFFFF90] =	vst v7  }
0x1f7: {  	v5 =	vmul.f32 v6, v5;
	v6 =	vunpack.i.l.bf16.f32 v13;
	[tilespmem:s15+$0x70] =	vst v3;
	v3 =	vld [tilespmem:s3+$0x10]  }
0x1f8: {  	v1 =	vmul.f32 v6, v1;
	[tilespmem:s8+$0x20] =	vst v11;
	v6 =	vunpack.i.l.bf16.f32 v12  }
0x1f9: {  	v7 =	vunpack.i.u.bf16.f32 v12;
	[tilespmem:s8+$0x30] =	vst v5;
	v5 =	vld [tilespmem:s3+$0xFFFFFFD0];
	v6 =	vmul.f32 v6, v2  }
0x1fa: {  	v11 =	vunpack.i.l.bf16.f32 v10;
	v2 =	vmul.f32 v7, v2;
	[tilespmem:s15+$0x60] =	vst v1  }
0x1fb: {  	v1 =	vunpack.i.u.bf16.f32 v10;
	v7 =	vmul.f32 v11, v8;
	[tilespmem:s15+$0xFFFFFFE0] =	vst v6  }
0x1fc: {  	v1 =	vmul.f32 v1, v8;
	[tilespmem:s15+$0xFFFFFFF0] =	vst v2;
	v2 =	vunpack.i.l.bf16.f32 v3  }
0x1fd: {  	[tilespmem:s8+$0xFFFFFFA0] =	vst v7;
	v3 =	vunpack.i.u.bf16.f32 v3;
	v2 =	vmul.f32 v2, v9  }
0x1fe: {  	[tilespmem:s8+$0xFFFFFFB0] =	vst v1;
	s8 =	sadd.s32 $0x2, s19;
	v1 =	vunpack.i.l.bf16.f32 v5;
	v3 =	vmul.f32 v3, v9  }
0x1ff: {  	v5 =	vunpack.i.u.bf16.f32 v5;
	p1 =	sge.u32 s8, s7;
	v1 =	vmul.f32 v1, v4;
	[tilespmem:s15+$0x20] =	vst v2  }
0x200: {  	s8 =	sshll.u32 @!p1 s8, $0x7;
	v2 =	vmul.f32 v5, v4;
	[tilespmem:s15+$0x30] =	vst v3  }
0x201: {  	s8 =	sand.u32 @!p1 $0x3FFFFF80, s8;
	[tilespmem:s15+$0xFFFFFFA0] =	vst v1  }
0x202: {  	s14 =	simm.s32 @!p1 $0x80;
	s8 =	sadd.s32 @!p1 $0x2800, s8;
	[tilespmem:s15+$0xFFFFFFB0] =	vst v2;
	s15 =	simm.s32 @!p1 $0xC800  }
0x203: {  	[tilespmem:s15], [sflag:$0x1] =	stream.indirect.gather @!p1 [hbm4b:s6+s14], $0x20, s8, s14, $0xb8;
	[tilespmem:$0x1C800] =	vst v63  }
0x204: {  	s20 =	sor.u32 $0x1, s19;
	s14 =	sshll.u32 s12, $0xA;
	s15 =	simm.s32 $0x3  }
0x205: {  	s17 =	simm.s32 $0x1;
	s16 =	sshll.u32 s20, $0x7;
	s8 =	sshra.s32 s14, $0x2;
	v2 =	vmov s15  }
0x206: {  	v1 =	vmov s16;
	v3 =	vmov s17;
	[spmem:s2] =	stream.indirect.scatter.add.f32 [tilespmem:s29], [sflag:$0x3], $0x40, s8, s30, $0xb8;
	v2 =	vand.u32 $0x7F, v2;
	[tilespmem:$0x1C800] =	vst v63  }
0x207: {  	s21 =	simm.s32 $0x2;
	v3 =	vand.u32 $0x7D, v3;
	_ =	swait.ge [sflag:s0], $0x1000;
	v2 =	vor.u32 v1, v2  }
0x208: {  	v4 =	vmov s21;
	v3 =	vor.u32 v1, v3;
	[sflag:s0] =	ssyncset.done $0x0;
	v2 =	vbroadcast v2, $0x0  }
0x209: {  	v4 =	vand.u32 $0x7E, v4;
	v3 =	vbroadcast v3, $0x0;
	s14 =	simm.s32 @!p0 $0x4;
	[sflag:s0] =	ssyncadd.s32 $0xFFFFF000  }
0x20a: {  	s22 =	simm.s32 $0x0;
	v4 =	vor.u32 v1, v4;
	_ =	swait.ge @!p0 [sflag:s14], $0x2000  }
0x20b: {  	v5 =	vmov s22;
	v4 =	vbroadcast v4, $0x0;
	[sflag:s14] =	ssyncset.done @!p0 $0x0  }
0x20c: {  	v5 =	vand.u32 $0x7C, v5;
	s8 =	simm.s32 $0xD840;
	[sflag:s14] =	ssyncadd.s32 @!p0 $0xFFFFE000  }
0x20d: {  	s3 =	simm.s32 $0x4;
	v5 =	vor.u32 v1, v5;
	v6 =	vld [tilespmem:s8+$0x20]  }
0x20e: {  	v7 =	vmov s3;
	v5 =	vbroadcast v5, $0x0;
	v2 =	vld.idx.msk [tilespmem:v2+s23+$0x0], $0xffff  }
0x20f: {  	v7 =	vand.u32 $0x7C, v7;
	v3 =	vld.idx.msk [tilespmem:v3+s23+$0x0], $0xffff  }
0x210: {  	s17 =	simm.s32 $0x7;
	v7 =	vor.u32 v1, v7;
	v9 =	vld [tilespmem:s8+$0xFFFFFFE0]  }
0x211: {  	v14 =	vmov s17;
	v7 =	vbroadcast v7, $0x0;
	s15 =	simm.s32 $0x5;
	v10 =	vld.idx.msk [tilespmem:v4+s23+$0x0], $0xffff  }
0x212: {  	v14 =	vand.u32 $0x7F, v14;
	v8 =	vmov s15;
	v12 =	vld [tilespmem:s8+$0xFFFFFFC0];
	v11 =	vunpack.i.l.bf16.f32 v6  }
0x213: {  	s16 =	simm.s32 $0x6;
	v8 =	vand.u32 $0x7D, v8;
	v13 =	vld [tilespmem:s8+$0x0];
	v6 =	vunpack.i.u.bf16.f32 v6;
	v11 =	vmul.f32 v11, v2  }
0x214: {  	s21 =	simm.s32 $0x10880;
	v8 =	vor.u32 v1, v8;
	v4 =	vmov s16;
	v5 =	vld.idx.msk [tilespmem:v5+s23+$0x0], $0xffff;
	v6 =	vmul.f32 v6, v2  }
0x215: {  	v14 =	vor.u32 v1, v14;
	v8 =	vbroadcast v8, $0x0;
	s16 =	simm.s32 $0xA;
	v4 =	vand.u32 $0x7E, v4;
	[tilespmem:s21+$0x40] =	vst v11  }
0x216: {  	v20 =	vmov s16;
	v4 =	vor.u32 v1, v4;
	v11 =	vunpack.i.l.bf16.f32 v9;
	[tilespmem:s21+$0x50] =	vst v6  }
0x217: {  	v6 =	vunpack.i.u.bf16.f32 v9;
	v9 =	vbroadcast v14, $0x0;
	v11 =	vmul.f32 v11, v3;
	v14 =	vld [tilespmem:s8+$0x30]  }
0x218: {  	s14 =	simm.s32 $0xD8C0;
	v15 =	vunpack.i.u.bf16.f32 v12;
	v12 =	vunpack.i.l.bf16.f32 v12;
	v6 =	vmul.f32 v6, v3  }
0x219: {  	s22 =	simm.s32 $0x8;
	v17 =	vld [tilespmem:s14+$0x20];
	v4 =	vbroadcast v4, $0x0;
	v16 =	vunpack.i.l.bf16.f32 v13;
	v12 =	vmul.f32 v12, v5;
	[tilespmem:s21+$0xFFFFFFC0] =	vst v11  }
0x21a: {  	v21 =	vld [tilespmem:s14+$0xFFFFFFC0];
	v11 =	vunpack.i.u.bf16.f32 v13;
	v13 =	vmul.f32 v16, v10;
	[tilespmem:s21+$0xFFFFFFD0] =	vst v6;
	v16 =	vmov s22  }
0x21b: {  	v6 =	vmul.f32 v11, v10;
	v11 =	vmul.f32 v15, v5;
	v15 =	vld [tilespmem:s8+$0xFFFFFFF0];
	v16 =	vand.u32 $0x7C, v16  }
0x21c: {  	v8 =	vld.idx.msk [tilespmem:v8+s23+$0x0], $0xffff;
	v16 =	vor.u32 v1, v16;
	[tilespmem:s21+$0x0] =	vst v13;
	v13 =	vand.u32 $0x7E, v20;
	v18 =	vunpack.i.u.bf16.f32 v14  }
0x21d: {  	s3 =	simm.s32 $0x9;
	v14 =	vunpack.i.l.bf16.f32 v14;
	v19 =	vld.idx.msk [tilespmem:v9+s23+$0x0], $0xffff;
	v22 =	vbroadcast v16, $0x0;
	v13 =	vor.u32 v1, v13  }
0x21e: {  	[tilespmem:s21+$0x10] =	vst v6;
	v6 =	vld [tilespmem:s14+$0xFFFFFFE0];
	v9 =	vmul.f32 v14, v2;
	v14 =	vmul.f32 v18, v2;
	v18 =	vmov s3  }
0x21f: {  	[tilespmem:s21+$0xFFFFFF80] =	vst v12;
	v2 =	vld.idx.msk [tilespmem:v4+s23+$0x0], $0xffff;
	v13 =	vbroadcast v13, $0x0;
	v4 =	vand.u32 $0x7D, v18;
	v18 =	vunpack.i.u.bf16.f32 v21  }
0x220: {  	v12 =	vld [tilespmem:s14+$0x0];
	[tilespmem:s21+$0xFFFFFF90] =	vst v11;
	v4 =	vor.u32 v1, v4;
	v16 =	vunpack.i.u.bf16.f32 v15;
	v15 =	vunpack.i.l.bf16.f32 v15  }
0x221: {  	v11 =	vld [tilespmem:s8+$0x10];
	[tilespmem:s21+$0x60] =	vst v9;
	v9 =	vunpack.i.l.bf16.f32 v21;
	v15 =	vmul.f32 v15, v3;
	v16 =	vmul.f32 v16, v3  }
0x222: {  	s17 =	simm.s32 $0xB;
	[tilespmem:s21+$0x70] =	vst v14;
	v14 =	vld [tilespmem:s8+$0xFFFFFFD0];
	v4 =	vbroadcast v4, $0x0;
	v3 =	vunpack.i.l.bf16.f32 v17;
	v17 =	vunpack.i.u.bf16.f32 v17  }
0x223: {  	v20 =	vmul.f32 v3, v19;
	v3 =	vld.idx.msk [tilespmem:v7+s23+$0x0], $0xffff;
	v7 =	vmov s17;
	v17 =	vmul.f32 v17, v19;
	[tilespmem:s21+$0xFFFFFFE0] =	vst v15  }
0x224: {  	s8 =	simm.s32 $0x10980;
	v21 =	vunpack.i.u.bf16.f32 v6;
	v6 =	vunpack.i.l.bf16.f32 v6;
	v7 =	vand.u32 $0x7F, v7;
	[tilespmem:s21+$0xFFFFFFF0] =	vst v16  }
0x225: {  	v6 =	vmul.f32 v6, v8;
	v16 =	vmul.f32 v21, v8;
	[tilespmem:s8+$0x40] =	vst v20;
	v7 =	vor.u32 v1, v7  }
0x226: {  	v20 =	vunpack.i.u.bf16.f32 v12;
	v12 =	vunpack.i.l.bf16.f32 v12;
	[tilespmem:s8+$0x50] =	vst v17;
	v17 =	vunpack.i.u.bf16.f32 v11  }
0x227: {  	v11 =	vunpack.i.l.bf16.f32 v11;
	v7 =	vbroadcast v7, $0x0;
	v15 =	vld [tilespmem:s14+$0x30];
	v12 =	vmul.f32 v12, v2;
	[tilespmem:s8+$0xFFFFFFC0] =	vst v6  }
0x228: {  	s15 =	simm.s32 $0xD940;
	v6 =	vmul.f32 v20, v2;
	v20 =	vunpack.i.u.bf16.f32 v14;
	[tilespmem:s8+$0xFFFFFFD0] =	vst v16;
	v11 =	vmul.f32 v11, v10  }
0x229: {  	v23 =	vld [tilespmem:s15+$0x20];
	s22 =	simm.s32 $0xC;
	v21 =	vmul.f32 v9, v3;
	v18 =	vmul.f32 v18, v3;
	v9 =	vunpack.i.l.bf16.f32 v14;
	[tilespmem:s8+$0x0] =	vst v12  }
0x22a: {  	s17 =	simm.s32 $0xE;
	v16 =	vld [tilespmem:s14+$0xFFFFFFF0];
	v14 =	vmov s22;
	v12 =	vmul.f32 v17, v10;
	[tilespmem:s8+$0x10] =	vst v6;
	v10 =	vmul.f32 v20, v5  }
0x22b: {  	v24 =	vld [tilespmem:s15+$0xFFFFFFC0];
	v17 =	vmov s17;
	s22 =	simm.s32 $0xF;
	v9 =	vmul.f32 v9, v5;
	v5 =	vand.u32 $0x7C, v14;
	[tilespmem:s8+$0xFFFFFF80] =	vst v21  }
0x22c: {  	v4 =	vld.idx.msk [tilespmem:v4+s23+$0x0], $0xffff;
	[tilespmem:s8+$0xFFFFFF90] =	vst v18;
	v18 =	vand.u32 $0x7E, v17;
	v21 =	vmov s22;
	v6 =	vunpack.i.u.bf16.f32 v15  }
0x22d: {  	s3 =	simm.s32 $0xD;
	[tilespmem:s21+$0x20] =	vst v11;
	v15 =	vunpack.i.l.bf16.f32 v15;
	v11 =	vor.u32 v1, v18;
	v7 =	vld.idx.msk [tilespmem:v7+s23+$0x0], $0xffff;
	v14 =	vmul.f32 v6, v19  }
0x22e: {  	v17 =	vld [tilespmem:s15+$0xFFFFFFE0];
	[tilespmem:s21+$0x30] =	vst v12;
	v20 =	vmul.f32 v15, v19;
	v6 =	vor.u32 v1, v5;
	v15 =	vmov s3  }
0x22f: {  	v5 =	vld.idx.msk [tilespmem:v13+s23+$0x0], $0xffff;
	v12 =	vbroadcast v11, $0x0;
	[tilespmem:s8+$0x70] =	vst v14;
	v14 =	vunpack.i.u.bf16.f32 v16;
	v16 =	vunpack.i.l.bf16.f32 v16  }
0x230: {  	v6 =	vbroadcast v6, $0x0;
	v13 =	vand.u32 $0x7D, v15;
	v15 =	vld [tilespmem:s15+$0x0];
	v18 =	vmul.f32 v16, v8  }
0x231: {  	v13 =	vor.u32 v1, v13;
	[tilespmem:s8+$0x60] =	vst v20;
	v25 =	vmul.f32 v14, v8;
	v14 =	vld [tilespmem:s14+$0x10];
	v8 =	vunpack.i.l.bf16.f32 v23  }
0x232: {  	v11 =	vld [tilespmem:s14+$0xFFFFFFD0];
	v20 =	vunpack.i.u.bf16.f32 v23;
	v13 =	vbroadcast v13, $0x0;
	v19 =	vmul.f32 v8, v7;
	[tilespmem:s8+$0xFFFFFFE0] =	vst v18  }
0x233: {  	s16 =	simm.s32 $0x10;
	s22 =	simm.s32 $0x10A80;
	v16 =	vunpack.i.u.bf16.f32 v24;
	s14 =	simm.s32 $0xD940;
	v8 =	vld.idx.msk [tilespmem:v22+s23+$0x0], $0xffff;
	v18 =	vunpack.i.l.bf16.f32 v24;
	v20 =	vmul.f32 v20, v7;
	[tilespmem:s8+$0xFFFFFFF0] =	vst v25  }
.LBB2_19:
0x234: {  	p0 =	slt.u32 s16, $0x7C;
	v21 =	vand.u32 $0x7F, v21;
	v22 =	vunpack.i.u.bf16.f32 v17;
	v17 =	vunpack.i.l.bf16.f32 v17;
	[tilespmem:s22+$0x40] =	vst v19  }
0x235: {  	v19 =	vor.u32 v1, v21;
	v21 =	vunpack.i.u.bf16.f32 v15;
	v15 =	vunpack.i.l.bf16.f32 v15;
	[tilespmem:s22+$0x50] =	vst v20  }
0x236: {  	v17 =	vmul.f32 v17, v4;
	v23 =	vunpack.i.u.bf16.f32 v14;
	v19 =	vbroadcast v19, $0x0;
	v20 =	vld [tilespmem:s15+$0x30];
	[tilespmem:s21+$0xFFFFFFA0] =	vst v9  }
0x237: {  	v14 =	vunpack.i.l.bf16.f32 v14;
	v9 =	vmul.f32 v22, v4;
	v15 =	vmul.f32 v15, v5;
	[tilespmem:s21+$0xFFFFFFB0] =	vst v10;
	s21 =	smov.u32 s8;
	s8 =	smov.u32 s22  }
0x238: {  	v10 =	vmul.f32 v21, v5;
	v22 =	vld.idx.msk [tilespmem:v13+s23+$0x0], $0xffff;
	v13 =	vmul.f32 v18, v8;
	[tilespmem:s22+$0xFFFFFFC0] =	vst v17;
	v17 =	vunpack.i.u.bf16.f32 v11  }
0x239: {  	v16 =	vmul.f32 v16, v8;
	v12 =	vld.idx.msk [tilespmem:v12+s23+$0x0], $0xffff;
	[tilespmem:s22+$0xFFFFFFD0] =	vst v9;
	v9 =	vunpack.i.l.bf16.f32 v11;
	v11 =	vmul.f32 v14, v2  }
0x23a: {  	s15 =	sadd.s32 $0x80, s15;
	v21 =	vmul.f32 v23, v2;
	v14 =	vmov s16;
	v2 =	vmovc v5;
	v18 =	vld [tilespmem:s14+$0xFFFFFFF0];
	[tilespmem:s22+$0x0] =	vst v15;
	v9 =	vmul.f32 v9, v3  }
0x23b: {  	v23 =	vld [tilespmem:s15+$0x20];
	[tilespmem:s22+$0x10] =	vst v10;
	v5 =	vunpack.i.u.bf16.f32 v20;
	v15 =	vunpack.i.l.bf16.f32 v20;
	v10 =	vmul.f32 v17, v3;
	v3 =	vmovc v8  }
0x23c: {  	s17 =	sadd.s32 $0x1, s16;
	s3 =	sadd.s32 $0x2, s16;
	v8 =	vand.u32 $0x7C, v14;
	[tilespmem:s22+$0xFFFFFF80] =	vst v13;
	v20 =	vmul.f32 v15, v7;
	v26 =	vmul.f32 v5, v7;
	v7 =	vld.idx.msk [tilespmem:v19+s23+$0x0], $0xffff  }
0x23d: {  	v14 =	vmov s3;
	v8 =	vor.u32 v1, v8;
	v13 =	vmov s17;
	v24 =	vld [tilespmem:s15+$0xFFFFFFC0];
	[tilespmem:s22+$0xFFFFFF90] =	vst v16  }
0x23e: {  	v25 =	vbroadcast v8, $0x0;
	v8 =	vand.u32 $0x7D, v13;
	v13 =	vand.u32 $0x7E, v14;
	v17 =	vld [tilespmem:s15+$0xFFFFFFE0];
	[tilespmem:s22+$0x70] =	vst v26  }
.Ltmp8:
0x23f: {  	v8 =	vor.u32 v1, v8;
	v5 =	vmovc v12;
	v15 =	vld [tilespmem:s15+$0x0];
	v14 =	vunpack.i.u.bf16.f32 v18;
	v16 =	vunpack.i.l.bf16.f32 v18;
	[tilespmem:s21+$0x20] =	vst v11;
	(pc) =	sbr.rel @p0 .LBB2_19-.Ltmp8, $4  }
0x240: {  	v11 =	vor.u32 v1, v13;
	v18 =	vmul.f32 v16, v4;
	v26 =	vmul.f32 v14, v4;
	v14 =	vld [tilespmem:s14+$0x10];
	[tilespmem:s21+$0x30] =	vst v21  }
0x241: {  	v13 =	vbroadcast v8, $0x0;
	v12 =	vbroadcast v11, $0x0;
	v19 =	vunpack.i.l.bf16.f32 v23;
	v4 =	vmovc v22;
	v11 =	vld [tilespmem:s14+$0xFFFFFFD0];
	[tilespmem:s22+$0x60] =	vst v20;
	s14 =	smov.u32 s15  }
0x242: {  	s3 =	sadd.s32 $0x3, s16;
	v20 =	vunpack.i.u.bf16.f32 v23;
	v19 =	vmul.f32 v19, v7;
	v8 =	vld.idx.msk [tilespmem:v6+s23+$0x0], $0xffff;
	v16 =	vunpack.i.u.bf16.f32 v24;
	[tilespmem:s22+$0xFFFFFFE0] =	vst v18;
	v6 =	vmovc v25  }
0x243: {  	s16 =	sadd.s32 $0x4, s16;
	v21 =	vmov s3;
	v18 =	vunpack.i.l.bf16.f32 v24;
	v20 =	vmul.f32 v20, v7;
	s22 =	sadd.s32 $0x100, s22;
	[tilespmem:s8+$0xFFFFFFF0] =	vst v26  }
0x244: {  	[tilespmem:s22+$0x40] =	vst v19  }
0x245: {  	v61 =	vunpack.i.l.bf16.f32 v17;
	[tilespmem:s21+$0xFFFFFFA0] =	vst v9  }
0x246: {  	v60 =	vand.u32 $0x7F, v21;
	v62 =	vunpack.i.u.bf16.f32 v17;
	[tilespmem:s21+$0xFFFFFFB0] =	vst v10;
	v63 =	vmul.f32 v61, v4  }
0x247: {  	v21 =	vunpack.i.l.bf16.f32 v15;
	[tilespmem:s22+$0x50] =	vst v20;
	v1 =	vor.u32 v1, v60;
	v17 =	vmul.f32 v62, v4  }
0x248: {  	v22 =	vunpack.i.u.bf16.f32 v15;
	v9 =	vmul.f32 v21, v5;
	v1 =	vbroadcast v1, $0x0;
	[tilespmem:s22+$0xFFFFFFC0] =	vst v63  }
0x249: {  	s21 =	sadd.s32 $0x80, s15;
	v39 =	vld.idx.msk [tilespmem:v12+s23+$0x0], $0xffff;
	v10 =	vmul.f32 v22, v5;
	v26 =	vunpack.i.l.bf16.f32 v14;
	[tilespmem:s22+$0xFFFFFFD0] =	vst v17  }
0x24a: {  	v28 =	vunpack.i.u.bf16.f32 v14;
	v37 =	vld [tilespmem:s21+$0x0];
	v29 =	vmul.f32 v26, v2;
	[tilespmem:s22+$0x0] =	vst v9  }
0x24b: {  	v44 =	vld.idx.msk [tilespmem:v6+s23+$0x0], $0xffff;
	v2 =	vmul.f32 v28, v2;
	[tilespmem:s22+$0x10] =	vst v10  }
0x24c: {  	v43 =	vld [tilespmem:s21+$0xFFFFFFC0];
	v23 =	vmul.f32 v18, v8;
	[tilespmem:s8+$0x20] =	vst v29  }
0x24d: {  	v27 =	vld [tilespmem:s21+$0x20];
	v40 =	vunpack.i.l.bf16.f32 v11;
	v41 =	vunpack.i.u.bf16.f32 v11;
	v24 =	vmul.f32 v16, v8;
	[tilespmem:s8+$0x30] =	vst v2  }
0x24e: {  	v42 =	vmul.f32 v40, v3;
	v3 =	vmul.f32 v41, v3;
	[tilespmem:s22+$0xFFFFFF80] =	vst v23;
	v1 =	vld.idx.msk [tilespmem:v1+s23+$0x0], $0xffff  }
0x24f: {  	v20 =	vld [tilespmem:s15+$0x30];
	[tilespmem:s22+$0xFFFFFF90] =	vst v24;
	v47 =	vunpack.i.l.bf16.f32 v37  }
0x250: {  	v33 =	vld [tilespmem:s21+$0xFFFFFFE0];
	[tilespmem:s8+$0xFFFFFFB0] =	vst v3;
	v3 =	vunpack.i.u.bf16.f32 v37;
	v48 =	vmul.f32 v47, v39  }
0x251: {  	s16 =	sadd.s32 $0x100, s22;
	v17 =	vld [tilespmem:s14+$0xFFFFFFF0];
	[tilespmem:s8+$0xFFFFFFA0] =	vst v42;
	v50 =	vunpack.i.u.bf16.f32 v43;
	v3 =	vmul.f32 v3, v39  }
0x252: {  	v2 =	vld.idx.msk [tilespmem:v13+s23+$0x0], $0xffff;
	v36 =	vunpack.i.l.bf16.f32 v27;
	v52 =	vmul.f32 v50, v44;
	[tilespmem:s16+$0x0] =	vst v48  }
0x253: {  	v38 =	vunpack.i.u.bf16.f32 v27;
	[tilespmem:s16+$0x10] =	vst v3;
	v13 =	vmul.f32 v36, v1  }
0x254: {  	v25 =	vunpack.i.u.bf16.f32 v20;
	[tilespmem:s16+$0xFFFFFF90] =	vst v52;
	v14 =	vmul.f32 v38, v1  }
0x255: {  	v30 =	vunpack.i.l.bf16.f32 v20;
	v10 =	vmul.f32 v25, v7;
	[tilespmem:s16+$0x40] =	vst v13  }
0x256: {  	v46 =	vld [tilespmem:s14+$0x10];
	v45 =	vunpack.i.l.bf16.f32 v33;
	v31 =	vmul.f32 v30, v7;
	[tilespmem:s16+$0x50] =	vst v14  }
0x257: {  	v32 =	vunpack.i.l.bf16.f32 v17;
	v6 =	vmul.f32 v45, v2;
	[tilespmem:s22+$0x70] =	vst v10;
	v13 =	vld [tilespmem:s21+$0x30]  }
0x258: {  	v9 =	vmul.f32 v32, v4;
	[tilespmem:s22+$0x60] =	vst v31;
	v10 =	vunpack.i.u.bf16.f32 v33  }
0x259: {  	v34 =	vunpack.i.u.bf16.f32 v17;
	v10 =	vmul.f32 v10, v2;
	[tilespmem:s16+$0xFFFFFFC0] =	vst v6  }
0x25a: {  	v49 =	vunpack.i.l.bf16.f32 v43;
	v53 =	vld [tilespmem:s14+$0xFFFFFFD0];
	v35 =	vmul.f32 v34, v4;
	[tilespmem:s22+$0xFFFFFFE0] =	vst v9  }
0x25b: {  	v54 =	vunpack.i.l.bf16.f32 v46;
	v6 =	vmul.f32 v49, v44;
	[tilespmem:s16+$0xFFFFFFD0] =	vst v10  }
0x25c: {  	v56 =	vmul.f32 v54, v5;
	[tilespmem:s22+$0xFFFFFFF0] =	vst v35;
	v51 =	vld [tilespmem:s21+$0xFFFFFFF0];
	v3 =	vunpack.i.u.bf16.f32 v13  }
0x25d: {  	[tilespmem:s16+$0xFFFFFF80] =	vst v6;
	v58 =	vunpack.i.l.bf16.f32 v13;
	v3 =	vmul.f32 v3, v1  }
0x25e: {  	v55 =	vunpack.i.u.bf16.f32 v46;
	[tilespmem:s22+$0x20] =	vst v56;
	v61 =	vld [tilespmem:s21+$0xFFFFFFD0];
	v1 =	vmul.f32 v58, v1  }
0x25f: {  	v57 =	vmul.f32 v55, v5;
	v62 =	vunpack.i.l.bf16.f32 v53;
	[tilespmem:s16+$0x70] =	vst v3;
	v3 =	vld [tilespmem:s21+$0x10]  }
0x260: {  	v63 =	vmul.f32 v62, v8;
	[tilespmem:s16+$0x60] =	vst v1;
	v1 =	vunpack.i.u.bf16.f32 v53  }
0x261: {  	[tilespmem:s22+$0x30] =	vst v57;
	v59 =	vunpack.i.l.bf16.f32 v51;
	v60 =	vunpack.i.u.bf16.f32 v51;
	v1 =	vmul.f32 v1, v8  }
0x262: {  	[tilespmem:s22+$0xFFFFFFA0] =	vst v63;
	v6 =	vmul.f32 v59, v2;
	v2 =	vmul.f32 v60, v2  }
0x263: {  	[tilespmem:s22+$0xFFFFFFB0] =	vst v1;
	v1 =	vunpack.i.l.bf16.f32 v61  }
0x264: {  	[tilespmem:s16+$0xFFFFFFF0] =	vst v2;
	v1 =	vmul.f32 v1, v44;
	v2 =	vunpack.i.l.bf16.f32 v3  }
0x265: {  	s3 =	sadd.s32 $0x3, s19;
	[tilespmem:s16+$0xFFFFFFE0] =	vst v6;
	v3 =	vunpack.i.u.bf16.f32 v3;
	v2 =	vmul.f32 v2, v39  }
0x266: {  	p0 =	sge.u32 s3, s7;
	v5 =	vunpack.i.u.bf16.f32 v61;
	v3 =	vmul.f32 v3, v39;
	[tilespmem:s16+$0xFFFFFFA0] =	vst v1  }
0x267: {  	s3 =	sshll.u32 @!p0 s3, $0x7;
	[tilespmem:s16+$0x20] =	vst v2;
	v2 =	vmul.f32 v5, v44  }
0x268: {  	s12 =	sadd.s32 $0x1, s12;
	s3 =	sand.u32 @!p0 $0x3FFFFF80, s3;
	[tilespmem:s16+$0x30] =	vst v3  }
0x269: {  	s3 =	sadd.s32 @!p0 $0x2800, s3;
	s8 =	simm.s32 @!p0 $0x80;
	s14 =	simm.s32 @!p0 $0xD800;
	[tilespmem:s16+$0xFFFFFFB0] =	vst v2  }
0x26a: {  	[tilespmem:s14], [sflag:$0x2] =	stream.indirect.gather @!p0 [hbm4b:s6+s8], $0x20, s3, s8, $0xb8;
	[tilespmem:$0x1C800] =	vst v63  }
0x26b: {  	p0 =	sne.s32 s12, s18  }
.Ltmp9:
0x26c: {  	_ = 	snop;
	(pc) =	sbr.rel @p0 .LBB2_16-.Ltmp9, $4  }
0x26d: {  	_ = 	snop  }
0x26e: {  	s22 =	sshll.u32 s20, $0x9  }
0x26f: {  	s3 =	sshra.s32 s22, $0x2  }
0x270: {  	[spmem:s2] =	stream.indirect.scatter.add.f32 [tilespmem:s4], [sflag:$0x4], $0x40, s3, s30, $0xb8;
	[tilespmem:$0x1C800] =	vst v63  }
0x271: {  	s3 =	simm.s32 $0x3  }
0x272: {  	_ =	swait.ge [sflag:s3], $0x2000  }
0x273: {  	[sflag:s3] =	ssyncset.done $0x0  }
0x274: {  	[sflag:s3] =	ssyncadd.s32 $0xFFFFE000  }
0x275: {  	_ =	swait.ge [sflag:s1], $0x2000  }
0x276: {  	[sflag:s1] =	ssyncset.done $0x0  }
0x277: {  	[sflag:s1] =	ssyncadd.s32 $0xFFFFE000  }
0x278: {  	[bflag:$0x0] =	sbarrier.arrive $0xFFFF  }
0x279: {  	s21 =	rddreg [dreg:$0xe]  }
0x27a: {  	[hbm:s21], [sflag:s9] =	dma.local [spmem:s10], $0x1400  }
0x27b: {  	_ =	swait.ge [sflag:s28], $0x1400  }
0x27c: {  	s25 =	sadd.s32 $0x1, s25;
	s22 =	rddreg [dreg:$0xf]  }
0x27d: {  	p0 =	sne.s32 s25, s22  }
.Ltmp10:
0x27e: {  	_ = 	snop;
	(pc) =	sbr.rel @p0 .LBB2_1-.Ltmp10, $3  }
0x27f: {  	_ =	sdelay $0x1  }
0x280: {  	[sflag:s28] =	ssyncset.done $0x0  }
0x281: {  	s17 =	smov.u32 s13;
	s13 =	smov.u32 s31;
	[sflag:s28] =	ssyncadd.s32 $0xFFFFEC00  }
0x282: {  	_ =	sfence.sel $0x180000  }
0x283: {  	[bflag:$0x0] =	sbarrier.arrive $0xFFFF  }
0x284: {  	_ =	strace $0x9000004A  }
0x285: {  	s0 =	stileid.u32;
	[bflag:$0x2] =	sbarrier.arrive $0xFFFF  }
0x286: {  	p0 =	sne.s32 s0, $0x0;
	s0 =	rddreg [dreg:$0x3]  }
0x287: {  	s0 =	sadd.s32 @!p0 $0x100000, s0  }
0x288: {  	[sflag:s0] =	ssyncadd.tile.s32 @!p0 $0x1;
	_ =	shalt  }
.Lfunc_end2:
_tile_overlayer_lowered:
.L_overlay_start_2:
0x289: {  	(tag) =	ssettag $0x2  }
0x28a: {  	s0 =	rddreg [dreg:$0x0];
	s2 =	stileid.u32  }
0x28b: {  	s1 =	rddreg [dreg:$0x1];
	p0 =	sne.s32 s2, $0x0  }
0x28c: {  	s3 =	rddreg [dreg:$0x2];
	[bflag:$0x3] =	sbarrier.arrive $0xFFFF;
	s2 =	simm.s32 @!p0 $0x1C05  }
0x28d: {  	[timem:s3], [sflag:s2] =	dma.local @!p0 [hbm:s0], s1  }
0x28e: {  	s0 =	simm.s32 @!p0 $0x5  }
0x28f: {  	_ =	swait.ge @!p0 [sflag:s0], s1  }
0x290: {  	s1 =	ssub.s32 @!p0 $0x0, s1;
	[sflag:s0] =	ssyncset.done @!p0 $0x0  }
0x291: {  	[sflag:s0] =	ssyncadd.s32 @!p0 s1  }
0x292: {  	[bflag:$0x3] =	sbarrier.arrive $0xFFFF  }
0x293: {  	_ =	shalt  }

</sc_bundles>
